<compile_context>
chip_gen: v7x
topology: tpu7x:2x2x1
jax: 0.10.2.dev20260603
libtpu: 0.0.44.dev20260713+nightly
codegen_flags: <defaults>
</compile_context>

<pallas_src>
import functools

import jax
import jax.numpy as jnp
from jax import lax
from jax.experimental import pallas as pl
from jax.experimental.pallas import tpu as pltpu
from jax.experimental.pallas import tpu_sc as plsc

N_TAIL = 10000
N_TAR = 10000
D = 256
E = 160000

NC = 2
NS = 16
K = 64
KT = 3 * K
HALF = N_TAR // NC
ACC_ROWS = 5008
EPT = E // NS
T = 54
GSENT = -1
ROWS_PER_TILE = 312


def _proj_body(h_ref, w_ref, b_ref, o_ref):
    x = lax.dot_general(
        h_ref[...], w_ref[...], (((1,), (1,)), ((), ())),
        preferred_element_type=jnp.float32,
        precision=lax.Precision.HIGHEST)
    o_ref[...] = x + b_ref[...]


def _project(h, w, b):
    return pl.pallas_call(
        _proj_body,
        grid=(10,),
        in_specs=[
            pl.BlockSpec((N_TAIL // 10, D), lambda i: (i, 0)),
            pl.BlockSpec((D, D), lambda i: (0, 0)),
            pl.BlockSpec((1, D), lambda i: (0, 0)),
        ],
        out_specs=pl.BlockSpec((N_TAIL // 10, D), lambda i: (i, 0)),
        out_shape=jax.ShapeDtypeStruct((N_TAIL, D), jnp.float32),
    )(h, w, b)


def _sc_body(ea, et, xa, xt, out,
             rsp0, rdp0, rsp1, rdp1,
             fs0, fs1, fs2,
             fd0, fd1, fd2, fd3, fd4, fd5,
             rows0, rows1, rows2, acc,
             si0, si1, sg0, sg1, sg2, ss0, ss1, ss2):
    c = lax.axis_index("c")
    s = lax.axis_index("s")
    lo = c * HALF

    def zrow(i, _):
        r = i // 16
        j = i % 16
        rows0[r, pl.ds(j * 16, 16)] = jnp.zeros((16,), jnp.float32)
        return 0
    lax.fori_loop(0, 16 * 16, zrow, 0)

    zbase = s * (ACC_ROWS // NS)
    def zacc(i, _):
        pltpu.sync_copy(rows0.at[pl.ds(0, 16)],
                        acc.at[pl.ds(zbase + i * 16, 16)])
        return 0
    lax.fori_loop(0, 19, zacc, 0)
    pltpu.sync_copy(rows0.at[pl.ds(0, 9)],
                    acc.at[pl.ds(zbase + 304, 9)])

    plsc.subcore_barrier()

    elem_base = s * EPT
    F = ((fs0, rows0, sg0, ss0), (fs1, rows1, sg1, ss1),
         (fs2, rows2, sg2, ss2))
    FD = ((fd0, fd1, fd2), (fd3, fd4, fd5))
    SETS = ((rsp0, rdp0, si0), (rsp1, rdp1, si1))

    def phase(e2d, table):
        def idx_base(t):
            return jnp.minimum(elem_base + t * KT, E - KT)

        def fire_idx(t, rsp, rdp, si):
            base = idx_base(t)
            pltpu.async_copy(e2d.at[pl.ds(base, KT)], rsp, si)
            pltpu.async_copy(e2d.at[pl.ds(E + base, KT)], rdp, si)

        def wait_idx(t, rsp, rdp, si):
            base = idx_base(t)
            pltpu.make_async_copy(e2d.at[pl.ds(base, KT)], rsp, si).wait()
            pltpu.make_async_copy(
                e2d.at[pl.ds(E + base, KT)], rdp, si).wait()

        def remap(t, rsp, rdp, i, fs, fd):
            pos0 = idx_base(t) + i * K
            lo_t = jnp.minimum(elem_base + t * KT, elem_base + EPT)
            hi_t = jnp.minimum(elem_base + (t + 1) * KT, elem_base + EPT)
            for j in range(K // 16):
                slr = pl.ds(i * K + j * 16, 16)
                slf = pl.ds(j * 16, 16)
                pos = pos0 + j * 16 + lax.iota(jnp.int32, 16)
                sv = rsp[slr]
                dv = rdp[slr]
                ok = ((dv >= lo) & (dv < lo + HALF)
                      & (pos >= lo_t) & (pos < hi_t))
                fs[slf] = jnp.where(ok, sv, GSENT)
                fd[slf] = jnp.where(ok, dv - lo, HALF)

        def fire_gather(fs, rows, sg):
            pltpu.async_copy(
                table.at[plsc.Indices(fs, ignored_value=GSENT)], rows, sg)

        def wait_gather(fs, rows, sg):
            pltpu.make_async_copy(
                table.at[plsc.Indices(fs, ignored_value=GSENT)], rows,
                sg).wait()

        def fire_scatter(fd, rows, ss):
            pltpu.async_copy(
                rows, acc.at[plsc.Indices(fd, ignored_value=HALF)], ss,
                add=True)

        def wait_scatter(fd, rows, ss):
            pltpu.make_async_copy(
                rows, acc.at[plsc.Indices(fd, ignored_value=HALF)],
                ss).wait()

        fire_idx(0, rsp0, rdp0, si0)
        fire_idx(1, rsp1, rdp1, si1)
        wait_idx(0, rsp0, rdp0, si0)
        for i in range(3):
            fs, rows, sg, ss = F[i]
            remap(0, rsp0, rdp0, i, fs, FD[0][i])
            fire_gather(fs, rows, sg)

        def two_triples(w, _):
            for par in (0, 1):
                t = 2 * w + par
                rsp_c, rdp_c, si_c = SETS[par]
                rsp_n, rdp_n, si_n = SETS[1 - par]
                tn = jnp.minimum(t + 1, T - 1)
                tn2 = jnp.minimum(t + 2, T - 1)
                wait_idx(tn, rsp_n, rdp_n, si_n)
                for i in range(3):
                    fs, rows, sg, ss = F[i]
                    wait_gather(fs, rows, sg)
                    fire_scatter(FD[par][i], rows, ss)
                    remap(tn, rsp_n, rdp_n, i, fs, FD[1 - par][i])
                fire_idx(tn2, rsp_c, rdp_c, si_c)
                for i in range(3):
                    fs, rows, sg, ss = F[i]
                    wait_scatter(FD[par][i], rows, ss)
                    fire_gather(fs, rows, sg)
            return 0

        lax.fori_loop(0, T // 2, two_triples, 0)

        for i in range(3):
            fs, rows, sg, ss = F[i]
            wait_gather(fs, rows, sg)
        wait_idx(T - 1, rsp1, rdp1, si1)

    phase(ea, xa)
    phase(et, xt)

    plsc.subcore_barrier()

    wbase = s * ROWS_PER_TILE
    for t in range(6):
        n = 52
        r0 = wbase + t * n
        pltpu.sync_copy(acc.at[pl.ds(r0, n)], rows0.at[pl.ds(0, n)])
        pltpu.sync_copy(rows0.at[pl.ds(0, n)], out.at[pl.ds(lo + r0, n)])

    @pl.when(s == 0)
    def _():
        r0 = NS * ROWS_PER_TILE
        n = HALF - r0
        pltpu.sync_copy(acc.at[pl.ds(r0, n)], rows0.at[pl.ds(0, n)])
        pltpu.sync_copy(rows0.at[pl.ds(0, n)], out.at[pl.ds(lo + r0, n)])


_sc_agg = functools.partial(
    pl.kernel,
    out_type=jax.ShapeDtypeStruct((N_TAR, D), jnp.float32),
    mesh=plsc.VectorSubcoreMesh(core_axis_name="c", subcore_axis_name="s"),
    scratch_types=[
        pltpu.VMEM((KT,), jnp.int32),
        pltpu.VMEM((KT,), jnp.int32),
        pltpu.VMEM((KT,), jnp.int32),
        pltpu.VMEM((KT,), jnp.int32),
        pltpu.VMEM((K,), jnp.int32),
        pltpu.VMEM((K,), jnp.int32),
        pltpu.VMEM((K,), jnp.int32),
        pltpu.VMEM((K,), jnp.int32),
        pltpu.VMEM((K,), jnp.int32),
        pltpu.VMEM((K,), jnp.int32),
        pltpu.VMEM((K,), jnp.int32),
        pltpu.VMEM((K,), jnp.int32),
        pltpu.VMEM((K,), jnp.int32),
        pltpu.VMEM((K, D), jnp.float32),
        pltpu.VMEM((K, D), jnp.float32),
        pltpu.VMEM((K, D), jnp.float32),
        pltpu.VMEM_SHARED((ACC_ROWS, D), jnp.float32),
        pltpu.SemaphoreType.DMA,
        pltpu.SemaphoreType.DMA,
        pltpu.SemaphoreType.DMA,
        pltpu.SemaphoreType.DMA,
        pltpu.SemaphoreType.DMA,
        pltpu.SemaphoreType.DMA,
        pltpu.SemaphoreType.DMA,
        pltpu.SemaphoreType.DMA,
    ],
    compiler_params=pltpu.CompilerParams(use_tc_tiling_on_sc=False),
)(_sc_body)


@jax.jit
def kernel(h_author, h_term, h_paper, edge_index_author, edge_index_term,
           W_author, b_author, W_term, b_term):
    xa = _project(h_author, W_author, b_author[None, :])
    xt = _project(h_term, W_term, b_term[None, :])
    return _sc_agg(edge_index_author.reshape(2 * E),
                   edge_index_term.reshape(2 * E), xa, xt)

# --- scband reference (transcript-rebuilt; emitter-appended) ---
"""Pipeline reference for scband-short-aggragation-67199058313991 (READ-ONLY COPY).

The authoritative reference and input builder live on the scoring server;
editing this copy changes nothing except your own understanding.
"""

import jax, jax.numpy as jnp
import numpy as np

N_TAIL = 10000
N_TAR = 10000
D = 256
E = 160000

def setup_inputs(seed: int = 0) -> dict:
    key = jax.random.key(seed)
    ks = jax.random.split(key, 9)
    h_author = jax.random.normal(ks[0], (N_TAIL, D), dtype=jnp.float32)
    h_term = jax.random.normal(ks[1], (N_TAIL, D), dtype=jnp.float32)
    h_paper = jax.random.normal(ks[2], (N_TAR, D), dtype=jnp.float32)
    edge_index_author = jax.random.randint(ks[3], (2, E), 0, N_TAIL, dtype=jnp.int64 if jax.config.jax_enable_x64 else jnp.int32).astype(jnp.int32)
    edge_index_term = jax.random.randint(ks[4], (2, E), 0, N_TAIL, dtype=jnp.int32)
    # projection linear params (nn.Linear(hidden_dim, hidden_dim, bias=True)) per tail type
    scale = 1.0 / np.sqrt(D)
    W_author = jax.random.uniform(ks[5], (D, D), jnp.float32, -scale, scale)
    b_author = jax.random.uniform(ks[6], (D,), jnp.float32, -scale, scale)
    W_term = jax.random.uniform(ks[7], (D, D), jnp.float32, -scale, scale)
    b_term = jax.random.uniform(ks[8], (D,), jnp.float32, -scale, scale)
    return {
        'h_author': h_author, 'h_term': h_term, 'h_paper': h_paper,
        'edge_index_author': edge_index_author, 'edge_index_term': edge_index_term,
        'W_author': W_author, 'b_author': b_author,
        'W_term': W_term, 'b_term': b_term,
    }

def reference(h_author, h_term, h_paper, edge_index_author, edge_index_term,
              W_author, b_author, W_term, b_term):
    # ShortAggragation.forward with method='sum' (the non-'gat' branch):
    # for each metapath (tar='paper', tail in ['author','term']):
    #   x = Linear_tail(h_schma[tail]); x = x[edge_index[0]]
    #   out += scatter(x, edge_index[1], dim=0, dim_size=h['paper'].size(0), reduce='sum')
    num_tar = h_paper.shape[0]
    # metapath 1: (paper, author)
    x = h_author @ W_author.T + b_author
    x = jnp.take(x, edge_index_author[0], axis=0)
    out = jax.ops.segment_sum(x, edge_index_author[1], num_segments=num_tar)
    # metapath 2: (paper, term)
    x2 = h_term @ W_term.T + b_term
    x2 = jnp.take(x2, edge_index_term[0], axis=0)
    out = jax.ops.segment_sum(x2, edge_index_term[1], num_segments=num_tar) + out
    return out

if __name__ == "__main__":
    import jax
    _d = setup_inputs()
    print(jax.jit(kernel)(*tuple(_d.values())))

</pallas_src>

<mosaic_0001>
#map = affine_map<(d0, d1) -> (0)>
#map1 = affine_map<(d0, d1) -> (0, 0)>
module attributes {stable_mosaic.version = 14 : i64} {
  func.func @_sc_body(%arg0: i32, %arg1: i32, %arg2: memref<320000xi32, #tpu.memory_space<hbm>>, %arg3: memref<320000xi32, #tpu.memory_space<hbm>>, %arg4: memref<10000x256xf32, #tpu.memory_space<hbm>>, %arg5: memref<10000x256xf32, #tpu.memory_space<hbm>>, %arg6: memref<10000x256xf32, #tpu.memory_space<hbm>>, %arg7: memref<192xi32, #tpu.memory_space<vmem>>, %arg8: memref<192xi32, #tpu.memory_space<vmem>>, %arg9: memref<192xi32, #tpu.memory_space<vmem>>, %arg10: memref<192xi32, #tpu.memory_space<vmem>>, %arg11: memref<64xi32, #tpu.memory_space<vmem>>, %arg12: memref<64xi32, #tpu.memory_space<vmem>>, %arg13: memref<64xi32, #tpu.memory_space<vmem>>, %arg14: memref<64xi32, #tpu.memory_space<vmem>>, %arg15: memref<64xi32, #tpu.memory_space<vmem>>, %arg16: memref<64xi32, #tpu.memory_space<vmem>>, %arg17: memref<64xi32, #tpu.memory_space<vmem>>, %arg18: memref<64xi32, #tpu.memory_space<vmem>>, %arg19: memref<64xi32, #tpu.memory_space<vmem>>, %arg20: memref<64x256xf32, #tpu.memory_space<vmem>>, %arg21: memref<64x256xf32, #tpu.memory_space<vmem>>, %arg22: memref<64x256xf32, #tpu.memory_space<vmem>>, %arg23: memref<5008x256xf32, #tpu.memory_space<vmem_shared>>, %arg24: memref<!tpu.dma_semaphore, #tpu.memory_space<semaphore_mem>>, %arg25: memref<!tpu.dma_semaphore, #tpu.memory_space<semaphore_mem>>, %arg26: memref<!tpu.dma_semaphore, #tpu.memory_space<semaphore_mem>>, %arg27: memref<!tpu.dma_semaphore, #tpu.memory_space<semaphore_mem>>, %arg28: memref<!tpu.dma_semaphore, #tpu.memory_space<semaphore_mem>>, %arg29: memref<!tpu.dma_semaphore, #tpu.memory_space<semaphore_mem>>, %arg30: memref<!tpu.dma_semaphore, #tpu.memory_space<semaphore_mem>>, %arg31: memref<!tpu.dma_semaphore, #tpu.memory_space<semaphore_mem>>) attributes {dimension_semantics = [#tpu.dimension_semantics<core_parallel>, #tpu.dimension_semantics<subcore_parallel>], iteration_bounds = array<i64: 2, 16>, scalar_prefetch = 0 : i64, scratch_operands = 25 : i64, tpu.core_type = #tpu.core_type<sc_vector_subcore>, window_params = [{transform_indices = #map}, {transform_indices = #map}, {transform_indices = #map1}, {transform_indices = #map1}, {transform_indices = #map1}]} {
    %mul3A = arith.constant 5000 : i32
    %mul3A_0 = arith.muli %arg0, %mul3A : i32
    %scan3A = arith.constant 0 : i32
    %scan3A_1 = arith.constant 0 : i32
    %scan3A_2 = arith.constant 256 : i32
    %scan3A_3 = arith.addi %scan3A_1, %scan3A_2 : i32
    %scan3A_4 = arith.constant 1 : i32
    %scan3A_5 = scf.for %scan3A_1221 = %scan3A_1 to %scan3A_3 step %scan3A_4 iter_args(%scan3A_1222 = %scan3A) -> (i32)  : i32 {
      %jit3A_1223 = arith.constant 16 : i32
      %div3A = arith.divsi %scan3A_1221, %jit3A_1223 : i32
      %sign3A = arith.constant 0 : i32
      %sign3A_1224 = arith.cmpi sgt, %scan3A_1221, %sign3A : i32
      %sign3A_1225 = arith.extui %sign3A_1224 : i1 to i32
      %sign3A_1226 = arith.constant 0 : i32
      %sign3A_1227 = arith.cmpi slt, %scan3A_1221, %sign3A_1226 : i32
      %sign3A_1228 = arith.extui %sign3A_1227 : i1 to i32
      %sign3A_1229 = arith.subi %sign3A_1225, %sign3A_1228 : i32
      %sign3A_1230 = arith.constant 0 : i32
      %sign3A_1231 = arith.cmpi sgt, %jit3A_1223, %sign3A_1230 : i32
      %sign3A_1232 = arith.extui %sign3A_1231 : i1 to i32
      %sign3A_1233 = arith.constant 0 : i32
      %sign3A_1234 = arith.cmpi slt, %jit3A_1223, %sign3A_1233 : i32
      %sign3A_1235 = arith.extui %sign3A_1234 : i1 to i32
      %sign3A_1236 = arith.subi %sign3A_1232, %sign3A_1235 : i32
      %ne3A = arith.cmpi ne, %sign3A_1229, %sign3A_1236 : i32
      %rem3A = arith.remsi %scan3A_1221, %jit3A_1223 : i32
      %ne3A_1237 = arith.constant 0 : i32
      %ne3A_1238 = arith.cmpi ne, %rem3A, %ne3A_1237 : i32
      %and3A_1239 = arith.andi %ne3A, %ne3A_1238 : i1
      %sub3A_1240 = arith.constant 1 : i32
      %sub3A_1241 = arith.subi %div3A, %sub3A_1240 : i32
      %select_n3A_1242 = arith.select %and3A_1239, %sub3A_1241, %div3A : i32
      %jit3A_1243 = arith.constant 16 : i32
      %eq3A_1244 = arith.constant 0 : i32
      %eq3A_1245 = arith.cmpi eq, %jit3A_1243, %eq3A_1244 : i32
      %jit3A_1246 = arith.constant 1 : i32
      %select_n3A_1247 = arith.select %eq3A_1245, %jit3A_1246, %jit3A_1243 : i32
      %rem3A_1248 = arith.remsi %scan3A_1221, %select_n3A_1247 : i32
      %ne3A_1249 = arith.constant 0 : i32
      %ne3A_1250 = arith.cmpi ne, %rem3A_1248, %ne3A_1249 : i32
      %lt3A_1251 = arith.constant 0 : i32
      %lt3A_1252 = arith.cmpi slt, %rem3A_1248, %lt3A_1251 : i32
      %lt3A_1253 = arith.constant 0 : i32
      %lt3A_1254 = arith.cmpi slt, %select_n3A_1247, %lt3A_1253 : i32
      %ne3A_1255 = arith.xori %lt3A_1252, %lt3A_1254 : i1
      %and3A_1256 = arith.andi %ne3A_1255, %ne3A_1250 : i1
      %add3A_1257 = arith.addi %rem3A_1248, %select_n3A_1247 : i32
      %select_n3A_1258 = arith.select %and3A_1256, %add3A_1257, %rem3A_1248 : i32
      %broadcast_in_dim3A_1259 = arith.constant 0.000000e+00 : f32
      %broadcast_in_dim3A_1260 = vector.broadcast %broadcast_in_dim3A_1259 : f32 to vector<16xf32>
      %mul3A_1261 = arith.constant 16 : i32
      %mul3A_1262 = arith.muli %select_n3A_1258, %mul3A_1261 : i32
      %swap3A_1263 = arith.index_cast %select_n3A_1242 : i32 to index
      %swap3A_1264 = arith.index_cast %mul3A_1262 : i32 to index
      %swap3A_1265 = tpu.vector_load %arg20[%swap3A_1263, %swap3A_1264] {strides = array<i32>} : memref<64x256xf32, #tpu.memory_space<vmem>>, vector<1x16xf32>,
      %swap3A_1266 = vector.shape_cast %swap3A_1265 : vector<1x16xf32> to vector<16xf32>
      %swap3A_1267 = vector.shape_cast %broadcast_in_dim3A_1260 : vector<16xf32> to vector<1x16xf32>
      tpu.vector_store %arg20[%swap3A_1263, %swap3A_1264], %swap3A_1267 {strides = array<i32>} : memref<64x256xf32, #tpu.memory_space<vmem>>, vector<1x16xf32>,
      %scan3A_1268 = arith.constant 0 : i32
      scf.yield %scan3A_1268 : i32
    }
    %scan3A_6 = arith.constant 256 : i32
    %mul3A_7 = arith.constant 313 : i32
    %mul3A_8 = arith.muli %arg1, %mul3A_7 : i32
    %scan3A_9 = arith.constant 0 : i32
    %scan3A_10 = arith.constant 0 : i32
    %scan3A_11 = arith.constant 19 : i32
    %scan3A_12 = arith.addi %scan3A_10, %scan3A_11 : i32
    %scan3A_13 = arith.constant 1 : i32
    %scan3A_14 = scf.for %scan3A_1221 = %scan3A_10 to %scan3A_12 step %scan3A_13 iter_args(%scan3A_1222 = %scan3A_9) -> (i32)  : i32 {
      %mul3A_1223 = arith.constant 16 : i32
      %mul3A_1224 = arith.muli %scan3A_1221, %mul3A_1223 : i32
      %add3A_1225 = arith.addi %mul3A_8, %mul3A_1224 : i32
      "tpu.region"() ({
        %run_scoped3A = tpu.sem_alloc : memref<!tpu.dma_semaphore, #tpu.memory_space<semaphore_mem>>
        %dma_start3A_1227 = arith.constant 0 : i32
        %dma_start3A_1228 = arith.constant 0 : i32
        %dma_start3A_1229 = tpu.memref_slice %arg20[%dma_start3A_1227, %dma_start3A_1228] : memref<64x256xf32, #tpu.memory_space<vmem>> -> memref<16x256xf32, #tpu.memory_space<vmem>>
        %dma_start3A_1230 = arith.constant 0 : i32
        %dma_start3A_1231 = tpu.memref_slice %arg23[%add3A_1225, %dma_start3A_1230] : memref<5008x256xf32, #tpu.memory_space<vmem_shared>> -> memref<16x256xf32, #tpu.memory_space<vmem_shared>>
        %dma_start3A_1232 = arith.constant 0 : i32
        %dma_start3A_1233 = tpu.memref_slice %arg23[%add3A_1225, %dma_start3A_1232] : memref<5008x256xf32, #tpu.memory_space<vmem_shared>> -> memref<16x256xf32, #tpu.memory_space<vmem_shared>>
        %dma_start3A_1234 = arith.constant 0 : i32
        %dma_start3A_1235 = arith.constant 0 : i32
        %dma_start3A_1236 = tpu.memref_slice %arg20[%dma_start3A_1234, %dma_start3A_1235] : memref<64x256xf32, #tpu.memory_space<vmem>> -> memref<16x256xf32, #tpu.memory_space<vmem>>
        tpu.enqueue_dma source(%dma_start3A_1236 : memref<16x256xf32, #tpu.memory_space<vmem>>) target(%dma_start3A_1233 : memref<16x256xf32, #tpu.memory_space<vmem_shared>>) target_semaphore(%run_scoped3A : memref<!tpu.dma_semaphore, #tpu.memory_space<semaphore_mem>>)
        %dma_wait3A_1237 = arith.constant 0 : i32
        %dma_wait3A_1238 = arith.constant 0 : i32
        %dma_wait3A_1239 = tpu.memref_slice %arg20[%dma_wait3A_1237, %dma_wait3A_1238] : memref<64x256xf32, #tpu.memory_space<vmem>> -> memref<16x256xf32, #tpu.memory_space<vmem>>
        %dma_wait3A_1240 = arith.constant 0 : i32
        %dma_wait3A_1241 = tpu.memref_slice %arg23[%add3A_1225, %dma_wait3A_1240] : memref<5008x256xf32, #tpu.memory_space<vmem_shared>> -> memref<16x256xf32, #tpu.memory_space<vmem_shared>>
        %dma_wait3A_1242 = arith.constant 0 : i32
        %dma_wait3A_1243 = tpu.memref_slice %arg23[%add3A_1225, %dma_wait3A_1242] : memref<5008x256xf32, #tpu.memory_space<vmem_shared>> -> memref<16x256xf32, #tpu.memory_space<vmem_shared>>
        %dma_wait3A_1244 = arith.constant 0 : i32
        %dma_wait3A_1245 = arith.constant 0 : i32
        %dma_wait3A_1246 = tpu.memref_slice %arg20[%dma_wait3A_1244, %dma_wait3A_1245] : memref<64x256xf32, #tpu.memory_space<vmem>> -> memref<16x256xf32, #tpu.memory_space<vmem>>
        tpu.wait_dma2 semaphore(%run_scoped3A : memref<!tpu.dma_semaphore, #tpu.memory_space<semaphore_mem>>) src(%dma_wait3A_1246 : memref<16x256xf32, #tpu.memory_space<vmem>>) dst(%dma_wait3A_1243 : memref<16x256xf32, #tpu.memory_space<vmem_shared>>)
        tpu.yield
      }) : () -> ()
      %scan3A_1226 = arith.constant 0 : i32
      scf.yield %scan3A_1226 : i32
    }
    %scan3A_15 = arith.constant 19 : i32
    %add3A = arith.constant 304 : i32
    %add3A_16 = arith.addi %mul3A_8, %add3A : i32
    "tpu.region"() ({
      %run_scoped3A = tpu.sem_alloc : memref<!tpu.dma_semaphore, #tpu.memory_space<semaphore_mem>>
      %dma_start3A_1221 = arith.constant 0 : i32
      %dma_start3A_1222 = arith.constant 0 : i32
      %dma_start3A_1223 = tpu.memref_slice %arg20[%dma_start3A_1221, %dma_start3A_1222] : memref<64x256xf32, #tpu.memory_space<vmem>> -> memref<9x256xf32, #tpu.memory_space<vmem>>
      %dma_start3A_1224 = arith.constant 0 : i32
      %dma_start3A_1225 = tpu.memref_slice %arg23[%add3A_16, %dma_start3A_1224] : memref<5008x256xf32, #tpu.memory_space<vmem_shared>> -> memref<9x256xf32, #tpu.memory_space<vmem_shared>>
      %dma_start3A_1226 = arith.constant 0 : i32
      %dma_start3A_1227 = tpu.memref_slice %arg23[%add3A_16, %dma_start3A_1226] : memref<5008x256xf32, #tpu.memory_space<vmem_shared>> -> memref<9x256xf32, #tpu.memory_space<vmem_shared>>
      %dma_start3A_1228 = arith.constant 0 : i32
      %dma_start3A_1229 = arith.constant 0 : i32
      %dma_start3A_1230 = tpu.memref_slice %arg20[%dma_start3A_1228, %dma_start3A_1229] : memref<64x256xf32, #tpu.memory_space<vmem>> -> memref<9x256xf32, #tpu.memory_space<vmem>>
      tpu.enqueue_dma source(%dma_start3A_1230 : memref<9x256xf32, #tpu.memory_space<vmem>>) target(%dma_start3A_1227 : memref<9x256xf32, #tpu.memory_space<vmem_shared>>) target_semaphore(%run_scoped3A : memref<!tpu.dma_semaphore, #tpu.memory_space<semaphore_mem>>)
      %dma_wait3A_1231 = arith.constant 0 : i32
      %dma_wait3A_1232 = arith.constant 0 : i32
      %dma_wait3A_1233 = tpu.memref_slice %arg20[%dma_wait3A_1231, %dma_wait3A_1232] : memref<64x256xf32, #tpu.memory_space<vmem>> -> memref<9x256xf32, #tpu.memory_space<vmem>>
      %dma_wait3A_1234 = arith.constant 0 : i32
      %dma_wait3A_1235 = tpu.memref_slice %arg23[%add3A_16, %dma_wait3A_1234] : memref<5008x256xf32, #tpu.memory_space<vmem_shared>> -> memref<9x256xf32, #tpu.memory_space<vmem_shared>>
      %dma_wait3A_1236 = arith.constant 0 : i32
      %dma_wait3A_1237 = tpu.memref_slice %arg23[%add3A_16, %dma_wait3A_1236] : memref<5008x256xf32, #tpu.memory_space<vmem_shared>> -> memref<9x256xf32, #tpu.memory_space<vmem_shared>>
      %dma_wait3A_1238 = arith.constant 0 : i32
      %dma_wait3A_1239 = arith.constant 0 : i32
      %dma_wait3A_1240 = tpu.memref_slice %arg20[%dma_wait3A_1238, %dma_wait3A_1239] : memref<64x256xf32, #tpu.memory_space<vmem>> -> memref<9x256xf32, #tpu.memory_space<vmem>>
      tpu.wait_dma2 semaphore(%run_scoped3A : memref<!tpu.dma_semaphore, #tpu.memory_space<semaphore_mem>>) src(%dma_wait3A_1240 : memref<9x256xf32, #tpu.memory_space<vmem>>) dst(%dma_wait3A_1237 : memref<9x256xf32, #tpu.memory_space<vmem_shared>>)
      tpu.yield
    }) : () -> ()
    %barrier3A = arith.constant 0 : index
    tpu.barrier barrier_id(%barrier3A)
    %mul3A_17 = arith.constant 10000 : i32
    %mul3A_18 = arith.muli %arg1, %mul3A_17 : i32
    %add3A_19 = arith.constant 0 : i32
    %add3A_20 = arith.addi %mul3A_18, %add3A_19 : i32
    %min3A = arith.constant 159808 : i32
    %min3A_21 = arith.minsi %add3A_20, %min3A : i32
    %dma_start3A = tpu.memref_slice %arg2[%min3A_21] : memref<320000xi32, #tpu.memory_space<hbm>> -> memref<192xi32, #tpu.memory_space<hbm>>
    %dma_start3A_22 = tpu.memref_slice %arg2[%min3A_21] : memref<320000xi32, #tpu.memory_space<hbm>> -> memref<192xi32, #tpu.memory_space<hbm>>
    tpu.enqueue_dma source(%dma_start3A_22 : memref<192xi32, #tpu.memory_space<hbm>>) target(%arg7 : memref<192xi32, #tpu.memory_space<vmem>>) target_semaphore(%arg24 : memref<!tpu.dma_semaphore, #tpu.memory_space<semaphore_mem>>)
    %add3A_23 = arith.constant 160000 : i32
    %add3A_24 = arith.addi %add3A_23, %min3A_21 : i32
    %dma_start3A_25 = tpu.memref_slice %arg2[%add3A_24] : memref<320000xi32, #tpu.memory_space<hbm>> -> memref<192xi32, #tpu.memory_space<hbm>>
    %dma_start3A_26 = tpu.memref_slice %arg2[%add3A_24] : memref<320000xi32, #tpu.memory_space<hbm>> -> memref<192xi32, #tpu.memory_space<hbm>>
    tpu.enqueue_dma source(%dma_start3A_26 : memref<192xi32, #tpu.memory_space<hbm>>) target(%arg8 : memref<192xi32, #tpu.memory_space<vmem>>) target_semaphore(%arg24 : memref<!tpu.dma_semaphore, #tpu.memory_space<semaphore_mem>>)
    %add3A_27 = arith.constant 192 : i32
    %add3A_28 = arith.addi %mul3A_18, %add3A_27 : i32
    %min3A_29 = arith.constant 159808 : i32
    %min3A_30 = arith.minsi %add3A_28, %min3A_29 : i32
    %dma_start3A_31 = tpu.memref_slice %arg2[%min3A_30] : memref<320000xi32, #tpu.memory_space<hbm>> -> memref<192xi32, #tpu.memory_space<hbm>>
    %dma_start3A_32 = tpu.memref_slice %arg2[%min3A_30] : memref<320000xi32, #tpu.memory_space<hbm>> -> memref<192xi32, #tpu.memory_space<hbm>>
    tpu.enqueue_dma source(%dma_start3A_32 : memref<192xi32, #tpu.memory_space<hbm>>) target(%arg9 : memref<192xi32, #tpu.memory_space<vmem>>) target_semaphore(%arg25 : memref<!tpu.dma_semaphore, #tpu.memory_space<semaphore_mem>>)
    %add3A_33 = arith.constant 160000 : i32
    %add3A_34 = arith.addi %add3A_33, %min3A_30 : i32
    %dma_start3A_35 = tpu.memref_slice %arg2[%add3A_34] : memref<320000xi32, #tpu.memory_space<hbm>> -> memref<192xi32, #tpu.memory_space<hbm>>
    %dma_start3A_36 = tpu.memref_slice %arg2[%add3A_34] : memref<320000xi32, #tpu.memory_space<hbm>> -> memref<192xi32, #tpu.memory_space<hbm>>
    tpu.enqueue_dma source(%dma_start3A_36 : memref<192xi32, #tpu.memory_space<hbm>>) target(%arg10 : memref<192xi32, #tpu.memory_space<vmem>>) target_semaphore(%arg25 : memref<!tpu.dma_semaphore, #tpu.memory_space<semaphore_mem>>)
    %add3A_37 = arith.constant 0 : i32
    %add3A_38 = arith.addi %mul3A_18, %add3A_37 : i32
    %min3A_39 = arith.constant 159808 : i32
    %min3A_40 = arith.minsi %add3A_38, %min3A_39 : i32
    %dma_wait3A = tpu.memref_slice %arg2[%min3A_40] : memref<320000xi32, #tpu.memory_space<hbm>> -> memref<192xi32, #tpu.memory_space<hbm>>
    %dma_wait3A_41 = tpu.memref_slice %arg2[%min3A_40] : memref<320000xi32, #tpu.memory_space<hbm>> -> memref<192xi32, #tpu.memory_space<hbm>>
    tpu.wait_dma2 semaphore(%arg24 : memref<!tpu.dma_semaphore, #tpu.memory_space<semaphore_mem>>) src(%dma_wait3A_41 : memref<192xi32, #tpu.memory_space<hbm>>) dst(%arg7 : memref<192xi32, #tpu.memory_space<vmem>>)
    %add3A_42 = arith.constant 160000 : i32
    %add3A_43 = arith.addi %add3A_42, %min3A_40 : i32
    %dma_wait3A_44 = tpu.memref_slice %arg2[%add3A_43] : memref<320000xi32, #tpu.memory_space<hbm>> -> memref<192xi32, #tpu.memory_space<hbm>>
    %dma_wait3A_45 = tpu.memref_slice %arg2[%add3A_43] : memref<320000xi32, #tpu.memory_space<hbm>> -> memref<192xi32, #tpu.memory_space<hbm>>
    tpu.wait_dma2 semaphore(%arg24 : memref<!tpu.dma_semaphore, #tpu.memory_space<semaphore_mem>>) src(%dma_wait3A_45 : memref<192xi32, #tpu.memory_space<hbm>>) dst(%arg8 : memref<192xi32, #tpu.memory_space<vmem>>)
    %add3A_46 = arith.constant 0 : i32
    %add3A_47 = arith.addi %mul3A_18, %add3A_46 : i32
    %min3A_48 = arith.constant 159808 : i32
    %min3A_49 = arith.minsi %add3A_47, %min3A_48 : i32
    %add3A_50 = arith.constant 0 : i32
    %add3A_51 = arith.addi %min3A_49, %add3A_50 : i32
    %add3A_52 = arith.constant 0 : i32
    %add3A_53 = arith.addi %mul3A_18, %add3A_52 : i32
    %add3A_54 = arith.constant 10000 : i32
    %add3A_55 = arith.addi %mul3A_18, %add3A_54 : i32
    %min3A_56 = arith.minsi %add3A_53, %add3A_55 : i32
    %add3A_57 = arith.constant 192 : i32
    %add3A_58 = arith.addi %mul3A_18, %add3A_57 : i32
    %add3A_59 = arith.constant 10000 : i32
    %add3A_60 = arith.addi %mul3A_18, %add3A_59 : i32
    %min3A_61 = arith.minsi %add3A_58, %add3A_60 : i32
    %add3A_62 = arith.constant 0 : i32
    %add3A_63 = arith.addi %add3A_51, %add3A_62 : i32
    %iota3A = tpu.iota {dimensions = array<i32: 0>} : vector<16xi32>
    %add3A_64 = vector.broadcast %add3A_63 : i32 to vector<16xi32>
    %add3A_65 = arith.addi %add3A_64, %iota3A : vector<16xi32>
    %get3A = arith.constant 0 : index
    %get3A_66 = tpu.vector_load %arg7[%get3A] {strides = array<i32>} : memref<192xi32, #tpu.memory_space<vmem>>, vector<16xi32>,
    %get3A_67 = vector.shape_cast %get3A_66 : vector<16xi32> to vector<16xi32>
    %get3A_68 = arith.constant 0 : index
    %get3A_69 = tpu.vector_load %arg8[%get3A_68] {strides = array<i32>} : memref<192xi32, #tpu.memory_space<vmem>>, vector<16xi32>,
    %get3A_70 = vector.shape_cast %get3A_69 : vector<16xi32> to vector<16xi32>
    %ge3A = vector.broadcast %mul3A_0 : i32 to vector<16xi32>
    %ge3A_71 = arith.cmpi sge, %get3A_70, %ge3A : vector<16xi32>
    %add3A_72 = arith.constant 5000 : i32
    %add3A_73 = arith.addi %mul3A_0, %add3A_72 : i32
    %lt3A = vector.broadcast %add3A_73 : i32 to vector<16xi32>
    %lt3A_74 = arith.cmpi slt, %get3A_70, %lt3A : vector<16xi32>
    %and3A = arith.andi %ge3A_71, %lt3A_74 : vector<16xi1>
    %ge3A_75 = vector.broadcast %min3A_56 : i32 to vector<16xi32>
    %ge3A_76 = arith.cmpi sge, %add3A_65, %ge3A_75 : vector<16xi32>
    %and3A_77 = arith.andi %and3A, %ge3A_76 : vector<16xi1>
    %lt3A_78 = vector.broadcast %min3A_61 : i32 to vector<16xi32>
    %lt3A_79 = arith.cmpi slt, %add3A_65, %lt3A_78 : vector<16xi32>
    %and3A_80 = arith.andi %and3A_77, %lt3A_79 : vector<16xi1>
    %jit3A = arith.constant -1 : i32
    %broadcast_in_dim3A = vector.broadcast %jit3A : i32 to vector<16xi32>
    %select_n3A = arith.select %and3A_80, %get3A_67, %broadcast_in_dim3A : vector<16xi1>, vector<16xi32>
    %swap3A = arith.constant 0 : index
    %swap3A_81 = tpu.vector_load %arg11[%swap3A] {strides = array<i32>} : memref<64xi32, #tpu.memory_space<vmem>>, vector<16xi32>,
    %swap3A_82 = vector.shape_cast %swap3A_81 : vector<16xi32> to vector<16xi32>
    %swap3A_83 = vector.shape_cast %select_n3A : vector<16xi32> to vector<16xi32>
    tpu.vector_store %arg11[%swap3A], %swap3A_83 {strides = array<i32>} : memref<64xi32, #tpu.memory_space<vmem>>, vector<16xi32>,
    %sub3A = vector.broadcast %mul3A_0 : i32 to vector<16xi32>
    %sub3A_84 = arith.subi %get3A_70, %sub3A : vector<16xi32>
    %jit3A_85 = arith.constant 5000 : i32
    %broadcast_in_dim3A_86 = vector.broadcast %jit3A_85 : i32 to vector<16xi32>
    %select_n3A_87 = arith.select %and3A_80, %sub3A_84, %broadcast_in_dim3A_86 : vector<16xi1>, vector<16xi32>
    %swap3A_88 = arith.constant 0 : index
    %swap3A_89 = tpu.vector_load %arg14[%swap3A_88] {strides = array<i32>} : memref<64xi32, #tpu.memory_space<vmem>>, vector<16xi32>,
    %swap3A_90 = vector.shape_cast %swap3A_89 : vector<16xi32> to vector<16xi32>
    %swap3A_91 = vector.shape_cast %select_n3A_87 : vector<16xi32> to vector<16xi32>
    tpu.vector_store %arg14[%swap3A_88], %swap3A_91 {strides = array<i32>} : memref<64xi32, #tpu.memory_space<vmem>>, vector<16xi32>,
    %add3A_92 = arith.constant 16 : i32
    %add3A_93 = arith.addi %add3A_51, %add3A_92 : i32
    %iota3A_94 = tpu.iota {dimensions = array<i32: 0>} : vector<16xi32>
    %add3A_95 = vector.broadcast %add3A_93 : i32 to vector<16xi32>
    %add3A_96 = arith.addi %add3A_95, %iota3A_94 : vector<16xi32>
    %get3A_97 = arith.constant 16 : index
    %get3A_98 = tpu.vector_load %arg7[%get3A_97] {strides = array<i32>} : memref<192xi32, #tpu.memory_space<vmem>>, vector<16xi32>,
    %get3A_99 = vector.shape_cast %get3A_98 : vector<16xi32> to vector<16xi32>
    %get3A_100 = arith.constant 16 : index
    %get3A_101 = tpu.vector_load %arg8[%get3A_100] {strides = array<i32>} : memref<192xi32, #tpu.memory_space<vmem>>, vector<16xi32>,
    %get3A_102 = vector.shape_cast %get3A_101 : vector<16xi32> to vector<16xi32>
    %ge3A_103 = vector.broadcast %mul3A_0 : i32 to vector<16xi32>
    %ge3A_104 = arith.cmpi sge, %get3A_102, %ge3A_103 : vector<16xi32>
    %add3A_105 = arith.constant 5000 : i32
    %add3A_106 = arith.addi %mul3A_0, %add3A_105 : i32
    %lt3A_107 = vector.broadcast %add3A_106 : i32 to vector<16xi32>
    %lt3A_108 = arith.cmpi slt, %get3A_102, %lt3A_107 : vector<16xi32>
    %and3A_109 = arith.andi %ge3A_104, %lt3A_108 : vector<16xi1>
    %ge3A_110 = vector.broadcast %min3A_56 : i32 to vector<16xi32>
    %ge3A_111 = arith.cmpi sge, %add3A_96, %ge3A_110 : vector<16xi32>
    %and3A_112 = arith.andi %and3A_109, %ge3A_111 : vector<16xi1>
    %lt3A_113 = vector.broadcast %min3A_61 : i32 to vector<16xi32>
    %lt3A_114 = arith.cmpi slt, %add3A_96, %lt3A_113 : vector<16xi32>
    %and3A_115 = arith.andi %and3A_112, %lt3A_114 : vector<16xi1>
    %jit3A_116 = arith.constant -1 : i32
    %broadcast_in_dim3A_117 = vector.broadcast %jit3A_116 : i32 to vector<16xi32>
    %select_n3A_118 = arith.select %and3A_115, %get3A_99, %broadcast_in_dim3A_117 : vector<16xi1>, vector<16xi32>
    %swap3A_119 = arith.constant 16 : index
    %swap3A_120 = tpu.vector_load %arg11[%swap3A_119] {strides = array<i32>} : memref<64xi32, #tpu.memory_space<vmem>>, vector<16xi32>,
    %swap3A_121 = vector.shape_cast %swap3A_120 : vector<16xi32> to vector<16xi32>
    %swap3A_122 = vector.shape_cast %select_n3A_118 : vector<16xi32> to vector<16xi32>
    tpu.vector_store %arg11[%swap3A_119], %swap3A_122 {strides = array<i32>} : memref<64xi32, #tpu.memory_space<vmem>>, vector<16xi32>,
    %sub3A_123 = vector.broadcast %mul3A_0 : i32 to vector<16xi32>
    %sub3A_124 = arith.subi %get3A_102, %sub3A_123 : vector<16xi32>
    %jit3A_125 = arith.constant 5000 : i32
    %broadcast_in_dim3A_126 = vector.broadcast %jit3A_125 : i32 to vector<16xi32>
    %select_n3A_127 = arith.select %and3A_115, %sub3A_124, %broadcast_in_dim3A_126 : vector<16xi1>, vector<16xi32>
    %swap3A_128 = arith.constant 16 : index
    %swap3A_129 = tpu.vector_load %arg14[%swap3A_128] {strides = array<i32>} : memref<64xi32, #tpu.memory_space<vmem>>, vector<16xi32>,
    %swap3A_130 = vector.shape_cast %swap3A_129 : vector<16xi32> to vector<16xi32>
    %swap3A_131 = vector.shape_cast %select_n3A_127 : vector<16xi32> to vector<16xi32>
    tpu.vector_store %arg14[%swap3A_128], %swap3A_131 {strides = array<i32>} : memref<64xi32, #tpu.memory_space<vmem>>, vector<16xi32>,
    %add3A_132 = arith.constant 32 : i32
    %add3A_133 = arith.addi %add3A_51, %add3A_132 : i32
    %iota3A_134 = tpu.iota {dimensions = array<i32: 0>} : vector<16xi32>
    %add3A_135 = vector.broadcast %add3A_133 : i32 to vector<16xi32>
    %add3A_136 = arith.addi %add3A_135, %iota3A_134 : vector<16xi32>
    %get3A_137 = arith.constant 32 : index
    %get3A_138 = tpu.vector_load %arg7[%get3A_137] {strides = array<i32>} : memref<192xi32, #tpu.memory_space<vmem>>, vector<16xi32>,
    %get3A_139 = vector.shape_cast %get3A_138 : vector<16xi32> to vector<16xi32>
    %get3A_140 = arith.constant 32 : index
    %get3A_141 = tpu.vector_load %arg8[%get3A_140] {strides = array<i32>} : memref<192xi32, #tpu.memory_space<vmem>>, vector<16xi32>,
    %get3A_142 = vector.shape_cast %get3A_141 : vector<16xi32> to vector<16xi32>
    %ge3A_143 = vector.broadcast %mul3A_0 : i32 to vector<16xi32>
    %ge3A_144 = arith.cmpi sge, %get3A_142, %ge3A_143 : vector<16xi32>
    %add3A_145 = arith.constant 5000 : i32
    %add3A_146 = arith.addi %mul3A_0, %add3A_145 : i32
    %lt3A_147 = vector.broadcast %add3A_146 : i32 to vector<16xi32>
    %lt3A_148 = arith.cmpi slt, %get3A_142, %lt3A_147 : vector<16xi32>
    %and3A_149 = arith.andi %ge3A_144, %lt3A_148 : vector<16xi1>
    %ge3A_150 = vector.broadcast %min3A_56 : i32 to vector<16xi32>
    %ge3A_151 = arith.cmpi sge, %add3A_136, %ge3A_150 : vector<16xi32>
    %and3A_152 = arith.andi %and3A_149, %ge3A_151 : vector<16xi1>
    %lt3A_153 = vector.broadcast %min3A_61 : i32 to vector<16xi32>
    %lt3A_154 = arith.cmpi slt, %add3A_136, %lt3A_153 : vector<16xi32>
    %and3A_155 = arith.andi %and3A_152, %lt3A_154 : vector<16xi1>
    %jit3A_156 = arith.constant -1 : i32
    %broadcast_in_dim3A_157 = vector.broadcast %jit3A_156 : i32 to vector<16xi32>
    %select_n3A_158 = arith.select %and3A_155, %get3A_139, %broadcast_in_dim3A_157 : vector<16xi1>, vector<16xi32>
    %swap3A_159 = arith.constant 32 : index
    %swap3A_160 = tpu.vector_load %arg11[%swap3A_159] {strides = array<i32>} : memref<64xi32, #tpu.memory_space<vmem>>, vector<16xi32>,
    %swap3A_161 = vector.shape_cast %swap3A_160 : vector<16xi32> to vector<16xi32>
    %swap3A_162 = vector.shape_cast %select_n3A_158 : vector<16xi32> to vector<16xi32>
    tpu.vector_store %arg11[%swap3A_159], %swap3A_162 {strides = array<i32>} : memref<64xi32, #tpu.memory_space<vmem>>, vector<16xi32>,
    %sub3A_163 = vector.broadcast %mul3A_0 : i32 to vector<16xi32>
    %sub3A_164 = arith.subi %get3A_142, %sub3A_163 : vector<16xi32>
    %jit3A_165 = arith.constant 5000 : i32
    %broadcast_in_dim3A_166 = vector.broadcast %jit3A_165 : i32 to vector<16xi32>
    %select_n3A_167 = arith.select %and3A_155, %sub3A_164, %broadcast_in_dim3A_166 : vector<16xi1>, vector<16xi32>
    %swap3A_168 = arith.constant 32 : index
    %swap3A_169 = tpu.vector_load %arg14[%swap3A_168] {strides = array<i32>} : memref<64xi32, #tpu.memory_space<vmem>>, vector<16xi32>,
    %swap3A_170 = vector.shape_cast %swap3A_169 : vector<16xi32> to vector<16xi32>
    %swap3A_171 = vector.shape_cast %select_n3A_167 : vector<16xi32> to vector<16xi32>
    tpu.vector_store %arg14[%swap3A_168], %swap3A_171 {strides = array<i32>} : memref<64xi32, #tpu.memory_space<vmem>>, vector<16xi32>,
    %add3A_172 = arith.constant 48 : i32
    %add3A_173 = arith.addi %add3A_51, %add3A_172 : i32
    %iota3A_174 = tpu.iota {dimensions = array<i32: 0>} : vector<16xi32>
    %add3A_175 = vector.broadcast %add3A_173 : i32 to vector<16xi32>
    %add3A_176 = arith.addi %add3A_175, %iota3A_174 : vector<16xi32>
    %get3A_177 = arith.constant 48 : index
    %get3A_178 = tpu.vector_load %arg7[%get3A_177] {strides = array<i32>} : memref<192xi32, #tpu.memory_space<vmem>>, vector<16xi32>,
    %get3A_179 = vector.shape_cast %get3A_178 : vector<16xi32> to vector<16xi32>
    %get3A_180 = arith.constant 48 : index
    %get3A_181 = tpu.vector_load %arg8[%get3A_180] {strides = array<i32>} : memref<192xi32, #tpu.memory_space<vmem>>, vector<16xi32>,
    %get3A_182 = vector.shape_cast %get3A_181 : vector<16xi32> to vector<16xi32>
    %ge3A_183 = vector.broadcast %mul3A_0 : i32 to vector<16xi32>
    %ge3A_184 = arith.cmpi sge, %get3A_182, %ge3A_183 : vector<16xi32>
    %add3A_185 = arith.constant 5000 : i32
    %add3A_186 = arith.addi %mul3A_0, %add3A_185 : i32
    %lt3A_187 = vector.broadcast %add3A_186 : i32 to vector<16xi32>
    %lt3A_188 = arith.cmpi slt, %get3A_182, %lt3A_187 : vector<16xi32>
    %and3A_189 = arith.andi %ge3A_184, %lt3A_188 : vector<16xi1>
    %ge3A_190 = vector.broadcast %min3A_56 : i32 to vector<16xi32>
    %ge3A_191 = arith.cmpi sge, %add3A_176, %ge3A_190 : vector<16xi32>
    %and3A_192 = arith.andi %and3A_189, %ge3A_191 : vector<16xi1>
    %lt3A_193 = vector.broadcast %min3A_61 : i32 to vector<16xi32>
    %lt3A_194 = arith.cmpi slt, %add3A_176, %lt3A_193 : vector<16xi32>
    %and3A_195 = arith.andi %and3A_192, %lt3A_194 : vector<16xi1>
    %jit3A_196 = arith.constant -1 : i32
    %broadcast_in_dim3A_197 = vector.broadcast %jit3A_196 : i32 to vector<16xi32>
    %select_n3A_198 = arith.select %and3A_195, %get3A_179, %broadcast_in_dim3A_197 : vector<16xi1>, vector<16xi32>
    %swap3A_199 = arith.constant 48 : index
    %swap3A_200 = tpu.vector_load %arg11[%swap3A_199] {strides = array<i32>} : memref<64xi32, #tpu.memory_space<vmem>>, vector<16xi32>,
    %swap3A_201 = vector.shape_cast %swap3A_200 : vector<16xi32> to vector<16xi32>
    %swap3A_202 = vector.shape_cast %select_n3A_198 : vector<16xi32> to vector<16xi32>
    tpu.vector_store %arg11[%swap3A_199], %swap3A_202 {strides = array<i32>} : memref<64xi32, #tpu.memory_space<vmem>>, vector<16xi32>,
    %sub3A_203 = vector.broadcast %mul3A_0 : i32 to vector<16xi32>
    %sub3A_204 = arith.subi %get3A_182, %sub3A_203 : vector<16xi32>
    %jit3A_205 = arith.constant 5000 : i32
    %broadcast_in_dim3A_206 = vector.broadcast %jit3A_205 : i32 to vector<16xi32>
    %select_n3A_207 = arith.select %and3A_195, %sub3A_204, %broadcast_in_dim3A_206 : vector<16xi1>, vector<16xi32>
    %swap3A_208 = arith.constant 48 : index
    %swap3A_209 = tpu.vector_load %arg14[%swap3A_208] {strides = array<i32>} : memref<64xi32, #tpu.memory_space<vmem>>, vector<16xi32>,
    %swap3A_210 = vector.shape_cast %swap3A_209 : vector<16xi32> to vector<16xi32>
    %swap3A_211 = vector.shape_cast %select_n3A_207 : vector<16xi32> to vector<16xi32>
    tpu.vector_store %arg14[%swap3A_208], %swap3A_211 {strides = array<i32>} : memref<64xi32, #tpu.memory_space<vmem>>, vector<16xi32>,
    %dma_start3A_212 = arith.constant 0 : i32
    %dma_start3A_213 = arith.constant 0 : i32
    %dma_start3A_214 = tpu.memref_slice %arg4[%dma_start3A_212, %dma_start3A_213] : memref<10000x256xf32, #tpu.memory_space<hbm>> -> memref<10000x256xf32, #tpu.memory_space<hbm>>
    %dma_start3A_215 = arith.constant -1 : i32
    tpu.enqueue_indirect_dma source(%dma_start3A_214 : memref<10000x256xf32, #tpu.memory_space<hbm>>) target(%arg20 : memref<64x256xf32, #tpu.memory_space<vmem>>) offsets(%arg11 : memref<64xi32, #tpu.memory_space<vmem>>) offset_filter(%dma_start3A_215) semaphore(%arg26 : memref<!tpu.dma_semaphore, #tpu.memory_space<semaphore_mem>>)
    %add3A_216 = arith.constant 0 : i32
    %add3A_217 = arith.addi %mul3A_18, %add3A_216 : i32
    %min3A_218 = arith.constant 159808 : i32
    %min3A_219 = arith.minsi %add3A_217, %min3A_218 : i32
    %add3A_220 = arith.constant 64 : i32
    %add3A_221 = arith.addi %min3A_219, %add3A_220 : i32
    %add3A_222 = arith.constant 0 : i32
    %add3A_223 = arith.addi %mul3A_18, %add3A_222 : i32
    %add3A_224 = arith.constant 10000 : i32
    %add3A_225 = arith.addi %mul3A_18, %add3A_224 : i32
    %min3A_226 = arith.minsi %add3A_223, %add3A_225 : i32
    %add3A_227 = arith.constant 192 : i32
    %add3A_228 = arith.addi %mul3A_18, %add3A_227 : i32
    %add3A_229 = arith.constant 10000 : i32
    %add3A_230 = arith.addi %mul3A_18, %add3A_229 : i32
    %min3A_231 = arith.minsi %add3A_228, %add3A_230 : i32
    %add3A_232 = arith.constant 0 : i32
    %add3A_233 = arith.addi %add3A_221, %add3A_232 : i32
    %iota3A_234 = tpu.iota {dimensions = array<i32: 0>} : vector<16xi32>
    %add3A_235 = vector.broadcast %add3A_233 : i32 to vector<16xi32>
    %add3A_236 = arith.addi %add3A_235, %iota3A_234 : vector<16xi32>
    %get3A_237 = arith.constant 64 : index
    %get3A_238 = tpu.vector_load %arg7[%get3A_237] {strides = array<i32>} : memref<192xi32, #tpu.memory_space<vmem>>, vector<16xi32>,
    %get3A_239 = vector.shape_cast %get3A_238 : vector<16xi32> to vector<16xi32>
    %get3A_240 = arith.constant 64 : index
    %get3A_241 = tpu.vector_load %arg8[%get3A_240] {strides = array<i32>} : memref<192xi32, #tpu.memory_space<vmem>>, vector<16xi32>,
    %get3A_242 = vector.shape_cast %get3A_241 : vector<16xi32> to vector<16xi32>
    %ge3A_243 = vector.broadcast %mul3A_0 : i32 to vector<16xi32>
    %ge3A_244 = arith.cmpi sge, %get3A_242, %ge3A_243 : vector<16xi32>
    %add3A_245 = arith.constant 5000 : i32
    %add3A_246 = arith.addi %mul3A_0, %add3A_245 : i32
    %lt3A_247 = vector.broadcast %add3A_246 : i32 to vector<16xi32>
    %lt3A_248 = arith.cmpi slt, %get3A_242, %lt3A_247 : vector<16xi32>
    %and3A_249 = arith.andi %ge3A_244, %lt3A_248 : vector<16xi1>
    %ge3A_250 = vector.broadcast %min3A_226 : i32 to vector<16xi32>
    %ge3A_251 = arith.cmpi sge, %add3A_236, %ge3A_250 : vector<16xi32>
    %and3A_252 = arith.andi %and3A_249, %ge3A_251 : vector<16xi1>
    %lt3A_253 = vector.broadcast %min3A_231 : i32 to vector<16xi32>
    %lt3A_254 = arith.cmpi slt, %add3A_236, %lt3A_253 : vector<16xi32>
    %and3A_255 = arith.andi %and3A_252, %lt3A_254 : vector<16xi1>
    %jit3A_256 = arith.constant -1 : i32
    %broadcast_in_dim3A_257 = vector.broadcast %jit3A_256 : i32 to vector<16xi32>
    %select_n3A_258 = arith.select %and3A_255, %get3A_239, %broadcast_in_dim3A_257 : vector<16xi1>, vector<16xi32>
    %swap3A_259 = arith.constant 0 : index
    %swap3A_260 = tpu.vector_load %arg12[%swap3A_259] {strides = array<i32>} : memref<64xi32, #tpu.memory_space<vmem>>, vector<16xi32>,
    %swap3A_261 = vector.shape_cast %swap3A_260 : vector<16xi32> to vector<16xi32>
    %swap3A_262 = vector.shape_cast %select_n3A_258 : vector<16xi32> to vector<16xi32>
    tpu.vector_store %arg12[%swap3A_259], %swap3A_262 {strides = array<i32>} : memref<64xi32, #tpu.memory_space<vmem>>, vector<16xi32>,
    %sub3A_263 = vector.broadcast %mul3A_0 : i32 to vector<16xi32>
    %sub3A_264 = arith.subi %get3A_242, %sub3A_263 : vector<16xi32>
    %jit3A_265 = arith.constant 5000 : i32
    %broadcast_in_dim3A_266 = vector.broadcast %jit3A_265 : i32 to vector<16xi32>
    %select_n3A_267 = arith.select %and3A_255, %sub3A_264, %broadcast_in_dim3A_266 : vector<16xi1>, vector<16xi32>
    %swap3A_268 = arith.constant 0 : index
    %swap3A_269 = tpu.vector_load %arg15[%swap3A_268] {strides = array<i32>} : memref<64xi32, #tpu.memory_space<vmem>>, vector<16xi32>,
    %swap3A_270 = vector.shape_cast %swap3A_269 : vector<16xi32> to vector<16xi32>
    %swap3A_271 = vector.shape_cast %select_n3A_267 : vector<16xi32> to vector<16xi32>
    tpu.vector_store %arg15[%swap3A_268], %swap3A_271 {strides = array<i32>} : memref<64xi32, #tpu.memory_space<vmem>>, vector<16xi32>,
    %add3A_272 = arith.constant 16 : i32
    %add3A_273 = arith.addi %add3A_221, %add3A_272 : i32
    %iota3A_274 = tpu.iota {dimensions = array<i32: 0>} : vector<16xi32>
    %add3A_275 = vector.broadcast %add3A_273 : i32 to vector<16xi32>
    %add3A_276 = arith.addi %add3A_275, %iota3A_274 : vector<16xi32>
    %get3A_277 = arith.constant 80 : index
    %get3A_278 = tpu.vector_load %arg7[%get3A_277] {strides = array<i32>} : memref<192xi32, #tpu.memory_space<vmem>>, vector<16xi32>,
    %get3A_279 = vector.shape_cast %get3A_278 : vector<16xi32> to vector<16xi32>
    %get3A_280 = arith.constant 80 : index
    %get3A_281 = tpu.vector_load %arg8[%get3A_280] {strides = array<i32>} : memref<192xi32, #tpu.memory_space<vmem>>, vector<16xi32>,
    %get3A_282 = vector.shape_cast %get3A_281 : vector<16xi32> to vector<16xi32>
    %ge3A_283 = vector.broadcast %mul3A_0 : i32 to vector<16xi32>
    %ge3A_284 = arith.cmpi sge, %get3A_282, %ge3A_283 : vector<16xi32>
    %add3A_285 = arith.constant 5000 : i32
    %add3A_286 = arith.addi %mul3A_0, %add3A_285 : i32
    %lt3A_287 = vector.broadcast %add3A_286 : i32 to vector<16xi32>
    %lt3A_288 = arith.cmpi slt, %get3A_282, %lt3A_287 : vector<16xi32>
    %and3A_289 = arith.andi %ge3A_284, %lt3A_288 : vector<16xi1>
    %ge3A_290 = vector.broadcast %min3A_226 : i32 to vector<16xi32>
    %ge3A_291 = arith.cmpi sge, %add3A_276, %ge3A_290 : vector<16xi32>
    %and3A_292 = arith.andi %and3A_289, %ge3A_291 : vector<16xi1>
    %lt3A_293 = vector.broadcast %min3A_231 : i32 to vector<16xi32>
    %lt3A_294 = arith.cmpi slt, %add3A_276, %lt3A_293 : vector<16xi32>
    %and3A_295 = arith.andi %and3A_292, %lt3A_294 : vector<16xi1>
    %jit3A_296 = arith.constant -1 : i32
    %broadcast_in_dim3A_297 = vector.broadcast %jit3A_296 : i32 to vector<16xi32>
    %select_n3A_298 = arith.select %and3A_295, %get3A_279, %broadcast_in_dim3A_297 : vector<16xi1>, vector<16xi32>
    %swap3A_299 = arith.constant 16 : index
    %swap3A_300 = tpu.vector_load %arg12[%swap3A_299] {strides = array<i32>} : memref<64xi32, #tpu.memory_space<vmem>>, vector<16xi32>,
    %swap3A_301 = vector.shape_cast %swap3A_300 : vector<16xi32> to vector<16xi32>
    %swap3A_302 = vector.shape_cast %select_n3A_298 : vector<16xi32> to vector<16xi32>
    tpu.vector_store %arg12[%swap3A_299], %swap3A_302 {strides = array<i32>} : memref<64xi32, #tpu.memory_space<vmem>>, vector<16xi32>,
    %sub3A_303 = vector.broadcast %mul3A_0 : i32 to vector<16xi32>
    %sub3A_304 = arith.subi %get3A_282, %sub3A_303 : vector<16xi32>
    %jit3A_305 = arith.constant 5000 : i32
    %broadcast_in_dim3A_306 = vector.broadcast %jit3A_305 : i32 to vector<16xi32>
    %select_n3A_307 = arith.select %and3A_295, %sub3A_304, %broadcast_in_dim3A_306 : vector<16xi1>, vector<16xi32>
    %swap3A_308 = arith.constant 16 : index
    %swap3A_309 = tpu.vector_load %arg15[%swap3A_308] {strides = array<i32>} : memref<64xi32, #tpu.memory_space<vmem>>, vector<16xi32>,
    %swap3A_310 = vector.shape_cast %swap3A_309 : vector<16xi32> to vector<16xi32>
    %swap3A_311 = vector.shape_cast %select_n3A_307 : vector<16xi32> to vector<16xi32>
    tpu.vector_store %arg15[%swap3A_308], %swap3A_311 {strides = array<i32>} : memref<64xi32, #tpu.memory_space<vmem>>, vector<16xi32>,
    %add3A_312 = arith.constant 32 : i32
    %add3A_313 = arith.addi %add3A_221, %add3A_312 : i32
    %iota3A_314 = tpu.iota {dimensions = array<i32: 0>} : vector<16xi32>
    %add3A_315 = vector.broadcast %add3A_313 : i32 to vector<16xi32>
    %add3A_316 = arith.addi %add3A_315, %iota3A_314 : vector<16xi32>
    %get3A_317 = arith.constant 96 : index
    %get3A_318 = tpu.vector_load %arg7[%get3A_317] {strides = array<i32>} : memref<192xi32, #tpu.memory_space<vmem>>, vector<16xi32>,
    %get3A_319 = vector.shape_cast %get3A_318 : vector<16xi32> to vector<16xi32>
    %get3A_320 = arith.constant 96 : index
    %get3A_321 = tpu.vector_load %arg8[%get3A_320] {strides = array<i32>} : memref<192xi32, #tpu.memory_space<vmem>>, vector<16xi32>,
    %get3A_322 = vector.shape_cast %get3A_321 : vector<16xi32> to vector<16xi32>
    %ge3A_323 = vector.broadcast %mul3A_0 : i32 to vector<16xi32>
    %ge3A_324 = arith.cmpi sge, %get3A_322, %ge3A_323 : vector<16xi32>
    %add3A_325 = arith.constant 5000 : i32
    %add3A_326 = arith.addi %mul3A_0, %add3A_325 : i32
    %lt3A_327 = vector.broadcast %add3A_326 : i32 to vector<16xi32>
    %lt3A_328 = arith.cmpi slt, %get3A_322, %lt3A_327 : vector<16xi32>
    %and3A_329 = arith.andi %ge3A_324, %lt3A_328 : vector<16xi1>
    %ge3A_330 = vector.broadcast %min3A_226 : i32 to vector<16xi32>
    %ge3A_331 = arith.cmpi sge, %add3A_316, %ge3A_330 : vector<16xi32>
    %and3A_332 = arith.andi %and3A_329, %ge3A_331 : vector<16xi1>
    %lt3A_333 = vector.broadcast %min3A_231 : i32 to vector<16xi32>
    %lt3A_334 = arith.cmpi slt, %add3A_316, %lt3A_333 : vector<16xi32>
    %and3A_335 = arith.andi %and3A_332, %lt3A_334 : vector<16xi1>
    %jit3A_336 = arith.constant -1 : i32
    %broadcast_in_dim3A_337 = vector.broadcast %jit3A_336 : i32 to vector<16xi32>
    %select_n3A_338 = arith.select %and3A_335, %get3A_319, %broadcast_in_dim3A_337 : vector<16xi1>, vector<16xi32>
    %swap3A_339 = arith.constant 32 : index
    %swap3A_340 = tpu.vector_load %arg12[%swap3A_339] {strides = array<i32>} : memref<64xi32, #tpu.memory_space<vmem>>, vector<16xi32>,
    %swap3A_341 = vector.shape_cast %swap3A_340 : vector<16xi32> to vector<16xi32>
    %swap3A_342 = vector.shape_cast %select_n3A_338 : vector<16xi32> to vector<16xi32>
    tpu.vector_store %arg12[%swap3A_339], %swap3A_342 {strides = array<i32>} : memref<64xi32, #tpu.memory_space<vmem>>, vector<16xi32>,
    %sub3A_343 = vector.broadcast %mul3A_0 : i32 to vector<16xi32>
    %sub3A_344 = arith.subi %get3A_322, %sub3A_343 : vector<16xi32>
    %jit3A_345 = arith.constant 5000 : i32
    %broadcast_in_dim3A_346 = vector.broadcast %jit3A_345 : i32 to vector<16xi32>
    %select_n3A_347 = arith.select %and3A_335, %sub3A_344, %broadcast_in_dim3A_346 : vector<16xi1>, vector<16xi32>
    %swap3A_348 = arith.constant 32 : index
    %swap3A_349 = tpu.vector_load %arg15[%swap3A_348] {strides = array<i32>} : memref<64xi32, #tpu.memory_space<vmem>>, vector<16xi32>,
    %swap3A_350 = vector.shape_cast %swap3A_349 : vector<16xi32> to vector<16xi32>
    %swap3A_351 = vector.shape_cast %select_n3A_347 : vector<16xi32> to vector<16xi32>
    tpu.vector_store %arg15[%swap3A_348], %swap3A_351 {strides = array<i32>} : memref<64xi32, #tpu.memory_space<vmem>>, vector<16xi32>,
    %add3A_352 = arith.constant 48 : i32
    %add3A_353 = arith.addi %add3A_221, %add3A_352 : i32
    %iota3A_354 = tpu.iota {dimensions = array<i32: 0>} : vector<16xi32>
    %add3A_355 = vector.broadcast %add3A_353 : i32 to vector<16xi32>
    %add3A_356 = arith.addi %add3A_355, %iota3A_354 : vector<16xi32>
    %get3A_357 = arith.constant 112 : index
    %get3A_358 = tpu.vector_load %arg7[%get3A_357] {strides = array<i32>} : memref<192xi32, #tpu.memory_space<vmem>>, vector<16xi32>,
    %get3A_359 = vector.shape_cast %get3A_358 : vector<16xi32> to vector<16xi32>
    %get3A_360 = arith.constant 112 : index
    %get3A_361 = tpu.vector_load %arg8[%get3A_360] {strides = array<i32>} : memref<192xi32, #tpu.memory_space<vmem>>, vector<16xi32>,
    %get3A_362 = vector.shape_cast %get3A_361 : vector<16xi32> to vector<16xi32>
    %ge3A_363 = vector.broadcast %mul3A_0 : i32 to vector<16xi32>
    %ge3A_364 = arith.cmpi sge, %get3A_362, %ge3A_363 : vector<16xi32>
    %add3A_365 = arith.constant 5000 : i32
    %add3A_366 = arith.addi %mul3A_0, %add3A_365 : i32
    %lt3A_367 = vector.broadcast %add3A_366 : i32 to vector<16xi32>
    %lt3A_368 = arith.cmpi slt, %get3A_362, %lt3A_367 : vector<16xi32>
    %and3A_369 = arith.andi %ge3A_364, %lt3A_368 : vector<16xi1>
    %ge3A_370 = vector.broadcast %min3A_226 : i32 to vector<16xi32>
    %ge3A_371 = arith.cmpi sge, %add3A_356, %ge3A_370 : vector<16xi32>
    %and3A_372 = arith.andi %and3A_369, %ge3A_371 : vector<16xi1>
    %lt3A_373 = vector.broadcast %min3A_231 : i32 to vector<16xi32>
    %lt3A_374 = arith.cmpi slt, %add3A_356, %lt3A_373 : vector<16xi32>
    %and3A_375 = arith.andi %and3A_372, %lt3A_374 : vector<16xi1>
    %jit3A_376 = arith.constant -1 : i32
    %broadcast_in_dim3A_377 = vector.broadcast %jit3A_376 : i32 to vector<16xi32>
    %select_n3A_378 = arith.select %and3A_375, %get3A_359, %broadcast_in_dim3A_377 : vector<16xi1>, vector<16xi32>
    %swap3A_379 = arith.constant 48 : index
    %swap3A_380 = tpu.vector_load %arg12[%swap3A_379] {strides = array<i32>} : memref<64xi32, #tpu.memory_space<vmem>>, vector<16xi32>,
    %swap3A_381 = vector.shape_cast %swap3A_380 : vector<16xi32> to vector<16xi32>
    %swap3A_382 = vector.shape_cast %select_n3A_378 : vector<16xi32> to vector<16xi32>
    tpu.vector_store %arg12[%swap3A_379], %swap3A_382 {strides = array<i32>} : memref<64xi32, #tpu.memory_space<vmem>>, vector<16xi32>,
    %sub3A_383 = vector.broadcast %mul3A_0 : i32 to vector<16xi32>
    %sub3A_384 = arith.subi %get3A_362, %sub3A_383 : vector<16xi32>
    %jit3A_385 = arith.constant 5000 : i32
    %broadcast_in_dim3A_386 = vector.broadcast %jit3A_385 : i32 to vector<16xi32>
    %select_n3A_387 = arith.select %and3A_375, %sub3A_384, %broadcast_in_dim3A_386 : vector<16xi1>, vector<16xi32>
    %swap3A_388 = arith.constant 48 : index
    %swap3A_389 = tpu.vector_load %arg15[%swap3A_388] {strides = array<i32>} : memref<64xi32, #tpu.memory_space<vmem>>, vector<16xi32>,
    %swap3A_390 = vector.shape_cast %swap3A_389 : vector<16xi32> to vector<16xi32>
    %swap3A_391 = vector.shape_cast %select_n3A_387 : vector<16xi32> to vector<16xi32>
    tpu.vector_store %arg15[%swap3A_388], %swap3A_391 {strides = array<i32>} : memref<64xi32, #tpu.memory_space<vmem>>, vector<16xi32>,
    %dma_start3A_392 = arith.constant 0 : i32
    %dma_start3A_393 = arith.constant 0 : i32
    %dma_start3A_394 = tpu.memref_slice %arg4[%dma_start3A_392, %dma_start3A_393] : memref<10000x256xf32, #tpu.memory_space<hbm>> -> memref<10000x256xf32, #tpu.memory_space<hbm>>
    %dma_start3A_395 = arith.constant -1 : i32
    tpu.enqueue_indirect_dma source(%dma_start3A_394 : memref<10000x256xf32, #tpu.memory_space<hbm>>) target(%arg21 : memref<64x256xf32, #tpu.memory_space<vmem>>) offsets(%arg12 : memref<64xi32, #tpu.memory_space<vmem>>) offset_filter(%dma_start3A_395) semaphore(%arg27 : memref<!tpu.dma_semaphore, #tpu.memory_space<semaphore_mem>>)
    %add3A_396 = arith.constant 0 : i32
    %add3A_397 = arith.addi %mul3A_18, %add3A_396 : i32
    %min3A_398 = arith.constant 159808 : i32
    %min3A_399 = arith.minsi %add3A_397, %min3A_398 : i32
    %add3A_400 = arith.constant 128 : i32
    %add3A_401 = arith.addi %min3A_399, %add3A_400 : i32
    %add3A_402 = arith.constant 0 : i32
    %add3A_403 = arith.addi %mul3A_18, %add3A_402 : i32
    %add3A_404 = arith.constant 10000 : i32
    %add3A_405 = arith.addi %mul3A_18, %add3A_404 : i32
    %min3A_406 = arith.minsi %add3A_403, %add3A_405 : i32
    %add3A_407 = arith.constant 192 : i32
    %add3A_408 = arith.addi %mul3A_18, %add3A_407 : i32
    %add3A_409 = arith.constant 10000 : i32
    %add3A_410 = arith.addi %mul3A_18, %add3A_409 : i32
    %min3A_411 = arith.minsi %add3A_408, %add3A_410 : i32
    %add3A_412 = arith.constant 0 : i32
    %add3A_413 = arith.addi %add3A_401, %add3A_412 : i32
    %iota3A_414 = tpu.iota {dimensions = array<i32: 0>} : vector<16xi32>
    %add3A_415 = vector.broadcast %add3A_413 : i32 to vector<16xi32>
    %add3A_416 = arith.addi %add3A_415, %iota3A_414 : vector<16xi32>
    %get3A_417 = arith.constant 128 : index
    %get3A_418 = tpu.vector_load %arg7[%get3A_417] {strides = array<i32>} : memref<192xi32, #tpu.memory_space<vmem>>, vector<16xi32>,
    %get3A_419 = vector.shape_cast %get3A_418 : vector<16xi32> to vector<16xi32>
    %get3A_420 = arith.constant 128 : index
    %get3A_421 = tpu.vector_load %arg8[%get3A_420] {strides = array<i32>} : memref<192xi32, #tpu.memory_space<vmem>>, vector<16xi32>,
    %get3A_422 = vector.shape_cast %get3A_421 : vector<16xi32> to vector<16xi32>
    %ge3A_423 = vector.broadcast %mul3A_0 : i32 to vector<16xi32>
    %ge3A_424 = arith.cmpi sge, %get3A_422, %ge3A_423 : vector<16xi32>
    %add3A_425 = arith.constant 5000 : i32
    %add3A_426 = arith.addi %mul3A_0, %add3A_425 : i32
    %lt3A_427 = vector.broadcast %add3A_426 : i32 to vector<16xi32>
    %lt3A_428 = arith.cmpi slt, %get3A_422, %lt3A_427 : vector<16xi32>
    %and3A_429 = arith.andi %ge3A_424, %lt3A_428 : vector<16xi1>
    %ge3A_430 = vector.broadcast %min3A_406 : i32 to vector<16xi32>
    %ge3A_431 = arith.cmpi sge, %add3A_416, %ge3A_430 : vector<16xi32>
    %and3A_432 = arith.andi %and3A_429, %ge3A_431 : vector<16xi1>
    %lt3A_433 = vector.broadcast %min3A_411 : i32 to vector<16xi32>
    %lt3A_434 = arith.cmpi slt, %add3A_416, %lt3A_433 : vector<16xi32>
    %and3A_435 = arith.andi %and3A_432, %lt3A_434 : vector<16xi1>
    %jit3A_436 = arith.constant -1 : i32
    %broadcast_in_dim3A_437 = vector.broadcast %jit3A_436 : i32 to vector<16xi32>
    %select_n3A_438 = arith.select %and3A_435, %get3A_419, %broadcast_in_dim3A_437 : vector<16xi1>, vector<16xi32>
    %swap3A_439 = arith.constant 0 : index
    %swap3A_440 = tpu.vector_load %arg13[%swap3A_439] {strides = array<i32>} : memref<64xi32, #tpu.memory_space<vmem>>, vector<16xi32>,
    %swap3A_441 = vector.shape_cast %swap3A_440 : vector<16xi32> to vector<16xi32>
    %swap3A_442 = vector.shape_cast %select_n3A_438 : vector<16xi32> to vector<16xi32>
    tpu.vector_store %arg13[%swap3A_439], %swap3A_442 {strides = array<i32>} : memref<64xi32, #tpu.memory_space<vmem>>, vector<16xi32>,
    %sub3A_443 = vector.broadcast %mul3A_0 : i32 to vector<16xi32>
    %sub3A_444 = arith.subi %get3A_422, %sub3A_443 : vector<16xi32>
    %jit3A_445 = arith.constant 5000 : i32
    %broadcast_in_dim3A_446 = vector.broadcast %jit3A_445 : i32 to vector<16xi32>
    %select_n3A_447 = arith.select %and3A_435, %sub3A_444, %broadcast_in_dim3A_446 : vector<16xi1>, vector<16xi32>
    %swap3A_448 = arith.constant 0 : index
    %swap3A_449 = tpu.vector_load %arg16[%swap3A_448] {strides = array<i32>} : memref<64xi32, #tpu.memory_space<vmem>>, vector<16xi32>,
    %swap3A_450 = vector.shape_cast %swap3A_449 : vector<16xi32> to vector<16xi32>
    %swap3A_451 = vector.shape_cast %select_n3A_447 : vector<16xi32> to vector<16xi32>
    tpu.vector_store %arg16[%swap3A_448], %swap3A_451 {strides = array<i32>} : memref<64xi32, #tpu.memory_space<vmem>>, vector<16xi32>,
    %add3A_452 = arith.constant 16 : i32
    %add3A_453 = arith.addi %add3A_401, %add3A_452 : i32
    %iota3A_454 = tpu.iota {dimensions = array<i32: 0>} : vector<16xi32>
    %add3A_455 = vector.broadcast %add3A_453 : i32 to vector<16xi32>
    %add3A_456 = arith.addi %add3A_455, %iota3A_454 : vector<16xi32>
    %get3A_457 = arith.constant 144 : index
    %get3A_458 = tpu.vector_load %arg7[%get3A_457] {strides = array<i32>} : memref<192xi32, #tpu.memory_space<vmem>>, vector<16xi32>,
    %get3A_459 = vector.shape_cast %get3A_458 : vector<16xi32> to vector<16xi32>
    %get3A_460 = arith.constant 144 : index
    %get3A_461 = tpu.vector_load %arg8[%get3A_460] {strides = array<i32>} : memref<192xi32, #tpu.memory_space<vmem>>, vector<16xi32>,
    %get3A_462 = vector.shape_cast %get3A_461 : vector<16xi32> to vector<16xi32>
    %ge3A_463 = vector.broadcast %mul3A_0 : i32 to vector<16xi32>
    %ge3A_464 = arith.cmpi sge, %get3A_462, %ge3A_463 : vector<16xi32>
    %add3A_465 = arith.constant 5000 : i32
    %add3A_466 = arith.addi %mul3A_0, %add3A_465 : i32
    %lt3A_467 = vector.broadcast %add3A_466 : i32 to vector<16xi32>
    %lt3A_468 = arith.cmpi slt, %get3A_462, %lt3A_467 : vector<16xi32>
    %and3A_469 = arith.andi %ge3A_464, %lt3A_468 : vector<16xi1>
    %ge3A_470 = vector.broadcast %min3A_406 : i32 to vector<16xi32>
    %ge3A_471 = arith.cmpi sge, %add3A_456, %ge3A_470 : vector<16xi32>
    %and3A_472 = arith.andi %and3A_469, %ge3A_471 : vector<16xi1>
    %lt3A_473 = vector.broadcast %min3A_411 : i32 to vector<16xi32>
    %lt3A_474 = arith.cmpi slt, %add3A_456, %lt3A_473 : vector<16xi32>
    %and3A_475 = arith.andi %and3A_472, %lt3A_474 : vector<16xi1>
    %jit3A_476 = arith.constant -1 : i32
    %broadcast_in_dim3A_477 = vector.broadcast %jit3A_476 : i32 to vector<16xi32>
    %select_n3A_478 = arith.select %and3A_475, %get3A_459, %broadcast_in_dim3A_477 : vector<16xi1>, vector<16xi32>
    %swap3A_479 = arith.constant 16 : index
    %swap3A_480 = tpu.vector_load %arg13[%swap3A_479] {strides = array<i32>} : memref<64xi32, #tpu.memory_space<vmem>>, vector<16xi32>,
    %swap3A_481 = vector.shape_cast %swap3A_480 : vector<16xi32> to vector<16xi32>
    %swap3A_482 = vector.shape_cast %select_n3A_478 : vector<16xi32> to vector<16xi32>
    tpu.vector_store %arg13[%swap3A_479], %swap3A_482 {strides = array<i32>} : memref<64xi32, #tpu.memory_space<vmem>>, vector<16xi32>,
    %sub3A_483 = vector.broadcast %mul3A_0 : i32 to vector<16xi32>
    %sub3A_484 = arith.subi %get3A_462, %sub3A_483 : vector<16xi32>
    %jit3A_485 = arith.constant 5000 : i32
    %broadcast_in_dim3A_486 = vector.broadcast %jit3A_485 : i32 to vector<16xi32>
    %select_n3A_487 = arith.select %and3A_475, %sub3A_484, %broadcast_in_dim3A_486 : vector<16xi1>, vector<16xi32>
    %swap3A_488 = arith.constant 16 : index
    %swap3A_489 = tpu.vector_load %arg16[%swap3A_488] {strides = array<i32>} : memref<64xi32, #tpu.memory_space<vmem>>, vector<16xi32>,
    %swap3A_490 = vector.shape_cast %swap3A_489 : vector<16xi32> to vector<16xi32>
    %swap3A_491 = vector.shape_cast %select_n3A_487 : vector<16xi32> to vector<16xi32>
    tpu.vector_store %arg16[%swap3A_488], %swap3A_491 {strides = array<i32>} : memref<64xi32, #tpu.memory_space<vmem>>, vector<16xi32>,
    %add3A_492 = arith.constant 32 : i32
    %add3A_493 = arith.addi %add3A_401, %add3A_492 : i32
    %iota3A_494 = tpu.iota {dimensions = array<i32: 0>} : vector<16xi32>
    %add3A_495 = vector.broadcast %add3A_493 : i32 to vector<16xi32>
    %add3A_496 = arith.addi %add3A_495, %iota3A_494 : vector<16xi32>
    %get3A_497 = arith.constant 160 : index
    %get3A_498 = tpu.vector_load %arg7[%get3A_497] {strides = array<i32>} : memref<192xi32, #tpu.memory_space<vmem>>, vector<16xi32>,
    %get3A_499 = vector.shape_cast %get3A_498 : vector<16xi32> to vector<16xi32>
    %get3A_500 = arith.constant 160 : index
    %get3A_501 = tpu.vector_load %arg8[%get3A_500] {strides = array<i32>} : memref<192xi32, #tpu.memory_space<vmem>>, vector<16xi32>,
    %get3A_502 = vector.shape_cast %get3A_501 : vector<16xi32> to vector<16xi32>
    %ge3A_503 = vector.broadcast %mul3A_0 : i32 to vector<16xi32>
    %ge3A_504 = arith.cmpi sge, %get3A_502, %ge3A_503 : vector<16xi32>
    %add3A_505 = arith.constant 5000 : i32
    %add3A_506 = arith.addi %mul3A_0, %add3A_505 : i32
    %lt3A_507 = vector.broadcast %add3A_506 : i32 to vector<16xi32>
    %lt3A_508 = arith.cmpi slt, %get3A_502, %lt3A_507 : vector<16xi32>
    %and3A_509 = arith.andi %ge3A_504, %lt3A_508 : vector<16xi1>
    %ge3A_510 = vector.broadcast %min3A_406 : i32 to vector<16xi32>
    %ge3A_511 = arith.cmpi sge, %add3A_496, %ge3A_510 : vector<16xi32>
    %and3A_512 = arith.andi %and3A_509, %ge3A_511 : vector<16xi1>
    %lt3A_513 = vector.broadcast %min3A_411 : i32 to vector<16xi32>
    %lt3A_514 = arith.cmpi slt, %add3A_496, %lt3A_513 : vector<16xi32>
    %and3A_515 = arith.andi %and3A_512, %lt3A_514 : vector<16xi1>
    %jit3A_516 = arith.constant -1 : i32
    %broadcast_in_dim3A_517 = vector.broadcast %jit3A_516 : i32 to vector<16xi32>
    %select_n3A_518 = arith.select %and3A_515, %get3A_499, %broadcast_in_dim3A_517 : vector<16xi1>, vector<16xi32>
    %swap3A_519 = arith.constant 32 : index
    %swap3A_520 = tpu.vector_load %arg13[%swap3A_519] {strides = array<i32>} : memref<64xi32, #tpu.memory_space<vmem>>, vector<16xi32>,
    %swap3A_521 = vector.shape_cast %swap3A_520 : vector<16xi32> to vector<16xi32>
    %swap3A_522 = vector.shape_cast %select_n3A_518 : vector<16xi32> to vector<16xi32>
    tpu.vector_store %arg13[%swap3A_519], %swap3A_522 {strides = array<i32>} : memref<64xi32, #tpu.memory_space<vmem>>, vector<16xi32>,
    %sub3A_523 = vector.broadcast %mul3A_0 : i32 to vector<16xi32>
    %sub3A_524 = arith.subi %get3A_502, %sub3A_523 : vector<16xi32>
    %jit3A_525 = arith.constant 5000 : i32
    %broadcast_in_dim3A_526 = vector.broadcast %jit3A_525 : i32 to vector<16xi32>
    %select_n3A_527 = arith.select %and3A_515, %sub3A_524, %broadcast_in_dim3A_526 : vector<16xi1>, vector<16xi32>
    %swap3A_528 = arith.constant 32 : index
    %swap3A_529 = tpu.vector_load %arg16[%swap3A_528] {strides = array<i32>} : memref<64xi32, #tpu.memory_space<vmem>>, vector<16xi32>,
    %swap3A_530 = vector.shape_cast %swap3A_529 : vector<16xi32> to vector<16xi32>
    %swap3A_531 = vector.shape_cast %select_n3A_527 : vector<16xi32> to vector<16xi32>
    tpu.vector_store %arg16[%swap3A_528], %swap3A_531 {strides = array<i32>} : memref<64xi32, #tpu.memory_space<vmem>>, vector<16xi32>,
    %add3A_532 = arith.constant 48 : i32
    %add3A_533 = arith.addi %add3A_401, %add3A_532 : i32
    %iota3A_534 = tpu.iota {dimensions = array<i32: 0>} : vector<16xi32>
    %add3A_535 = vector.broadcast %add3A_533 : i32 to vector<16xi32>
    %add3A_536 = arith.addi %add3A_535, %iota3A_534 : vector<16xi32>
    %get3A_537 = arith.constant 176 : index
    %get3A_538 = tpu.vector_load %arg7[%get3A_537] {strides = array<i32>} : memref<192xi32, #tpu.memory_space<vmem>>, vector<16xi32>,
    %get3A_539 = vector.shape_cast %get3A_538 : vector<16xi32> to vector<16xi32>
    %get3A_540 = arith.constant 176 : index
    %get3A_541 = tpu.vector_load %arg8[%get3A_540] {strides = array<i32>} : memref<192xi32, #tpu.memory_space<vmem>>, vector<16xi32>,
    %get3A_542 = vector.shape_cast %get3A_541 : vector<16xi32> to vector<16xi32>
    %ge3A_543 = vector.broadcast %mul3A_0 : i32 to vector<16xi32>
    %ge3A_544 = arith.cmpi sge, %get3A_542, %ge3A_543 : vector<16xi32>
    %add3A_545 = arith.constant 5000 : i32
    %add3A_546 = arith.addi %mul3A_0, %add3A_545 : i32
    %lt3A_547 = vector.broadcast %add3A_546 : i32 to vector<16xi32>
    %lt3A_548 = arith.cmpi slt, %get3A_542, %lt3A_547 : vector<16xi32>
    %and3A_549 = arith.andi %ge3A_544, %lt3A_548 : vector<16xi1>
    %ge3A_550 = vector.broadcast %min3A_406 : i32 to vector<16xi32>
    %ge3A_551 = arith.cmpi sge, %add3A_536, %ge3A_550 : vector<16xi32>
    %and3A_552 = arith.andi %and3A_549, %ge3A_551 : vector<16xi1>
    %lt3A_553 = vector.broadcast %min3A_411 : i32 to vector<16xi32>
    %lt3A_554 = arith.cmpi slt, %add3A_536, %lt3A_553 : vector<16xi32>
    %and3A_555 = arith.andi %and3A_552, %lt3A_554 : vector<16xi1>
    %jit3A_556 = arith.constant -1 : i32
    %broadcast_in_dim3A_557 = vector.broadcast %jit3A_556 : i32 to vector<16xi32>
    %select_n3A_558 = arith.select %and3A_555, %get3A_539, %broadcast_in_dim3A_557 : vector<16xi1>, vector<16xi32>
    %swap3A_559 = arith.constant 48 : index
    %swap3A_560 = tpu.vector_load %arg13[%swap3A_559] {strides = array<i32>} : memref<64xi32, #tpu.memory_space<vmem>>, vector<16xi32>,
    %swap3A_561 = vector.shape_cast %swap3A_560 : vector<16xi32> to vector<16xi32>
    %swap3A_562 = vector.shape_cast %select_n3A_558 : vector<16xi32> to vector<16xi32>
    tpu.vector_store %arg13[%swap3A_559], %swap3A_562 {strides = array<i32>} : memref<64xi32, #tpu.memory_space<vmem>>, vector<16xi32>,
    %sub3A_563 = vector.broadcast %mul3A_0 : i32 to vector<16xi32>
    %sub3A_564 = arith.subi %get3A_542, %sub3A_563 : vector<16xi32>
    %jit3A_565 = arith.constant 5000 : i32
    %broadcast_in_dim3A_566 = vector.broadcast %jit3A_565 : i32 to vector<16xi32>
    %select_n3A_567 = arith.select %and3A_555, %sub3A_564, %broadcast_in_dim3A_566 : vector<16xi1>, vector<16xi32>
    %swap3A_568 = arith.constant 48 : index
    %swap3A_569 = tpu.vector_load %arg16[%swap3A_568] {strides = array<i32>} : memref<64xi32, #tpu.memory_space<vmem>>, vector<16xi32>,
    %swap3A_570 = vector.shape_cast %swap3A_569 : vector<16xi32> to vector<16xi32>
    %swap3A_571 = vector.shape_cast %select_n3A_567 : vector<16xi32> to vector<16xi32>
    tpu.vector_store %arg16[%swap3A_568], %swap3A_571 {strides = array<i32>} : memref<64xi32, #tpu.memory_space<vmem>>, vector<16xi32>,
    %dma_start3A_572 = arith.constant 0 : i32
    %dma_start3A_573 = arith.constant 0 : i32
    %dma_start3A_574 = tpu.memref_slice %arg4[%dma_start3A_572, %dma_start3A_573] : memref<10000x256xf32, #tpu.memory_space<hbm>> -> memref<10000x256xf32, #tpu.memory_space<hbm>>
    %dma_start3A_575 = arith.constant -1 : i32
    tpu.enqueue_indirect_dma source(%dma_start3A_574 : memref<10000x256xf32, #tpu.memory_space<hbm>>) target(%arg22 : memref<64x256xf32, #tpu.memory_space<vmem>>) offsets(%arg13 : memref<64xi32, #tpu.memory_space<vmem>>) offset_filter(%dma_start3A_575) semaphore(%arg28 : memref<!tpu.dma_semaphore, #tpu.memory_space<semaphore_mem>>)
    %scan3A_576 = arith.constant 0 : i32
    %scan3A_577 = arith.constant 0 : i32
    %scan3A_578 = arith.constant 27 : i32
    %scan3A_579 = arith.addi %scan3A_577, %scan3A_578 : i32
    %scan3A_580 = arith.constant 1 : i32
    %scan3A_581 = scf.for %scan3A_1221 = %scan3A_577 to %scan3A_579 step %scan3A_580 iter_args(%scan3A_1222 = %scan3A_576) -> (i32)  : i32 {
      %mul3A_1223 = arith.constant 2 : i32
      %mul3A_1224 = arith.muli %mul3A_1223, %scan3A_1221 : i32
      %add3A_1225 = arith.constant 0 : i32
      %add3A_1226 = arith.addi %mul3A_1224, %add3A_1225 : i32
      %add3A_1227 = arith.constant 1 : i32
      %add3A_1228 = arith.addi %add3A_1226, %add3A_1227 : i32
      %min3A_1229 = arith.constant 53 : i32
      %min3A_1230 = arith.minsi %add3A_1228, %min3A_1229 : i32
      %add3A_1231 = arith.constant 2 : i32
      %add3A_1232 = arith.addi %add3A_1226, %add3A_1231 : i32
      %min3A_1233 = arith.constant 53 : i32
      %min3A_1234 = arith.minsi %add3A_1232, %min3A_1233 : i32
      %mul3A_1235 = arith.constant 192 : i32
      %mul3A_1236 = arith.muli %min3A_1230, %mul3A_1235 : i32
      %add3A_1237 = arith.addi %mul3A_18, %mul3A_1236 : i32
      %min3A_1238 = arith.constant 159808 : i32
      %min3A_1239 = arith.minsi %add3A_1237, %min3A_1238 : i32
      %dma_wait3A_1240 = tpu.memref_slice %arg2[%min3A_1239] : memref<320000xi32, #tpu.memory_space<hbm>> -> memref<192xi32, #tpu.memory_space<hbm>>
      %dma_wait3A_1241 = tpu.memref_slice %arg2[%min3A_1239] : memref<320000xi32, #tpu.memory_space<hbm>> -> memref<192xi32, #tpu.memory_space<hbm>>
      tpu.wait_dma2 semaphore(%arg25 : memref<!tpu.dma_semaphore, #tpu.memory_space<semaphore_mem>>) src(%dma_wait3A_1241 : memref<192xi32, #tpu.memory_space<hbm>>) dst(%arg9 : memref<192xi32, #tpu.memory_space<vmem>>)
      %add3A_1242 = arith.constant 160000 : i32
      %add3A_1243 = arith.addi %add3A_1242, %min3A_1239 : i32
      %dma_wait3A_1244 = tpu.memref_slice %arg2[%add3A_1243] : memref<320000xi32, #tpu.memory_space<hbm>> -> memref<192xi32, #tpu.memory_space<hbm>>
      %dma_wait3A_1245 = tpu.memref_slice %arg2[%add3A_1243] : memref<320000xi32, #tpu.memory_space<hbm>> -> memref<192xi32, #tpu.memory_space<hbm>>
      tpu.wait_dma2 semaphore(%arg25 : memref<!tpu.dma_semaphore, #tpu.memory_space<semaphore_mem>>) src(%dma_wait3A_1245 : memref<192xi32, #tpu.memory_space<hbm>>) dst(%arg10 : memref<192xi32, #tpu.memory_space<vmem>>)
      %dma_wait3A_1246 = arith.constant 0 : i32
      %dma_wait3A_1247 = arith.constant 0 : i32
      %dma_wait3A_1248 = tpu.memref_slice %arg4[%dma_wait3A_1246, %dma_wait3A_1247] : memref<10000x256xf32, #tpu.memory_space<hbm>> -> memref<10000x256xf32, #tpu.memory_space<hbm>>
      tpu.wait_indirect_dma semaphore(%arg26 : memref<!tpu.dma_semaphore, #tpu.memory_space<semaphore_mem>>) src(%dma_wait3A_1248 : memref<10000x256xf32, #tpu.memory_space<hbm>>) dst(%arg20 : memref<64x256xf32, #tpu.memory_space<vmem>>)
      %dma_start3A_1249 = arith.constant 0 : i32
      %dma_start3A_1250 = arith.constant 0 : i32
      %dma_start3A_1251 = tpu.memref_slice %arg23[%dma_start3A_1249, %dma_start3A_1250] : memref<5008x256xf32, #tpu.memory_space<vmem_shared>> -> memref<5008x256xf32, #tpu.memory_space<vmem_shared>>
      %dma_start3A_1252 = arith.constant 5000 : i32
      tpu.enqueue_indirect_dma source(%arg20 : memref<64x256xf32, #tpu.memory_space<vmem>>) target(%dma_start3A_1251 : memref<5008x256xf32, #tpu.memory_space<vmem_shared>>) offsets(%arg14 : memref<64xi32, #tpu.memory_space<vmem>>) offset_filter(%dma_start3A_1252) semaphore(%arg29 : memref<!tpu.dma_semaphore, #tpu.memory_space<semaphore_mem>>) {add = true}
      %mul3A_1253 = arith.constant 192 : i32
      %mul3A_1254 = arith.muli %min3A_1230, %mul3A_1253 : i32
      %add3A_1255 = arith.addi %mul3A_18, %mul3A_1254 : i32
      %min3A_1256 = arith.constant 159808 : i32
      %min3A_1257 = arith.minsi %add3A_1255, %min3A_1256 : i32
      %add3A_1258 = arith.constant 0 : i32
      %add3A_1259 = arith.addi %min3A_1257, %add3A_1258 : i32
      %mul3A_1260 = arith.constant 192 : i32
      %mul3A_1261 = arith.muli %min3A_1230, %mul3A_1260 : i32
      %add3A_1262 = arith.addi %mul3A_18, %mul3A_1261 : i32
      %add3A_1263 = arith.constant 10000 : i32
      %add3A_1264 = arith.addi %mul3A_18, %add3A_1263 : i32
      %min3A_1265 = arith.minsi %add3A_1262, %add3A_1264 : i32
      %add3A_1266 = arith.constant 1 : i32
      %add3A_1267 = arith.addi %min3A_1230, %add3A_1266 : i32
      %mul3A_1268 = arith.constant 192 : i32
      %mul3A_1269 = arith.muli %add3A_1267, %mul3A_1268 : i32
      %add3A_1270 = arith.addi %mul3A_18, %mul3A_1269 : i32
      %add3A_1271 = arith.constant 10000 : i32
      %add3A_1272 = arith.addi %mul3A_18, %add3A_1271 : i32
      %min3A_1273 = arith.minsi %add3A_1270, %add3A_1272 : i32
      %add3A_1274 = arith.constant 0 : i32
      %add3A_1275 = arith.addi %add3A_1259, %add3A_1274 : i32
      %iota3A_1276 = tpu.iota {dimensions = array<i32: 0>} : vector<16xi32>
      %add3A_1277 = vector.broadcast %add3A_1275 : i32 to vector<16xi32>
      %add3A_1278 = arith.addi %add3A_1277, %iota3A_1276 : vector<16xi32>
      %get3A_1279 = arith.constant 0 : index
      %get3A_1280 = tpu.vector_load %arg9[%get3A_1279] {strides = array<i32>} : memref<192xi32, #tpu.memory_space<vmem>>, vector<16xi32>,
      %get3A_1281 = vector.shape_cast %get3A_1280 : vector<16xi32> to vector<16xi32>
      %get3A_1282 = arith.constant 0 : index
      %get3A_1283 = tpu.vector_load %arg10[%get3A_1282] {strides = array<i32>} : memref<192xi32, #tpu.memory_space<vmem>>, vector<16xi32>,
      %get3A_1284 = vector.shape_cast %get3A_1283 : vector<16xi32> to vector<16xi32>
      %ge3A_1285 = vector.broadcast %mul3A_0 : i32 to vector<16xi32>
      %ge3A_1286 = arith.cmpi sge, %get3A_1284, %ge3A_1285 : vector<16xi32>
      %add3A_1287 = arith.constant 5000 : i32
      %add3A_1288 = arith.addi %mul3A_0, %add3A_1287 : i32
      %lt3A_1289 = vector.broadcast %add3A_1288 : i32 to vector<16xi32>
      %lt3A_1290 = arith.cmpi slt, %get3A_1284, %lt3A_1289 : vector<16xi32>
      %and3A_1291 = arith.andi %ge3A_1286, %lt3A_1290 : vector<16xi1>
      %ge3A_1292 = vector.broadcast %min3A_1265 : i32 to vector<16xi32>
      %ge3A_1293 = arith.cmpi sge, %add3A_1278, %ge3A_1292 : vector<16xi32>
      %and3A_1294 = arith.andi %and3A_1291, %ge3A_1293 : vector<16xi1>
      %lt3A_1295 = vector.broadcast %min3A_1273 : i32 to vector<16xi32>
      %lt3A_1296 = arith.cmpi slt, %add3A_1278, %lt3A_1295 : vector<16xi32>
      %and3A_1297 = arith.andi %and3A_1294, %lt3A_1296 : vector<16xi1>
      %jit3A_1298 = arith.constant -1 : i32
      %broadcast_in_dim3A_1299 = vector.broadcast %jit3A_1298 : i32 to vector<16xi32>
      %select_n3A_1300 = arith.select %and3A_1297, %get3A_1281, %broadcast_in_dim3A_1299 : vector<16xi1>, vector<16xi32>
      %swap3A_1301 = arith.constant 0 : index
      %swap3A_1302 = tpu.vector_load %arg11[%swap3A_1301] {strides = array<i32>} : memref<64xi32, #tpu.memory_space<vmem>>, vector<16xi32>,
      %swap3A_1303 = vector.shape_cast %swap3A_1302 : vector<16xi32> to vector<16xi32>
      %swap3A_1304 = vector.shape_cast %select_n3A_1300 : vector<16xi32> to vector<16xi32>
      tpu.vector_store %arg11[%swap3A_1301], %swap3A_1304 {strides = array<i32>} : memref<64xi32, #tpu.memory_space<vmem>>, vector<16xi32>,
      %sub3A_1305 = vector.broadcast %mul3A_0 : i32 to vector<16xi32>
      %sub3A_1306 = arith.subi %get3A_1284, %sub3A_1305 : vector<16xi32>
      %jit3A_1307 = arith.constant 5000 : i32
      %broadcast_in_dim3A_1308 = vector.broadcast %jit3A_1307 : i32 to vector<16xi32>
      %select_n3A_1309 = arith.select %and3A_1297, %sub3A_1306, %broadcast_in_dim3A_1308 : vector<16xi1>, vector<16xi32>
      %swap3A_1310 = arith.constant 0 : index
      %swap3A_1311 = tpu.vector_load %arg17[%swap3A_1310] {strides = array<i32>} : memref<64xi32, #tpu.memory_space<vmem>>, vector<16xi32>,
      %swap3A_1312 = vector.shape_cast %swap3A_1311 : vector<16xi32> to vector<16xi32>
      %swap3A_1313 = vector.shape_cast %select_n3A_1309 : vector<16xi32> to vector<16xi32>
      tpu.vector_store %arg17[%swap3A_1310], %swap3A_1313 {strides = array<i32>} : memref<64xi32, #tpu.memory_space<vmem>>, vector<16xi32>,
      %add3A_1314 = arith.constant 16 : i32
      %add3A_1315 = arith.addi %add3A_1259, %add3A_1314 : i32
      %iota3A_1316 = tpu.iota {dimensions = array<i32: 0>} : vector<16xi32>
      %add3A_1317 = vector.broadcast %add3A_1315 : i32 to vector<16xi32>
      %add3A_1318 = arith.addi %add3A_1317, %iota3A_1316 : vector<16xi32>
      %get3A_1319 = arith.constant 16 : index
      %get3A_1320 = tpu.vector_load %arg9[%get3A_1319] {strides = array<i32>} : memref<192xi32, #tpu.memory_space<vmem>>, vector<16xi32>,
      %get3A_1321 = vector.shape_cast %get3A_1320 : vector<16xi32> to vector<16xi32>
      %get3A_1322 = arith.constant 16 : index
      %get3A_1323 = tpu.vector_load %arg10[%get3A_1322] {strides = array<i32>} : memref<192xi32, #tpu.memory_space<vmem>>, vector<16xi32>,
      %get3A_1324 = vector.shape_cast %get3A_1323 : vector<16xi32> to vector<16xi32>
      %ge3A_1325 = vector.broadcast %mul3A_0 : i32 to vector<16xi32>
      %ge3A_1326 = arith.cmpi sge, %get3A_1324, %ge3A_1325 : vector<16xi32>
      %add3A_1327 = arith.constant 5000 : i32
      %add3A_1328 = arith.addi %mul3A_0, %add3A_1327 : i32
      %lt3A_1329 = vector.broadcast %add3A_1328 : i32 to vector<16xi32>
      %lt3A_1330 = arith.cmpi slt, %get3A_1324, %lt3A_1329 : vector<16xi32>
      %and3A_1331 = arith.andi %ge3A_1326, %lt3A_1330 : vector<16xi1>
      %ge3A_1332 = vector.broadcast %min3A_1265 : i32 to vector<16xi32>
      %ge3A_1333 = arith.cmpi sge, %add3A_1318, %ge3A_1332 : vector<16xi32>
      %and3A_1334 = arith.andi %and3A_1331, %ge3A_1333 : vector<16xi1>
      %lt3A_1335 = vector.broadcast %min3A_1273 : i32 to vector<16xi32>
      %lt3A_1336 = arith.cmpi slt, %add3A_1318, %lt3A_1335 : vector<16xi32>
      %and3A_1337 = arith.andi %and3A_1334, %lt3A_1336 : vector<16xi1>
      %jit3A_1338 = arith.constant -1 : i32
      %broadcast_in_dim3A_1339 = vector.broadcast %jit3A_1338 : i32 to vector<16xi32>
      %select_n3A_1340 = arith.select %and3A_1337, %get3A_1321, %broadcast_in_dim3A_1339 : vector<16xi1>, vector<16xi32>
      %swap3A_1341 = arith.constant 16 : index
      %swap3A_1342 = tpu.vector_load %arg11[%swap3A_1341] {strides = array<i32>} : memref<64xi32, #tpu.memory_space<vmem>>, vector<16xi32>,
      %swap3A_1343 = vector.shape_cast %swap3A_1342 : vector<16xi32> to vector<16xi32>
      %swap3A_1344 = vector.shape_cast %select_n3A_1340 : vector<16xi32> to vector<16xi32>
      tpu.vector_store %arg11[%swap3A_1341], %swap3A_1344 {strides = array<i32>} : memref<64xi32, #tpu.memory_space<vmem>>, vector<16xi32>,
      %sub3A_1345 = vector.broadcast %mul3A_0 : i32 to vector<16xi32>
      %sub3A_1346 = arith.subi %get3A_1324, %sub3A_1345 : vector<16xi32>
      %jit3A_1347 = arith.constant 5000 : i32
      %broadcast_in_dim3A_1348 = vector.broadcast %jit3A_1347 : i32 to vector<16xi32>
      %select_n3A_1349 = arith.select %and3A_1337, %sub3A_1346, %broadcast_in_dim3A_1348 : vector<16xi1>, vector<16xi32>
      %swap3A_1350 = arith.constant 16 : index
      %swap3A_1351 = tpu.vector_load %arg17[%swap3A_1350] {strides = array<i32>} : memref<64xi32, #tpu.memory_space<vmem>>, vector<16xi32>,
      %swap3A_1352 = vector.shape_cast %swap3A_1351 : vector<16xi32> to vector<16xi32>
      %swap3A_1353 = vector.shape_cast %select_n3A_1349 : vector<16xi32> to vector<16xi32>
      tpu.vector_store %arg17[%swap3A_1350], %swap3A_1353 {strides = array<i32>} : memref<64xi32, #tpu.memory_space<vmem>>, vector<16xi32>,
      %add3A_1354 = arith.constant 32 : i32
      %add3A_1355 = arith.addi %add3A_1259, %add3A_1354 : i32
      %iota3A_1356 = tpu.iota {dimensions = array<i32: 0>} : vector<16xi32>
      %add3A_1357 = vector.broadcast %add3A_1355 : i32 to vector<16xi32>
      %add3A_1358 = arith.addi %add3A_1357, %iota3A_1356 : vector<16xi32>
      %get3A_1359 = arith.constant 32 : index
      %get3A_1360 = tpu.vector_load %arg9[%get3A_1359] {strides = array<i32>} : memref<192xi32, #tpu.memory_space<vmem>>, vector<16xi32>,
      %get3A_1361 = vector.shape_cast %get3A_1360 : vector<16xi32> to vector<16xi32>
      %get3A_1362 = arith.constant 32 : index
      %get3A_1363 = tpu.vector_load %arg10[%get3A_1362] {strides = array<i32>} : memref<192xi32, #tpu.memory_space<vmem>>, vector<16xi32>,
      %get3A_1364 = vector.shape_cast %get3A_1363 : vector<16xi32> to vector<16xi32>
      %ge3A_1365 = vector.broadcast %mul3A_0 : i32 to vector<16xi32>
      %ge3A_1366 = arith.cmpi sge, %get3A_1364, %ge3A_1365 : vector<16xi32>
      %add3A_1367 = arith.constant 5000 : i32
      %add3A_1368 = arith.addi %mul3A_0, %add3A_1367 : i32
      %lt3A_1369 = vector.broadcast %add3A_1368 : i32 to vector<16xi32>
      %lt3A_1370 = arith.cmpi slt, %get3A_1364, %lt3A_1369 : vector<16xi32>
      %and3A_1371 = arith.andi %ge3A_1366, %lt3A_1370 : vector<16xi1>
      %ge3A_1372 = vector.broadcast %min3A_1265 : i32 to vector<16xi32>
      %ge3A_1373 = arith.cmpi sge, %add3A_1358, %ge3A_1372 : vector<16xi32>
      %and3A_1374 = arith.andi %and3A_1371, %ge3A_1373 : vector<16xi1>
      %lt3A_1375 = vector.broadcast %min3A_1273 : i32 to vector<16xi32>
      %lt3A_1376 = arith.cmpi slt, %add3A_1358, %lt3A_1375 : vector<16xi32>
      %and3A_1377 = arith.andi %and3A_1374, %lt3A_1376 : vector<16xi1>
      %jit3A_1378 = arith.constant -1 : i32
      %broadcast_in_dim3A_1379 = vector.broadcast %jit3A_1378 : i32 to vector<16xi32>
      %select_n3A_1380 = arith.select %and3A_1377, %get3A_1361, %broadcast_in_dim3A_1379 : vector<16xi1>, vector<16xi32>
      %swap3A_1381 = arith.constant 32 : index
      %swap3A_1382 = tpu.vector_load %arg11[%swap3A_1381] {strides = array<i32>} : memref<64xi32, #tpu.memory_space<vmem>>, vector<16xi32>,
      %swap3A_1383 = vector.shape_cast %swap3A_1382 : vector<16xi32> to vector<16xi32>
      %swap3A_1384 = vector.shape_cast %select_n3A_1380 : vector<16xi32> to vector<16xi32>
      tpu.vector_store %arg11[%swap3A_1381], %swap3A_1384 {strides = array<i32>} : memref<64xi32, #tpu.memory_space<vmem>>, vector<16xi32>,
      %sub3A_1385 = vector.broadcast %mul3A_0 : i32 to vector<16xi32>
      %sub3A_1386 = arith.subi %get3A_1364, %sub3A_1385 : vector<16xi32>
      %jit3A_1387 = arith.constant 5000 : i32
      %broadcast_in_dim3A_1388 = vector.broadcast %jit3A_1387 : i32 to vector<16xi32>
      %select_n3A_1389 = arith.select %and3A_1377, %sub3A_1386, %broadcast_in_dim3A_1388 : vector<16xi1>, vector<16xi32>
      %swap3A_1390 = arith.constant 32 : index
      %swap3A_1391 = tpu.vector_load %arg17[%swap3A_1390] {strides = array<i32>} : memref<64xi32, #tpu.memory_space<vmem>>, vector<16xi32>,
      %swap3A_1392 = vector.shape_cast %swap3A_1391 : vector<16xi32> to vector<16xi32>
      %swap3A_1393 = vector.shape_cast %select_n3A_1389 : vector<16xi32> to vector<16xi32>
      tpu.vector_store %arg17[%swap3A_1390], %swap3A_1393 {strides = array<i32>} : memref<64xi32, #tpu.memory_space<vmem>>, vector<16xi32>,
      %add3A_1394 = arith.constant 48 : i32
      %add3A_1395 = arith.addi %add3A_1259, %add3A_1394 : i32
      %iota3A_1396 = tpu.iota {dimensions = array<i32: 0>} : vector<16xi32>
      %add3A_1397 = vector.broadcast %add3A_1395 : i32 to vector<16xi32>
      %add3A_1398 = arith.addi %add3A_1397, %iota3A_1396 : vector<16xi32>
      %get3A_1399 = arith.constant 48 : index
      %get3A_1400 = tpu.vector_load %arg9[%get3A_1399] {strides = array<i32>} : memref<192xi32, #tpu.memory_space<vmem>>, vector<16xi32>,
      %get3A_1401 = vector.shape_cast %get3A_1400 : vector<16xi32> to vector<16xi32>
      %get3A_1402 = arith.constant 48 : index
      %get3A_1403 = tpu.vector_load %arg10[%get3A_1402] {strides = array<i32>} : memref<192xi32, #tpu.memory_space<vmem>>, vector<16xi32>,
      %get3A_1404 = vector.shape_cast %get3A_1403 : vector<16xi32> to vector<16xi32>
      %ge3A_1405 = vector.broadcast %mul3A_0 : i32 to vector<16xi32>
      %ge3A_1406 = arith.cmpi sge, %get3A_1404, %ge3A_1405 : vector<16xi32>
      %add3A_1407 = arith.constant 5000 : i32
      %add3A_1408 = arith.addi %mul3A_0, %add3A_1407 : i32
      %lt3A_1409 = vector.broadcast %add3A_1408 : i32 to vector<16xi32>
      %lt3A_1410 = arith.cmpi slt, %get3A_1404, %lt3A_1409 : vector<16xi32>
      %and3A_1411 = arith.andi %ge3A_1406, %lt3A_1410 : vector<16xi1>
      %ge3A_1412 = vector.broadcast %min3A_1265 : i32 to vector<16xi32>
      %ge3A_1413 = arith.cmpi sge, %add3A_1398, %ge3A_1412 : vector<16xi32>
      %and3A_1414 = arith.andi %and3A_1411, %ge3A_1413 : vector<16xi1>
      %lt3A_1415 = vector.broadcast %min3A_1273 : i32 to vector<16xi32>
      %lt3A_1416 = arith.cmpi slt, %add3A_1398, %lt3A_1415 : vector<16xi32>
      %and3A_1417 = arith.andi %and3A_1414, %lt3A_1416 : vector<16xi1>
      %jit3A_1418 = arith.constant -1 : i32
      %broadcast_in_dim3A_1419 = vector.broadcast %jit3A_1418 : i32 to vector<16xi32>
      %select_n3A_1420 = arith.select %and3A_1417, %get3A_1401, %broadcast_in_dim3A_1419 : vector<16xi1>, vector<16xi32>
      %swap3A_1421 = arith.constant 48 : index
      %swap3A_1422 = tpu.vector_load %arg11[%swap3A_1421] {strides = array<i32>} : memref<64xi32, #tpu.memory_space<vmem>>, vector<16xi32>,
      %swap3A_1423 = vector.shape_cast %swap3A_1422 : vector<16xi32> to vector<16xi32>
      %swap3A_1424 = vector.shape_cast %select_n3A_1420 : vector<16xi32> to vector<16xi32>
      tpu.vector_store %arg11[%swap3A_1421], %swap3A_1424 {strides = array<i32>} : memref<64xi32, #tpu.memory_space<vmem>>, vector<16xi32>,
      %sub3A_1425 = vector.broadcast %mul3A_0 : i32 to vector<16xi32>
      %sub3A_1426 = arith.subi %get3A_1404, %sub3A_1425 : vector<16xi32>
      %jit3A_1427 = arith.constant 5000 : i32
      %broadcast_in_dim3A_1428 = vector.broadcast %jit3A_1427 : i32 to vector<16xi32>
      %select_n3A_1429 = arith.select %and3A_1417, %sub3A_1426, %broadcast_in_dim3A_1428 : vector<16xi1>, vector<16xi32>
      %swap3A_1430 = arith.constant 48 : index
      %swap3A_1431 = tpu.vector_load %arg17[%swap3A_1430] {strides = array<i32>} : memref<64xi32, #tpu.memory_space<vmem>>, vector<16xi32>,
      %swap3A_1432 = vector.shape_cast %swap3A_1431 : vector<16xi32> to vector<16xi32>
      %swap3A_1433 = vector.shape_cast %select_n3A_1429 : vector<16xi32> to vector<16xi32>
      tpu.vector_store %arg17[%swap3A_1430], %swap3A_1433 {strides = array<i32>} : memref<64xi32, #tpu.memory_space<vmem>>, vector<16xi32>,
      %dma_wait3A_1434 = arith.constant 0 : i32
      %dma_wait3A_1435 = arith.constant 0 : i32
      %dma_wait3A_1436 = tpu.memref_slice %arg4[%dma_wait3A_1434, %dma_wait3A_1435] : memref<10000x256xf32, #tpu.memory_space<hbm>> -> memref<10000x256xf32, #tpu.memory_space<hbm>>
      tpu.wait_indirect_dma semaphore(%arg27 : memref<!tpu.dma_semaphore, #tpu.memory_space<semaphore_mem>>) src(%dma_wait3A_1436 : memref<10000x256xf32, #tpu.memory_space<hbm>>) dst(%arg21 : memref<64x256xf32, #tpu.memory_space<vmem>>)
      %dma_start3A_1437 = arith.constant 0 : i32
      %dma_start3A_1438 = arith.constant 0 : i32
      %dma_start3A_1439 = tpu.memref_slice %arg23[%dma_start3A_1437, %dma_start3A_1438] : memref<5008x256xf32, #tpu.memory_space<vmem_shared>> -> memref<5008x256xf32, #tpu.memory_space<vmem_shared>>
      %dma_start3A_1440 = arith.constant 5000 : i32
      tpu.enqueue_indirect_dma source(%arg21 : memref<64x256xf32, #tpu.memory_space<vmem>>) target(%dma_start3A_1439 : memref<5008x256xf32, #tpu.memory_space<vmem_shared>>) offsets(%arg15 : memref<64xi32, #tpu.memory_space<vmem>>) offset_filter(%dma_start3A_1440) semaphore(%arg30 : memref<!tpu.dma_semaphore, #tpu.memory_space<semaphore_mem>>) {add = true}
      %mul3A_1441 = arith.constant 192 : i32
      %mul3A_1442 = arith.muli %min3A_1230, %mul3A_1441 : i32
      %add3A_1443 = arith.addi %mul3A_18, %mul3A_1442 : i32
      %min3A_1444 = arith.constant 159808 : i32
      %min3A_1445 = arith.minsi %add3A_1443, %min3A_1444 : i32
      %add3A_1446 = arith.constant 64 : i32
      %add3A_1447 = arith.addi %min3A_1445, %add3A_1446 : i32
      %mul3A_1448 = arith.constant 192 : i32
      %mul3A_1449 = arith.muli %min3A_1230, %mul3A_1448 : i32
      %add3A_1450 = arith.addi %mul3A_18, %mul3A_1449 : i32
      %add3A_1451 = arith.constant 10000 : i32
      %add3A_1452 = arith.addi %mul3A_18, %add3A_1451 : i32
      %min3A_1453 = arith.minsi %add3A_1450, %add3A_1452 : i32
      %add3A_1454 = arith.constant 1 : i32
      %add3A_1455 = arith.addi %min3A_1230, %add3A_1454 : i32
      %mul3A_1456 = arith.constant 192 : i32
      %mul3A_1457 = arith.muli %add3A_1455, %mul3A_1456 : i32
      %add3A_1458 = arith.addi %mul3A_18, %mul3A_1457 : i32
      %add3A_1459 = arith.constant 10000 : i32
      %add3A_1460 = arith.addi %mul3A_18, %add3A_1459 : i32
      %min3A_1461 = arith.minsi %add3A_1458, %add3A_1460 : i32
      %add3A_1462 = arith.constant 0 : i32
      %add3A_1463 = arith.addi %add3A_1447, %add3A_1462 : i32
      %iota3A_1464 = tpu.iota {dimensions = array<i32: 0>} : vector<16xi32>
      %add3A_1465 = vector.broadcast %add3A_1463 : i32 to vector<16xi32>
      %add3A_1466 = arith.addi %add3A_1465, %iota3A_1464 : vector<16xi32>
      %get3A_1467 = arith.constant 64 : index
      %get3A_1468 = tpu.vector_load %arg9[%get3A_1467] {strides = array<i32>} : memref<192xi32, #tpu.memory_space<vmem>>, vector<16xi32>,
      %get3A_1469 = vector.shape_cast %get3A_1468 : vector<16xi32> to vector<16xi32>
      %get3A_1470 = arith.constant 64 : index
      %get3A_1471 = tpu.vector_load %arg10[%get3A_1470] {strides = array<i32>} : memref<192xi32, #tpu.memory_space<vmem>>, vector<16xi32>,
      %get3A_1472 = vector.shape_cast %get3A_1471 : vector<16xi32> to vector<16xi32>
      %ge3A_1473 = vector.broadcast %mul3A_0 : i32 to vector<16xi32>
      %ge3A_1474 = arith.cmpi sge, %get3A_1472, %ge3A_1473 : vector<16xi32>
      %add3A_1475 = arith.constant 5000 : i32
      %add3A_1476 = arith.addi %mul3A_0, %add3A_1475 : i32
      %lt3A_1477 = vector.broadcast %add3A_1476 : i32 to vector<16xi32>
      %lt3A_1478 = arith.cmpi slt, %get3A_1472, %lt3A_1477 : vector<16xi32>
      %and3A_1479 = arith.andi %ge3A_1474, %lt3A_1478 : vector<16xi1>
      %ge3A_1480 = vector.broadcast %min3A_1453 : i32 to vector<16xi32>
      %ge3A_1481 = arith.cmpi sge, %add3A_1466, %ge3A_1480 : vector<16xi32>
      %and3A_1482 = arith.andi %and3A_1479, %ge3A_1481 : vector<16xi1>
      %lt3A_1483 = vector.broadcast %min3A_1461 : i32 to vector<16xi32>
      %lt3A_1484 = arith.cmpi slt, %add3A_1466, %lt3A_1483 : vector<16xi32>
      %and3A_1485 = arith.andi %and3A_1482, %lt3A_1484 : vector<16xi1>
      %jit3A_1486 = arith.constant -1 : i32
      %broadcast_in_dim3A_1487 = vector.broadcast %jit3A_1486 : i32 to vector<16xi32>
      %select_n3A_1488 = arith.select %and3A_1485, %get3A_1469, %broadcast_in_dim3A_1487 : vector<16xi1>, vector<16xi32>
      %swap3A_1489 = arith.constant 0 : index
      %swap3A_1490 = tpu.vector_load %arg12[%swap3A_1489] {strides = array<i32>} : memref<64xi32, #tpu.memory_space<vmem>>, vector<16xi32>,
      %swap3A_1491 = vector.shape_cast %swap3A_1490 : vector<16xi32> to vector<16xi32>
      %swap3A_1492 = vector.shape_cast %select_n3A_1488 : vector<16xi32> to vector<16xi32>
      tpu.vector_store %arg12[%swap3A_1489], %swap3A_1492 {strides = array<i32>} : memref<64xi32, #tpu.memory_space<vmem>>, vector<16xi32>,
      %sub3A_1493 = vector.broadcast %mul3A_0 : i32 to vector<16xi32>
      %sub3A_1494 = arith.subi %get3A_1472, %sub3A_1493 : vector<16xi32>
      %jit3A_1495 = arith.constant 5000 : i32
      %broadcast_in_dim3A_1496 = vector.broadcast %jit3A_1495 : i32 to vector<16xi32>
      %select_n3A_1497 = arith.select %and3A_1485, %sub3A_1494, %broadcast_in_dim3A_1496 : vector<16xi1>, vector<16xi32>
      %swap3A_1498 = arith.constant 0 : index
      %swap3A_1499 = tpu.vector_load %arg18[%swap3A_1498] {strides = array<i32>} : memref<64xi32, #tpu.memory_space<vmem>>, vector<16xi32>,
      %swap3A_1500 = vector.shape_cast %swap3A_1499 : vector<16xi32> to vector<16xi32>
      %swap3A_1501 = vector.shape_cast %select_n3A_1497 : vector<16xi32> to vector<16xi32>
      tpu.vector_store %arg18[%swap3A_1498], %swap3A_1501 {strides = array<i32>} : memref<64xi32, #tpu.memory_space<vmem>>, vector<16xi32>,
      %add3A_1502 = arith.constant 16 : i32
      %add3A_1503 = arith.addi %add3A_1447, %add3A_1502 : i32
      %iota3A_1504 = tpu.iota {dimensions = array<i32: 0>} : vector<16xi32>
      %add3A_1505 = vector.broadcast %add3A_1503 : i32 to vector<16xi32>
      %add3A_1506 = arith.addi %add3A_1505, %iota3A_1504 : vector<16xi32>
      %get3A_1507 = arith.constant 80 : index
      %get3A_1508 = tpu.vector_load %arg9[%get3A_1507] {strides = array<i32>} : memref<192xi32, #tpu.memory_space<vmem>>, vector<16xi32>,
      %get3A_1509 = vector.shape_cast %get3A_1508 : vector<16xi32> to vector<16xi32>
      %get3A_1510 = arith.constant 80 : index
      %get3A_1511 = tpu.vector_load %arg10[%get3A_1510] {strides = array<i32>} : memref<192xi32, #tpu.memory_space<vmem>>, vector<16xi32>,
      %get3A_1512 = vector.shape_cast %get3A_1511 : vector<16xi32> to vector<16xi32>
      %ge3A_1513 = vector.broadcast %mul3A_0 : i32 to vector<16xi32>
      %ge3A_1514 = arith.cmpi sge, %get3A_1512, %ge3A_1513 : vector<16xi32>
      %add3A_1515 = arith.constant 5000 : i32
      %add3A_1516 = arith.addi %mul3A_0, %add3A_1515 : i32
      %lt3A_1517 = vector.broadcast %add3A_1516 : i32 to vector<16xi32>
      %lt3A_1518 = arith.cmpi slt, %get3A_1512, %lt3A_1517 : vector<16xi32>
      %and3A_1519 = arith.andi %ge3A_1514, %lt3A_1518 : vector<16xi1>
      %ge3A_1520 = vector.broadcast %min3A_1453 : i32 to vector<16xi32>
      %ge3A_1521 = arith.cmpi sge, %add3A_1506, %ge3A_1520 : vector<16xi32>
      %and3A_1522 = arith.andi %and3A_1519, %ge3A_1521 : vector<16xi1>
      %lt3A_1523 = vector.broadcast %min3A_1461 : i32 to vector<16xi32>
      %lt3A_1524 = arith.cmpi slt, %add3A_1506, %lt3A_1523 : vector<16xi32>
      %and3A_1525 = arith.andi %and3A_1522, %lt3A_1524 : vector<16xi1>
      %jit3A_1526 = arith.constant -1 : i32
      %broadcast_in_dim3A_1527 = vector.broadcast %jit3A_1526 : i32 to vector<16xi32>
      %select_n3A_1528 = arith.select %and3A_1525, %get3A_1509, %broadcast_in_dim3A_1527 : vector<16xi1>, vector<16xi32>
      %swap3A_1529 = arith.constant 16 : index
      %swap3A_1530 = tpu.vector_load %arg12[%swap3A_1529] {strides = array<i32>} : memref<64xi32, #tpu.memory_space<vmem>>, vector<16xi32>,
      %swap3A_1531 = vector.shape_cast %swap3A_1530 : vector<16xi32> to vector<16xi32>
      %swap3A_1532 = vector.shape_cast %select_n3A_1528 : vector<16xi32> to vector<16xi32>
      tpu.vector_store %arg12[%swap3A_1529], %swap3A_1532 {strides = array<i32>} : memref<64xi32, #tpu.memory_space<vmem>>, vector<16xi32>,
      %sub3A_1533 = vector.broadcast %mul3A_0 : i32 to vector<16xi32>
      %sub3A_1534 = arith.subi %get3A_1512, %sub3A_1533 : vector<16xi32>
      %jit3A_1535 = arith.constant 5000 : i32
      %broadcast_in_dim3A_1536 = vector.broadcast %jit3A_1535 : i32 to vector<16xi32>
      %select_n3A_1537 = arith.select %and3A_1525, %sub3A_1534, %broadcast_in_dim3A_1536 : vector<16xi1>, vector<16xi32>
      %swap3A_1538 = arith.constant 16 : index
      %swap3A_1539 = tpu.vector_load %arg18[%swap3A_1538] {strides = array<i32>} : memref<64xi32, #tpu.memory_space<vmem>>, vector<16xi32>,
      %swap3A_1540 = vector.shape_cast %swap3A_1539 : vector<16xi32> to vector<16xi32>
      %swap3A_1541 = vector.shape_cast %select_n3A_1537 : vector<16xi32> to vector<16xi32>
      tpu.vector_store %arg18[%swap3A_1538], %swap3A_1541 {strides = array<i32>} : memref<64xi32, #tpu.memory_space<vmem>>, vector<16xi32>,
      %add3A_1542 = arith.constant 32 : i32
      %add3A_1543 = arith.addi %add3A_1447, %add3A_1542 : i32
      %iota3A_1544 = tpu.iota {dimensions = array<i32: 0>} : vector<16xi32>
      %add3A_1545 = vector.broadcast %add3A_1543 : i32 to vector<16xi32>
      %add3A_1546 = arith.addi %add3A_1545, %iota3A_1544 : vector<16xi32>
      %get3A_1547 = arith.constant 96 : index
      %get3A_1548 = tpu.vector_load %arg9[%get3A_1547] {strides = array<i32>} : memref<192xi32, #tpu.memory_space<vmem>>, vector<16xi32>,
      %get3A_1549 = vector.shape_cast %get3A_1548 : vector<16xi32> to vector<16xi32>
      %get3A_1550 = arith.constant 96 : index
      %get3A_1551 = tpu.vector_load %arg10[%get3A_1550] {strides = array<i32>} : memref<192xi32, #tpu.memory_space<vmem>>, vector<16xi32>,
      %get3A_1552 = vector.shape_cast %get3A_1551 : vector<16xi32> to vector<16xi32>
      %ge3A_1553 = vector.broadcast %mul3A_0 : i32 to vector<16xi32>
      %ge3A_1554 = arith.cmpi sge, %get3A_1552, %ge3A_1553 : vector<16xi32>
      %add3A_1555 = arith.constant 5000 : i32
      %add3A_1556 = arith.addi %mul3A_0, %add3A_1555 : i32
      %lt3A_1557 = vector.broadcast %add3A_1556 : i32 to vector<16xi32>
      %lt3A_1558 = arith.cmpi slt, %get3A_1552, %lt3A_1557 : vector<16xi32>
      %and3A_1559 = arith.andi %ge3A_1554, %lt3A_1558 : vector<16xi1>
      %ge3A_1560 = vector.broadcast %min3A_1453 : i32 to vector<16xi32>
      %ge3A_1561 = arith.cmpi sge, %add3A_1546, %ge3A_1560 : vector<16xi32>
      %and3A_1562 = arith.andi %and3A_1559, %ge3A_1561 : vector<16xi1>
      %lt3A_1563 = vector.broadcast %min3A_1461 : i32 to vector<16xi32>
      %lt3A_1564 = arith.cmpi slt, %add3A_1546, %lt3A_1563 : vector<16xi32>
      %and3A_1565 = arith.andi %and3A_1562, %lt3A_1564 : vector<16xi1>
      %jit3A_1566 = arith.constant -1 : i32
      %broadcast_in_dim3A_1567 = vector.broadcast %jit3A_1566 : i32 to vector<16xi32>
      %select_n3A_1568 = arith.select %and3A_1565, %get3A_1549, %broadcast_in_dim3A_1567 : vector<16xi1>, vector<16xi32>
      %swap3A_1569 = arith.constant 32 : index
      %swap3A_1570 = tpu.vector_load %arg12[%swap3A_1569] {strides = array<i32>} : memref<64xi32, #tpu.memory_space<vmem>>, vector<16xi32>,
      %swap3A_1571 = vector.shape_cast %swap3A_1570 : vector<16xi32> to vector<16xi32>
      %swap3A_1572 = vector.shape_cast %select_n3A_1568 : vector<16xi32> to vector<16xi32>
      tpu.vector_store %arg12[%swap3A_1569], %swap3A_1572 {strides = array<i32>} : memref<64xi32, #tpu.memory_space<vmem>>, vector<16xi32>,
      %sub3A_1573 = vector.broadcast %mul3A_0 : i32 to vector<16xi32>
      %sub3A_1574 = arith.subi %get3A_1552, %sub3A_1573 : vector<16xi32>
      %jit3A_1575 = arith.constant 5000 : i32
      %broadcast_in_dim3A_1576 = vector.broadcast %jit3A_1575 : i32 to vector<16xi32>
      %select_n3A_1577 = arith.select %and3A_1565, %sub3A_1574, %broadcast_in_dim3A_1576 : vector<16xi1>, vector<16xi32>
      %swap3A_1578 = arith.constant 32 : index
      %swap3A_1579 = tpu.vector_load %arg18[%swap3A_1578] {strides = array<i32>} : memref<64xi32, #tpu.memory_space<vmem>>, vector<16xi32>,
      %swap3A_1580 = vector.shape_cast %swap3A_1579 : vector<16xi32> to vector<16xi32>
      %swap3A_1581 = vector.shape_cast %select_n3A_1577 : vector<16xi32> to vector<16xi32>
      tpu.vector_store %arg18[%swap3A_1578], %swap3A_1581 {strides = array<i32>} : memref<64xi32, #tpu.memory_space<vmem>>, vector<16xi32>,
      %add3A_1582 = arith.constant 48 : i32
      %add3A_1583 = arith.addi %add3A_1447, %add3A_1582 : i32
      %iota3A_1584 = tpu.iota {dimensions = array<i32: 0>} : vector<16xi32>
      %add3A_1585 = vector.broadcast %add3A_1583 : i32 to vector<16xi32>
      %add3A_1586 = arith.addi %add3A_1585, %iota3A_1584 : vector<16xi32>
      %get3A_1587 = arith.constant 112 : index
      %get3A_1588 = tpu.vector_load %arg9[%get3A_1587] {strides = array<i32>} : memref<192xi32, #tpu.memory_space<vmem>>, vector<16xi32>,
      %get3A_1589 = vector.shape_cast %get3A_1588 : vector<16xi32> to vector<16xi32>
      %get3A_1590 = arith.constant 112 : index
      %get3A_1591 = tpu.vector_load %arg10[%get3A_1590] {strides = array<i32>} : memref<192xi32, #tpu.memory_space<vmem>>, vector<16xi32>,
      %get3A_1592 = vector.shape_cast %get3A_1591 : vector<16xi32> to vector<16xi32>
      %ge3A_1593 = vector.broadcast %mul3A_0 : i32 to vector<16xi32>
      %ge3A_1594 = arith.cmpi sge, %get3A_1592, %ge3A_1593 : vector<16xi32>
      %add3A_1595 = arith.constant 5000 : i32
      %add3A_1596 = arith.addi %mul3A_0, %add3A_1595 : i32
      %lt3A_1597 = vector.broadcast %add3A_1596 : i32 to vector<16xi32>
      %lt3A_1598 = arith.cmpi slt, %get3A_1592, %lt3A_1597 : vector<16xi32>
      %and3A_1599 = arith.andi %ge3A_1594, %lt3A_1598 : vector<16xi1>
      %ge3A_1600 = vector.broadcast %min3A_1453 : i32 to vector<16xi32>
      %ge3A_1601 = arith.cmpi sge, %add3A_1586, %ge3A_1600 : vector<16xi32>
      %and3A_1602 = arith.andi %and3A_1599, %ge3A_1601 : vector<16xi1>
      %lt3A_1603 = vector.broadcast %min3A_1461 : i32 to vector<16xi32>
      %lt3A_1604 = arith.cmpi slt, %add3A_1586, %lt3A_1603 : vector<16xi32>
      %and3A_1605 = arith.andi %and3A_1602, %lt3A_1604 : vector<16xi1>
      %jit3A_1606 = arith.constant -1 : i32
      %broadcast_in_dim3A_1607 = vector.broadcast %jit3A_1606 : i32 to vector<16xi32>
      %select_n3A_1608 = arith.select %and3A_1605, %get3A_1589, %broadcast_in_dim3A_1607 : vector<16xi1>, vector<16xi32>
      %swap3A_1609 = arith.constant 48 : index
      %swap3A_1610 = tpu.vector_load %arg12[%swap3A_1609] {strides = array<i32>} : memref<64xi32, #tpu.memory_space<vmem>>, vector<16xi32>,
      %swap3A_1611 = vector.shape_cast %swap3A_1610 : vector<16xi32> to vector<16xi32>
      %swap3A_1612 = vector.shape_cast %select_n3A_1608 : vector<16xi32> to vector<16xi32>
      tpu.vector_store %arg12[%swap3A_1609], %swap3A_1612 {strides = array<i32>} : memref<64xi32, #tpu.memory_space<vmem>>, vector<16xi32>,
      %sub3A_1613 = vector.broadcast %mul3A_0 : i32 to vector<16xi32>
      %sub3A_1614 = arith.subi %get3A_1592, %sub3A_1613 : vector<16xi32>
      %jit3A_1615 = arith.constant 5000 : i32
      %broadcast_in_dim3A_1616 = vector.broadcast %jit3A_1615 : i32 to vector<16xi32>
      %select_n3A_1617 = arith.select %and3A_1605, %sub3A_1614, %broadcast_in_dim3A_1616 : vector<16xi1>, vector<16xi32>
      %swap3A_1618 = arith.constant 48 : index
      %swap3A_1619 = tpu.vector_load %arg18[%swap3A_1618] {strides = array<i32>} : memref<64xi32, #tpu.memory_space<vmem>>, vector<16xi32>,
      %swap3A_1620 = vector.shape_cast %swap3A_1619 : vector<16xi32> to vector<16xi32>
      %swap3A_1621 = vector.shape_cast %select_n3A_1617 : vector<16xi32> to vector<16xi32>
      tpu.vector_store %arg18[%swap3A_1618], %swap3A_1621 {strides = array<i32>} : memref<64xi32, #tpu.memory_space<vmem>>, vector<16xi32>,
      %dma_wait3A_1622 = arith.constant 0 : i32
      %dma_wait3A_1623 = arith.constant 0 : i32
      %dma_wait3A_1624 = tpu.memref_slice %arg4[%dma_wait3A_1622, %dma_wait3A_1623] : memref<10000x256xf32, #tpu.memory_space<hbm>> -> memref<10000x256xf32, #tpu.memory_space<hbm>>
      tpu.wait_indirect_dma semaphore(%arg28 : memref<!tpu.dma_semaphore, #tpu.memory_space<semaphore_mem>>) src(%dma_wait3A_1624 : memref<10000x256xf32, #tpu.memory_space<hbm>>) dst(%arg22 : memref<64x256xf32, #tpu.memory_space<vmem>>)
      %dma_start3A_1625 = arith.constant 0 : i32
      %dma_start3A_1626 = arith.constant 0 : i32
      %dma_start3A_1627 = tpu.memref_slice %arg23[%dma_start3A_1625, %dma_start3A_1626] : memref<5008x256xf32, #tpu.memory_space<vmem_shared>> -> memref<5008x256xf32, #tpu.memory_space<vmem_shared>>
      %dma_start3A_1628 = arith.constant 5000 : i32
      tpu.enqueue_indirect_dma source(%arg22 : memref<64x256xf32, #tpu.memory_space<vmem>>) target(%dma_start3A_1627 : memref<5008x256xf32, #tpu.memory_space<vmem_shared>>) offsets(%arg16 : memref<64xi32, #tpu.memory_space<vmem>>) offset_filter(%dma_start3A_1628) semaphore(%arg31 : memref<!tpu.dma_semaphore, #tpu.memory_space<semaphore_mem>>) {add = true}
      %mul3A_1629 = arith.constant 192 : i32
      %mul3A_1630 = arith.muli %min3A_1230, %mul3A_1629 : i32
      %add3A_1631 = arith.addi %mul3A_18, %mul3A_1630 : i32
      %min3A_1632 = arith.constant 159808 : i32
      %min3A_1633 = arith.minsi %add3A_1631, %min3A_1632 : i32
      %add3A_1634 = arith.constant 128 : i32
      %add3A_1635 = arith.addi %min3A_1633, %add3A_1634 : i32
      %mul3A_1636 = arith.constant 192 : i32
      %mul3A_1637 = arith.muli %min3A_1230, %mul3A_1636 : i32
      %add3A_1638 = arith.addi %mul3A_18, %mul3A_1637 : i32
      %add3A_1639 = arith.constant 10000 : i32
      %add3A_1640 = arith.addi %mul3A_18, %add3A_1639 : i32
      %min3A_1641 = arith.minsi %add3A_1638, %add3A_1640 : i32
      %add3A_1642 = arith.constant 1 : i32
      %add3A_1643 = arith.addi %min3A_1230, %add3A_1642 : i32
      %mul3A_1644 = arith.constant 192 : i32
      %mul3A_1645 = arith.muli %add3A_1643, %mul3A_1644 : i32
      %add3A_1646 = arith.addi %mul3A_18, %mul3A_1645 : i32
      %add3A_1647 = arith.constant 10000 : i32
      %add3A_1648 = arith.addi %mul3A_18, %add3A_1647 : i32
      %min3A_1649 = arith.minsi %add3A_1646, %add3A_1648 : i32
      %add3A_1650 = arith.constant 0 : i32
      %add3A_1651 = arith.addi %add3A_1635, %add3A_1650 : i32
      %iota3A_1652 = tpu.iota {dimensions = array<i32: 0>} : vector<16xi32>
      %add3A_1653 = vector.broadcast %add3A_1651 : i32 to vector<16xi32>
      %add3A_1654 = arith.addi %add3A_1653, %iota3A_1652 : vector<16xi32>
      %get3A_1655 = arith.constant 128 : index
      %get3A_1656 = tpu.vector_load %arg9[%get3A_1655] {strides = array<i32>} : memref<192xi32, #tpu.memory_space<vmem>>, vector<16xi32>,
      %get3A_1657 = vector.shape_cast %get3A_1656 : vector<16xi32> to vector<16xi32>
      %get3A_1658 = arith.constant 128 : index
      %get3A_1659 = tpu.vector_load %arg10[%get3A_1658] {strides = array<i32>} : memref<192xi32, #tpu.memory_space<vmem>>, vector<16xi32>,
      %get3A_1660 = vector.shape_cast %get3A_1659 : vector<16xi32> to vector<16xi32>
      %ge3A_1661 = vector.broadcast %mul3A_0 : i32 to vector<16xi32>
      %ge3A_1662 = arith.cmpi sge, %get3A_1660, %ge3A_1661 : vector<16xi32>
      %add3A_1663 = arith.constant 5000 : i32
      %add3A_1664 = arith.addi %mul3A_0, %add3A_1663 : i32
      %lt3A_1665 = vector.broadcast %add3A_1664 : i32 to vector<16xi32>
      %lt3A_1666 = arith.cmpi slt, %get3A_1660, %lt3A_1665 : vector<16xi32>
      %and3A_1667 = arith.andi %ge3A_1662, %lt3A_1666 : vector<16xi1>
      %ge3A_1668 = vector.broadcast %min3A_1641 : i32 to vector<16xi32>
      %ge3A_1669 = arith.cmpi sge, %add3A_1654, %ge3A_1668 : vector<16xi32>
      %and3A_1670 = arith.andi %and3A_1667, %ge3A_1669 : vector<16xi1>
      %lt3A_1671 = vector.broadcast %min3A_1649 : i32 to vector<16xi32>
      %lt3A_1672 = arith.cmpi slt, %add3A_1654, %lt3A_1671 : vector<16xi32>
      %and3A_1673 = arith.andi %and3A_1670, %lt3A_1672 : vector<16xi1>
      %jit3A_1674 = arith.constant -1 : i32
      %broadcast_in_dim3A_1675 = vector.broadcast %jit3A_1674 : i32 to vector<16xi32>
      %select_n3A_1676 = arith.select %and3A_1673, %get3A_1657, %broadcast_in_dim3A_1675 : vector<16xi1>, vector<16xi32>
      %swap3A_1677 = arith.constant 0 : index
      %swap3A_1678 = tpu.vector_load %arg13[%swap3A_1677] {strides = array<i32>} : memref<64xi32, #tpu.memory_space<vmem>>, vector<16xi32>,
      %swap3A_1679 = vector.shape_cast %swap3A_1678 : vector<16xi32> to vector<16xi32>
      %swap3A_1680 = vector.shape_cast %select_n3A_1676 : vector<16xi32> to vector<16xi32>
      tpu.vector_store %arg13[%swap3A_1677], %swap3A_1680 {strides = array<i32>} : memref<64xi32, #tpu.memory_space<vmem>>, vector<16xi32>,
      %sub3A_1681 = vector.broadcast %mul3A_0 : i32 to vector<16xi32>
      %sub3A_1682 = arith.subi %get3A_1660, %sub3A_1681 : vector<16xi32>
      %jit3A_1683 = arith.constant 5000 : i32
      %broadcast_in_dim3A_1684 = vector.broadcast %jit3A_1683 : i32 to vector<16xi32>
      %select_n3A_1685 = arith.select %and3A_1673, %sub3A_1682, %broadcast_in_dim3A_1684 : vector<16xi1>, vector<16xi32>
      %swap3A_1686 = arith.constant 0 : index
      %swap3A_1687 = tpu.vector_load %arg19[%swap3A_1686] {strides = array<i32>} : memref<64xi32, #tpu.memory_space<vmem>>, vector<16xi32>,
      %swap3A_1688 = vector.shape_cast %swap3A_1687 : vector<16xi32> to vector<16xi32>
      %swap3A_1689 = vector.shape_cast %select_n3A_1685 : vector<16xi32> to vector<16xi32>
      tpu.vector_store %arg19[%swap3A_1686], %swap3A_1689 {strides = array<i32>} : memref<64xi32, #tpu.memory_space<vmem>>, vector<16xi32>,
      %add3A_1690 = arith.constant 16 : i32
      %add3A_1691 = arith.addi %add3A_1635, %add3A_1690 : i32
      %iota3A_1692 = tpu.iota {dimensions = array<i32: 0>} : vector<16xi32>
      %add3A_1693 = vector.broadcast %add3A_1691 : i32 to vector<16xi32>
      %add3A_1694 = arith.addi %add3A_1693, %iota3A_1692 : vector<16xi32>
      %get3A_1695 = arith.constant 144 : index
      %get3A_1696 = tpu.vector_load %arg9[%get3A_1695] {strides = array<i32>} : memref<192xi32, #tpu.memory_space<vmem>>, vector<16xi32>,
      %get3A_1697 = vector.shape_cast %get3A_1696 : vector<16xi32> to vector<16xi32>
      %get3A_1698 = arith.constant 144 : index
      %get3A_1699 = tpu.vector_load %arg10[%get3A_1698] {strides = array<i32>} : memref<192xi32, #tpu.memory_space<vmem>>, vector<16xi32>,
      %get3A_1700 = vector.shape_cast %get3A_1699 : vector<16xi32> to vector<16xi32>
      %ge3A_1701 = vector.broadcast %mul3A_0 : i32 to vector<16xi32>
      %ge3A_1702 = arith.cmpi sge, %get3A_1700, %ge3A_1701 : vector<16xi32>
      %add3A_1703 = arith.constant 5000 : i32
      %add3A_1704 = arith.addi %mul3A_0, %add3A_1703 : i32
      %lt3A_1705 = vector.broadcast %add3A_1704 : i32 to vector<16xi32>
      %lt3A_1706 = arith.cmpi slt, %get3A_1700, %lt3A_1705 : vector<16xi32>
      %and3A_1707 = arith.andi %ge3A_1702, %lt3A_1706 : vector<16xi1>
      %ge3A_1708 = vector.broadcast %min3A_1641 : i32 to vector<16xi32>
      %ge3A_1709 = arith.cmpi sge, %add3A_1694, %ge3A_1708 : vector<16xi32>
      %and3A_1710 = arith.andi %and3A_1707, %ge3A_1709 : vector<16xi1>
      %lt3A_1711 = vector.broadcast %min3A_1649 : i32 to vector<16xi32>
      %lt3A_1712 = arith.cmpi slt, %add3A_1694, %lt3A_1711 : vector<16xi32>
      %and3A_1713 = arith.andi %and3A_1710, %lt3A_1712 : vector<16xi1>
      %jit3A_1714 = arith.constant -1 : i32
      %broadcast_in_dim3A_1715 = vector.broadcast %jit3A_1714 : i32 to vector<16xi32>
      %select_n3A_1716 = arith.select %and3A_1713, %get3A_1697, %broadcast_in_dim3A_1715 : vector<16xi1>, vector<16xi32>
      %swap3A_1717 = arith.constant 16 : index
      %swap3A_1718 = tpu.vector_load %arg13[%swap3A_1717] {strides = array<i32>} : memref<64xi32, #tpu.memory_space<vmem>>, vector<16xi32>,
      %swap3A_1719 = vector.shape_cast %swap3A_1718 : vector<16xi32> to vector<16xi32>
      %swap3A_1720 = vector.shape_cast %select_n3A_1716 : vector<16xi32> to vector<16xi32>
      tpu.vector_store %arg13[%swap3A_1717], %swap3A_1720 {strides = array<i32>} : memref<64xi32, #tpu.memory_space<vmem>>, vector<16xi32>,
      %sub3A_1721 = vector.broadcast %mul3A_0 : i32 to vector<16xi32>
      %sub3A_1722 = arith.subi %get3A_1700, %sub3A_1721 : vector<16xi32>
      %jit3A_1723 = arith.constant 5000 : i32
      %broadcast_in_dim3A_1724 = vector.broadcast %jit3A_1723 : i32 to vector<16xi32>
      %select_n3A_1725 = arith.select %and3A_1713, %sub3A_1722, %broadcast_in_dim3A_1724 : vector<16xi1>, vector<16xi32>
      %swap3A_1726 = arith.constant 16 : index
      %swap3A_1727 = tpu.vector_load %arg19[%swap3A_1726] {strides = array<i32>} : memref<64xi32, #tpu.memory_space<vmem>>, vector<16xi32>,
      %swap3A_1728 = vector.shape_cast %swap3A_1727 : vector<16xi32> to vector<16xi32>
      %swap3A_1729 = vector.shape_cast %select_n3A_1725 : vector<16xi32> to vector<16xi32>
      tpu.vector_store %arg19[%swap3A_1726], %swap3A_1729 {strides = array<i32>} : memref<64xi32, #tpu.memory_space<vmem>>, vector<16xi32>,
      %add3A_1730 = arith.constant 32 : i32
      %add3A_1731 = arith.addi %add3A_1635, %add3A_1730 : i32
      %iota3A_1732 = tpu.iota {dimensions = array<i32: 0>} : vector<16xi32>
      %add3A_1733 = vector.broadcast %add3A_1731 : i32 to vector<16xi32>
      %add3A_1734 = arith.addi %add3A_1733, %iota3A_1732 : vector<16xi32>
      %get3A_1735 = arith.constant 160 : index
      %get3A_1736 = tpu.vector_load %arg9[%get3A_1735] {strides = array<i32>} : memref<192xi32, #tpu.memory_space<vmem>>, vector<16xi32>,
      %get3A_1737 = vector.shape_cast %get3A_1736 : vector<16xi32> to vector<16xi32>
      %get3A_1738 = arith.constant 160 : index
      %get3A_1739 = tpu.vector_load %arg10[%get3A_1738] {strides = array<i32>} : memref<192xi32, #tpu.memory_space<vmem>>, vector<16xi32>,
      %get3A_1740 = vector.shape_cast %get3A_1739 : vector<16xi32> to vector<16xi32>
      %ge3A_1741 = vector.broadcast %mul3A_0 : i32 to vector<16xi32>
      %ge3A_1742 = arith.cmpi sge, %get3A_1740, %ge3A_1741 : vector<16xi32>
      %add3A_1743 = arith.constant 5000 : i32
      %add3A_1744 = arith.addi %mul3A_0, %add3A_1743 : i32
      %lt3A_1745 = vector.broadcast %add3A_1744 : i32 to vector<16xi32>
      %lt3A_1746 = arith.cmpi slt, %get3A_1740, %lt3A_1745 : vector<16xi32>
      %and3A_1747 = arith.andi %ge3A_1742, %lt3A_1746 : vector<16xi1>
      %ge3A_1748 = vector.broadcast %min3A_1641 : i32 to vector<16xi32>
      %ge3A_1749 = arith.cmpi sge, %add3A_1734, %ge3A_1748 : vector<16xi32>
      %and3A_1750 = arith.andi %and3A_1747, %ge3A_1749 : vector<16xi1>
      %lt3A_1751 = vector.broadcast %min3A_1649 : i32 to vector<16xi32>
      %lt3A_1752 = arith.cmpi slt, %add3A_1734, %lt3A_1751 : vector<16xi32>
      %and3A_1753 = arith.andi %and3A_1750, %lt3A_1752 : vector<16xi1>
      %jit3A_1754 = arith.constant -1 : i32
      %broadcast_in_dim3A_1755 = vector.broadcast %jit3A_1754 : i32 to vector<16xi32>
      %select_n3A_1756 = arith.select %and3A_1753, %get3A_1737, %broadcast_in_dim3A_1755 : vector<16xi1>, vector<16xi32>
      %swap3A_1757 = arith.constant 32 : index
      %swap3A_1758 = tpu.vector_load %arg13[%swap3A_1757] {strides = array<i32>} : memref<64xi32, #tpu.memory_space<vmem>>, vector<16xi32>,
      %swap3A_1759 = vector.shape_cast %swap3A_1758 : vector<16xi32> to vector<16xi32>
      %swap3A_1760 = vector.shape_cast %select_n3A_1756 : vector<16xi32> to vector<16xi32>
      tpu.vector_store %arg13[%swap3A_1757], %swap3A_1760 {strides = array<i32>} : memref<64xi32, #tpu.memory_space<vmem>>, vector<16xi32>,
      %sub3A_1761 = vector.broadcast %mul3A_0 : i32 to vector<16xi32>
      %sub3A_1762 = arith.subi %get3A_1740, %sub3A_1761 : vector<16xi32>
      %jit3A_1763 = arith.constant 5000 : i32
      %broadcast_in_dim3A_1764 = vector.broadcast %jit3A_1763 : i32 to vector<16xi32>
      %select_n3A_1765 = arith.select %and3A_1753, %sub3A_1762, %broadcast_in_dim3A_1764 : vector<16xi1>, vector<16xi32>
      %swap3A_1766 = arith.constant 32 : index
      %swap3A_1767 = tpu.vector_load %arg19[%swap3A_1766] {strides = array<i32>} : memref<64xi32, #tpu.memory_space<vmem>>, vector<16xi32>,
      %swap3A_1768 = vector.shape_cast %swap3A_1767 : vector<16xi32> to vector<16xi32>
      %swap3A_1769 = vector.shape_cast %select_n3A_1765 : vector<16xi32> to vector<16xi32>
      tpu.vector_store %arg19[%swap3A_1766], %swap3A_1769 {strides = array<i32>} : memref<64xi32, #tpu.memory_space<vmem>>, vector<16xi32>,
      %add3A_1770 = arith.constant 48 : i32
      %add3A_1771 = arith.addi %add3A_1635, %add3A_1770 : i32
      %iota3A_1772 = tpu.iota {dimensions = array<i32: 0>} : vector<16xi32>
      %add3A_1773 = vector.broadcast %add3A_1771 : i32 to vector<16xi32>
      %add3A_1774 = arith.addi %add3A_1773, %iota3A_1772 : vector<16xi32>
      %get3A_1775 = arith.constant 176 : index
      %get3A_1776 = tpu.vector_load %arg9[%get3A_1775] {strides = array<i32>} : memref<192xi32, #tpu.memory_space<vmem>>, vector<16xi32>,
      %get3A_1777 = vector.shape_cast %get3A_1776 : vector<16xi32> to vector<16xi32>
      %get3A_1778 = arith.constant 176 : index
      %get3A_1779 = tpu.vector_load %arg10[%get3A_1778] {strides = array<i32>} : memref<192xi32, #tpu.memory_space<vmem>>, vector<16xi32>,
      %get3A_1780 = vector.shape_cast %get3A_1779 : vector<16xi32> to vector<16xi32>
      %ge3A_1781 = vector.broadcast %mul3A_0 : i32 to vector<16xi32>
      %ge3A_1782 = arith.cmpi sge, %get3A_1780, %ge3A_1781 : vector<16xi32>
      %add3A_1783 = arith.constant 5000 : i32
      %add3A_1784 = arith.addi %mul3A_0, %add3A_1783 : i32
      %lt3A_1785 = vector.broadcast %add3A_1784 : i32 to vector<16xi32>
      %lt3A_1786 = arith.cmpi slt, %get3A_1780, %lt3A_1785 : vector<16xi32>
      %and3A_1787 = arith.andi %ge3A_1782, %lt3A_1786 : vector<16xi1>
      %ge3A_1788 = vector.broadcast %min3A_1641 : i32 to vector<16xi32>
      %ge3A_1789 = arith.cmpi sge, %add3A_1774, %ge3A_1788 : vector<16xi32>
      %and3A_1790 = arith.andi %and3A_1787, %ge3A_1789 : vector<16xi1>
      %lt3A_1791 = vector.broadcast %min3A_1649 : i32 to vector<16xi32>
      %lt3A_1792 = arith.cmpi slt, %add3A_1774, %lt3A_1791 : vector<16xi32>
      %and3A_1793 = arith.andi %and3A_1790, %lt3A_1792 : vector<16xi1>
      %jit3A_1794 = arith.constant -1 : i32
      %broadcast_in_dim3A_1795 = vector.broadcast %jit3A_1794 : i32 to vector<16xi32>
      %select_n3A_1796 = arith.select %and3A_1793, %get3A_1777, %broadcast_in_dim3A_1795 : vector<16xi1>, vector<16xi32>
      %swap3A_1797 = arith.constant 48 : index
      %swap3A_1798 = tpu.vector_load %arg13[%swap3A_1797] {strides = array<i32>} : memref<64xi32, #tpu.memory_space<vmem>>, vector<16xi32>,
      %swap3A_1799 = vector.shape_cast %swap3A_1798 : vector<16xi32> to vector<16xi32>
      %swap3A_1800 = vector.shape_cast %select_n3A_1796 : vector<16xi32> to vector<16xi32>
      tpu.vector_store %arg13[%swap3A_1797], %swap3A_1800 {strides = array<i32>} : memref<64xi32, #tpu.memory_space<vmem>>, vector<16xi32>,
      %sub3A_1801 = vector.broadcast %mul3A_0 : i32 to vector<16xi32>
      %sub3A_1802 = arith.subi %get3A_1780, %sub3A_1801 : vector<16xi32>
      %jit3A_1803 = arith.constant 5000 : i32
      %broadcast_in_dim3A_1804 = vector.broadcast %jit3A_1803 : i32 to vector<16xi32>
      %select_n3A_1805 = arith.select %and3A_1793, %sub3A_1802, %broadcast_in_dim3A_1804 : vector<16xi1>, vector<16xi32>
      %swap3A_1806 = arith.constant 48 : index
      %swap3A_1807 = tpu.vector_load %arg19[%swap3A_1806] {strides = array<i32>} : memref<64xi32, #tpu.memory_space<vmem>>, vector<16xi32>,
      %swap3A_1808 = vector.shape_cast %swap3A_1807 : vector<16xi32> to vector<16xi32>
      %swap3A_1809 = vector.shape_cast %select_n3A_1805 : vector<16xi32> to vector<16xi32>
      tpu.vector_store %arg19[%swap3A_1806], %swap3A_1809 {strides = array<i32>} : memref<64xi32, #tpu.memory_space<vmem>>, vector<16xi32>,
      %mul3A_1810 = arith.constant 192 : i32
      %mul3A_1811 = arith.muli %min3A_1234, %mul3A_1810 : i32
      %add3A_1812 = arith.addi %mul3A_18, %mul3A_1811 : i32
      %min3A_1813 = arith.constant 159808 : i32
      %min3A_1814 = arith.minsi %add3A_1812, %min3A_1813 : i32
      %dma_start3A_1815 = tpu.memref_slice %arg2[%min3A_1814] : memref<320000xi32, #tpu.memory_space<hbm>> -> memref<192xi32, #tpu.memory_space<hbm>>
      %dma_start3A_1816 = tpu.memref_slice %arg2[%min3A_1814] : memref<320000xi32, #tpu.memory_space<hbm>> -> memref<192xi32, #tpu.memory_space<hbm>>
      tpu.enqueue_dma source(%dma_start3A_1816 : memref<192xi32, #tpu.memory_space<hbm>>) target(%arg7 : memref<192xi32, #tpu.memory_space<vmem>>) target_semaphore(%arg24 : memref<!tpu.dma_semaphore, #tpu.memory_space<semaphore_mem>>)
      %add3A_1817 = arith.constant 160000 : i32
      %add3A_1818 = arith.addi %add3A_1817, %min3A_1814 : i32
      %dma_start3A_1819 = tpu.memref_slice %arg2[%add3A_1818] : memref<320000xi32, #tpu.memory_space<hbm>> -> memref<192xi32, #tpu.memory_space<hbm>>
      %dma_start3A_1820 = tpu.memref_slice %arg2[%add3A_1818] : memref<320000xi32, #tpu.memory_space<hbm>> -> memref<192xi32, #tpu.memory_space<hbm>>
      tpu.enqueue_dma source(%dma_start3A_1820 : memref<192xi32, #tpu.memory_space<hbm>>) target(%arg8 : memref<192xi32, #tpu.memory_space<vmem>>) target_semaphore(%arg24 : memref<!tpu.dma_semaphore, #tpu.memory_space<semaphore_mem>>)
      %dma_wait3A_1821 = arith.constant 0 : i32
      %dma_wait3A_1822 = arith.constant 0 : i32
      %dma_wait3A_1823 = tpu.memref_slice %arg23[%dma_wait3A_1821, %dma_wait3A_1822] : memref<5008x256xf32, #tpu.memory_space<vmem_shared>> -> memref<5008x256xf32, #tpu.memory_space<vmem_shared>>
      tpu.wait_indirect_dma semaphore(%arg29 : memref<!tpu.dma_semaphore, #tpu.memory_space<semaphore_mem>>) src(%arg20 : memref<64x256xf32, #tpu.memory_space<vmem>>) dst(%dma_wait3A_1823 : memref<5008x256xf32, #tpu.memory_space<vmem_shared>>)
      %dma_start3A_1824 = arith.constant 0 : i32
      %dma_start3A_1825 = arith.constant 0 : i32
      %dma_start3A_1826 = tpu.memref_slice %arg4[%dma_start3A_1824, %dma_start3A_1825] : memref<10000x256xf32, #tpu.memory_space<hbm>> -> memref<10000x256xf32, #tpu.memory_space<hbm>>
      %dma_start3A_1827 = arith.constant -1 : i32
      tpu.enqueue_indirect_dma source(%dma_start3A_1826 : memref<10000x256xf32, #tpu.memory_space<hbm>>) target(%arg20 : memref<64x256xf32, #tpu.memory_space<vmem>>) offsets(%arg11 : memref<64xi32, #tpu.memory_space<vmem>>) offset_filter(%dma_start3A_1827) semaphore(%arg26 : memref<!tpu.dma_semaphore, #tpu.memory_space<semaphore_mem>>)
      %dma_wait3A_1828 = arith.constant 0 : i32
      %dma_wait3A_1829 = arith.constant 0 : i32
      %dma_wait3A_1830 = tpu.memref_slice %arg23[%dma_wait3A_1828, %dma_wait3A_1829] : memref<5008x256xf32, #tpu.memory_space<vmem_shared>> -> memref<5008x256xf32, #tpu.memory_space<vmem_shared>>
      tpu.wait_indirect_dma semaphore(%arg30 : memref<!tpu.dma_semaphore, #tpu.memory_space<semaphore_mem>>) src(%arg21 : memref<64x256xf32, #tpu.memory_space<vmem>>) dst(%dma_wait3A_1830 : memref<5008x256xf32, #tpu.memory_space<vmem_shared>>)
      %dma_start3A_1831 = arith.constant 0 : i32
      %dma_start3A_1832 = arith.constant 0 : i32
      %dma_start3A_1833 = tpu.memref_slice %arg4[%dma_start3A_1831, %dma_start3A_1832] : memref<10000x256xf32, #tpu.memory_space<hbm>> -> memref<10000x256xf32, #tpu.memory_space<hbm>>
      %dma_start3A_1834 = arith.constant -1 : i32
      tpu.enqueue_indirect_dma source(%dma_start3A_1833 : memref<10000x256xf32, #tpu.memory_space<hbm>>) target(%arg21 : memref<64x256xf32, #tpu.memory_space<vmem>>) offsets(%arg12 : memref<64xi32, #tpu.memory_space<vmem>>) offset_filter(%dma_start3A_1834) semaphore(%arg27 : memref<!tpu.dma_semaphore, #tpu.memory_space<semaphore_mem>>)
      %dma_wait3A_1835 = arith.constant 0 : i32
      %dma_wait3A_1836 = arith.constant 0 : i32
      %dma_wait3A_1837 = tpu.memref_slice %arg23[%dma_wait3A_1835, %dma_wait3A_1836] : memref<5008x256xf32, #tpu.memory_space<vmem_shared>> -> memref<5008x256xf32, #tpu.memory_space<vmem_shared>>
      tpu.wait_indirect_dma semaphore(%arg31 : memref<!tpu.dma_semaphore, #tpu.memory_space<semaphore_mem>>) src(%arg22 : memref<64x256xf32, #tpu.memory_space<vmem>>) dst(%dma_wait3A_1837 : memref<5008x256xf32, #tpu.memory_space<vmem_shared>>)
      %dma_start3A_1838 = arith.constant 0 : i32
      %dma_start3A_1839 = arith.constant 0 : i32
      %dma_start3A_1840 = tpu.memref_slice %arg4[%dma_start3A_1838, %dma_start3A_1839] : memref<10000x256xf32, #tpu.memory_space<hbm>> -> memref<10000x256xf32, #tpu.memory_space<hbm>>
      %dma_start3A_1841 = arith.constant -1 : i32
      tpu.enqueue_indirect_dma source(%dma_start3A_1840 : memref<10000x256xf32, #tpu.memory_space<hbm>>) target(%arg22 : memref<64x256xf32, #tpu.memory_space<vmem>>) offsets(%arg13 : memref<64xi32, #tpu.memory_space<vmem>>) offset_filter(%dma_start3A_1841) semaphore(%arg28 : memref<!tpu.dma_semaphore, #tpu.memory_space<semaphore_mem>>)
      %mul3A_1842 = arith.constant 2 : i32
      %mul3A_1843 = arith.muli %mul3A_1842, %scan3A_1221 : i32
      %add3A_1844 = arith.constant 1 : i32
      %add3A_1845 = arith.addi %mul3A_1843, %add3A_1844 : i32
      %add3A_1846 = arith.constant 1 : i32
      %add3A_1847 = arith.addi %add3A_1845, %add3A_1846 : i32
      %min3A_1848 = arith.constant 53 : i32
      %min3A_1849 = arith.minsi %add3A_1847, %min3A_1848 : i32
      %add3A_1850 = arith.constant 2 : i32
      %add3A_1851 = arith.addi %add3A_1845, %add3A_1850 : i32
      %min3A_1852 = arith.constant 53 : i32
      %min3A_1853 = arith.minsi %add3A_1851, %min3A_1852 : i32
      %mul3A_1854 = arith.constant 192 : i32
      %mul3A_1855 = arith.muli %min3A_1849, %mul3A_1854 : i32
      %add3A_1856 = arith.addi %mul3A_18, %mul3A_1855 : i32
      %min3A_1857 = arith.constant 159808 : i32
      %min3A_1858 = arith.minsi %add3A_1856, %min3A_1857 : i32
      %dma_wait3A_1859 = tpu.memref_slice %arg2[%min3A_1858] : memref<320000xi32, #tpu.memory_space<hbm>> -> memref<192xi32, #tpu.memory_space<hbm>>
      %dma_wait3A_1860 = tpu.memref_slice %arg2[%min3A_1858] : memref<320000xi32, #tpu.memory_space<hbm>> -> memref<192xi32, #tpu.memory_space<hbm>>
      tpu.wait_dma2 semaphore(%arg24 : memref<!tpu.dma_semaphore, #tpu.memory_space<semaphore_mem>>) src(%dma_wait3A_1860 : memref<192xi32, #tpu.memory_space<hbm>>) dst(%arg7 : memref<192xi32, #tpu.memory_space<vmem>>)
      %add3A_1861 = arith.constant 160000 : i32
      %add3A_1862 = arith.addi %add3A_1861, %min3A_1858 : i32
      %dma_wait3A_1863 = tpu.memref_slice %arg2[%add3A_1862] : memref<320000xi32, #tpu.memory_space<hbm>> -> memref<192xi32, #tpu.memory_space<hbm>>
      %dma_wait3A_1864 = tpu.memref_slice %arg2[%add3A_1862] : memref<320000xi32, #tpu.memory_space<hbm>> -> memref<192xi32, #tpu.memory_space<hbm>>
      tpu.wait_dma2 semaphore(%arg24 : memref<!tpu.dma_semaphore, #tpu.memory_space<semaphore_mem>>) src(%dma_wait3A_1864 : memref<192xi32, #tpu.memory_space<hbm>>) dst(%arg8 : memref<192xi32, #tpu.memory_space<vmem>>)
      %dma_wait3A_1865 = arith.constant 0 : i32
      %dma_wait3A_1866 = arith.constant 0 : i32
      %dma_wait3A_1867 = tpu.memref_slice %arg4[%dma_wait3A_1865, %dma_wait3A_1866] : memref<10000x256xf32, #tpu.memory_space<hbm>> -> memref<10000x256xf32, #tpu.memory_space<hbm>>
      tpu.wait_indirect_dma semaphore(%arg26 : memref<!tpu.dma_semaphore, #tpu.memory_space<semaphore_mem>>) src(%dma_wait3A_1867 : memref<10000x256xf32, #tpu.memory_space<hbm>>) dst(%arg20 : memref<64x256xf32, #tpu.memory_space<vmem>>)
      %dma_start3A_1868 = arith.constant 0 : i32
      %dma_start3A_1869 = arith.constant 0 : i32
      %dma_start3A_1870 = tpu.memref_slice %arg23[%dma_start3A_1868, %dma_start3A_1869] : memref<5008x256xf32, #tpu.memory_space<vmem_shared>> -> memref<5008x256xf32, #tpu.memory_space<vmem_shared>>
      %dma_start3A_1871 = arith.constant 5000 : i32
      tpu.enqueue_indirect_dma source(%arg20 : memref<64x256xf32, #tpu.memory_space<vmem>>) target(%dma_start3A_1870 : memref<5008x256xf32, #tpu.memory_space<vmem_shared>>) offsets(%arg17 : memref<64xi32, #tpu.memory_space<vmem>>) offset_filter(%dma_start3A_1871) semaphore(%arg29 : memref<!tpu.dma_semaphore, #tpu.memory_space<semaphore_mem>>) {add = true}
      %mul3A_1872 = arith.constant 192 : i32
      %mul3A_1873 = arith.muli %min3A_1849, %mul3A_1872 : i32
      %add3A_1874 = arith.addi %mul3A_18, %mul3A_1873 : i32
      %min3A_1875 = arith.constant 159808 : i32
      %min3A_1876 = arith.minsi %add3A_1874, %min3A_1875 : i32
      %add3A_1877 = arith.constant 0 : i32
      %add3A_1878 = arith.addi %min3A_1876, %add3A_1877 : i32
      %mul3A_1879 = arith.constant 192 : i32
      %mul3A_1880 = arith.muli %min3A_1849, %mul3A_1879 : i32
      %add3A_1881 = arith.addi %mul3A_18, %mul3A_1880 : i32
      %add3A_1882 = arith.constant 10000 : i32
      %add3A_1883 = arith.addi %mul3A_18, %add3A_1882 : i32
      %min3A_1884 = arith.minsi %add3A_1881, %add3A_1883 : i32
      %add3A_1885 = arith.constant 1 : i32
      %add3A_1886 = arith.addi %min3A_1849, %add3A_1885 : i32
      %mul3A_1887 = arith.constant 192 : i32
      %mul3A_1888 = arith.muli %add3A_1886, %mul3A_1887 : i32
      %add3A_1889 = arith.addi %mul3A_18, %mul3A_1888 : i32
      %add3A_1890 = arith.constant 10000 : i32
      %add3A_1891 = arith.addi %mul3A_18, %add3A_1890 : i32
      %min3A_1892 = arith.minsi %add3A_1889, %add3A_1891 : i32
      %add3A_1893 = arith.constant 0 : i32
      %add3A_1894 = arith.addi %add3A_1878, %add3A_1893 : i32
      %iota3A_1895 = tpu.iota {dimensions = array<i32: 0>} : vector<16xi32>
      %add3A_1896 = vector.broadcast %add3A_1894 : i32 to vector<16xi32>
      %add3A_1897 = arith.addi %add3A_1896, %iota3A_1895 : vector<16xi32>
      %get3A_1898 = arith.constant 0 : index
      %get3A_1899 = tpu.vector_load %arg7[%get3A_1898] {strides = array<i32>} : memref<192xi32, #tpu.memory_space<vmem>>, vector<16xi32>,
      %get3A_1900 = vector.shape_cast %get3A_1899 : vector<16xi32> to vector<16xi32>
      %get3A_1901 = arith.constant 0 : index
      %get3A_1902 = tpu.vector_load %arg8[%get3A_1901] {strides = array<i32>} : memref<192xi32, #tpu.memory_space<vmem>>, vector<16xi32>,
      %get3A_1903 = vector.shape_cast %get3A_1902 : vector<16xi32> to vector<16xi32>
      %ge3A_1904 = vector.broadcast %mul3A_0 : i32 to vector<16xi32>
      %ge3A_1905 = arith.cmpi sge, %get3A_1903, %ge3A_1904 : vector<16xi32>
      %add3A_1906 = arith.constant 5000 : i32
      %add3A_1907 = arith.addi %mul3A_0, %add3A_1906 : i32
      %lt3A_1908 = vector.broadcast %add3A_1907 : i32 to vector<16xi32>
      %lt3A_1909 = arith.cmpi slt, %get3A_1903, %lt3A_1908 : vector<16xi32>
      %and3A_1910 = arith.andi %ge3A_1905, %lt3A_1909 : vector<16xi1>
      %ge3A_1911 = vector.broadcast %min3A_1884 : i32 to vector<16xi32>
      %ge3A_1912 = arith.cmpi sge, %add3A_1897, %ge3A_1911 : vector<16xi32>
      %and3A_1913 = arith.andi %and3A_1910, %ge3A_1912 : vector<16xi1>
      %lt3A_1914 = vector.broadcast %min3A_1892 : i32 to vector<16xi32>
      %lt3A_1915 = arith.cmpi slt, %add3A_1897, %lt3A_1914 : vector<16xi32>
      %and3A_1916 = arith.andi %and3A_1913, %lt3A_1915 : vector<16xi1>
      %jit3A_1917 = arith.constant -1 : i32
      %broadcast_in_dim3A_1918 = vector.broadcast %jit3A_1917 : i32 to vector<16xi32>
      %select_n3A_1919 = arith.select %and3A_1916, %get3A_1900, %broadcast_in_dim3A_1918 : vector<16xi1>, vector<16xi32>
      %swap3A_1920 = arith.constant 0 : index
      %swap3A_1921 = tpu.vector_load %arg11[%swap3A_1920] {strides = array<i32>} : memref<64xi32, #tpu.memory_space<vmem>>, vector<16xi32>,
      %swap3A_1922 = vector.shape_cast %swap3A_1921 : vector<16xi32> to vector<16xi32>
      %swap3A_1923 = vector.shape_cast %select_n3A_1919 : vector<16xi32> to vector<16xi32>
      tpu.vector_store %arg11[%swap3A_1920], %swap3A_1923 {strides = array<i32>} : memref<64xi32, #tpu.memory_space<vmem>>, vector<16xi32>,
      %sub3A_1924 = vector.broadcast %mul3A_0 : i32 to vector<16xi32>
      %sub3A_1925 = arith.subi %get3A_1903, %sub3A_1924 : vector<16xi32>
      %jit3A_1926 = arith.constant 5000 : i32
      %broadcast_in_dim3A_1927 = vector.broadcast %jit3A_1926 : i32 to vector<16xi32>
      %select_n3A_1928 = arith.select %and3A_1916, %sub3A_1925, %broadcast_in_dim3A_1927 : vector<16xi1>, vector<16xi32>
      %swap3A_1929 = arith.constant 0 : index
      %swap3A_1930 = tpu.vector_load %arg14[%swap3A_1929] {strides = array<i32>} : memref<64xi32, #tpu.memory_space<vmem>>, vector<16xi32>,
      %swap3A_1931 = vector.shape_cast %swap3A_1930 : vector<16xi32> to vector<16xi32>
      %swap3A_1932 = vector.shape_cast %select_n3A_1928 : vector<16xi32> to vector<16xi32>
      tpu.vector_store %arg14[%swap3A_1929], %swap3A_1932 {strides = array<i32>} : memref<64xi32, #tpu.memory_space<vmem>>, vector<16xi32>,
      %add3A_1933 = arith.constant 16 : i32
      %add3A_1934 = arith.addi %add3A_1878, %add3A_1933 : i32
      %iota3A_1935 = tpu.iota {dimensions = array<i32: 0>} : vector<16xi32>
      %add3A_1936 = vector.broadcast %add3A_1934 : i32 to vector<16xi32>
      %add3A_1937 = arith.addi %add3A_1936, %iota3A_1935 : vector<16xi32>
      %get3A_1938 = arith.constant 16 : index
      %get3A_1939 = tpu.vector_load %arg7[%get3A_1938] {strides = array<i32>} : memref<192xi32, #tpu.memory_space<vmem>>, vector<16xi32>,
      %get3A_1940 = vector.shape_cast %get3A_1939 : vector<16xi32> to vector<16xi32>
      %get3A_1941 = arith.constant 16 : index
      %get3A_1942 = tpu.vector_load %arg8[%get3A_1941] {strides = array<i32>} : memref<192xi32, #tpu.memory_space<vmem>>, vector<16xi32>,
      %get3A_1943 = vector.shape_cast %get3A_1942 : vector<16xi32> to vector<16xi32>
      %ge3A_1944 = vector.broadcast %mul3A_0 : i32 to vector<16xi32>
      %ge3A_1945 = arith.cmpi sge, %get3A_1943, %ge3A_1944 : vector<16xi32>
      %add3A_1946 = arith.constant 5000 : i32
      %add3A_1947 = arith.addi %mul3A_0, %add3A_1946 : i32
      %lt3A_1948 = vector.broadcast %add3A_1947 : i32 to vector<16xi32>
      %lt3A_1949 = arith.cmpi slt, %get3A_1943, %lt3A_1948 : vector<16xi32>
      %and3A_1950 = arith.andi %ge3A_1945, %lt3A_1949 : vector<16xi1>
      %ge3A_1951 = vector.broadcast %min3A_1884 : i32 to vector<16xi32>
      %ge3A_1952 = arith.cmpi sge, %add3A_1937, %ge3A_1951 : vector<16xi32>
      %and3A_1953 = arith.andi %and3A_1950, %ge3A_1952 : vector<16xi1>
      %lt3A_1954 = vector.broadcast %min3A_1892 : i32 to vector<16xi32>
      %lt3A_1955 = arith.cmpi slt, %add3A_1937, %lt3A_1954 : vector<16xi32>
      %and3A_1956 = arith.andi %and3A_1953, %lt3A_1955 : vector<16xi1>
      %jit3A_1957 = arith.constant -1 : i32
      %broadcast_in_dim3A_1958 = vector.broadcast %jit3A_1957 : i32 to vector<16xi32>
      %select_n3A_1959 = arith.select %and3A_1956, %get3A_1940, %broadcast_in_dim3A_1958 : vector<16xi1>, vector<16xi32>
      %swap3A_1960 = arith.constant 16 : index
      %swap3A_1961 = tpu.vector_load %arg11[%swap3A_1960] {strides = array<i32>} : memref<64xi32, #tpu.memory_space<vmem>>, vector<16xi32>,
      %swap3A_1962 = vector.shape_cast %swap3A_1961 : vector<16xi32> to vector<16xi32>
      %swap3A_1963 = vector.shape_cast %select_n3A_1959 : vector<16xi32> to vector<16xi32>
      tpu.vector_store %arg11[%swap3A_1960], %swap3A_1963 {strides = array<i32>} : memref<64xi32, #tpu.memory_space<vmem>>, vector<16xi32>,
      %sub3A_1964 = vector.broadcast %mul3A_0 : i32 to vector<16xi32>
      %sub3A_1965 = arith.subi %get3A_1943, %sub3A_1964 : vector<16xi32>
      %jit3A_1966 = arith.constant 5000 : i32
      %broadcast_in_dim3A_1967 = vector.broadcast %jit3A_1966 : i32 to vector<16xi32>
      %select_n3A_1968 = arith.select %and3A_1956, %sub3A_1965, %broadcast_in_dim3A_1967 : vector<16xi1>, vector<16xi32>
      %swap3A_1969 = arith.constant 16 : index
      %swap3A_1970 = tpu.vector_load %arg14[%swap3A_1969] {strides = array<i32>} : memref<64xi32, #tpu.memory_space<vmem>>, vector<16xi32>,
      %swap3A_1971 = vector.shape_cast %swap3A_1970 : vector<16xi32> to vector<16xi32>
      %swap3A_1972 = vector.shape_cast %select_n3A_1968 : vector<16xi32> to vector<16xi32>
      tpu.vector_store %arg14[%swap3A_1969], %swap3A_1972 {strides = array<i32>} : memref<64xi32, #tpu.memory_space<vmem>>, vector<16xi32>,
      %add3A_1973 = arith.constant 32 : i32
      %add3A_1974 = arith.addi %add3A_1878, %add3A_1973 : i32
      %iota3A_1975 = tpu.iota {dimensions = array<i32: 0>} : vector<16xi32>
      %add3A_1976 = vector.broadcast %add3A_1974 : i32 to vector<16xi32>
      %add3A_1977 = arith.addi %add3A_1976, %iota3A_1975 : vector<16xi32>
      %get3A_1978 = arith.constant 32 : index
      %get3A_1979 = tpu.vector_load %arg7[%get3A_1978] {strides = array<i32>} : memref<192xi32, #tpu.memory_space<vmem>>, vector<16xi32>,
      %get3A_1980 = vector.shape_cast %get3A_1979 : vector<16xi32> to vector<16xi32>
      %get3A_1981 = arith.constant 32 : index
      %get3A_1982 = tpu.vector_load %arg8[%get3A_1981] {strides = array<i32>} : memref<192xi32, #tpu.memory_space<vmem>>, vector<16xi32>,
      %get3A_1983 = vector.shape_cast %get3A_1982 : vector<16xi32> to vector<16xi32>
      %ge3A_1984 = vector.broadcast %mul3A_0 : i32 to vector<16xi32>
      %ge3A_1985 = arith.cmpi sge, %get3A_1983, %ge3A_1984 : vector<16xi32>
      %add3A_1986 = arith.constant 5000 : i32
      %add3A_1987 = arith.addi %mul3A_0, %add3A_1986 : i32
      %lt3A_1988 = vector.broadcast %add3A_1987 : i32 to vector<16xi32>
      %lt3A_1989 = arith.cmpi slt, %get3A_1983, %lt3A_1988 : vector<16xi32>
      %and3A_1990 = arith.andi %ge3A_1985, %lt3A_1989 : vector<16xi1>
      %ge3A_1991 = vector.broadcast %min3A_1884 : i32 to vector<16xi32>
      %ge3A_1992 = arith.cmpi sge, %add3A_1977, %ge3A_1991 : vector<16xi32>
      %and3A_1993 = arith.andi %and3A_1990, %ge3A_1992 : vector<16xi1>
      %lt3A_1994 = vector.broadcast %min3A_1892 : i32 to vector<16xi32>
      %lt3A_1995 = arith.cmpi slt, %add3A_1977, %lt3A_1994 : vector<16xi32>
      %and3A_1996 = arith.andi %and3A_1993, %lt3A_1995 : vector<16xi1>
      %jit3A_1997 = arith.constant -1 : i32
      %broadcast_in_dim3A_1998 = vector.broadcast %jit3A_1997 : i32 to vector<16xi32>
      %select_n3A_1999 = arith.select %and3A_1996, %get3A_1980, %broadcast_in_dim3A_1998 : vector<16xi1>, vector<16xi32>
      %swap3A_2000 = arith.constant 32 : index
      %swap3A_2001 = tpu.vector_load %arg11[%swap3A_2000] {strides = array<i32>} : memref<64xi32, #tpu.memory_space<vmem>>, vector<16xi32>,
      %swap3A_2002 = vector.shape_cast %swap3A_2001 : vector<16xi32> to vector<16xi32>
      %swap3A_2003 = vector.shape_cast %select_n3A_1999 : vector<16xi32> to vector<16xi32>
      tpu.vector_store %arg11[%swap3A_2000], %swap3A_2003 {strides = array<i32>} : memref<64xi32, #tpu.memory_space<vmem>>, vector<16xi32>,
      %sub3A_2004 = vector.broadcast %mul3A_0 : i32 to vector<16xi32>
      %sub3A_2005 = arith.subi %get3A_1983, %sub3A_2004 : vector<16xi32>
      %jit3A_2006 = arith.constant 5000 : i32
      %broadcast_in_dim3A_2007 = vector.broadcast %jit3A_2006 : i32 to vector<16xi32>
      %select_n3A_2008 = arith.select %and3A_1996, %sub3A_2005, %broadcast_in_dim3A_2007 : vector<16xi1>, vector<16xi32>
      %swap3A_2009 = arith.constant 32 : index
      %swap3A_2010 = tpu.vector_load %arg14[%swap3A_2009] {strides = array<i32>} : memref<64xi32, #tpu.memory_space<vmem>>, vector<16xi32>,
      %swap3A_2011 = vector.shape_cast %swap3A_2010 : vector<16xi32> to vector<16xi32>
      %swap3A_2012 = vector.shape_cast %select_n3A_2008 : vector<16xi32> to vector<16xi32>
      tpu.vector_store %arg14[%swap3A_2009], %swap3A_2012 {strides = array<i32>} : memref<64xi32, #tpu.memory_space<vmem>>, vector<16xi32>,
      %add3A_2013 = arith.constant 48 : i32
      %add3A_2014 = arith.addi %add3A_1878, %add3A_2013 : i32
      %iota3A_2015 = tpu.iota {dimensions = array<i32: 0>} : vector<16xi32>
      %add3A_2016 = vector.broadcast %add3A_2014 : i32 to vector<16xi32>
      %add3A_2017 = arith.addi %add3A_2016, %iota3A_2015 : vector<16xi32>
      %get3A_2018 = arith.constant 48 : index
      %get3A_2019 = tpu.vector_load %arg7[%get3A_2018] {strides = array<i32>} : memref<192xi32, #tpu.memory_space<vmem>>, vector<16xi32>,
      %get3A_2020 = vector.shape_cast %get3A_2019 : vector<16xi32> to vector<16xi32>
      %get3A_2021 = arith.constant 48 : index
      %get3A_2022 = tpu.vector_load %arg8[%get3A_2021] {strides = array<i32>} : memref<192xi32, #tpu.memory_space<vmem>>, vector<16xi32>,
      %get3A_2023 = vector.shape_cast %get3A_2022 : vector<16xi32> to vector<16xi32>
      %ge3A_2024 = vector.broadcast %mul3A_0 : i32 to vector<16xi32>
      %ge3A_2025 = arith.cmpi sge, %get3A_2023, %ge3A_2024 : vector<16xi32>
      %add3A_2026 = arith.constant 5000 : i32
      %add3A_2027 = arith.addi %mul3A_0, %add3A_2026 : i32
      %lt3A_2028 = vector.broadcast %add3A_2027 : i32 to vector<16xi32>
      %lt3A_2029 = arith.cmpi slt, %get3A_2023, %lt3A_2028 : vector<16xi32>
      %and3A_2030 = arith.andi %ge3A_2025, %lt3A_2029 : vector<16xi1>
      %ge3A_2031 = vector.broadcast %min3A_1884 : i32 to vector<16xi32>
      %ge3A_2032 = arith.cmpi sge, %add3A_2017, %ge3A_2031 : vector<16xi32>
      %and3A_2033 = arith.andi %and3A_2030, %ge3A_2032 : vector<16xi1>
      %lt3A_2034 = vector.broadcast %min3A_1892 : i32 to vector<16xi32>
      %lt3A_2035 = arith.cmpi slt, %add3A_2017, %lt3A_2034 : vector<16xi32>
      %and3A_2036 = arith.andi %and3A_2033, %lt3A_2035 : vector<16xi1>
      %jit3A_2037 = arith.constant -1 : i32
      %broadcast_in_dim3A_2038 = vector.broadcast %jit3A_2037 : i32 to vector<16xi32>
      %select_n3A_2039 = arith.select %and3A_2036, %get3A_2020, %broadcast_in_dim3A_2038 : vector<16xi1>, vector<16xi32>
      %swap3A_2040 = arith.constant 48 : index
      %swap3A_2041 = tpu.vector_load %arg11[%swap3A_2040] {strides = array<i32>} : memref<64xi32, #tpu.memory_space<vmem>>, vector<16xi32>,
      %swap3A_2042 = vector.shape_cast %swap3A_2041 : vector<16xi32> to vector<16xi32>
      %swap3A_2043 = vector.shape_cast %select_n3A_2039 : vector<16xi32> to vector<16xi32>
      tpu.vector_store %arg11[%swap3A_2040], %swap3A_2043 {strides = array<i32>} : memref<64xi32, #tpu.memory_space<vmem>>, vector<16xi32>,
      %sub3A_2044 = vector.broadcast %mul3A_0 : i32 to vector<16xi32>
      %sub3A_2045 = arith.subi %get3A_2023, %sub3A_2044 : vector<16xi32>
      %jit3A_2046 = arith.constant 5000 : i32
      %broadcast_in_dim3A_2047 = vector.broadcast %jit3A_2046 : i32 to vector<16xi32>
      %select_n3A_2048 = arith.select %and3A_2036, %sub3A_2045, %broadcast_in_dim3A_2047 : vector<16xi1>, vector<16xi32>
      %swap3A_2049 = arith.constant 48 : index
      %swap3A_2050 = tpu.vector_load %arg14[%swap3A_2049] {strides = array<i32>} : memref<64xi32, #tpu.memory_space<vmem>>, vector<16xi32>,
      %swap3A_2051 = vector.shape_cast %swap3A_2050 : vector<16xi32> to vector<16xi32>
      %swap3A_2052 = vector.shape_cast %select_n3A_2048 : vector<16xi32> to vector<16xi32>
      tpu.vector_store %arg14[%swap3A_2049], %swap3A_2052 {strides = array<i32>} : memref<64xi32, #tpu.memory_space<vmem>>, vector<16xi32>,
      %dma_wait3A_2053 = arith.constant 0 : i32
      %dma_wait3A_2054 = arith.constant 0 : i32
      %dma_wait3A_2055 = tpu.memref_slice %arg4[%dma_wait3A_2053, %dma_wait3A_2054] : memref<10000x256xf32, #tpu.memory_space<hbm>> -> memref<10000x256xf32, #tpu.memory_space<hbm>>
      tpu.wait_indirect_dma semaphore(%arg27 : memref<!tpu.dma_semaphore, #tpu.memory_space<semaphore_mem>>) src(%dma_wait3A_2055 : memref<10000x256xf32, #tpu.memory_space<hbm>>) dst(%arg21 : memref<64x256xf32, #tpu.memory_space<vmem>>)
      %dma_start3A_2056 = arith.constant 0 : i32
      %dma_start3A_2057 = arith.constant 0 : i32
      %dma_start3A_2058 = tpu.memref_slice %arg23[%dma_start3A_2056, %dma_start3A_2057] : memref<5008x256xf32, #tpu.memory_space<vmem_shared>> -> memref<5008x256xf32, #tpu.memory_space<vmem_shared>>
      %dma_start3A_2059 = arith.constant 5000 : i32
      tpu.enqueue_indirect_dma source(%arg21 : memref<64x256xf32, #tpu.memory_space<vmem>>) target(%dma_start3A_2058 : memref<5008x256xf32, #tpu.memory_space<vmem_shared>>) offsets(%arg18 : memref<64xi32, #tpu.memory_space<vmem>>) offset_filter(%dma_start3A_2059) semaphore(%arg30 : memref<!tpu.dma_semaphore, #tpu.memory_space<semaphore_mem>>) {add = true}
      %mul3A_2060 = arith.constant 192 : i32
      %mul3A_2061 = arith.muli %min3A_1849, %mul3A_2060 : i32
      %add3A_2062 = arith.addi %mul3A_18, %mul3A_2061 : i32
      %min3A_2063 = arith.constant 159808 : i32
      %min3A_2064 = arith.minsi %add3A_2062, %min3A_2063 : i32
      %add3A_2065 = arith.constant 64 : i32
      %add3A_2066 = arith.addi %min3A_2064, %add3A_2065 : i32
      %mul3A_2067 = arith.constant 192 : i32
      %mul3A_2068 = arith.muli %min3A_1849, %mul3A_2067 : i32
      %add3A_2069 = arith.addi %mul3A_18, %mul3A_2068 : i32
      %add3A_2070 = arith.constant 10000 : i32
      %add3A_2071 = arith.addi %mul3A_18, %add3A_2070 : i32
      %min3A_2072 = arith.minsi %add3A_2069, %add3A_2071 : i32
      %add3A_2073 = arith.constant 1 : i32
      %add3A_2074 = arith.addi %min3A_1849, %add3A_2073 : i32
      %mul3A_2075 = arith.constant 192 : i32
      %mul3A_2076 = arith.muli %add3A_2074, %mul3A_2075 : i32
      %add3A_2077 = arith.addi %mul3A_18, %mul3A_2076 : i32
      %add3A_2078 = arith.constant 10000 : i32
      %add3A_2079 = arith.addi %mul3A_18, %add3A_2078 : i32
      %min3A_2080 = arith.minsi %add3A_2077, %add3A_2079 : i32
      %add3A_2081 = arith.constant 0 : i32
      %add3A_2082 = arith.addi %add3A_2066, %add3A_2081 : i32
      %iota3A_2083 = tpu.iota {dimensions = array<i32: 0>} : vector<16xi32>
      %add3A_2084 = vector.broadcast %add3A_2082 : i32 to vector<16xi32>
      %add3A_2085 = arith.addi %add3A_2084, %iota3A_2083 : vector<16xi32>
      %get3A_2086 = arith.constant 64 : index
      %get3A_2087 = tpu.vector_load %arg7[%get3A_2086] {strides = array<i32>} : memref<192xi32, #tpu.memory_space<vmem>>, vector<16xi32>,
      %get3A_2088 = vector.shape_cast %get3A_2087 : vector<16xi32> to vector<16xi32>
      %get3A_2089 = arith.constant 64 : index
      %get3A_2090 = tpu.vector_load %arg8[%get3A_2089] {strides = array<i32>} : memref<192xi32, #tpu.memory_space<vmem>>, vector<16xi32>,
      %get3A_2091 = vector.shape_cast %get3A_2090 : vector<16xi32> to vector<16xi32>
      %ge3A_2092 = vector.broadcast %mul3A_0 : i32 to vector<16xi32>
      %ge3A_2093 = arith.cmpi sge, %get3A_2091, %ge3A_2092 : vector<16xi32>
      %add3A_2094 = arith.constant 5000 : i32
      %add3A_2095 = arith.addi %mul3A_0, %add3A_2094 : i32
      %lt3A_2096 = vector.broadcast %add3A_2095 : i32 to vector<16xi32>
      %lt3A_2097 = arith.cmpi slt, %get3A_2091, %lt3A_2096 : vector<16xi32>
      %and3A_2098 = arith.andi %ge3A_2093, %lt3A_2097 : vector<16xi1>
      %ge3A_2099 = vector.broadcast %min3A_2072 : i32 to vector<16xi32>
      %ge3A_2100 = arith.cmpi sge, %add3A_2085, %ge3A_2099 : vector<16xi32>
      %and3A_2101 = arith.andi %and3A_2098, %ge3A_2100 : vector<16xi1>
      %lt3A_2102 = vector.broadcast %min3A_2080 : i32 to vector<16xi32>
      %lt3A_2103 = arith.cmpi slt, %add3A_2085, %lt3A_2102 : vector<16xi32>
      %and3A_2104 = arith.andi %and3A_2101, %lt3A_2103 : vector<16xi1>
      %jit3A_2105 = arith.constant -1 : i32
      %broadcast_in_dim3A_2106 = vector.broadcast %jit3A_2105 : i32 to vector<16xi32>
      %select_n3A_2107 = arith.select %and3A_2104, %get3A_2088, %broadcast_in_dim3A_2106 : vector<16xi1>, vector<16xi32>
      %swap3A_2108 = arith.constant 0 : index
      %swap3A_2109 = tpu.vector_load %arg12[%swap3A_2108] {strides = array<i32>} : memref<64xi32, #tpu.memory_space<vmem>>, vector<16xi32>,
      %swap3A_2110 = vector.shape_cast %swap3A_2109 : vector<16xi32> to vector<16xi32>
      %swap3A_2111 = vector.shape_cast %select_n3A_2107 : vector<16xi32> to vector<16xi32>
      tpu.vector_store %arg12[%swap3A_2108], %swap3A_2111 {strides = array<i32>} : memref<64xi32, #tpu.memory_space<vmem>>, vector<16xi32>,
      %sub3A_2112 = vector.broadcast %mul3A_0 : i32 to vector<16xi32>
      %sub3A_2113 = arith.subi %get3A_2091, %sub3A_2112 : vector<16xi32>
      %jit3A_2114 = arith.constant 5000 : i32
      %broadcast_in_dim3A_2115 = vector.broadcast %jit3A_2114 : i32 to vector<16xi32>
      %select_n3A_2116 = arith.select %and3A_2104, %sub3A_2113, %broadcast_in_dim3A_2115 : vector<16xi1>, vector<16xi32>
      %swap3A_2117 = arith.constant 0 : index
      %swap3A_2118 = tpu.vector_load %arg15[%swap3A_2117] {strides = array<i32>} : memref<64xi32, #tpu.memory_space<vmem>>, vector<16xi32>,
      %swap3A_2119 = vector.shape_cast %swap3A_2118 : vector<16xi32> to vector<16xi32>
      %swap3A_2120 = vector.shape_cast %select_n3A_2116 : vector<16xi32> to vector<16xi32>
      tpu.vector_store %arg15[%swap3A_2117], %swap3A_2120 {strides = array<i32>} : memref<64xi32, #tpu.memory_space<vmem>>, vector<16xi32>,
      %add3A_2121 = arith.constant 16 : i32
      %add3A_2122 = arith.addi %add3A_2066, %add3A_2121 : i32
      %iota3A_2123 = tpu.iota {dimensions = array<i32: 0>} : vector<16xi32>
      %add3A_2124 = vector.broadcast %add3A_2122 : i32 to vector<16xi32>
      %add3A_2125 = arith.addi %add3A_2124, %iota3A_2123 : vector<16xi32>
      %get3A_2126 = arith.constant 80 : index
      %get3A_2127 = tpu.vector_load %arg7[%get3A_2126] {strides = array<i32>} : memref<192xi32, #tpu.memory_space<vmem>>, vector<16xi32>,
      %get3A_2128 = vector.shape_cast %get3A_2127 : vector<16xi32> to vector<16xi32>
      %get3A_2129 = arith.constant 80 : index
      %get3A_2130 = tpu.vector_load %arg8[%get3A_2129] {strides = array<i32>} : memref<192xi32, #tpu.memory_space<vmem>>, vector<16xi32>,
      %get3A_2131 = vector.shape_cast %get3A_2130 : vector<16xi32> to vector<16xi32>
      %ge3A_2132 = vector.broadcast %mul3A_0 : i32 to vector<16xi32>
      %ge3A_2133 = arith.cmpi sge, %get3A_2131, %ge3A_2132 : vector<16xi32>
      %add3A_2134 = arith.constant 5000 : i32
      %add3A_2135 = arith.addi %mul3A_0, %add3A_2134 : i32
      %lt3A_2136 = vector.broadcast %add3A_2135 : i32 to vector<16xi32>
      %lt3A_2137 = arith.cmpi slt, %get3A_2131, %lt3A_2136 : vector<16xi32>
      %and3A_2138 = arith.andi %ge3A_2133, %lt3A_2137 : vector<16xi1>
      %ge3A_2139 = vector.broadcast %min3A_2072 : i32 to vector<16xi32>
      %ge3A_2140 = arith.cmpi sge, %add3A_2125, %ge3A_2139 : vector<16xi32>
      %and3A_2141 = arith.andi %and3A_2138, %ge3A_2140 : vector<16xi1>
      %lt3A_2142 = vector.broadcast %min3A_2080 : i32 to vector<16xi32>
      %lt3A_2143 = arith.cmpi slt, %add3A_2125, %lt3A_2142 : vector<16xi32>
      %and3A_2144 = arith.andi %and3A_2141, %lt3A_2143 : vector<16xi1>
      %jit3A_2145 = arith.constant -1 : i32
      %broadcast_in_dim3A_2146 = vector.broadcast %jit3A_2145 : i32 to vector<16xi32>
      %select_n3A_2147 = arith.select %and3A_2144, %get3A_2128, %broadcast_in_dim3A_2146 : vector<16xi1>, vector<16xi32>
      %swap3A_2148 = arith.constant 16 : index
      %swap3A_2149 = tpu.vector_load %arg12[%swap3A_2148] {strides = array<i32>} : memref<64xi32, #tpu.memory_space<vmem>>, vector<16xi32>,
      %swap3A_2150 = vector.shape_cast %swap3A_2149 : vector<16xi32> to vector<16xi32>
      %swap3A_2151 = vector.shape_cast %select_n3A_2147 : vector<16xi32> to vector<16xi32>
      tpu.vector_store %arg12[%swap3A_2148], %swap3A_2151 {strides = array<i32>} : memref<64xi32, #tpu.memory_space<vmem>>, vector<16xi32>,
      %sub3A_2152 = vector.broadcast %mul3A_0 : i32 to vector<16xi32>
      %sub3A_2153 = arith.subi %get3A_2131, %sub3A_2152 : vector<16xi32>
      %jit3A_2154 = arith.constant 5000 : i32
      %broadcast_in_dim3A_2155 = vector.broadcast %jit3A_2154 : i32 to vector<16xi32>
      %select_n3A_2156 = arith.select %and3A_2144, %sub3A_2153, %broadcast_in_dim3A_2155 : vector<16xi1>, vector<16xi32>
      %swap3A_2157 = arith.constant 16 : index
      %swap3A_2158 = tpu.vector_load %arg15[%swap3A_2157] {strides = array<i32>} : memref<64xi32, #tpu.memory_space<vmem>>, vector<16xi32>,
      %swap3A_2159 = vector.shape_cast %swap3A_2158 : vector<16xi32> to vector<16xi32>
      %swap3A_2160 = vector.shape_cast %select_n3A_2156 : vector<16xi32> to vector<16xi32>
      tpu.vector_store %arg15[%swap3A_2157], %swap3A_2160 {strides = array<i32>} : memref<64xi32, #tpu.memory_space<vmem>>, vector<16xi32>,
      %add3A_2161 = arith.constant 32 : i32
      %add3A_2162 = arith.addi %add3A_2066, %add3A_2161 : i32
      %iota3A_2163 = tpu.iota {dimensions = array<i32: 0>} : vector<16xi32>
      %add3A_2164 = vector.broadcast %add3A_2162 : i32 to vector<16xi32>
      %add3A_2165 = arith.addi %add3A_2164, %iota3A_2163 : vector<16xi32>
      %get3A_2166 = arith.constant 96 : index
      %get3A_2167 = tpu.vector_load %arg7[%get3A_2166] {strides = array<i32>} : memref<192xi32, #tpu.memory_space<vmem>>, vector<16xi32>,
      %get3A_2168 = vector.shape_cast %get3A_2167 : vector<16xi32> to vector<16xi32>
      %get3A_2169 = arith.constant 96 : index
      %get3A_2170 = tpu.vector_load %arg8[%get3A_2169] {strides = array<i32>} : memref<192xi32, #tpu.memory_space<vmem>>, vector<16xi32>,
      %get3A_2171 = vector.shape_cast %get3A_2170 : vector<16xi32> to vector<16xi32>
      %ge3A_2172 = vector.broadcast %mul3A_0 : i32 to vector<16xi32>
      %ge3A_2173 = arith.cmpi sge, %get3A_2171, %ge3A_2172 : vector<16xi32>
      %add3A_2174 = arith.constant 5000 : i32
      %add3A_2175 = arith.addi %mul3A_0, %add3A_2174 : i32
      %lt3A_2176 = vector.broadcast %add3A_2175 : i32 to vector<16xi32>
      %lt3A_2177 = arith.cmpi slt, %get3A_2171, %lt3A_2176 : vector<16xi32>
      %and3A_2178 = arith.andi %ge3A_2173, %lt3A_2177 : vector<16xi1>
      %ge3A_2179 = vector.broadcast %min3A_2072 : i32 to vector<16xi32>
      %ge3A_2180 = arith.cmpi sge, %add3A_2165, %ge3A_2179 : vector<16xi32>
      %and3A_2181 = arith.andi %and3A_2178, %ge3A_2180 : vector<16xi1>
      %lt3A_2182 = vector.broadcast %min3A_2080 : i32 to vector<16xi32>
      %lt3A_2183 = arith.cmpi slt, %add3A_2165, %lt3A_2182 : vector<16xi32>
      %and3A_2184 = arith.andi %and3A_2181, %lt3A_2183 : vector<16xi1>
      %jit3A_2185 = arith.constant -1 : i32
      %broadcast_in_dim3A_2186 = vector.broadcast %jit3A_2185 : i32 to vector<16xi32>
      %select_n3A_2187 = arith.select %and3A_2184, %get3A_2168, %broadcast_in_dim3A_2186 : vector<16xi1>, vector<16xi32>
      %swap3A_2188 = arith.constant 32 : index
      %swap3A_2189 = tpu.vector_load %arg12[%swap3A_2188] {strides = array<i32>} : memref<64xi32, #tpu.memory_space<vmem>>, vector<16xi32>,
      %swap3A_2190 = vector.shape_cast %swap3A_2189 : vector<16xi32> to vector<16xi32>
      %swap3A_2191 = vector.shape_cast %select_n3A_2187 : vector<16xi32> to vector<16xi32>
      tpu.vector_store %arg12[%swap3A_2188], %swap3A_2191 {strides = array<i32>} : memref<64xi32, #tpu.memory_space<vmem>>, vector<16xi32>,
      %sub3A_2192 = vector.broadcast %mul3A_0 : i32 to vector<16xi32>
      %sub3A_2193 = arith.subi %get3A_2171, %sub3A_2192 : vector<16xi32>
      %jit3A_2194 = arith.constant 5000 : i32
      %broadcast_in_dim3A_2195 = vector.broadcast %jit3A_2194 : i32 to vector<16xi32>
      %select_n3A_2196 = arith.select %and3A_2184, %sub3A_2193, %broadcast_in_dim3A_2195 : vector<16xi1>, vector<16xi32>
      %swap3A_2197 = arith.constant 32 : index
      %swap3A_2198 = tpu.vector_load %arg15[%swap3A_2197] {strides = array<i32>} : memref<64xi32, #tpu.memory_space<vmem>>, vector<16xi32>,
      %swap3A_2199 = vector.shape_cast %swap3A_2198 : vector<16xi32> to vector<16xi32>
      %swap3A_2200 = vector.shape_cast %select_n3A_2196 : vector<16xi32> to vector<16xi32>
      tpu.vector_store %arg15[%swap3A_2197], %swap3A_2200 {strides = array<i32>} : memref<64xi32, #tpu.memory_space<vmem>>, vector<16xi32>,
      %add3A_2201 = arith.constant 48 : i32
      %add3A_2202 = arith.addi %add3A_2066, %add3A_2201 : i32
      %iota3A_2203 = tpu.iota {dimensions = array<i32: 0>} : vector<16xi32>
      %add3A_2204 = vector.broadcast %add3A_2202 : i32 to vector<16xi32>
      %add3A_2205 = arith.addi %add3A_2204, %iota3A_2203 : vector<16xi32>
      %get3A_2206 = arith.constant 112 : index
      %get3A_2207 = tpu.vector_load %arg7[%get3A_2206] {strides = array<i32>} : memref<192xi32, #tpu.memory_space<vmem>>, vector<16xi32>,
      %get3A_2208 = vector.shape_cast %get3A_2207 : vector<16xi32> to vector<16xi32>
      %get3A_2209 = arith.constant 112 : index
      %get3A_2210 = tpu.vector_load %arg8[%get3A_2209] {strides = array<i32>} : memref<192xi32, #tpu.memory_space<vmem>>, vector<16xi32>,
      %get3A_2211 = vector.shape_cast %get3A_2210 : vector<16xi32> to vector<16xi32>
      %ge3A_2212 = vector.broadcast %mul3A_0 : i32 to vector<16xi32>
      %ge3A_2213 = arith.cmpi sge, %get3A_2211, %ge3A_2212 : vector<16xi32>
      %add3A_2214 = arith.constant 5000 : i32
      %add3A_2215 = arith.addi %mul3A_0, %add3A_2214 : i32
      %lt3A_2216 = vector.broadcast %add3A_2215 : i32 to vector<16xi32>
      %lt3A_2217 = arith.cmpi slt, %get3A_2211, %lt3A_2216 : vector<16xi32>
      %and3A_2218 = arith.andi %ge3A_2213, %lt3A_2217 : vector<16xi1>
      %ge3A_2219 = vector.broadcast %min3A_2072 : i32 to vector<16xi32>
      %ge3A_2220 = arith.cmpi sge, %add3A_2205, %ge3A_2219 : vector<16xi32>
      %and3A_2221 = arith.andi %and3A_2218, %ge3A_2220 : vector<16xi1>
      %lt3A_2222 = vector.broadcast %min3A_2080 : i32 to vector<16xi32>
      %lt3A_2223 = arith.cmpi slt, %add3A_2205, %lt3A_2222 : vector<16xi32>
      %and3A_2224 = arith.andi %and3A_2221, %lt3A_2223 : vector<16xi1>
      %jit3A_2225 = arith.constant -1 : i32
      %broadcast_in_dim3A_2226 = vector.broadcast %jit3A_2225 : i32 to vector<16xi32>
      %select_n3A_2227 = arith.select %and3A_2224, %get3A_2208, %broadcast_in_dim3A_2226 : vector<16xi1>, vector<16xi32>
      %swap3A_2228 = arith.constant 48 : index
      %swap3A_2229 = tpu.vector_load %arg12[%swap3A_2228] {strides = array<i32>} : memref<64xi32, #tpu.memory_space<vmem>>, vector<16xi32>,
      %swap3A_2230 = vector.shape_cast %swap3A_2229 : vector<16xi32> to vector<16xi32>
      %swap3A_2231 = vector.shape_cast %select_n3A_2227 : vector<16xi32> to vector<16xi32>
      tpu.vector_store %arg12[%swap3A_2228], %swap3A_2231 {strides = array<i32>} : memref<64xi32, #tpu.memory_space<vmem>>, vector<16xi32>,
      %sub3A_2232 = vector.broadcast %mul3A_0 : i32 to vector<16xi32>
      %sub3A_2233 = arith.subi %get3A_2211, %sub3A_2232 : vector<16xi32>
      %jit3A_2234 = arith.constant 5000 : i32
      %broadcast_in_dim3A_2235 = vector.broadcast %jit3A_2234 : i32 to vector<16xi32>
      %select_n3A_2236 = arith.select %and3A_2224, %sub3A_2233, %broadcast_in_dim3A_2235 : vector<16xi1>, vector<16xi32>
      %swap3A_2237 = arith.constant 48 : index
      %swap3A_2238 = tpu.vector_load %arg15[%swap3A_2237] {strides = array<i32>} : memref<64xi32, #tpu.memory_space<vmem>>, vector<16xi32>,
      %swap3A_2239 = vector.shape_cast %swap3A_2238 : vector<16xi32> to vector<16xi32>
      %swap3A_2240 = vector.shape_cast %select_n3A_2236 : vector<16xi32> to vector<16xi32>
      tpu.vector_store %arg15[%swap3A_2237], %swap3A_2240 {strides = array<i32>} : memref<64xi32, #tpu.memory_space<vmem>>, vector<16xi32>,
      %dma_wait3A_2241 = arith.constant 0 : i32
      %dma_wait3A_2242 = arith.constant 0 : i32
      %dma_wait3A_2243 = tpu.memref_slice %arg4[%dma_wait3A_2241, %dma_wait3A_2242] : memref<10000x256xf32, #tpu.memory_space<hbm>> -> memref<10000x256xf32, #tpu.memory_space<hbm>>
      tpu.wait_indirect_dma semaphore(%arg28 : memref<!tpu.dma_semaphore, #tpu.memory_space<semaphore_mem>>) src(%dma_wait3A_2243 : memref<10000x256xf32, #tpu.memory_space<hbm>>) dst(%arg22 : memref<64x256xf32, #tpu.memory_space<vmem>>)
      %dma_start3A_2244 = arith.constant 0 : i32
      %dma_start3A_2245 = arith.constant 0 : i32
      %dma_start3A_2246 = tpu.memref_slice %arg23[%dma_start3A_2244, %dma_start3A_2245] : memref<5008x256xf32, #tpu.memory_space<vmem_shared>> -> memref<5008x256xf32, #tpu.memory_space<vmem_shared>>
      %dma_start3A_2247 = arith.constant 5000 : i32
      tpu.enqueue_indirect_dma source(%arg22 : memref<64x256xf32, #tpu.memory_space<vmem>>) target(%dma_start3A_2246 : memref<5008x256xf32, #tpu.memory_space<vmem_shared>>) offsets(%arg19 : memref<64xi32, #tpu.memory_space<vmem>>) offset_filter(%dma_start3A_2247) semaphore(%arg31 : memref<!tpu.dma_semaphore, #tpu.memory_space<semaphore_mem>>) {add = true}
      %mul3A_2248 = arith.constant 192 : i32
      %mul3A_2249 = arith.muli %min3A_1849, %mul3A_2248 : i32
      %add3A_2250 = arith.addi %mul3A_18, %mul3A_2249 : i32
      %min3A_2251 = arith.constant 159808 : i32
      %min3A_2252 = arith.minsi %add3A_2250, %min3A_2251 : i32
      %add3A_2253 = arith.constant 128 : i32
      %add3A_2254 = arith.addi %min3A_2252, %add3A_2253 : i32
      %mul3A_2255 = arith.constant 192 : i32
      %mul3A_2256 = arith.muli %min3A_1849, %mul3A_2255 : i32
      %add3A_2257 = arith.addi %mul3A_18, %mul3A_2256 : i32
      %add3A_2258 = arith.constant 10000 : i32
      %add3A_2259 = arith.addi %mul3A_18, %add3A_2258 : i32
      %min3A_2260 = arith.minsi %add3A_2257, %add3A_2259 : i32
      %add3A_2261 = arith.constant 1 : i32
      %add3A_2262 = arith.addi %min3A_1849, %add3A_2261 : i32
      %mul3A_2263 = arith.constant 192 : i32
      %mul3A_2264 = arith.muli %add3A_2262, %mul3A_2263 : i32
      %add3A_2265 = arith.addi %mul3A_18, %mul3A_2264 : i32
      %add3A_2266 = arith.constant 10000 : i32
      %add3A_2267 = arith.addi %mul3A_18, %add3A_2266 : i32
      %min3A_2268 = arith.minsi %add3A_2265, %add3A_2267 : i32
      %add3A_2269 = arith.constant 0 : i32
      %add3A_2270 = arith.addi %add3A_2254, %add3A_2269 : i32
      %iota3A_2271 = tpu.iota {dimensions = array<i32: 0>} : vector<16xi32>
      %add3A_2272 = vector.broadcast %add3A_2270 : i32 to vector<16xi32>
      %add3A_2273 = arith.addi %add3A_2272, %iota3A_2271 : vector<16xi32>
      %get3A_2274 = arith.constant 128 : index
      %get3A_2275 = tpu.vector_load %arg7[%get3A_2274] {strides = array<i32>} : memref<192xi32, #tpu.memory_space<vmem>>, vector<16xi32>,
      %get3A_2276 = vector.shape_cast %get3A_2275 : vector<16xi32> to vector<16xi32>
      %get3A_2277 = arith.constant 128 : index
      %get3A_2278 = tpu.vector_load %arg8[%get3A_2277] {strides = array<i32>} : memref<192xi32, #tpu.memory_space<vmem>>, vector<16xi32>,
      %get3A_2279 = vector.shape_cast %get3A_2278 : vector<16xi32> to vector<16xi32>
      %ge3A_2280 = vector.broadcast %mul3A_0 : i32 to vector<16xi32>
      %ge3A_2281 = arith.cmpi sge, %get3A_2279, %ge3A_2280 : vector<16xi32>
      %add3A_2282 = arith.constant 5000 : i32
      %add3A_2283 = arith.addi %mul3A_0, %add3A_2282 : i32
      %lt3A_2284 = vector.broadcast %add3A_2283 : i32 to vector<16xi32>
      %lt3A_2285 = arith.cmpi slt, %get3A_2279, %lt3A_2284 : vector<16xi32>
      %and3A_2286 = arith.andi %ge3A_2281, %lt3A_2285 : vector<16xi1>
      %ge3A_2287 = vector.broadcast %min3A_2260 : i32 to vector<16xi32>
      %ge3A_2288 = arith.cmpi sge, %add3A_2273, %ge3A_2287 : vector<16xi32>
      %and3A_2289 = arith.andi %and3A_2286, %ge3A_2288 : vector<16xi1>
      %lt3A_2290 = vector.broadcast %min3A_2268 : i32 to vector<16xi32>
      %lt3A_2291 = arith.cmpi slt, %add3A_2273, %lt3A_2290 : vector<16xi32>
      %and3A_2292 = arith.andi %and3A_2289, %lt3A_2291 : vector<16xi1>
      %jit3A_2293 = arith.constant -1 : i32
      %broadcast_in_dim3A_2294 = vector.broadcast %jit3A_2293 : i32 to vector<16xi32>
      %select_n3A_2295 = arith.select %and3A_2292, %get3A_2276, %broadcast_in_dim3A_2294 : vector<16xi1>, vector<16xi32>
      %swap3A_2296 = arith.constant 0 : index
      %swap3A_2297 = tpu.vector_load %arg13[%swap3A_2296] {strides = array<i32>} : memref<64xi32, #tpu.memory_space<vmem>>, vector<16xi32>,
      %swap3A_2298 = vector.shape_cast %swap3A_2297 : vector<16xi32> to vector<16xi32>
      %swap3A_2299 = vector.shape_cast %select_n3A_2295 : vector<16xi32> to vector<16xi32>
      tpu.vector_store %arg13[%swap3A_2296], %swap3A_2299 {strides = array<i32>} : memref<64xi32, #tpu.memory_space<vmem>>, vector<16xi32>,
      %sub3A_2300 = vector.broadcast %mul3A_0 : i32 to vector<16xi32>
      %sub3A_2301 = arith.subi %get3A_2279, %sub3A_2300 : vector<16xi32>
      %jit3A_2302 = arith.constant 5000 : i32
      %broadcast_in_dim3A_2303 = vector.broadcast %jit3A_2302 : i32 to vector<16xi32>
      %select_n3A_2304 = arith.select %and3A_2292, %sub3A_2301, %broadcast_in_dim3A_2303 : vector<16xi1>, vector<16xi32>
      %swap3A_2305 = arith.constant 0 : index
      %swap3A_2306 = tpu.vector_load %arg16[%swap3A_2305] {strides = array<i32>} : memref<64xi32, #tpu.memory_space<vmem>>, vector<16xi32>,
      %swap3A_2307 = vector.shape_cast %swap3A_2306 : vector<16xi32> to vector<16xi32>
      %swap3A_2308 = vector.shape_cast %select_n3A_2304 : vector<16xi32> to vector<16xi32>
      tpu.vector_store %arg16[%swap3A_2305], %swap3A_2308 {strides = array<i32>} : memref<64xi32, #tpu.memory_space<vmem>>, vector<16xi32>,
      %add3A_2309 = arith.constant 16 : i32
      %add3A_2310 = arith.addi %add3A_2254, %add3A_2309 : i32
      %iota3A_2311 = tpu.iota {dimensions = array<i32: 0>} : vector<16xi32>
      %add3A_2312 = vector.broadcast %add3A_2310 : i32 to vector<16xi32>
      %add3A_2313 = arith.addi %add3A_2312, %iota3A_2311 : vector<16xi32>
      %get3A_2314 = arith.constant 144 : index
      %get3A_2315 = tpu.vector_load %arg7[%get3A_2314] {strides = array<i32>} : memref<192xi32, #tpu.memory_space<vmem>>, vector<16xi32>,
      %get3A_2316 = vector.shape_cast %get3A_2315 : vector<16xi32> to vector<16xi32>
      %get3A_2317 = arith.constant 144 : index
      %get3A_2318 = tpu.vector_load %arg8[%get3A_2317] {strides = array<i32>} : memref<192xi32, #tpu.memory_space<vmem>>, vector<16xi32>,
      %get3A_2319 = vector.shape_cast %get3A_2318 : vector<16xi32> to vector<16xi32>
      %ge3A_2320 = vector.broadcast %mul3A_0 : i32 to vector<16xi32>
      %ge3A_2321 = arith.cmpi sge, %get3A_2319, %ge3A_2320 : vector<16xi32>
      %add3A_2322 = arith.constant 5000 : i32
      %add3A_2323 = arith.addi %mul3A_0, %add3A_2322 : i32
      %lt3A_2324 = vector.broadcast %add3A_2323 : i32 to vector<16xi32>
      %lt3A_2325 = arith.cmpi slt, %get3A_2319, %lt3A_2324 : vector<16xi32>
      %and3A_2326 = arith.andi %ge3A_2321, %lt3A_2325 : vector<16xi1>
      %ge3A_2327 = vector.broadcast %min3A_2260 : i32 to vector<16xi32>
      %ge3A_2328 = arith.cmpi sge, %add3A_2313, %ge3A_2327 : vector<16xi32>
      %and3A_2329 = arith.andi %and3A_2326, %ge3A_2328 : vector<16xi1>
      %lt3A_2330 = vector.broadcast %min3A_2268 : i32 to vector<16xi32>
      %lt3A_2331 = arith.cmpi slt, %add3A_2313, %lt3A_2330 : vector<16xi32>
      %and3A_2332 = arith.andi %and3A_2329, %lt3A_2331 : vector<16xi1>
      %jit3A_2333 = arith.constant -1 : i32
      %broadcast_in_dim3A_2334 = vector.broadcast %jit3A_2333 : i32 to vector<16xi32>
      %select_n3A_2335 = arith.select %and3A_2332, %get3A_2316, %broadcast_in_dim3A_2334 : vector<16xi1>, vector<16xi32>
      %swap3A_2336 = arith.constant 16 : index
      %swap3A_2337 = tpu.vector_load %arg13[%swap3A_2336] {strides = array<i32>} : memref<64xi32, #tpu.memory_space<vmem>>, vector<16xi32>,
      %swap3A_2338 = vector.shape_cast %swap3A_2337 : vector<16xi32> to vector<16xi32>
      %swap3A_2339 = vector.shape_cast %select_n3A_2335 : vector<16xi32> to vector<16xi32>
      tpu.vector_store %arg13[%swap3A_2336], %swap3A_2339 {strides = array<i32>} : memref<64xi32, #tpu.memory_space<vmem>>, vector<16xi32>,
      %sub3A_2340 = vector.broadcast %mul3A_0 : i32 to vector<16xi32>
      %sub3A_2341 = arith.subi %get3A_2319, %sub3A_2340 : vector<16xi32>
      %jit3A_2342 = arith.constant 5000 : i32
      %broadcast_in_dim3A_2343 = vector.broadcast %jit3A_2342 : i32 to vector<16xi32>
      %select_n3A_2344 = arith.select %and3A_2332, %sub3A_2341, %broadcast_in_dim3A_2343 : vector<16xi1>, vector<16xi32>
      %swap3A_2345 = arith.constant 16 : index
      %swap3A_2346 = tpu.vector_load %arg16[%swap3A_2345] {strides = array<i32>} : memref<64xi32, #tpu.memory_space<vmem>>, vector<16xi32>,
      %swap3A_2347 = vector.shape_cast %swap3A_2346 : vector<16xi32> to vector<16xi32>
      %swap3A_2348 = vector.shape_cast %select_n3A_2344 : vector<16xi32> to vector<16xi32>
      tpu.vector_store %arg16[%swap3A_2345], %swap3A_2348 {strides = array<i32>} : memref<64xi32, #tpu.memory_space<vmem>>, vector<16xi32>,
      %add3A_2349 = arith.constant 32 : i32
      %add3A_2350 = arith.addi %add3A_2254, %add3A_2349 : i32
      %iota3A_2351 = tpu.iota {dimensions = array<i32: 0>} : vector<16xi32>
      %add3A_2352 = vector.broadcast %add3A_2350 : i32 to vector<16xi32>
      %add3A_2353 = arith.addi %add3A_2352, %iota3A_2351 : vector<16xi32>
      %get3A_2354 = arith.constant 160 : index
      %get3A_2355 = tpu.vector_load %arg7[%get3A_2354] {strides = array<i32>} : memref<192xi32, #tpu.memory_space<vmem>>, vector<16xi32>,
      %get3A_2356 = vector.shape_cast %get3A_2355 : vector<16xi32> to vector<16xi32>
      %get3A_2357 = arith.constant 160 : index
      %get3A_2358 = tpu.vector_load %arg8[%get3A_2357] {strides = array<i32>} : memref<192xi32, #tpu.memory_space<vmem>>, vector<16xi32>,
      %get3A_2359 = vector.shape_cast %get3A_2358 : vector<16xi32> to vector<16xi32>
      %ge3A_2360 = vector.broadcast %mul3A_0 : i32 to vector<16xi32>
      %ge3A_2361 = arith.cmpi sge, %get3A_2359, %ge3A_2360 : vector<16xi32>
      %add3A_2362 = arith.constant 5000 : i32
      %add3A_2363 = arith.addi %mul3A_0, %add3A_2362 : i32
      %lt3A_2364 = vector.broadcast %add3A_2363 : i32 to vector<16xi32>
      %lt3A_2365 = arith.cmpi slt, %get3A_2359, %lt3A_2364 : vector<16xi32>
      %and3A_2366 = arith.andi %ge3A_2361, %lt3A_2365 : vector<16xi1>
      %ge3A_2367 = vector.broadcast %min3A_2260 : i32 to vector<16xi32>
      %ge3A_2368 = arith.cmpi sge, %add3A_2353, %ge3A_2367 : vector<16xi32>
      %and3A_2369 = arith.andi %and3A_2366, %ge3A_2368 : vector<16xi1>
      %lt3A_2370 = vector.broadcast %min3A_2268 : i32 to vector<16xi32>
      %lt3A_2371 = arith.cmpi slt, %add3A_2353, %lt3A_2370 : vector<16xi32>
      %and3A_2372 = arith.andi %and3A_2369, %lt3A_2371 : vector<16xi1>
      %jit3A_2373 = arith.constant -1 : i32
      %broadcast_in_dim3A_2374 = vector.broadcast %jit3A_2373 : i32 to vector<16xi32>
      %select_n3A_2375 = arith.select %and3A_2372, %get3A_2356, %broadcast_in_dim3A_2374 : vector<16xi1>, vector<16xi32>
      %swap3A_2376 = arith.constant 32 : index
      %swap3A_2377 = tpu.vector_load %arg13[%swap3A_2376] {strides = array<i32>} : memref<64xi32, #tpu.memory_space<vmem>>, vector<16xi32>,
      %swap3A_2378 = vector.shape_cast %swap3A_2377 : vector<16xi32> to vector<16xi32>
      %swap3A_2379 = vector.shape_cast %select_n3A_2375 : vector<16xi32> to vector<16xi32>
      tpu.vector_store %arg13[%swap3A_2376], %swap3A_2379 {strides = array<i32>} : memref<64xi32, #tpu.memory_space<vmem>>, vector<16xi32>,
      %sub3A_2380 = vector.broadcast %mul3A_0 : i32 to vector<16xi32>
      %sub3A_2381 = arith.subi %get3A_2359, %sub3A_2380 : vector<16xi32>
      %jit3A_2382 = arith.constant 5000 : i32
      %broadcast_in_dim3A_2383 = vector.broadcast %jit3A_2382 : i32 to vector<16xi32>
      %select_n3A_2384 = arith.select %and3A_2372, %sub3A_2381, %broadcast_in_dim3A_2383 : vector<16xi1>, vector<16xi32>
      %swap3A_2385 = arith.constant 32 : index
      %swap3A_2386 = tpu.vector_load %arg16[%swap3A_2385] {strides = array<i32>} : memref<64xi32, #tpu.memory_space<vmem>>, vector<16xi32>,
      %swap3A_2387 = vector.shape_cast %swap3A_2386 : vector<16xi32> to vector<16xi32>
      %swap3A_2388 = vector.shape_cast %select_n3A_2384 : vector<16xi32> to vector<16xi32>
      tpu.vector_store %arg16[%swap3A_2385], %swap3A_2388 {strides = array<i32>} : memref<64xi32, #tpu.memory_space<vmem>>, vector<16xi32>,
      %add3A_2389 = arith.constant 48 : i32
      %add3A_2390 = arith.addi %add3A_2254, %add3A_2389 : i32
      %iota3A_2391 = tpu.iota {dimensions = array<i32: 0>} : vector<16xi32>
      %add3A_2392 = vector.broadcast %add3A_2390 : i32 to vector<16xi32>
      %add3A_2393 = arith.addi %add3A_2392, %iota3A_2391 : vector<16xi32>
      %get3A_2394 = arith.constant 176 : index
      %get3A_2395 = tpu.vector_load %arg7[%get3A_2394] {strides = array<i32>} : memref<192xi32, #tpu.memory_space<vmem>>, vector<16xi32>,
      %get3A_2396 = vector.shape_cast %get3A_2395 : vector<16xi32> to vector<16xi32>
      %get3A_2397 = arith.constant 176 : index
      %get3A_2398 = tpu.vector_load %arg8[%get3A_2397] {strides = array<i32>} : memref<192xi32, #tpu.memory_space<vmem>>, vector<16xi32>,
      %get3A_2399 = vector.shape_cast %get3A_2398 : vector<16xi32> to vector<16xi32>
      %ge3A_2400 = vector.broadcast %mul3A_0 : i32 to vector<16xi32>
      %ge3A_2401 = arith.cmpi sge, %get3A_2399, %ge3A_2400 : vector<16xi32>
      %add3A_2402 = arith.constant 5000 : i32
      %add3A_2403 = arith.addi %mul3A_0, %add3A_2402 : i32
      %lt3A_2404 = vector.broadcast %add3A_2403 : i32 to vector<16xi32>
      %lt3A_2405 = arith.cmpi slt, %get3A_2399, %lt3A_2404 : vector<16xi32>
      %and3A_2406 = arith.andi %ge3A_2401, %lt3A_2405 : vector<16xi1>
      %ge3A_2407 = vector.broadcast %min3A_2260 : i32 to vector<16xi32>
      %ge3A_2408 = arith.cmpi sge, %add3A_2393, %ge3A_2407 : vector<16xi32>
      %and3A_2409 = arith.andi %and3A_2406, %ge3A_2408 : vector<16xi1>
      %lt3A_2410 = vector.broadcast %min3A_2268 : i32 to vector<16xi32>
      %lt3A_2411 = arith.cmpi slt, %add3A_2393, %lt3A_2410 : vector<16xi32>
      %and3A_2412 = arith.andi %and3A_2409, %lt3A_2411 : vector<16xi1>
      %jit3A_2413 = arith.constant -1 : i32
      %broadcast_in_dim3A_2414 = vector.broadcast %jit3A_2413 : i32 to vector<16xi32>
      %select_n3A_2415 = arith.select %and3A_2412, %get3A_2396, %broadcast_in_dim3A_2414 : vector<16xi1>, vector<16xi32>
      %swap3A_2416 = arith.constant 48 : index
      %swap3A_2417 = tpu.vector_load %arg13[%swap3A_2416] {strides = array<i32>} : memref<64xi32, #tpu.memory_space<vmem>>, vector<16xi32>,
      %swap3A_2418 = vector.shape_cast %swap3A_2417 : vector<16xi32> to vector<16xi32>
      %swap3A_2419 = vector.shape_cast %select_n3A_2415 : vector<16xi32> to vector<16xi32>
      tpu.vector_store %arg13[%swap3A_2416], %swap3A_2419 {strides = array<i32>} : memref<64xi32, #tpu.memory_space<vmem>>, vector<16xi32>,
      %sub3A_2420 = vector.broadcast %mul3A_0 : i32 to vector<16xi32>
      %sub3A_2421 = arith.subi %get3A_2399, %sub3A_2420 : vector<16xi32>
      %jit3A_2422 = arith.constant 5000 : i32
      %broadcast_in_dim3A_2423 = vector.broadcast %jit3A_2422 : i32 to vector<16xi32>
      %select_n3A_2424 = arith.select %and3A_2412, %sub3A_2421, %broadcast_in_dim3A_2423 : vector<16xi1>, vector<16xi32>
      %swap3A_2425 = arith.constant 48 : index
      %swap3A_2426 = tpu.vector_load %arg16[%swap3A_2425] {strides = array<i32>} : memref<64xi32, #tpu.memory_space<vmem>>, vector<16xi32>,
      %swap3A_2427 = vector.shape_cast %swap3A_2426 : vector<16xi32> to vector<16xi32>
      %swap3A_2428 = vector.shape_cast %select_n3A_2424 : vector<16xi32> to vector<16xi32>
      tpu.vector_store %arg16[%swap3A_2425], %swap3A_2428 {strides = array<i32>} : memref<64xi32, #tpu.memory_space<vmem>>, vector<16xi32>,
      %mul3A_2429 = arith.constant 192 : i32
      %mul3A_2430 = arith.muli %min3A_1853, %mul3A_2429 : i32
      %add3A_2431 = arith.addi %mul3A_18, %mul3A_2430 : i32
      %min3A_2432 = arith.constant 159808 : i32
      %min3A_2433 = arith.minsi %add3A_2431, %min3A_2432 : i32
      %dma_start3A_2434 = tpu.memref_slice %arg2[%min3A_2433] : memref<320000xi32, #tpu.memory_space<hbm>> -> memref<192xi32, #tpu.memory_space<hbm>>
      %dma_start3A_2435 = tpu.memref_slice %arg2[%min3A_2433] : memref<320000xi32, #tpu.memory_space<hbm>> -> memref<192xi32, #tpu.memory_space<hbm>>
      tpu.enqueue_dma source(%dma_start3A_2435 : memref<192xi32, #tpu.memory_space<hbm>>) target(%arg9 : memref<192xi32, #tpu.memory_space<vmem>>) target_semaphore(%arg25 : memref<!tpu.dma_semaphore, #tpu.memory_space<semaphore_mem>>)
      %add3A_2436 = arith.constant 160000 : i32
      %add3A_2437 = arith.addi %add3A_2436, %min3A_2433 : i32
      %dma_start3A_2438 = tpu.memref_slice %arg2[%add3A_2437] : memref<320000xi32, #tpu.memory_space<hbm>> -> memref<192xi32, #tpu.memory_space<hbm>>
      %dma_start3A_2439 = tpu.memref_slice %arg2[%add3A_2437] : memref<320000xi32, #tpu.memory_space<hbm>> -> memref<192xi32, #tpu.memory_space<hbm>>
      tpu.enqueue_dma source(%dma_start3A_2439 : memref<192xi32, #tpu.memory_space<hbm>>) target(%arg10 : memref<192xi32, #tpu.memory_space<vmem>>) target_semaphore(%arg25 : memref<!tpu.dma_semaphore, #tpu.memory_space<semaphore_mem>>)
      %dma_wait3A_2440 = arith.constant 0 : i32
      %dma_wait3A_2441 = arith.constant 0 : i32
      %dma_wait3A_2442 = tpu.memref_slice %arg23[%dma_wait3A_2440, %dma_wait3A_2441] : memref<5008x256xf32, #tpu.memory_space<vmem_shared>> -> memref<5008x256xf32, #tpu.memory_space<vmem_shared>>
      tpu.wait_indirect_dma semaphore(%arg29 : memref<!tpu.dma_semaphore, #tpu.memory_space<semaphore_mem>>) src(%arg20 : memref<64x256xf32, #tpu.memory_space<vmem>>) dst(%dma_wait3A_2442 : memref<5008x256xf32, #tpu.memory_space<vmem_shared>>)
      %dma_start3A_2443 = arith.constant 0 : i32
      %dma_start3A_2444 = arith.constant 0 : i32
      %dma_start3A_2445 = tpu.memref_slice %arg4[%dma_start3A_2443, %dma_start3A_2444] : memref<10000x256xf32, #tpu.memory_space<hbm>> -> memref<10000x256xf32, #tpu.memory_space<hbm>>
      %dma_start3A_2446 = arith.constant -1 : i32
      tpu.enqueue_indirect_dma source(%dma_start3A_2445 : memref<10000x256xf32, #tpu.memory_space<hbm>>) target(%arg20 : memref<64x256xf32, #tpu.memory_space<vmem>>) offsets(%arg11 : memref<64xi32, #tpu.memory_space<vmem>>) offset_filter(%dma_start3A_2446) semaphore(%arg26 : memref<!tpu.dma_semaphore, #tpu.memory_space<semaphore_mem>>)
      %dma_wait3A_2447 = arith.constant 0 : i32
      %dma_wait3A_2448 = arith.constant 0 : i32
      %dma_wait3A_2449 = tpu.memref_slice %arg23[%dma_wait3A_2447, %dma_wait3A_2448] : memref<5008x256xf32, #tpu.memory_space<vmem_shared>> -> memref<5008x256xf32, #tpu.memory_space<vmem_shared>>
      tpu.wait_indirect_dma semaphore(%arg30 : memref<!tpu.dma_semaphore, #tpu.memory_space<semaphore_mem>>) src(%arg21 : memref<64x256xf32, #tpu.memory_space<vmem>>) dst(%dma_wait3A_2449 : memref<5008x256xf32, #tpu.memory_space<vmem_shared>>)
      %dma_start3A_2450 = arith.constant 0 : i32
      %dma_start3A_2451 = arith.constant 0 : i32
      %dma_start3A_2452 = tpu.memref_slice %arg4[%dma_start3A_2450, %dma_start3A_2451] : memref<10000x256xf32, #tpu.memory_space<hbm>> -> memref<10000x256xf32, #tpu.memory_space<hbm>>
      %dma_start3A_2453 = arith.constant -1 : i32
      tpu.enqueue_indirect_dma source(%dma_start3A_2452 : memref<10000x256xf32, #tpu.memory_space<hbm>>) target(%arg21 : memref<64x256xf32, #tpu.memory_space<vmem>>) offsets(%arg12 : memref<64xi32, #tpu.memory_space<vmem>>) offset_filter(%dma_start3A_2453) semaphore(%arg27 : memref<!tpu.dma_semaphore, #tpu.memory_space<semaphore_mem>>)
      %dma_wait3A_2454 = arith.constant 0 : i32
      %dma_wait3A_2455 = arith.constant 0 : i32
      %dma_wait3A_2456 = tpu.memref_slice %arg23[%dma_wait3A_2454, %dma_wait3A_2455] : memref<5008x256xf32, #tpu.memory_space<vmem_shared>> -> memref<5008x256xf32, #tpu.memory_space<vmem_shared>>
      tpu.wait_indirect_dma semaphore(%arg31 : memref<!tpu.dma_semaphore, #tpu.memory_space<semaphore_mem>>) src(%arg22 : memref<64x256xf32, #tpu.memory_space<vmem>>) dst(%dma_wait3A_2456 : memref<5008x256xf32, #tpu.memory_space<vmem_shared>>)
      %dma_start3A_2457 = arith.constant 0 : i32
      %dma_start3A_2458 = arith.constant 0 : i32
      %dma_start3A_2459 = tpu.memref_slice %arg4[%dma_start3A_2457, %dma_start3A_2458] : memref<10000x256xf32, #tpu.memory_space<hbm>> -> memref<10000x256xf32, #tpu.memory_space<hbm>>
      %dma_start3A_2460 = arith.constant -1 : i32
      tpu.enqueue_indirect_dma source(%dma_start3A_2459 : memref<10000x256xf32, #tpu.memory_space<hbm>>) target(%arg22 : memref<64x256xf32, #tpu.memory_space<vmem>>) offsets(%arg13 : memref<64xi32, #tpu.memory_space<vmem>>) offset_filter(%dma_start3A_2460) semaphore(%arg28 : memref<!tpu.dma_semaphore, #tpu.memory_space<semaphore_mem>>)
      %scan3A_2461 = arith.constant 0 : i32
      scf.yield %scan3A_2461 : i32
    }
    %scan3A_582 = arith.constant 27 : i32
    %dma_wait3A_583 = arith.constant 0 : i32
    %dma_wait3A_584 = arith.constant 0 : i32
    %dma_wait3A_585 = tpu.memref_slice %arg4[%dma_wait3A_583, %dma_wait3A_584] : memref<10000x256xf32, #tpu.memory_space<hbm>> -> memref<10000x256xf32, #tpu.memory_space<hbm>>
    tpu.wait_indirect_dma semaphore(%arg26 : memref<!tpu.dma_semaphore, #tpu.memory_space<semaphore_mem>>) src(%dma_wait3A_585 : memref<10000x256xf32, #tpu.memory_space<hbm>>) dst(%arg20 : memref<64x256xf32, #tpu.memory_space<vmem>>)
    %dma_wait3A_586 = arith.constant 0 : i32
    %dma_wait3A_587 = arith.constant 0 : i32
    %dma_wait3A_588 = tpu.memref_slice %arg4[%dma_wait3A_586, %dma_wait3A_587] : memref<10000x256xf32, #tpu.memory_space<hbm>> -> memref<10000x256xf32, #tpu.memory_space<hbm>>
    tpu.wait_indirect_dma semaphore(%arg27 : memref<!tpu.dma_semaphore, #tpu.memory_space<semaphore_mem>>) src(%dma_wait3A_588 : memref<10000x256xf32, #tpu.memory_space<hbm>>) dst(%arg21 : memref<64x256xf32, #tpu.memory_space<vmem>>)
    %dma_wait3A_589 = arith.constant 0 : i32
    %dma_wait3A_590 = arith.constant 0 : i32
    %dma_wait3A_591 = tpu.memref_slice %arg4[%dma_wait3A_589, %dma_wait3A_590] : memref<10000x256xf32, #tpu.memory_space<hbm>> -> memref<10000x256xf32, #tpu.memory_space<hbm>>
    tpu.wait_indirect_dma semaphore(%arg28 : memref<!tpu.dma_semaphore, #tpu.memory_space<semaphore_mem>>) src(%dma_wait3A_591 : memref<10000x256xf32, #tpu.memory_space<hbm>>) dst(%arg22 : memref<64x256xf32, #tpu.memory_space<vmem>>)
    %add3A_592 = arith.constant 10176 : i32
    %add3A_593 = arith.addi %mul3A_18, %add3A_592 : i32
    %min3A_594 = arith.constant 159808 : i32
    %min3A_595 = arith.minsi %add3A_593, %min3A_594 : i32
    %dma_wait3A_596 = tpu.memref_slice %arg2[%min3A_595] : memref<320000xi32, #tpu.memory_space<hbm>> -> memref<192xi32, #tpu.memory_space<hbm>>
    %dma_wait3A_597 = tpu.memref_slice %arg2[%min3A_595] : memref<320000xi32, #tpu.memory_space<hbm>> -> memref<192xi32, #tpu.memory_space<hbm>>
    tpu.wait_dma2 semaphore(%arg25 : memref<!tpu.dma_semaphore, #tpu.memory_space<semaphore_mem>>) src(%dma_wait3A_597 : memref<192xi32, #tpu.memory_space<hbm>>) dst(%arg9 : memref<192xi32, #tpu.memory_space<vmem>>)
    %add3A_598 = arith.constant 160000 : i32
    %add3A_599 = arith.addi %add3A_598, %min3A_595 : i32
    %dma_wait3A_600 = tpu.memref_slice %arg2[%add3A_599] : memref<320000xi32, #tpu.memory_space<hbm>> -> memref<192xi32, #tpu.memory_space<hbm>>
    %dma_wait3A_601 = tpu.memref_slice %arg2[%add3A_599] : memref<320000xi32, #tpu.memory_space<hbm>> -> memref<192xi32, #tpu.memory_space<hbm>>
    tpu.wait_dma2 semaphore(%arg25 : memref<!tpu.dma_semaphore, #tpu.memory_space<semaphore_mem>>) src(%dma_wait3A_601 : memref<192xi32, #tpu.memory_space<hbm>>) dst(%arg10 : memref<192xi32, #tpu.memory_space<vmem>>)
    %add3A_602 = arith.constant 0 : i32
    %add3A_603 = arith.addi %mul3A_18, %add3A_602 : i32
    %min3A_604 = arith.constant 159808 : i32
    %min3A_605 = arith.minsi %add3A_603, %min3A_604 : i32
    %dma_start3A_606 = tpu.memref_slice %arg3[%min3A_605] : memref<320000xi32, #tpu.memory_space<hbm>> -> memref<192xi32, #tpu.memory_space<hbm>>
    %dma_start3A_607 = tpu.memref_slice %arg3[%min3A_605] : memref<320000xi32, #tpu.memory_space<hbm>> -> memref<192xi32, #tpu.memory_space<hbm>>
    tpu.enqueue_dma source(%dma_start3A_607 : memref<192xi32, #tpu.memory_space<hbm>>) target(%arg7 : memref<192xi32, #tpu.memory_space<vmem>>) target_semaphore(%arg24 : memref<!tpu.dma_semaphore, #tpu.memory_space<semaphore_mem>>)
    %add3A_608 = arith.constant 160000 : i32
    %add3A_609 = arith.addi %add3A_608, %min3A_605 : i32
    %dma_start3A_610 = tpu.memref_slice %arg3[%add3A_609] : memref<320000xi32, #tpu.memory_space<hbm>> -> memref<192xi32, #tpu.memory_space<hbm>>
    %dma_start3A_611 = tpu.memref_slice %arg3[%add3A_609] : memref<320000xi32, #tpu.memory_space<hbm>> -> memref<192xi32, #tpu.memory_space<hbm>>
    tpu.enqueue_dma source(%dma_start3A_611 : memref<192xi32, #tpu.memory_space<hbm>>) target(%arg8 : memref<192xi32, #tpu.memory_space<vmem>>) target_semaphore(%arg24 : memref<!tpu.dma_semaphore, #tpu.memory_space<semaphore_mem>>)
    %add3A_612 = arith.constant 192 : i32
    %add3A_613 = arith.addi %mul3A_18, %add3A_612 : i32
    %min3A_614 = arith.constant 159808 : i32
    %min3A_615 = arith.minsi %add3A_613, %min3A_614 : i32
    %dma_start3A_616 = tpu.memref_slice %arg3[%min3A_615] : memref<320000xi32, #tpu.memory_space<hbm>> -> memref<192xi32, #tpu.memory_space<hbm>>
    %dma_start3A_617 = tpu.memref_slice %arg3[%min3A_615] : memref<320000xi32, #tpu.memory_space<hbm>> -> memref<192xi32, #tpu.memory_space<hbm>>
    tpu.enqueue_dma source(%dma_start3A_617 : memref<192xi32, #tpu.memory_space<hbm>>) target(%arg9 : memref<192xi32, #tpu.memory_space<vmem>>) target_semaphore(%arg25 : memref<!tpu.dma_semaphore, #tpu.memory_space<semaphore_mem>>)
    %add3A_618 = arith.constant 160000 : i32
    %add3A_619 = arith.addi %add3A_618, %min3A_615 : i32
    %dma_start3A_620 = tpu.memref_slice %arg3[%add3A_619] : memref<320000xi32, #tpu.memory_space<hbm>> -> memref<192xi32, #tpu.memory_space<hbm>>
    %dma_start3A_621 = tpu.memref_slice %arg3[%add3A_619] : memref<320000xi32, #tpu.memory_space<hbm>> -> memref<192xi32, #tpu.memory_space<hbm>>
    tpu.enqueue_dma source(%dma_start3A_621 : memref<192xi32, #tpu.memory_space<hbm>>) target(%arg10 : memref<192xi32, #tpu.memory_space<vmem>>) target_semaphore(%arg25 : memref<!tpu.dma_semaphore, #tpu.memory_space<semaphore_mem>>)
    %add3A_622 = arith.constant 0 : i32
    %add3A_623 = arith.addi %mul3A_18, %add3A_622 : i32
    %min3A_624 = arith.constant 159808 : i32
    %min3A_625 = arith.minsi %add3A_623, %min3A_624 : i32
    %dma_wait3A_626 = tpu.memref_slice %arg3[%min3A_625] : memref<320000xi32, #tpu.memory_space<hbm>> -> memref<192xi32, #tpu.memory_space<hbm>>
    %dma_wait3A_627 = tpu.memref_slice %arg3[%min3A_625] : memref<320000xi32, #tpu.memory_space<hbm>> -> memref<192xi32, #tpu.memory_space<hbm>>
    tpu.wait_dma2 semaphore(%arg24 : memref<!tpu.dma_semaphore, #tpu.memory_space<semaphore_mem>>) src(%dma_wait3A_627 : memref<192xi32, #tpu.memory_space<hbm>>) dst(%arg7 : memref<192xi32, #tpu.memory_space<vmem>>)
    %add3A_628 = arith.constant 160000 : i32
    %add3A_629 = arith.addi %add3A_628, %min3A_625 : i32
    %dma_wait3A_630 = tpu.memref_slice %arg3[%add3A_629] : memref<320000xi32, #tpu.memory_space<hbm>> -> memref<192xi32, #tpu.memory_space<hbm>>
    %dma_wait3A_631 = tpu.memref_slice %arg3[%add3A_629] : memref<320000xi32, #tpu.memory_space<hbm>> -> memref<192xi32, #tpu.memory_space<hbm>>
    tpu.wait_dma2 semaphore(%arg24 : memref<!tpu.dma_semaphore, #tpu.memory_space<semaphore_mem>>) src(%dma_wait3A_631 : memref<192xi32, #tpu.memory_space<hbm>>) dst(%arg8 : memref<192xi32, #tpu.memory_space<vmem>>)
    %add3A_632 = arith.constant 0 : i32
    %add3A_633 = arith.addi %mul3A_18, %add3A_632 : i32
    %min3A_634 = arith.constant 159808 : i32
    %min3A_635 = arith.minsi %add3A_633, %min3A_634 : i32
    %add3A_636 = arith.constant 0 : i32
    %add3A_637 = arith.addi %min3A_635, %add3A_636 : i32
    %add3A_638 = arith.constant 0 : i32
    %add3A_639 = arith.addi %mul3A_18, %add3A_638 : i32
    %add3A_640 = arith.constant 10000 : i32
    %add3A_641 = arith.addi %mul3A_18, %add3A_640 : i32
    %min3A_642 = arith.minsi %add3A_639, %add3A_641 : i32
    %add3A_643 = arith.constant 192 : i32
    %add3A_644 = arith.addi %mul3A_18, %add3A_643 : i32
    %add3A_645 = arith.constant 10000 : i32
    %add3A_646 = arith.addi %mul3A_18, %add3A_645 : i32
    %min3A_647 = arith.minsi %add3A_644, %add3A_646 : i32
    %add3A_648 = arith.constant 0 : i32
    %add3A_649 = arith.addi %add3A_637, %add3A_648 : i32
    %iota3A_650 = tpu.iota {dimensions = array<i32: 0>} : vector<16xi32>
    %add3A_651 = vector.broadcast %add3A_649 : i32 to vector<16xi32>
    %add3A_652 = arith.addi %add3A_651, %iota3A_650 : vector<16xi32>
    %get3A_653 = arith.constant 0 : index
    %get3A_654 = tpu.vector_load %arg7[%get3A_653] {strides = array<i32>} : memref<192xi32, #tpu.memory_space<vmem>>, vector<16xi32>,
    %get3A_655 = vector.shape_cast %get3A_654 : vector<16xi32> to vector<16xi32>
    %get3A_656 = arith.constant 0 : index
    %get3A_657 = tpu.vector_load %arg8[%get3A_656] {strides = array<i32>} : memref<192xi32, #tpu.memory_space<vmem>>, vector<16xi32>,
    %get3A_658 = vector.shape_cast %get3A_657 : vector<16xi32> to vector<16xi32>
    %ge3A_659 = vector.broadcast %mul3A_0 : i32 to vector<16xi32>
    %ge3A_660 = arith.cmpi sge, %get3A_658, %ge3A_659 : vector<16xi32>
    %add3A_661 = arith.constant 5000 : i32
    %add3A_662 = arith.addi %mul3A_0, %add3A_661 : i32
    %lt3A_663 = vector.broadcast %add3A_662 : i32 to vector<16xi32>
    %lt3A_664 = arith.cmpi slt, %get3A_658, %lt3A_663 : vector<16xi32>
    %and3A_665 = arith.andi %ge3A_660, %lt3A_664 : vector<16xi1>
    %ge3A_666 = vector.broadcast %min3A_642 : i32 to vector<16xi32>
    %ge3A_667 = arith.cmpi sge, %add3A_652, %ge3A_666 : vector<16xi32>
    %and3A_668 = arith.andi %and3A_665, %ge3A_667 : vector<16xi1>
    %lt3A_669 = vector.broadcast %min3A_647 : i32 to vector<16xi32>
    %lt3A_670 = arith.cmpi slt, %add3A_652, %lt3A_669 : vector<16xi32>
    %and3A_671 = arith.andi %and3A_668, %lt3A_670 : vector<16xi1>
    %jit3A_672 = arith.constant -1 : i32
    %broadcast_in_dim3A_673 = vector.broadcast %jit3A_672 : i32 to vector<16xi32>
    %select_n3A_674 = arith.select %and3A_671, %get3A_655, %broadcast_in_dim3A_673 : vector<16xi1>, vector<16xi32>
    %swap3A_675 = arith.constant 0 : index
    %swap3A_676 = tpu.vector_load %arg11[%swap3A_675] {strides = array<i32>} : memref<64xi32, #tpu.memory_space<vmem>>, vector<16xi32>,
    %swap3A_677 = vector.shape_cast %swap3A_676 : vector<16xi32> to vector<16xi32>
    %swap3A_678 = vector.shape_cast %select_n3A_674 : vector<16xi32> to vector<16xi32>
    tpu.vector_store %arg11[%swap3A_675], %swap3A_678 {strides = array<i32>} : memref<64xi32, #tpu.memory_space<vmem>>, vector<16xi32>,
    %sub3A_679 = vector.broadcast %mul3A_0 : i32 to vector<16xi32>
    %sub3A_680 = arith.subi %get3A_658, %sub3A_679 : vector<16xi32>
    %jit3A_681 = arith.constant 5000 : i32
    %broadcast_in_dim3A_682 = vector.broadcast %jit3A_681 : i32 to vector<16xi32>
    %select_n3A_683 = arith.select %and3A_671, %sub3A_680, %broadcast_in_dim3A_682 : vector<16xi1>, vector<16xi32>
    %swap3A_684 = arith.constant 0 : index
    %swap3A_685 = tpu.vector_load %arg14[%swap3A_684] {strides = array<i32>} : memref<64xi32, #tpu.memory_space<vmem>>, vector<16xi32>,
    %swap3A_686 = vector.shape_cast %swap3A_685 : vector<16xi32> to vector<16xi32>
    %swap3A_687 = vector.shape_cast %select_n3A_683 : vector<16xi32> to vector<16xi32>
    tpu.vector_store %arg14[%swap3A_684], %swap3A_687 {strides = array<i32>} : memref<64xi32, #tpu.memory_space<vmem>>, vector<16xi32>,
    %add3A_688 = arith.constant 16 : i32
    %add3A_689 = arith.addi %add3A_637, %add3A_688 : i32
    %iota3A_690 = tpu.iota {dimensions = array<i32: 0>} : vector<16xi32>
    %add3A_691 = vector.broadcast %add3A_689 : i32 to vector<16xi32>
    %add3A_692 = arith.addi %add3A_691, %iota3A_690 : vector<16xi32>
    %get3A_693 = arith.constant 16 : index
    %get3A_694 = tpu.vector_load %arg7[%get3A_693] {strides = array<i32>} : memref<192xi32, #tpu.memory_space<vmem>>, vector<16xi32>,
    %get3A_695 = vector.shape_cast %get3A_694 : vector<16xi32> to vector<16xi32>
    %get3A_696 = arith.constant 16 : index
    %get3A_697 = tpu.vector_load %arg8[%get3A_696] {strides = array<i32>} : memref<192xi32, #tpu.memory_space<vmem>>, vector<16xi32>,
    %get3A_698 = vector.shape_cast %get3A_697 : vector<16xi32> to vector<16xi32>
    %ge3A_699 = vector.broadcast %mul3A_0 : i32 to vector<16xi32>
    %ge3A_700 = arith.cmpi sge, %get3A_698, %ge3A_699 : vector<16xi32>
    %add3A_701 = arith.constant 5000 : i32
    %add3A_702 = arith.addi %mul3A_0, %add3A_701 : i32
    %lt3A_703 = vector.broadcast %add3A_702 : i32 to vector<16xi32>
    %lt3A_704 = arith.cmpi slt, %get3A_698, %lt3A_703 : vector<16xi32>
    %and3A_705 = arith.andi %ge3A_700, %lt3A_704 : vector<16xi1>
    %ge3A_706 = vector.broadcast %min3A_642 : i32 to vector<16xi32>
    %ge3A_707 = arith.cmpi sge, %add3A_692, %ge3A_706 : vector<16xi32>
    %and3A_708 = arith.andi %and3A_705, %ge3A_707 : vector<16xi1>
    %lt3A_709 = vector.broadcast %min3A_647 : i32 to vector<16xi32>
    %lt3A_710 = arith.cmpi slt, %add3A_692, %lt3A_709 : vector<16xi32>
    %and3A_711 = arith.andi %and3A_708, %lt3A_710 : vector<16xi1>
    %jit3A_712 = arith.constant -1 : i32
    %broadcast_in_dim3A_713 = vector.broadcast %jit3A_712 : i32 to vector<16xi32>
    %select_n3A_714 = arith.select %and3A_711, %get3A_695, %broadcast_in_dim3A_713 : vector<16xi1>, vector<16xi32>
    %swap3A_715 = arith.constant 16 : index
    %swap3A_716 = tpu.vector_load %arg11[%swap3A_715] {strides = array<i32>} : memref<64xi32, #tpu.memory_space<vmem>>, vector<16xi32>,
    %swap3A_717 = vector.shape_cast %swap3A_716 : vector<16xi32> to vector<16xi32>
    %swap3A_718 = vector.shape_cast %select_n3A_714 : vector<16xi32> to vector<16xi32>
    tpu.vector_store %arg11[%swap3A_715], %swap3A_718 {strides = array<i32>} : memref<64xi32, #tpu.memory_space<vmem>>, vector<16xi32>,
    %sub3A_719 = vector.broadcast %mul3A_0 : i32 to vector<16xi32>
    %sub3A_720 = arith.subi %get3A_698, %sub3A_719 : vector<16xi32>
    %jit3A_721 = arith.constant 5000 : i32
    %broadcast_in_dim3A_722 = vector.broadcast %jit3A_721 : i32 to vector<16xi32>
    %select_n3A_723 = arith.select %and3A_711, %sub3A_720, %broadcast_in_dim3A_722 : vector<16xi1>, vector<16xi32>
    %swap3A_724 = arith.constant 16 : index
    %swap3A_725 = tpu.vector_load %arg14[%swap3A_724] {strides = array<i32>} : memref<64xi32, #tpu.memory_space<vmem>>, vector<16xi32>,
    %swap3A_726 = vector.shape_cast %swap3A_725 : vector<16xi32> to vector<16xi32>
    %swap3A_727 = vector.shape_cast %select_n3A_723 : vector<16xi32> to vector<16xi32>
    tpu.vector_store %arg14[%swap3A_724], %swap3A_727 {strides = array<i32>} : memref<64xi32, #tpu.memory_space<vmem>>, vector<16xi32>,
    %add3A_728 = arith.constant 32 : i32
    %add3A_729 = arith.addi %add3A_637, %add3A_728 : i32
    %iota3A_730 = tpu.iota {dimensions = array<i32: 0>} : vector<16xi32>
    %add3A_731 = vector.broadcast %add3A_729 : i32 to vector<16xi32>
    %add3A_732 = arith.addi %add3A_731, %iota3A_730 : vector<16xi32>
    %get3A_733 = arith.constant 32 : index
    %get3A_734 = tpu.vector_load %arg7[%get3A_733] {strides = array<i32>} : memref<192xi32, #tpu.memory_space<vmem>>, vector<16xi32>,
    %get3A_735 = vector.shape_cast %get3A_734 : vector<16xi32> to vector<16xi32>
    %get3A_736 = arith.constant 32 : index
    %get3A_737 = tpu.vector_load %arg8[%get3A_736] {strides = array<i32>} : memref<192xi32, #tpu.memory_space<vmem>>, vector<16xi32>,
    %get3A_738 = vector.shape_cast %get3A_737 : vector<16xi32> to vector<16xi32>
    %ge3A_739 = vector.broadcast %mul3A_0 : i32 to vector<16xi32>
    %ge3A_740 = arith.cmpi sge, %get3A_738, %ge3A_739 : vector<16xi32>
    %add3A_741 = arith.constant 5000 : i32
    %add3A_742 = arith.addi %mul3A_0, %add3A_741 : i32
    %lt3A_743 = vector.broadcast %add3A_742 : i32 to vector<16xi32>
    %lt3A_744 = arith.cmpi slt, %get3A_738, %lt3A_743 : vector<16xi32>
    %and3A_745 = arith.andi %ge3A_740, %lt3A_744 : vector<16xi1>
    %ge3A_746 = vector.broadcast %min3A_642 : i32 to vector<16xi32>
    %ge3A_747 = arith.cmpi sge, %add3A_732, %ge3A_746 : vector<16xi32>
    %and3A_748 = arith.andi %and3A_745, %ge3A_747 : vector<16xi1>
    %lt3A_749 = vector.broadcast %min3A_647 : i32 to vector<16xi32>
    %lt3A_750 = arith.cmpi slt, %add3A_732, %lt3A_749 : vector<16xi32>
    %and3A_751 = arith.andi %and3A_748, %lt3A_750 : vector<16xi1>
    %jit3A_752 = arith.constant -1 : i32
    %broadcast_in_dim3A_753 = vector.broadcast %jit3A_752 : i32 to vector<16xi32>
    %select_n3A_754 = arith.select %and3A_751, %get3A_735, %broadcast_in_dim3A_753 : vector<16xi1>, vector<16xi32>
    %swap3A_755 = arith.constant 32 : index
    %swap3A_756 = tpu.vector_load %arg11[%swap3A_755] {strides = array<i32>} : memref<64xi32, #tpu.memory_space<vmem>>, vector<16xi32>,
    %swap3A_757 = vector.shape_cast %swap3A_756 : vector<16xi32> to vector<16xi32>
    %swap3A_758 = vector.shape_cast %select_n3A_754 : vector<16xi32> to vector<16xi32>
    tpu.vector_store %arg11[%swap3A_755], %swap3A_758 {strides = array<i32>} : memref<64xi32, #tpu.memory_space<vmem>>, vector<16xi32>,
    %sub3A_759 = vector.broadcast %mul3A_0 : i32 to vector<16xi32>
    %sub3A_760 = arith.subi %get3A_738, %sub3A_759 : vector<16xi32>
    %jit3A_761 = arith.constant 5000 : i32
    %broadcast_in_dim3A_762 = vector.broadcast %jit3A_761 : i32 to vector<16xi32>
    %select_n3A_763 = arith.select %and3A_751, %sub3A_760, %broadcast_in_dim3A_762 : vector<16xi1>, vector<16xi32>
    %swap3A_764 = arith.constant 32 : index
    %swap3A_765 = tpu.vector_load %arg14[%swap3A_764] {strides = array<i32>} : memref<64xi32, #tpu.memory_space<vmem>>, vector<16xi32>,
    %swap3A_766 = vector.shape_cast %swap3A_765 : vector<16xi32> to vector<16xi32>
    %swap3A_767 = vector.shape_cast %select_n3A_763 : vector<16xi32> to vector<16xi32>
    tpu.vector_store %arg14[%swap3A_764], %swap3A_767 {strides = array<i32>} : memref<64xi32, #tpu.memory_space<vmem>>, vector<16xi32>,
    %add3A_768 = arith.constant 48 : i32
    %add3A_769 = arith.addi %add3A_637, %add3A_768 : i32
    %iota3A_770 = tpu.iota {dimensions = array<i32: 0>} : vector<16xi32>
    %add3A_771 = vector.broadcast %add3A_769 : i32 to vector<16xi32>
    %add3A_772 = arith.addi %add3A_771, %iota3A_770 : vector<16xi32>
    %get3A_773 = arith.constant 48 : index
    %get3A_774 = tpu.vector_load %arg7[%get3A_773] {strides = array<i32>} : memref<192xi32, #tpu.memory_space<vmem>>, vector<16xi32>,
    %get3A_775 = vector.shape_cast %get3A_774 : vector<16xi32> to vector<16xi32>
    %get3A_776 = arith.constant 48 : index
    %get3A_777 = tpu.vector_load %arg8[%get3A_776] {strides = array<i32>} : memref<192xi32, #tpu.memory_space<vmem>>, vector<16xi32>,
    %get3A_778 = vector.shape_cast %get3A_777 : vector<16xi32> to vector<16xi32>
    %ge3A_779 = vector.broadcast %mul3A_0 : i32 to vector<16xi32>
    %ge3A_780 = arith.cmpi sge, %get3A_778, %ge3A_779 : vector<16xi32>
    %add3A_781 = arith.constant 5000 : i32
    %add3A_782 = arith.addi %mul3A_0, %add3A_781 : i32
    %lt3A_783 = vector.broadcast %add3A_782 : i32 to vector<16xi32>
    %lt3A_784 = arith.cmpi slt, %get3A_778, %lt3A_783 : vector<16xi32>
    %and3A_785 = arith.andi %ge3A_780, %lt3A_784 : vector<16xi1>
    %ge3A_786 = vector.broadcast %min3A_642 : i32 to vector<16xi32>
    %ge3A_787 = arith.cmpi sge, %add3A_772, %ge3A_786 : vector<16xi32>
    %and3A_788 = arith.andi %and3A_785, %ge3A_787 : vector<16xi1>
    %lt3A_789 = vector.broadcast %min3A_647 : i32 to vector<16xi32>
    %lt3A_790 = arith.cmpi slt, %add3A_772, %lt3A_789 : vector<16xi32>
    %and3A_791 = arith.andi %and3A_788, %lt3A_790 : vector<16xi1>
    %jit3A_792 = arith.constant -1 : i32
    %broadcast_in_dim3A_793 = vector.broadcast %jit3A_792 : i32 to vector<16xi32>
    %select_n3A_794 = arith.select %and3A_791, %get3A_775, %broadcast_in_dim3A_793 : vector<16xi1>, vector<16xi32>
    %swap3A_795 = arith.constant 48 : index
    %swap3A_796 = tpu.vector_load %arg11[%swap3A_795] {strides = array<i32>} : memref<64xi32, #tpu.memory_space<vmem>>, vector<16xi32>,
    %swap3A_797 = vector.shape_cast %swap3A_796 : vector<16xi32> to vector<16xi32>
    %swap3A_798 = vector.shape_cast %select_n3A_794 : vector<16xi32> to vector<16xi32>
    tpu.vector_store %arg11[%swap3A_795], %swap3A_798 {strides = array<i32>} : memref<64xi32, #tpu.memory_space<vmem>>, vector<16xi32>,
    %sub3A_799 = vector.broadcast %mul3A_0 : i32 to vector<16xi32>
    %sub3A_800 = arith.subi %get3A_778, %sub3A_799 : vector<16xi32>
    %jit3A_801 = arith.constant 5000 : i32
    %broadcast_in_dim3A_802 = vector.broadcast %jit3A_801 : i32 to vector<16xi32>
    %select_n3A_803 = arith.select %and3A_791, %sub3A_800, %broadcast_in_dim3A_802 : vector<16xi1>, vector<16xi32>
    %swap3A_804 = arith.constant 48 : index
    %swap3A_805 = tpu.vector_load %arg14[%swap3A_804] {strides = array<i32>} : memref<64xi32, #tpu.memory_space<vmem>>, vector<16xi32>,
    %swap3A_806 = vector.shape_cast %swap3A_805 : vector<16xi32> to vector<16xi32>
    %swap3A_807 = vector.shape_cast %select_n3A_803 : vector<16xi32> to vector<16xi32>
    tpu.vector_store %arg14[%swap3A_804], %swap3A_807 {strides = array<i32>} : memref<64xi32, #tpu.memory_space<vmem>>, vector<16xi32>,
    %dma_start3A_808 = arith.constant 0 : i32
    %dma_start3A_809 = arith.constant 0 : i32
    %dma_start3A_810 = tpu.memref_slice %arg5[%dma_start3A_808, %dma_start3A_809] : memref<10000x256xf32, #tpu.memory_space<hbm>> -> memref<10000x256xf32, #tpu.memory_space<hbm>>
    %dma_start3A_811 = arith.constant -1 : i32
    tpu.enqueue_indirect_dma source(%dma_start3A_810 : memref<10000x256xf32, #tpu.memory_space<hbm>>) target(%arg20 : memref<64x256xf32, #tpu.memory_space<vmem>>) offsets(%arg11 : memref<64xi32, #tpu.memory_space<vmem>>) offset_filter(%dma_start3A_811) semaphore(%arg26 : memref<!tpu.dma_semaphore, #tpu.memory_space<semaphore_mem>>)
    %add3A_812 = arith.constant 0 : i32
    %add3A_813 = arith.addi %mul3A_18, %add3A_812 : i32
    %min3A_814 = arith.constant 159808 : i32
    %min3A_815 = arith.minsi %add3A_813, %min3A_814 : i32
    %add3A_816 = arith.constant 64 : i32
    %add3A_817 = arith.addi %min3A_815, %add3A_816 : i32
    %add3A_818 = arith.constant 0 : i32
    %add3A_819 = arith.addi %mul3A_18, %add3A_818 : i32
    %add3A_820 = arith.constant 10000 : i32
    %add3A_821 = arith.addi %mul3A_18, %add3A_820 : i32
    %min3A_822 = arith.minsi %add3A_819, %add3A_821 : i32
    %add3A_823 = arith.constant 192 : i32
    %add3A_824 = arith.addi %mul3A_18, %add3A_823 : i32
    %add3A_825 = arith.constant 10000 : i32
    %add3A_826 = arith.addi %mul3A_18, %add3A_825 : i32
    %min3A_827 = arith.minsi %add3A_824, %add3A_826 : i32
    %add3A_828 = arith.constant 0 : i32
    %add3A_829 = arith.addi %add3A_817, %add3A_828 : i32
    %iota3A_830 = tpu.iota {dimensions = array<i32: 0>} : vector<16xi32>
    %add3A_831 = vector.broadcast %add3A_829 : i32 to vector<16xi32>
    %add3A_832 = arith.addi %add3A_831, %iota3A_830 : vector<16xi32>
    %get3A_833 = arith.constant 64 : index
    %get3A_834 = tpu.vector_load %arg7[%get3A_833] {strides = array<i32>} : memref<192xi32, #tpu.memory_space<vmem>>, vector<16xi32>,
    %get3A_835 = vector.shape_cast %get3A_834 : vector<16xi32> to vector<16xi32>
    %get3A_836 = arith.constant 64 : index
    %get3A_837 = tpu.vector_load %arg8[%get3A_836] {strides = array<i32>} : memref<192xi32, #tpu.memory_space<vmem>>, vector<16xi32>,
    %get3A_838 = vector.shape_cast %get3A_837 : vector<16xi32> to vector<16xi32>
    %ge3A_839 = vector.broadcast %mul3A_0 : i32 to vector<16xi32>
    %ge3A_840 = arith.cmpi sge, %get3A_838, %ge3A_839 : vector<16xi32>
    %add3A_841 = arith.constant 5000 : i32
    %add3A_842 = arith.addi %mul3A_0, %add3A_841 : i32
    %lt3A_843 = vector.broadcast %add3A_842 : i32 to vector<16xi32>
    %lt3A_844 = arith.cmpi slt, %get3A_838, %lt3A_843 : vector<16xi32>
    %and3A_845 = arith.andi %ge3A_840, %lt3A_844 : vector<16xi1>
    %ge3A_846 = vector.broadcast %min3A_822 : i32 to vector<16xi32>
    %ge3A_847 = arith.cmpi sge, %add3A_832, %ge3A_846 : vector<16xi32>
    %and3A_848 = arith.andi %and3A_845, %ge3A_847 : vector<16xi1>
    %lt3A_849 = vector.broadcast %min3A_827 : i32 to vector<16xi32>
    %lt3A_850 = arith.cmpi slt, %add3A_832, %lt3A_849 : vector<16xi32>
    %and3A_851 = arith.andi %and3A_848, %lt3A_850 : vector<16xi1>
    %jit3A_852 = arith.constant -1 : i32
    %broadcast_in_dim3A_853 = vector.broadcast %jit3A_852 : i32 to vector<16xi32>
    %select_n3A_854 = arith.select %and3A_851, %get3A_835, %broadcast_in_dim3A_853 : vector<16xi1>, vector<16xi32>
    %swap3A_855 = arith.constant 0 : index
    %swap3A_856 = tpu.vector_load %arg12[%swap3A_855] {strides = array<i32>} : memref<64xi32, #tpu.memory_space<vmem>>, vector<16xi32>,
    %swap3A_857 = vector.shape_cast %swap3A_856 : vector<16xi32> to vector<16xi32>
    %swap3A_858 = vector.shape_cast %select_n3A_854 : vector<16xi32> to vector<16xi32>
    tpu.vector_store %arg12[%swap3A_855], %swap3A_858 {strides = array<i32>} : memref<64xi32, #tpu.memory_space<vmem>>, vector<16xi32>,
    %sub3A_859 = vector.broadcast %mul3A_0 : i32 to vector<16xi32>
    %sub3A_860 = arith.subi %get3A_838, %sub3A_859 : vector<16xi32>
    %jit3A_861 = arith.constant 5000 : i32
    %broadcast_in_dim3A_862 = vector.broadcast %jit3A_861 : i32 to vector<16xi32>
    %select_n3A_863 = arith.select %and3A_851, %sub3A_860, %broadcast_in_dim3A_862 : vector<16xi1>, vector<16xi32>
    %swap3A_864 = arith.constant 0 : index
    %swap3A_865 = tpu.vector_load %arg15[%swap3A_864] {strides = array<i32>} : memref<64xi32, #tpu.memory_space<vmem>>, vector<16xi32>,
    %swap3A_866 = vector.shape_cast %swap3A_865 : vector<16xi32> to vector<16xi32>
    %swap3A_867 = vector.shape_cast %select_n3A_863 : vector<16xi32> to vector<16xi32>
    tpu.vector_store %arg15[%swap3A_864], %swap3A_867 {strides = array<i32>} : memref<64xi32, #tpu.memory_space<vmem>>, vector<16xi32>,
    %add3A_868 = arith.constant 16 : i32
    %add3A_869 = arith.addi %add3A_817, %add3A_868 : i32
    %iota3A_870 = tpu.iota {dimensions = array<i32: 0>} : vector<16xi32>
    %add3A_871 = vector.broadcast %add3A_869 : i32 to vector<16xi32>
    %add3A_872 = arith.addi %add3A_871, %iota3A_870 : vector<16xi32>
    %get3A_873 = arith.constant 80 : index
    %get3A_874 = tpu.vector_load %arg7[%get3A_873] {strides = array<i32>} : memref<192xi32, #tpu.memory_space<vmem>>, vector<16xi32>,
    %get3A_875 = vector.shape_cast %get3A_874 : vector<16xi32> to vector<16xi32>
    %get3A_876 = arith.constant 80 : index
    %get3A_877 = tpu.vector_load %arg8[%get3A_876] {strides = array<i32>} : memref<192xi32, #tpu.memory_space<vmem>>, vector<16xi32>,
    %get3A_878 = vector.shape_cast %get3A_877 : vector<16xi32> to vector<16xi32>
    %ge3A_879 = vector.broadcast %mul3A_0 : i32 to vector<16xi32>
    %ge3A_880 = arith.cmpi sge, %get3A_878, %ge3A_879 : vector<16xi32>
    %add3A_881 = arith.constant 5000 : i32
    %add3A_882 = arith.addi %mul3A_0, %add3A_881 : i32
    %lt3A_883 = vector.broadcast %add3A_882 : i32 to vector<16xi32>
    %lt3A_884 = arith.cmpi slt, %get3A_878, %lt3A_883 : vector<16xi32>
    %and3A_885 = arith.andi %ge3A_880, %lt3A_884 : vector<16xi1>
    %ge3A_886 = vector.broadcast %min3A_822 : i32 to vector<16xi32>
    %ge3A_887 = arith.cmpi sge, %add3A_872, %ge3A_886 : vector<16xi32>
    %and3A_888 = arith.andi %and3A_885, %ge3A_887 : vector<16xi1>
    %lt3A_889 = vector.broadcast %min3A_827 : i32 to vector<16xi32>
    %lt3A_890 = arith.cmpi slt, %add3A_872, %lt3A_889 : vector<16xi32>
    %and3A_891 = arith.andi %and3A_888, %lt3A_890 : vector<16xi1>
    %jit3A_892 = arith.constant -1 : i32
    %broadcast_in_dim3A_893 = vector.broadcast %jit3A_892 : i32 to vector<16xi32>
    %select_n3A_894 = arith.select %and3A_891, %get3A_875, %broadcast_in_dim3A_893 : vector<16xi1>, vector<16xi32>
    %swap3A_895 = arith.constant 16 : index
    %swap3A_896 = tpu.vector_load %arg12[%swap3A_895] {strides = array<i32>} : memref<64xi32, #tpu.memory_space<vmem>>, vector<16xi32>,
    %swap3A_897 = vector.shape_cast %swap3A_896 : vector<16xi32> to vector<16xi32>
    %swap3A_898 = vector.shape_cast %select_n3A_894 : vector<16xi32> to vector<16xi32>
    tpu.vector_store %arg12[%swap3A_895], %swap3A_898 {strides = array<i32>} : memref<64xi32, #tpu.memory_space<vmem>>, vector<16xi32>,
    %sub3A_899 = vector.broadcast %mul3A_0 : i32 to vector<16xi32>
    %sub3A_900 = arith.subi %get3A_878, %sub3A_899 : vector<16xi32>
    %jit3A_901 = arith.constant 5000 : i32
    %broadcast_in_dim3A_902 = vector.broadcast %jit3A_901 : i32 to vector<16xi32>
    %select_n3A_903 = arith.select %and3A_891, %sub3A_900, %broadcast_in_dim3A_902 : vector<16xi1>, vector<16xi32>
    %swap3A_904 = arith.constant 16 : index
    %swap3A_905 = tpu.vector_load %arg15[%swap3A_904] {strides = array<i32>} : memref<64xi32, #tpu.memory_space<vmem>>, vector<16xi32>,
    %swap3A_906 = vector.shape_cast %swap3A_905 : vector<16xi32> to vector<16xi32>
    %swap3A_907 = vector.shape_cast %select_n3A_903 : vector<16xi32> to vector<16xi32>
    tpu.vector_store %arg15[%swap3A_904], %swap3A_907 {strides = array<i32>} : memref<64xi32, #tpu.memory_space<vmem>>, vector<16xi32>,
    %add3A_908 = arith.constant 32 : i32
    %add3A_909 = arith.addi %add3A_817, %add3A_908 : i32
    %iota3A_910 = tpu.iota {dimensions = array<i32: 0>} : vector<16xi32>
    %add3A_911 = vector.broadcast %add3A_909 : i32 to vector<16xi32>
    %add3A_912 = arith.addi %add3A_911, %iota3A_910 : vector<16xi32>
    %get3A_913 = arith.constant 96 : index
    %get3A_914 = tpu.vector_load %arg7[%get3A_913] {strides = array<i32>} : memref<192xi32, #tpu.memory_space<vmem>>, vector<16xi32>,
    %get3A_915 = vector.shape_cast %get3A_914 : vector<16xi32> to vector<16xi32>
    %get3A_916 = arith.constant 96 : index
    %get3A_917 = tpu.vector_load %arg8[%get3A_916] {strides = array<i32>} : memref<192xi32, #tpu.memory_space<vmem>>, vector<16xi32>,
    %get3A_918 = vector.shape_cast %get3A_917 : vector<16xi32> to vector<16xi32>
    %ge3A_919 = vector.broadcast %mul3A_0 : i32 to vector<16xi32>
    %ge3A_920 = arith.cmpi sge, %get3A_918, %ge3A_919 : vector<16xi32>
    %add3A_921 = arith.constant 5000 : i32
    %add3A_922 = arith.addi %mul3A_0, %add3A_921 : i32
    %lt3A_923 = vector.broadcast %add3A_922 : i32 to vector<16xi32>
    %lt3A_924 = arith.cmpi slt, %get3A_918, %lt3A_923 : vector<16xi32>
    %and3A_925 = arith.andi %ge3A_920, %lt3A_924 : vector<16xi1>
    %ge3A_926 = vector.broadcast %min3A_822 : i32 to vector<16xi32>
    %ge3A_927 = arith.cmpi sge, %add3A_912, %ge3A_926 : vector<16xi32>
    %and3A_928 = arith.andi %and3A_925, %ge3A_927 : vector<16xi1>
    %lt3A_929 = vector.broadcast %min3A_827 : i32 to vector<16xi32>
    %lt3A_930 = arith.cmpi slt, %add3A_912, %lt3A_929 : vector<16xi32>
    %and3A_931 = arith.andi %and3A_928, %lt3A_930 : vector<16xi1>
    %jit3A_932 = arith.constant -1 : i32
    %broadcast_in_dim3A_933 = vector.broadcast %jit3A_932 : i32 to vector<16xi32>
    %select_n3A_934 = arith.select %and3A_931, %get3A_915, %broadcast_in_dim3A_933 : vector<16xi1>, vector<16xi32>
    %swap3A_935 = arith.constant 32 : index
    %swap3A_936 = tpu.vector_load %arg12[%swap3A_935] {strides = array<i32>} : memref<64xi32, #tpu.memory_space<vmem>>, vector<16xi32>,
    %swap3A_937 = vector.shape_cast %swap3A_936 : vector<16xi32> to vector<16xi32>
    %swap3A_938 = vector.shape_cast %select_n3A_934 : vector<16xi32> to vector<16xi32>
    tpu.vector_store %arg12[%swap3A_935], %swap3A_938 {strides = array<i32>} : memref<64xi32, #tpu.memory_space<vmem>>, vector<16xi32>,
    %sub3A_939 = vector.broadcast %mul3A_0 : i32 to vector<16xi32>
    %sub3A_940 = arith.subi %get3A_918, %sub3A_939 : vector<16xi32>
    %jit3A_941 = arith.constant 5000 : i32
    %broadcast_in_dim3A_942 = vector.broadcast %jit3A_941 : i32 to vector<16xi32>
    %select_n3A_943 = arith.select %and3A_931, %sub3A_940, %broadcast_in_dim3A_942 : vector<16xi1>, vector<16xi32>
    %swap3A_944 = arith.constant 32 : index
    %swap3A_945 = tpu.vector_load %arg15[%swap3A_944] {strides = array<i32>} : memref<64xi32, #tpu.memory_space<vmem>>, vector<16xi32>,
    %swap3A_946 = vector.shape_cast %swap3A_945 : vector<16xi32> to vector<16xi32>
    %swap3A_947 = vector.shape_cast %select_n3A_943 : vector<16xi32> to vector<16xi32>
    tpu.vector_store %arg15[%swap3A_944], %swap3A_947 {strides = array<i32>} : memref<64xi32, #tpu.memory_space<vmem>>, vector<16xi32>,
    %add3A_948 = arith.constant 48 : i32
    %add3A_949 = arith.addi %add3A_817, %add3A_948 : i32
    %iota3A_950 = tpu.iota {dimensions = array<i32: 0>} : vector<16xi32>
    %add3A_951 = vector.broadcast %add3A_949 : i32 to vector<16xi32>
    %add3A_952 = arith.addi %add3A_951, %iota3A_950 : vector<16xi32>
    %get3A_953 = arith.constant 112 : index
    %get3A_954 = tpu.vector_load %arg7[%get3A_953] {strides = array<i32>} : memref<192xi32, #tpu.memory_space<vmem>>, vector<16xi32>,
    %get3A_955 = vector.shape_cast %get3A_954 : vector<16xi32> to vector<16xi32>
    %get3A_956 = arith.constant 112 : index
    %get3A_957 = tpu.vector_load %arg8[%get3A_956] {strides = array<i32>} : memref<192xi32, #tpu.memory_space<vmem>>, vector<16xi32>,
    %get3A_958 = vector.shape_cast %get3A_957 : vector<16xi32> to vector<16xi32>
    %ge3A_959 = vector.broadcast %mul3A_0 : i32 to vector<16xi32>
    %ge3A_960 = arith.cmpi sge, %get3A_958, %ge3A_959 : vector<16xi32>
    %add3A_961 = arith.constant 5000 : i32
    %add3A_962 = arith.addi %mul3A_0, %add3A_961 : i32
    %lt3A_963 = vector.broadcast %add3A_962 : i32 to vector<16xi32>
    %lt3A_964 = arith.cmpi slt, %get3A_958, %lt3A_963 : vector<16xi32>
    %and3A_965 = arith.andi %ge3A_960, %lt3A_964 : vector<16xi1>
    %ge3A_966 = vector.broadcast %min3A_822 : i32 to vector<16xi32>
    %ge3A_967 = arith.cmpi sge, %add3A_952, %ge3A_966 : vector<16xi32>
    %and3A_968 = arith.andi %and3A_965, %ge3A_967 : vector<16xi1>
    %lt3A_969 = vector.broadcast %min3A_827 : i32 to vector<16xi32>
    %lt3A_970 = arith.cmpi slt, %add3A_952, %lt3A_969 : vector<16xi32>
    %and3A_971 = arith.andi %and3A_968, %lt3A_970 : vector<16xi1>
    %jit3A_972 = arith.constant -1 : i32
    %broadcast_in_dim3A_973 = vector.broadcast %jit3A_972 : i32 to vector<16xi32>
    %select_n3A_974 = arith.select %and3A_971, %get3A_955, %broadcast_in_dim3A_973 : vector<16xi1>, vector<16xi32>
    %swap3A_975 = arith.constant 48 : index
    %swap3A_976 = tpu.vector_load %arg12[%swap3A_975] {strides = array<i32>} : memref<64xi32, #tpu.memory_space<vmem>>, vector<16xi32>,
    %swap3A_977 = vector.shape_cast %swap3A_976 : vector<16xi32> to vector<16xi32>
    %swap3A_978 = vector.shape_cast %select_n3A_974 : vector<16xi32> to vector<16xi32>
    tpu.vector_store %arg12[%swap3A_975], %swap3A_978 {strides = array<i32>} : memref<64xi32, #tpu.memory_space<vmem>>, vector<16xi32>,
    %sub3A_979 = vector.broadcast %mul3A_0 : i32 to vector<16xi32>
    %sub3A_980 = arith.subi %get3A_958, %sub3A_979 : vector<16xi32>
    %jit3A_981 = arith.constant 5000 : i32
    %broadcast_in_dim3A_982 = vector.broadcast %jit3A_981 : i32 to vector<16xi32>
    %select_n3A_983 = arith.select %and3A_971, %sub3A_980, %broadcast_in_dim3A_982 : vector<16xi1>, vector<16xi32>
    %swap3A_984 = arith.constant 48 : index
    %swap3A_985 = tpu.vector_load %arg15[%swap3A_984] {strides = array<i32>} : memref<64xi32, #tpu.memory_space<vmem>>, vector<16xi32>,
    %swap3A_986 = vector.shape_cast %swap3A_985 : vector<16xi32> to vector<16xi32>
    %swap3A_987 = vector.shape_cast %select_n3A_983 : vector<16xi32> to vector<16xi32>
    tpu.vector_store %arg15[%swap3A_984], %swap3A_987 {strides = array<i32>} : memref<64xi32, #tpu.memory_space<vmem>>, vector<16xi32>,
    %dma_start3A_988 = arith.constant 0 : i32
    %dma_start3A_989 = arith.constant 0 : i32
    %dma_start3A_990 = tpu.memref_slice %arg5[%dma_start3A_988, %dma_start3A_989] : memref<10000x256xf32, #tpu.memory_space<hbm>> -> memref<10000x256xf32, #tpu.memory_space<hbm>>
    %dma_start3A_991 = arith.constant -1 : i32
    tpu.enqueue_indirect_dma source(%dma_start3A_990 : memref<10000x256xf32, #tpu.memory_space<hbm>>) target(%arg21 : memref<64x256xf32, #tpu.memory_space<vmem>>) offsets(%arg12 : memref<64xi32, #tpu.memory_space<vmem>>) offset_filter(%dma_start3A_991) semaphore(%arg27 : memref<!tpu.dma_semaphore, #tpu.memory_space<semaphore_mem>>)
    %add3A_992 = arith.constant 0 : i32
    %add3A_993 = arith.addi %mul3A_18, %add3A_992 : i32
    %min3A_994 = arith.constant 159808 : i32
    %min3A_995 = arith.minsi %add3A_993, %min3A_994 : i32
    %add3A_996 = arith.constant 128 : i32
    %add3A_997 = arith.addi %min3A_995, %add3A_996 : i32
    %add3A_998 = arith.constant 0 : i32
    %add3A_999 = arith.addi %mul3A_18, %add3A_998 : i32
    %add3A_1000 = arith.constant 10000 : i32
    %add3A_1001 = arith.addi %mul3A_18, %add3A_1000 : i32
    %min3A_1002 = arith.minsi %add3A_999, %add3A_1001 : i32
    %add3A_1003 = arith.constant 192 : i32
    %add3A_1004 = arith.addi %mul3A_18, %add3A_1003 : i32
    %add3A_1005 = arith.constant 10000 : i32
    %add3A_1006 = arith.addi %mul3A_18, %add3A_1005 : i32
    %min3A_1007 = arith.minsi %add3A_1004, %add3A_1006 : i32
    %add3A_1008 = arith.constant 0 : i32
    %add3A_1009 = arith.addi %add3A_997, %add3A_1008 : i32
    %iota3A_1010 = tpu.iota {dimensions = array<i32: 0>} : vector<16xi32>
    %add3A_1011 = vector.broadcast %add3A_1009 : i32 to vector<16xi32>
    %add3A_1012 = arith.addi %add3A_1011, %iota3A_1010 : vector<16xi32>
    %get3A_1013 = arith.constant 128 : index
    %get3A_1014 = tpu.vector_load %arg7[%get3A_1013] {strides = array<i32>} : memref<192xi32, #tpu.memory_space<vmem>>, vector<16xi32>,
    %get3A_1015 = vector.shape_cast %get3A_1014 : vector<16xi32> to vector<16xi32>
    %get3A_1016 = arith.constant 128 : index
    %get3A_1017 = tpu.vector_load %arg8[%get3A_1016] {strides = array<i32>} : memref<192xi32, #tpu.memory_space<vmem>>, vector<16xi32>,
    %get3A_1018 = vector.shape_cast %get3A_1017 : vector<16xi32> to vector<16xi32>
    %ge3A_1019 = vector.broadcast %mul3A_0 : i32 to vector<16xi32>
    %ge3A_1020 = arith.cmpi sge, %get3A_1018, %ge3A_1019 : vector<16xi32>
    %add3A_1021 = arith.constant 5000 : i32
    %add3A_1022 = arith.addi %mul3A_0, %add3A_1021 : i32
    %lt3A_1023 = vector.broadcast %add3A_1022 : i32 to vector<16xi32>
    %lt3A_1024 = arith.cmpi slt, %get3A_1018, %lt3A_1023 : vector<16xi32>
    %and3A_1025 = arith.andi %ge3A_1020, %lt3A_1024 : vector<16xi1>
    %ge3A_1026 = vector.broadcast %min3A_1002 : i32 to vector<16xi32>
    %ge3A_1027 = arith.cmpi sge, %add3A_1012, %ge3A_1026 : vector<16xi32>
    %and3A_1028 = arith.andi %and3A_1025, %ge3A_1027 : vector<16xi1>
    %lt3A_1029 = vector.broadcast %min3A_1007 : i32 to vector<16xi32>
    %lt3A_1030 = arith.cmpi slt, %add3A_1012, %lt3A_1029 : vector<16xi32>
    %and3A_1031 = arith.andi %and3A_1028, %lt3A_1030 : vector<16xi1>
    %jit3A_1032 = arith.constant -1 : i32
    %broadcast_in_dim3A_1033 = vector.broadcast %jit3A_1032 : i32 to vector<16xi32>
    %select_n3A_1034 = arith.select %and3A_1031, %get3A_1015, %broadcast_in_dim3A_1033 : vector<16xi1>, vector<16xi32>
    %swap3A_1035 = arith.constant 0 : index
    %swap3A_1036 = tpu.vector_load %arg13[%swap3A_1035] {strides = array<i32>} : memref<64xi32, #tpu.memory_space<vmem>>, vector<16xi32>,
    %swap3A_1037 = vector.shape_cast %swap3A_1036 : vector<16xi32> to vector<16xi32>
    %swap3A_1038 = vector.shape_cast %select_n3A_1034 : vector<16xi32> to vector<16xi32>
    tpu.vector_store %arg13[%swap3A_1035], %swap3A_1038 {strides = array<i32>} : memref<64xi32, #tpu.memory_space<vmem>>, vector<16xi32>,
    %sub3A_1039 = vector.broadcast %mul3A_0 : i32 to vector<16xi32>
    %sub3A_1040 = arith.subi %get3A_1018, %sub3A_1039 : vector<16xi32>
    %jit3A_1041 = arith.constant 5000 : i32
    %broadcast_in_dim3A_1042 = vector.broadcast %jit3A_1041 : i32 to vector<16xi32>
    %select_n3A_1043 = arith.select %and3A_1031, %sub3A_1040, %broadcast_in_dim3A_1042 : vector<16xi1>, vector<16xi32>
    %swap3A_1044 = arith.constant 0 : index
    %swap3A_1045 = tpu.vector_load %arg16[%swap3A_1044] {strides = array<i32>} : memref<64xi32, #tpu.memory_space<vmem>>, vector<16xi32>,
    %swap3A_1046 = vector.shape_cast %swap3A_1045 : vector<16xi32> to vector<16xi32>
    %swap3A_1047 = vector.shape_cast %select_n3A_1043 : vector<16xi32> to vector<16xi32>
    tpu.vector_store %arg16[%swap3A_1044], %swap3A_1047 {strides = array<i32>} : memref<64xi32, #tpu.memory_space<vmem>>, vector<16xi32>,
    %add3A_1048 = arith.constant 16 : i32
    %add3A_1049 = arith.addi %add3A_997, %add3A_1048 : i32
    %iota3A_1050 = tpu.iota {dimensions = array<i32: 0>} : vector<16xi32>
    %add3A_1051 = vector.broadcast %add3A_1049 : i32 to vector<16xi32>
    %add3A_1052 = arith.addi %add3A_1051, %iota3A_1050 : vector<16xi32>
    %get3A_1053 = arith.constant 144 : index
    %get3A_1054 = tpu.vector_load %arg7[%get3A_1053] {strides = array<i32>} : memref<192xi32, #tpu.memory_space<vmem>>, vector<16xi32>,
    %get3A_1055 = vector.shape_cast %get3A_1054 : vector<16xi32> to vector<16xi32>
    %get3A_1056 = arith.constant 144 : index
    %get3A_1057 = tpu.vector_load %arg8[%get3A_1056] {strides = array<i32>} : memref<192xi32, #tpu.memory_space<vmem>>, vector<16xi32>,
    %get3A_1058 = vector.shape_cast %get3A_1057 : vector<16xi32> to vector<16xi32>
    %ge3A_1059 = vector.broadcast %mul3A_0 : i32 to vector<16xi32>
    %ge3A_1060 = arith.cmpi sge, %get3A_1058, %ge3A_1059 : vector<16xi32>
    %add3A_1061 = arith.constant 5000 : i32
    %add3A_1062 = arith.addi %mul3A_0, %add3A_1061 : i32
    %lt3A_1063 = vector.broadcast %add3A_1062 : i32 to vector<16xi32>
    %lt3A_1064 = arith.cmpi slt, %get3A_1058, %lt3A_1063 : vector<16xi32>
    %and3A_1065 = arith.andi %ge3A_1060, %lt3A_1064 : vector<16xi1>
    %ge3A_1066 = vector.broadcast %min3A_1002 : i32 to vector<16xi32>
    %ge3A_1067 = arith.cmpi sge, %add3A_1052, %ge3A_1066 : vector<16xi32>
    %and3A_1068 = arith.andi %and3A_1065, %ge3A_1067 : vector<16xi1>
    %lt3A_1069 = vector.broadcast %min3A_1007 : i32 to vector<16xi32>
    %lt3A_1070 = arith.cmpi slt, %add3A_1052, %lt3A_1069 : vector<16xi32>
    %and3A_1071 = arith.andi %and3A_1068, %lt3A_1070 : vector<16xi1>
    %jit3A_1072 = arith.constant -1 : i32
    %broadcast_in_dim3A_1073 = vector.broadcast %jit3A_1072 : i32 to vector<16xi32>
    %select_n3A_1074 = arith.select %and3A_1071, %get3A_1055, %broadcast_in_dim3A_1073 : vector<16xi1>, vector<16xi32>
    %swap3A_1075 = arith.constant 16 : index
    %swap3A_1076 = tpu.vector_load %arg13[%swap3A_1075] {strides = array<i32>} : memref<64xi32, #tpu.memory_space<vmem>>, vector<16xi32>,
    %swap3A_1077 = vector.shape_cast %swap3A_1076 : vector<16xi32> to vector<16xi32>
    %swap3A_1078 = vector.shape_cast %select_n3A_1074 : vector<16xi32> to vector<16xi32>
    tpu.vector_store %arg13[%swap3A_1075], %swap3A_1078 {strides = array<i32>} : memref<64xi32, #tpu.memory_space<vmem>>, vector<16xi32>,
    %sub3A_1079 = vector.broadcast %mul3A_0 : i32 to vector<16xi32>
    %sub3A_1080 = arith.subi %get3A_1058, %sub3A_1079 : vector<16xi32>
    %jit3A_1081 = arith.constant 5000 : i32
    %broadcast_in_dim3A_1082 = vector.broadcast %jit3A_1081 : i32 to vector<16xi32>
    %select_n3A_1083 = arith.select %and3A_1071, %sub3A_1080, %broadcast_in_dim3A_1082 : vector<16xi1>, vector<16xi32>
    %swap3A_1084 = arith.constant 16 : index
    %swap3A_1085 = tpu.vector_load %arg16[%swap3A_1084] {strides = array<i32>} : memref<64xi32, #tpu.memory_space<vmem>>, vector<16xi32>,
    %swap3A_1086 = vector.shape_cast %swap3A_1085 : vector<16xi32> to vector<16xi32>
    %swap3A_1087 = vector.shape_cast %select_n3A_1083 : vector<16xi32> to vector<16xi32>
    tpu.vector_store %arg16[%swap3A_1084], %swap3A_1087 {strides = array<i32>} : memref<64xi32, #tpu.memory_space<vmem>>, vector<16xi32>,
    %add3A_1088 = arith.constant 32 : i32
    %add3A_1089 = arith.addi %add3A_997, %add3A_1088 : i32
    %iota3A_1090 = tpu.iota {dimensions = array<i32: 0>} : vector<16xi32>
    %add3A_1091 = vector.broadcast %add3A_1089 : i32 to vector<16xi32>
    %add3A_1092 = arith.addi %add3A_1091, %iota3A_1090 : vector<16xi32>
    %get3A_1093 = arith.constant 160 : index
    %get3A_1094 = tpu.vector_load %arg7[%get3A_1093] {strides = array<i32>} : memref<192xi32, #tpu.memory_space<vmem>>, vector<16xi32>,
    %get3A_1095 = vector.shape_cast %get3A_1094 : vector<16xi32> to vector<16xi32>
    %get3A_1096 = arith.constant 160 : index
    %get3A_1097 = tpu.vector_load %arg8[%get3A_1096] {strides = array<i32>} : memref<192xi32, #tpu.memory_space<vmem>>, vector<16xi32>,
    %get3A_1098 = vector.shape_cast %get3A_1097 : vector<16xi32> to vector<16xi32>
    %ge3A_1099 = vector.broadcast %mul3A_0 : i32 to vector<16xi32>
    %ge3A_1100 = arith.cmpi sge, %get3A_1098, %ge3A_1099 : vector<16xi32>
    %add3A_1101 = arith.constant 5000 : i32
    %add3A_1102 = arith.addi %mul3A_0, %add3A_1101 : i32
    %lt3A_1103 = vector.broadcast %add3A_1102 : i32 to vector<16xi32>
    %lt3A_1104 = arith.cmpi slt, %get3A_1098, %lt3A_1103 : vector<16xi32>
    %and3A_1105 = arith.andi %ge3A_1100, %lt3A_1104 : vector<16xi1>
    %ge3A_1106 = vector.broadcast %min3A_1002 : i32 to vector<16xi32>
    %ge3A_1107 = arith.cmpi sge, %add3A_1092, %ge3A_1106 : vector<16xi32>
    %and3A_1108 = arith.andi %and3A_1105, %ge3A_1107 : vector<16xi1>
    %lt3A_1109 = vector.broadcast %min3A_1007 : i32 to vector<16xi32>
    %lt3A_1110 = arith.cmpi slt, %add3A_1092, %lt3A_1109 : vector<16xi32>
    %and3A_1111 = arith.andi %and3A_1108, %lt3A_1110 : vector<16xi1>
    %jit3A_1112 = arith.constant -1 : i32
    %broadcast_in_dim3A_1113 = vector.broadcast %jit3A_1112 : i32 to vector<16xi32>
    %select_n3A_1114 = arith.select %and3A_1111, %get3A_1095, %broadcast_in_dim3A_1113 : vector<16xi1>, vector<16xi32>
    %swap3A_1115 = arith.constant 32 : index
    %swap3A_1116 = tpu.vector_load %arg13[%swap3A_1115] {strides = array<i32>} : memref<64xi32, #tpu.memory_space<vmem>>, vector<16xi32>,
    %swap3A_1117 = vector.shape_cast %swap3A_1116 : vector<16xi32> to vector<16xi32>
    %swap3A_1118 = vector.shape_cast %select_n3A_1114 : vector<16xi32> to vector<16xi32>
    tpu.vector_store %arg13[%swap3A_1115], %swap3A_1118 {strides = array<i32>} : memref<64xi32, #tpu.memory_space<vmem>>, vector<16xi32>,
    %sub3A_1119 = vector.broadcast %mul3A_0 : i32 to vector<16xi32>
    %sub3A_1120 = arith.subi %get3A_1098, %sub3A_1119 : vector<16xi32>
    %jit3A_1121 = arith.constant 5000 : i32
    %broadcast_in_dim3A_1122 = vector.broadcast %jit3A_1121 : i32 to vector<16xi32>
    %select_n3A_1123 = arith.select %and3A_1111, %sub3A_1120, %broadcast_in_dim3A_1122 : vector<16xi1>, vector<16xi32>
    %swap3A_1124 = arith.constant 32 : index
    %swap3A_1125 = tpu.vector_load %arg16[%swap3A_1124] {strides = array<i32>} : memref<64xi32, #tpu.memory_space<vmem>>, vector<16xi32>,
    %swap3A_1126 = vector.shape_cast %swap3A_1125 : vector<16xi32> to vector<16xi32>
    %swap3A_1127 = vector.shape_cast %select_n3A_1123 : vector<16xi32> to vector<16xi32>
    tpu.vector_store %arg16[%swap3A_1124], %swap3A_1127 {strides = array<i32>} : memref<64xi32, #tpu.memory_space<vmem>>, vector<16xi32>,
    %add3A_1128 = arith.constant 48 : i32
    %add3A_1129 = arith.addi %add3A_997, %add3A_1128 : i32
    %iota3A_1130 = tpu.iota {dimensions = array<i32: 0>} : vector<16xi32>
    %add3A_1131 = vector.broadcast %add3A_1129 : i32 to vector<16xi32>
    %add3A_1132 = arith.addi %add3A_1131, %iota3A_1130 : vector<16xi32>
    %get3A_1133 = arith.constant 176 : index
    %get3A_1134 = tpu.vector_load %arg7[%get3A_1133] {strides = array<i32>} : memref<192xi32, #tpu.memory_space<vmem>>, vector<16xi32>,
    %get3A_1135 = vector.shape_cast %get3A_1134 : vector<16xi32> to vector<16xi32>
    %get3A_1136 = arith.constant 176 : index
    %get3A_1137 = tpu.vector_load %arg8[%get3A_1136] {strides = array<i32>} : memref<192xi32, #tpu.memory_space<vmem>>, vector<16xi32>,
    %get3A_1138 = vector.shape_cast %get3A_1137 : vector<16xi32> to vector<16xi32>
    %ge3A_1139 = vector.broadcast %mul3A_0 : i32 to vector<16xi32>
    %ge3A_1140 = arith.cmpi sge, %get3A_1138, %ge3A_1139 : vector<16xi32>
    %add3A_1141 = arith.constant 5000 : i32
    %add3A_1142 = arith.addi %mul3A_0, %add3A_1141 : i32
    %lt3A_1143 = vector.broadcast %add3A_1142 : i32 to vector<16xi32>
    %lt3A_1144 = arith.cmpi slt, %get3A_1138, %lt3A_1143 : vector<16xi32>
    %and3A_1145 = arith.andi %ge3A_1140, %lt3A_1144 : vector<16xi1>
    %ge3A_1146 = vector.broadcast %min3A_1002 : i32 to vector<16xi32>
    %ge3A_1147 = arith.cmpi sge, %add3A_1132, %ge3A_1146 : vector<16xi32>
    %and3A_1148 = arith.andi %and3A_1145, %ge3A_1147 : vector<16xi1>
    %lt3A_1149 = vector.broadcast %min3A_1007 : i32 to vector<16xi32>
    %lt3A_1150 = arith.cmpi slt, %add3A_1132, %lt3A_1149 : vector<16xi32>
    %and3A_1151 = arith.andi %and3A_1148, %lt3A_1150 : vector<16xi1>
    %jit3A_1152 = arith.constant -1 : i32
    %broadcast_in_dim3A_1153 = vector.broadcast %jit3A_1152 : i32 to vector<16xi32>
    %select_n3A_1154 = arith.select %and3A_1151, %get3A_1135, %broadcast_in_dim3A_1153 : vector<16xi1>, vector<16xi32>
    %swap3A_1155 = arith.constant 48 : index
    %swap3A_1156 = tpu.vector_load %arg13[%swap3A_1155] {strides = array<i32>} : memref<64xi32, #tpu.memory_space<vmem>>, vector<16xi32>,
    %swap3A_1157 = vector.shape_cast %swap3A_1156 : vector<16xi32> to vector<16xi32>
    %swap3A_1158 = vector.shape_cast %select_n3A_1154 : vector<16xi32> to vector<16xi32>
    tpu.vector_store %arg13[%swap3A_1155], %swap3A_1158 {strides = array<i32>} : memref<64xi32, #tpu.memory_space<vmem>>, vector<16xi32>,
    %sub3A_1159 = vector.broadcast %mul3A_0 : i32 to vector<16xi32>
    %sub3A_1160 = arith.subi %get3A_1138, %sub3A_1159 : vector<16xi32>
    %jit3A_1161 = arith.constant 5000 : i32
    %broadcast_in_dim3A_1162 = vector.broadcast %jit3A_1161 : i32 to vector<16xi32>
    %select_n3A_1163 = arith.select %and3A_1151, %sub3A_1160, %broadcast_in_dim3A_1162 : vector<16xi1>, vector<16xi32>
    %swap3A_1164 = arith.constant 48 : index
    %swap3A_1165 = tpu.vector_load %arg16[%swap3A_1164] {strides = array<i32>} : memref<64xi32, #tpu.memory_space<vmem>>, vector<16xi32>,
    %swap3A_1166 = vector.shape_cast %swap3A_1165 : vector<16xi32> to vector<16xi32>
    %swap3A_1167 = vector.shape_cast %select_n3A_1163 : vector<16xi32> to vector<16xi32>
    tpu.vector_store %arg16[%swap3A_1164], %swap3A_1167 {strides = array<i32>} : memref<64xi32, #tpu.memory_space<vmem>>, vector<16xi32>,
    %dma_start3A_1168 = arith.constant 0 : i32
    %dma_start3A_1169 = arith.constant 0 : i32
    %dma_start3A_1170 = tpu.memref_slice %arg5[%dma_start3A_1168, %dma_start3A_1169] : memref<10000x256xf32, #tpu.memory_space<hbm>> -> memref<10000x256xf32, #tpu.memory_space<hbm>>
    %dma_start3A_1171 = arith.constant -1 : i32
    tpu.enqueue_indirect_dma source(%dma_start3A_1170 : memref<10000x256xf32, #tpu.memory_space<hbm>>) target(%arg22 : memref<64x256xf32, #tpu.memory_space<vmem>>) offsets(%arg13 : memref<64xi32, #tpu.memory_space<vmem>>) offset_filter(%dma_start3A_1171) semaphore(%arg28 : memref<!tpu.dma_semaphore, #tpu.memory_space<semaphore_mem>>)
    %scan3A_1172 = arith.constant 0 : i32
    %scan3A_1173 = arith.constant 0 : i32
    %scan3A_1174 = arith.constant 27 : i32
    %scan3A_1175 = arith.addi %scan3A_1173, %scan3A_1174 : i32
    %scan3A_1176 = arith.constant 1 : i32
    %scan3A_1177 = scf.for %scan3A_1221 = %scan3A_1173 to %scan3A_1175 step %scan3A_1176 iter_args(%scan3A_1222 = %scan3A_1172) -> (i32)  : i32 {
      %mul3A_1223 = arith.constant 2 : i32
      %mul3A_1224 = arith.muli %mul3A_1223, %scan3A_1221 : i32
      %add3A_1225 = arith.constant 0 : i32
      %add3A_1226 = arith.addi %mul3A_1224, %add3A_1225 : i32
      %add3A_1227 = arith.constant 1 : i32
      %add3A_1228 = arith.addi %add3A_1226, %add3A_1227 : i32
      %min3A_1229 = arith.constant 53 : i32
      %min3A_1230 = arith.minsi %add3A_1228, %min3A_1229 : i32
      %add3A_1231 = arith.constant 2 : i32
      %add3A_1232 = arith.addi %add3A_1226, %add3A_1231 : i32
      %min3A_1233 = arith.constant 53 : i32
      %min3A_1234 = arith.minsi %add3A_1232, %min3A_1233 : i32
      %mul3A_1235 = arith.constant 192 : i32
      %mul3A_1236 = arith.muli %min3A_1230, %mul3A_1235 : i32
      %add3A_1237 = arith.addi %mul3A_18, %mul3A_1236 : i32
      %min3A_1238 = arith.constant 159808 : i32
      %min3A_1239 = arith.minsi %add3A_1237, %min3A_1238 : i32
      %dma_wait3A_1240 = tpu.memref_slice %arg3[%min3A_1239] : memref<320000xi32, #tpu.memory_space<hbm>> -> memref<192xi32, #tpu.memory_space<hbm>>
      %dma_wait3A_1241 = tpu.memref_slice %arg3[%min3A_1239] : memref<320000xi32, #tpu.memory_space<hbm>> -> memref<192xi32, #tpu.memory_space<hbm>>
      tpu.wait_dma2 semaphore(%arg25 : memref<!tpu.dma_semaphore, #tpu.memory_space<semaphore_mem>>) src(%dma_wait3A_1241 : memref<192xi32, #tpu.memory_space<hbm>>) dst(%arg9 : memref<192xi32, #tpu.memory_space<vmem>>)
      %add3A_1242 = arith.constant 160000 : i32
      %add3A_1243 = arith.addi %add3A_1242, %min3A_1239 : i32
      %dma_wait3A_1244 = tpu.memref_slice %arg3[%add3A_1243] : memref<320000xi32, #tpu.memory_space<hbm>> -> memref<192xi32, #tpu.memory_space<hbm>>
      %dma_wait3A_1245 = tpu.memref_slice %arg3[%add3A_1243] : memref<320000xi32, #tpu.memory_space<hbm>> -> memref<192xi32, #tpu.memory_space<hbm>>
      tpu.wait_dma2 semaphore(%arg25 : memref<!tpu.dma_semaphore, #tpu.memory_space<semaphore_mem>>) src(%dma_wait3A_1245 : memref<192xi32, #tpu.memory_space<hbm>>) dst(%arg10 : memref<192xi32, #tpu.memory_space<vmem>>)
      %dma_wait3A_1246 = arith.constant 0 : i32
      %dma_wait3A_1247 = arith.constant 0 : i32
      %dma_wait3A_1248 = tpu.memref_slice %arg5[%dma_wait3A_1246, %dma_wait3A_1247] : memref<10000x256xf32, #tpu.memory_space<hbm>> -> memref<10000x256xf32, #tpu.memory_space<hbm>>
      tpu.wait_indirect_dma semaphore(%arg26 : memref<!tpu.dma_semaphore, #tpu.memory_space<semaphore_mem>>) src(%dma_wait3A_1248 : memref<10000x256xf32, #tpu.memory_space<hbm>>) dst(%arg20 : memref<64x256xf32, #tpu.memory_space<vmem>>)
      %dma_start3A_1249 = arith.constant 0 : i32
      %dma_start3A_1250 = arith.constant 0 : i32
      %dma_start3A_1251 = tpu.memref_slice %arg23[%dma_start3A_1249, %dma_start3A_1250] : memref<5008x256xf32, #tpu.memory_space<vmem_shared>> -> memref<5008x256xf32, #tpu.memory_space<vmem_shared>>
      %dma_start3A_1252 = arith.constant 5000 : i32
      tpu.enqueue_indirect_dma source(%arg20 : memref<64x256xf32, #tpu.memory_space<vmem>>) target(%dma_start3A_1251 : memref<5008x256xf32, #tpu.memory_space<vmem_shared>>) offsets(%arg14 : memref<64xi32, #tpu.memory_space<vmem>>) offset_filter(%dma_start3A_1252) semaphore(%arg29 : memref<!tpu.dma_semaphore, #tpu.memory_space<semaphore_mem>>) {add = true}
      %mul3A_1253 = arith.constant 192 : i32
      %mul3A_1254 = arith.muli %min3A_1230, %mul3A_1253 : i32
      %add3A_1255 = arith.addi %mul3A_18, %mul3A_1254 : i32
      %min3A_1256 = arith.constant 159808 : i32
      %min3A_1257 = arith.minsi %add3A_1255, %min3A_1256 : i32
      %add3A_1258 = arith.constant 0 : i32
      %add3A_1259 = arith.addi %min3A_1257, %add3A_1258 : i32
      %mul3A_1260 = arith.constant 192 : i32
      %mul3A_1261 = arith.muli %min3A_1230, %mul3A_1260 : i32
      %add3A_1262 = arith.addi %mul3A_18, %mul3A_1261 : i32
      %add3A_1263 = arith.constant 10000 : i32
      %add3A_1264 = arith.addi %mul3A_18, %add3A_1263 : i32
      %min3A_1265 = arith.minsi %add3A_1262, %add3A_1264 : i32
      %add3A_1266 = arith.constant 1 : i32
      %add3A_1267 = arith.addi %min3A_1230, %add3A_1266 : i32
      %mul3A_1268 = arith.constant 192 : i32
      %mul3A_1269 = arith.muli %add3A_1267, %mul3A_1268 : i32
      %add3A_1270 = arith.addi %mul3A_18, %mul3A_1269 : i32
      %add3A_1271 = arith.constant 10000 : i32
      %add3A_1272 = arith.addi %mul3A_18, %add3A_1271 : i32
      %min3A_1273 = arith.minsi %add3A_1270, %add3A_1272 : i32
      %add3A_1274 = arith.constant 0 : i32
      %add3A_1275 = arith.addi %add3A_1259, %add3A_1274 : i32
      %iota3A_1276 = tpu.iota {dimensions = array<i32: 0>} : vector<16xi32>
      %add3A_1277 = vector.broadcast %add3A_1275 : i32 to vector<16xi32>
      %add3A_1278 = arith.addi %add3A_1277, %iota3A_1276 : vector<16xi32>
      %get3A_1279 = arith.constant 0 : index
      %get3A_1280 = tpu.vector_load %arg9[%get3A_1279] {strides = array<i32>} : memref<192xi32, #tpu.memory_space<vmem>>, vector<16xi32>,
      %get3A_1281 = vector.shape_cast %get3A_1280 : vector<16xi32> to vector<16xi32>
      %get3A_1282 = arith.constant 0 : index
      %get3A_1283 = tpu.vector_load %arg10[%get3A_1282] {strides = array<i32>} : memref<192xi32, #tpu.memory_space<vmem>>, vector<16xi32>,
      %get3A_1284 = vector.shape_cast %get3A_1283 : vector<16xi32> to vector<16xi32>
      %ge3A_1285 = vector.broadcast %mul3A_0 : i32 to vector<16xi32>
      %ge3A_1286 = arith.cmpi sge, %get3A_1284, %ge3A_1285 : vector<16xi32>
      %add3A_1287 = arith.constant 5000 : i32
      %add3A_1288 = arith.addi %mul3A_0, %add3A_1287 : i32
      %lt3A_1289 = vector.broadcast %add3A_1288 : i32 to vector<16xi32>
      %lt3A_1290 = arith.cmpi slt, %get3A_1284, %lt3A_1289 : vector<16xi32>
      %and3A_1291 = arith.andi %ge3A_1286, %lt3A_1290 : vector<16xi1>
      %ge3A_1292 = vector.broadcast %min3A_1265 : i32 to vector<16xi32>
      %ge3A_1293 = arith.cmpi sge, %add3A_1278, %ge3A_1292 : vector<16xi32>
      %and3A_1294 = arith.andi %and3A_1291, %ge3A_1293 : vector<16xi1>
      %lt3A_1295 = vector.broadcast %min3A_1273 : i32 to vector<16xi32>
      %lt3A_1296 = arith.cmpi slt, %add3A_1278, %lt3A_1295 : vector<16xi32>
      %and3A_1297 = arith.andi %and3A_1294, %lt3A_1296 : vector<16xi1>
      %jit3A_1298 = arith.constant -1 : i32
      %broadcast_in_dim3A_1299 = vector.broadcast %jit3A_1298 : i32 to vector<16xi32>
      %select_n3A_1300 = arith.select %and3A_1297, %get3A_1281, %broadcast_in_dim3A_1299 : vector<16xi1>, vector<16xi32>
      %swap3A_1301 = arith.constant 0 : index
      %swap3A_1302 = tpu.vector_load %arg11[%swap3A_1301] {strides = array<i32>} : memref<64xi32, #tpu.memory_space<vmem>>, vector<16xi32>,
      %swap3A_1303 = vector.shape_cast %swap3A_1302 : vector<16xi32> to vector<16xi32>
      %swap3A_1304 = vector.shape_cast %select_n3A_1300 : vector<16xi32> to vector<16xi32>
      tpu.vector_store %arg11[%swap3A_1301], %swap3A_1304 {strides = array<i32>} : memref<64xi32, #tpu.memory_space<vmem>>, vector<16xi32>,
      %sub3A_1305 = vector.broadcast %mul3A_0 : i32 to vector<16xi32>
      %sub3A_1306 = arith.subi %get3A_1284, %sub3A_1305 : vector<16xi32>
      %jit3A_1307 = arith.constant 5000 : i32
      %broadcast_in_dim3A_1308 = vector.broadcast %jit3A_1307 : i32 to vector<16xi32>
      %select_n3A_1309 = arith.select %and3A_1297, %sub3A_1306, %broadcast_in_dim3A_1308 : vector<16xi1>, vector<16xi32>
      %swap3A_1310 = arith.constant 0 : index
      %swap3A_1311 = tpu.vector_load %arg17[%swap3A_1310] {strides = array<i32>} : memref<64xi32, #tpu.memory_space<vmem>>, vector<16xi32>,
      %swap3A_1312 = vector.shape_cast %swap3A_1311 : vector<16xi32> to vector<16xi32>
      %swap3A_1313 = vector.shape_cast %select_n3A_1309 : vector<16xi32> to vector<16xi32>
      tpu.vector_store %arg17[%swap3A_1310], %swap3A_1313 {strides = array<i32>} : memref<64xi32, #tpu.memory_space<vmem>>, vector<16xi32>,
      %add3A_1314 = arith.constant 16 : i32
      %add3A_1315 = arith.addi %add3A_1259, %add3A_1314 : i32
      %iota3A_1316 = tpu.iota {dimensions = array<i32: 0>} : vector<16xi32>
      %add3A_1317 = vector.broadcast %add3A_1315 : i32 to vector<16xi32>
      %add3A_1318 = arith.addi %add3A_1317, %iota3A_1316 : vector<16xi32>
      %get3A_1319 = arith.constant 16 : index
      %get3A_1320 = tpu.vector_load %arg9[%get3A_1319] {strides = array<i32>} : memref<192xi32, #tpu.memory_space<vmem>>, vector<16xi32>,
      %get3A_1321 = vector.shape_cast %get3A_1320 : vector<16xi32> to vector<16xi32>
      %get3A_1322 = arith.constant 16 : index
      %get3A_1323 = tpu.vector_load %arg10[%get3A_1322] {strides = array<i32>} : memref<192xi32, #tpu.memory_space<vmem>>, vector<16xi32>,
      %get3A_1324 = vector.shape_cast %get3A_1323 : vector<16xi32> to vector<16xi32>
      %ge3A_1325 = vector.broadcast %mul3A_0 : i32 to vector<16xi32>
      %ge3A_1326 = arith.cmpi sge, %get3A_1324, %ge3A_1325 : vector<16xi32>
      %add3A_1327 = arith.constant 5000 : i32
      %add3A_1328 = arith.addi %mul3A_0, %add3A_1327 : i32
      %lt3A_1329 = vector.broadcast %add3A_1328 : i32 to vector<16xi32>
      %lt3A_1330 = arith.cmpi slt, %get3A_1324, %lt3A_1329 : vector<16xi32>
      %and3A_1331 = arith.andi %ge3A_1326, %lt3A_1330 : vector<16xi1>
      %ge3A_1332 = vector.broadcast %min3A_1265 : i32 to vector<16xi32>
      %ge3A_1333 = arith.cmpi sge, %add3A_1318, %ge3A_1332 : vector<16xi32>
      %and3A_1334 = arith.andi %and3A_1331, %ge3A_1333 : vector<16xi1>
      %lt3A_1335 = vector.broadcast %min3A_1273 : i32 to vector<16xi32>
      %lt3A_1336 = arith.cmpi slt, %add3A_1318, %lt3A_1335 : vector<16xi32>
      %and3A_1337 = arith.andi %and3A_1334, %lt3A_1336 : vector<16xi1>
      %jit3A_1338 = arith.constant -1 : i32
      %broadcast_in_dim3A_1339 = vector.broadcast %jit3A_1338 : i32 to vector<16xi32>
      %select_n3A_1340 = arith.select %and3A_1337, %get3A_1321, %broadcast_in_dim3A_1339 : vector<16xi1>, vector<16xi32>
      %swap3A_1341 = arith.constant 16 : index
      %swap3A_1342 = tpu.vector_load %arg11[%swap3A_1341] {strides = array<i32>} : memref<64xi32, #tpu.memory_space<vmem>>, vector<16xi32>,
      %swap3A_1343 = vector.shape_cast %swap3A_1342 : vector<16xi32> to vector<16xi32>
      %swap3A_1344 = vector.shape_cast %select_n3A_1340 : vector<16xi32> to vector<16xi32>
      tpu.vector_store %arg11[%swap3A_1341], %swap3A_1344 {strides = array<i32>} : memref<64xi32, #tpu.memory_space<vmem>>, vector<16xi32>,
      %sub3A_1345 = vector.broadcast %mul3A_0 : i32 to vector<16xi32>
      %sub3A_1346 = arith.subi %get3A_1324, %sub3A_1345 : vector<16xi32>
      %jit3A_1347 = arith.constant 5000 : i32
      %broadcast_in_dim3A_1348 = vector.broadcast %jit3A_1347 : i32 to vector<16xi32>
      %select_n3A_1349 = arith.select %and3A_1337, %sub3A_1346, %broadcast_in_dim3A_1348 : vector<16xi1>, vector<16xi32>
      %swap3A_1350 = arith.constant 16 : index
      %swap3A_1351 = tpu.vector_load %arg17[%swap3A_1350] {strides = array<i32>} : memref<64xi32, #tpu.memory_space<vmem>>, vector<16xi32>,
      %swap3A_1352 = vector.shape_cast %swap3A_1351 : vector<16xi32> to vector<16xi32>
      %swap3A_1353 = vector.shape_cast %select_n3A_1349 : vector<16xi32> to vector<16xi32>
      tpu.vector_store %arg17[%swap3A_1350], %swap3A_1353 {strides = array<i32>} : memref<64xi32, #tpu.memory_space<vmem>>, vector<16xi32>,
      %add3A_1354 = arith.constant 32 : i32
      %add3A_1355 = arith.addi %add3A_1259, %add3A_1354 : i32
      %iota3A_1356 = tpu.iota {dimensions = array<i32: 0>} : vector<16xi32>
      %add3A_1357 = vector.broadcast %add3A_1355 : i32 to vector<16xi32>
      %add3A_1358 = arith.addi %add3A_1357, %iota3A_1356 : vector<16xi32>
      %get3A_1359 = arith.constant 32 : index
      %get3A_1360 = tpu.vector_load %arg9[%get3A_1359] {strides = array<i32>} : memref<192xi32, #tpu.memory_space<vmem>>, vector<16xi32>,
      %get3A_1361 = vector.shape_cast %get3A_1360 : vector<16xi32> to vector<16xi32>
      %get3A_1362 = arith.constant 32 : index
      %get3A_1363 = tpu.vector_load %arg10[%get3A_1362] {strides = array<i32>} : memref<192xi32, #tpu.memory_space<vmem>>, vector<16xi32>,
      %get3A_1364 = vector.shape_cast %get3A_1363 : vector<16xi32> to vector<16xi32>
      %ge3A_1365 = vector.broadcast %mul3A_0 : i32 to vector<16xi32>
      %ge3A_1366 = arith.cmpi sge, %get3A_1364, %ge3A_1365 : vector<16xi32>
      %add3A_1367 = arith.constant 5000 : i32
      %add3A_1368 = arith.addi %mul3A_0, %add3A_1367 : i32
      %lt3A_1369 = vector.broadcast %add3A_1368 : i32 to vector<16xi32>
      %lt3A_1370 = arith.cmpi slt, %get3A_1364, %lt3A_1369 : vector<16xi32>
      %and3A_1371 = arith.andi %ge3A_1366, %lt3A_1370 : vector<16xi1>
      %ge3A_1372 = vector.broadcast %min3A_1265 : i32 to vector<16xi32>
      %ge3A_1373 = arith.cmpi sge, %add3A_1358, %ge3A_1372 : vector<16xi32>
      %and3A_1374 = arith.andi %and3A_1371, %ge3A_1373 : vector<16xi1>
      %lt3A_1375 = vector.broadcast %min3A_1273 : i32 to vector<16xi32>
      %lt3A_1376 = arith.cmpi slt, %add3A_1358, %lt3A_1375 : vector<16xi32>
      %and3A_1377 = arith.andi %and3A_1374, %lt3A_1376 : vector<16xi1>
      %jit3A_1378 = arith.constant -1 : i32
      %broadcast_in_dim3A_1379 = vector.broadcast %jit3A_1378 : i32 to vector<16xi32>
      %select_n3A_1380 = arith.select %and3A_1377, %get3A_1361, %broadcast_in_dim3A_1379 : vector<16xi1>, vector<16xi32>
      %swap3A_1381 = arith.constant 32 : index
      %swap3A_1382 = tpu.vector_load %arg11[%swap3A_1381] {strides = array<i32>} : memref<64xi32, #tpu.memory_space<vmem>>, vector<16xi32>,
      %swap3A_1383 = vector.shape_cast %swap3A_1382 : vector<16xi32> to vector<16xi32>
      %swap3A_1384 = vector.shape_cast %select_n3A_1380 : vector<16xi32> to vector<16xi32>
      tpu.vector_store %arg11[%swap3A_1381], %swap3A_1384 {strides = array<i32>} : memref<64xi32, #tpu.memory_space<vmem>>, vector<16xi32>,
      %sub3A_1385 = vector.broadcast %mul3A_0 : i32 to vector<16xi32>
      %sub3A_1386 = arith.subi %get3A_1364, %sub3A_1385 : vector<16xi32>
      %jit3A_1387 = arith.constant 5000 : i32
      %broadcast_in_dim3A_1388 = vector.broadcast %jit3A_1387 : i32 to vector<16xi32>
      %select_n3A_1389 = arith.select %and3A_1377, %sub3A_1386, %broadcast_in_dim3A_1388 : vector<16xi1>, vector<16xi32>
      %swap3A_1390 = arith.constant 32 : index
      %swap3A_1391 = tpu.vector_load %arg17[%swap3A_1390] {strides = array<i32>} : memref<64xi32, #tpu.memory_space<vmem>>, vector<16xi32>,
      %swap3A_1392 = vector.shape_cast %swap3A_1391 : vector<16xi32> to vector<16xi32>
      %swap3A_1393 = vector.shape_cast %select_n3A_1389 : vector<16xi32> to vector<16xi32>
      tpu.vector_store %arg17[%swap3A_1390], %swap3A_1393 {strides = array<i32>} : memref<64xi32, #tpu.memory_space<vmem>>, vector<16xi32>,
      %add3A_1394 = arith.constant 48 : i32
      %add3A_1395 = arith.addi %add3A_1259, %add3A_1394 : i32
      %iota3A_1396 = tpu.iota {dimensions = array<i32: 0>} : vector<16xi32>
      %add3A_1397 = vector.broadcast %add3A_1395 : i32 to vector<16xi32>
      %add3A_1398 = arith.addi %add3A_1397, %iota3A_1396 : vector<16xi32>
      %get3A_1399 = arith.constant 48 : index
      %get3A_1400 = tpu.vector_load %arg9[%get3A_1399] {strides = array<i32>} : memref<192xi32, #tpu.memory_space<vmem>>, vector<16xi32>,
      %get3A_1401 = vector.shape_cast %get3A_1400 : vector<16xi32> to vector<16xi32>
      %get3A_1402 = arith.constant 48 : index
      %get3A_1403 = tpu.vector_load %arg10[%get3A_1402] {strides = array<i32>} : memref<192xi32, #tpu.memory_space<vmem>>, vector<16xi32>,
      %get3A_1404 = vector.shape_cast %get3A_1403 : vector<16xi32> to vector<16xi32>
      %ge3A_1405 = vector.broadcast %mul3A_0 : i32 to vector<16xi32>
      %ge3A_1406 = arith.cmpi sge, %get3A_1404, %ge3A_1405 : vector<16xi32>
      %add3A_1407 = arith.constant 5000 : i32
      %add3A_1408 = arith.addi %mul3A_0, %add3A_1407 : i32
      %lt3A_1409 = vector.broadcast %add3A_1408 : i32 to vector<16xi32>
      %lt3A_1410 = arith.cmpi slt, %get3A_1404, %lt3A_1409 : vector<16xi32>
      %and3A_1411 = arith.andi %ge3A_1406, %lt3A_1410 : vector<16xi1>
      %ge3A_1412 = vector.broadcast %min3A_1265 : i32 to vector<16xi32>
      %ge3A_1413 = arith.cmpi sge, %add3A_1398, %ge3A_1412 : vector<16xi32>
      %and3A_1414 = arith.andi %and3A_1411, %ge3A_1413 : vector<16xi1>
      %lt3A_1415 = vector.broadcast %min3A_1273 : i32 to vector<16xi32>
      %lt3A_1416 = arith.cmpi slt, %add3A_1398, %lt3A_1415 : vector<16xi32>
      %and3A_1417 = arith.andi %and3A_1414, %lt3A_1416 : vector<16xi1>
      %jit3A_1418 = arith.constant -1 : i32
      %broadcast_in_dim3A_1419 = vector.broadcast %jit3A_1418 : i32 to vector<16xi32>
      %select_n3A_1420 = arith.select %and3A_1417, %get3A_1401, %broadcast_in_dim3A_1419 : vector<16xi1>, vector<16xi32>
      %swap3A_1421 = arith.constant 48 : index
      %swap3A_1422 = tpu.vector_load %arg11[%swap3A_1421] {strides = array<i32>} : memref<64xi32, #tpu.memory_space<vmem>>, vector<16xi32>,
      %swap3A_1423 = vector.shape_cast %swap3A_1422 : vector<16xi32> to vector<16xi32>
      %swap3A_1424 = vector.shape_cast %select_n3A_1420 : vector<16xi32> to vector<16xi32>
      tpu.vector_store %arg11[%swap3A_1421], %swap3A_1424 {strides = array<i32>} : memref<64xi32, #tpu.memory_space<vmem>>, vector<16xi32>,
      %sub3A_1425 = vector.broadcast %mul3A_0 : i32 to vector<16xi32>
      %sub3A_1426 = arith.subi %get3A_1404, %sub3A_1425 : vector<16xi32>
      %jit3A_1427 = arith.constant 5000 : i32
      %broadcast_in_dim3A_1428 = vector.broadcast %jit3A_1427 : i32 to vector<16xi32>
      %select_n3A_1429 = arith.select %and3A_1417, %sub3A_1426, %broadcast_in_dim3A_1428 : vector<16xi1>, vector<16xi32>
      %swap3A_1430 = arith.constant 48 : index
      %swap3A_1431 = tpu.vector_load %arg17[%swap3A_1430] {strides = array<i32>} : memref<64xi32, #tpu.memory_space<vmem>>, vector<16xi32>,
      %swap3A_1432 = vector.shape_cast %swap3A_1431 : vector<16xi32> to vector<16xi32>
      %swap3A_1433 = vector.shape_cast %select_n3A_1429 : vector<16xi32> to vector<16xi32>
      tpu.vector_store %arg17[%swap3A_1430], %swap3A_1433 {strides = array<i32>} : memref<64xi32, #tpu.memory_space<vmem>>, vector<16xi32>,
      %dma_wait3A_1434 = arith.constant 0 : i32
      %dma_wait3A_1435 = arith.constant 0 : i32
      %dma_wait3A_1436 = tpu.memref_slice %arg5[%dma_wait3A_1434, %dma_wait3A_1435] : memref<10000x256xf32, #tpu.memory_space<hbm>> -> memref<10000x256xf32, #tpu.memory_space<hbm>>
      tpu.wait_indirect_dma semaphore(%arg27 : memref<!tpu.dma_semaphore, #tpu.memory_space<semaphore_mem>>) src(%dma_wait3A_1436 : memref<10000x256xf32, #tpu.memory_space<hbm>>) dst(%arg21 : memref<64x256xf32, #tpu.memory_space<vmem>>)
      %dma_start3A_1437 = arith.constant 0 : i32
      %dma_start3A_1438 = arith.constant 0 : i32
      %dma_start3A_1439 = tpu.memref_slice %arg23[%dma_start3A_1437, %dma_start3A_1438] : memref<5008x256xf32, #tpu.memory_space<vmem_shared>> -> memref<5008x256xf32, #tpu.memory_space<vmem_shared>>
      %dma_start3A_1440 = arith.constant 5000 : i32
      tpu.enqueue_indirect_dma source(%arg21 : memref<64x256xf32, #tpu.memory_space<vmem>>) target(%dma_start3A_1439 : memref<5008x256xf32, #tpu.memory_space<vmem_shared>>) offsets(%arg15 : memref<64xi32, #tpu.memory_space<vmem>>) offset_filter(%dma_start3A_1440) semaphore(%arg30 : memref<!tpu.dma_semaphore, #tpu.memory_space<semaphore_mem>>) {add = true}
      %mul3A_1441 = arith.constant 192 : i32
      %mul3A_1442 = arith.muli %min3A_1230, %mul3A_1441 : i32
      %add3A_1443 = arith.addi %mul3A_18, %mul3A_1442 : i32
      %min3A_1444 = arith.constant 159808 : i32
      %min3A_1445 = arith.minsi %add3A_1443, %min3A_1444 : i32
      %add3A_1446 = arith.constant 64 : i32
      %add3A_1447 = arith.addi %min3A_1445, %add3A_1446 : i32
      %mul3A_1448 = arith.constant 192 : i32
      %mul3A_1449 = arith.muli %min3A_1230, %mul3A_1448 : i32
      %add3A_1450 = arith.addi %mul3A_18, %mul3A_1449 : i32
      %add3A_1451 = arith.constant 10000 : i32
      %add3A_1452 = arith.addi %mul3A_18, %add3A_1451 : i32
      %min3A_1453 = arith.minsi %add3A_1450, %add3A_1452 : i32
      %add3A_1454 = arith.constant 1 : i32
      %add3A_1455 = arith.addi %min3A_1230, %add3A_1454 : i32
      %mul3A_1456 = arith.constant 192 : i32
      %mul3A_1457 = arith.muli %add3A_1455, %mul3A_1456 : i32
      %add3A_1458 = arith.addi %mul3A_18, %mul3A_1457 : i32
      %add3A_1459 = arith.constant 10000 : i32
      %add3A_1460 = arith.addi %mul3A_18, %add3A_1459 : i32
      %min3A_1461 = arith.minsi %add3A_1458, %add3A_1460 : i32
      %add3A_1462 = arith.constant 0 : i32
      %add3A_1463 = arith.addi %add3A_1447, %add3A_1462 : i32
      %iota3A_1464 = tpu.iota {dimensions = array<i32: 0>} : vector<16xi32>
      %add3A_1465 = vector.broadcast %add3A_1463 : i32 to vector<16xi32>
      %add3A_1466 = arith.addi %add3A_1465, %iota3A_1464 : vector<16xi32>
      %get3A_1467 = arith.constant 64 : index
      %get3A_1468 = tpu.vector_load %arg9[%get3A_1467] {strides = array<i32>} : memref<192xi32, #tpu.memory_space<vmem>>, vector<16xi32>,
      %get3A_1469 = vector.shape_cast %get3A_1468 : vector<16xi32> to vector<16xi32>
      %get3A_1470 = arith.constant 64 : index
      %get3A_1471 = tpu.vector_load %arg10[%get3A_1470] {strides = array<i32>} : memref<192xi32, #tpu.memory_space<vmem>>, vector<16xi32>,
      %get3A_1472 = vector.shape_cast %get3A_1471 : vector<16xi32> to vector<16xi32>
      %ge3A_1473 = vector.broadcast %mul3A_0 : i32 to vector<16xi32>
      %ge3A_1474 = arith.cmpi sge, %get3A_1472, %ge3A_1473 : vector<16xi32>
      %add3A_1475 = arith.constant 5000 : i32
      %add3A_1476 = arith.addi %mul3A_0, %add3A_1475 : i32
      %lt3A_1477 = vector.broadcast %add3A_1476 : i32 to vector<16xi32>
      %lt3A_1478 = arith.cmpi slt, %get3A_1472, %lt3A_1477 : vector<16xi32>
      %and3A_1479 = arith.andi %ge3A_1474, %lt3A_1478 : vector<16xi1>
      %ge3A_1480 = vector.broadcast %min3A_1453 : i32 to vector<16xi32>
      %ge3A_1481 = arith.cmpi sge, %add3A_1466, %ge3A_1480 : vector<16xi32>
      %and3A_1482 = arith.andi %and3A_1479, %ge3A_1481 : vector<16xi1>
      %lt3A_1483 = vector.broadcast %min3A_1461 : i32 to vector<16xi32>
      %lt3A_1484 = arith.cmpi slt, %add3A_1466, %lt3A_1483 : vector<16xi32>
      %and3A_1485 = arith.andi %and3A_1482, %lt3A_1484 : vector<16xi1>
      %jit3A_1486 = arith.constant -1 : i32
      %broadcast_in_dim3A_1487 = vector.broadcast %jit3A_1486 : i32 to vector<16xi32>
      %select_n3A_1488 = arith.select %and3A_1485, %get3A_1469, %broadcast_in_dim3A_1487 : vector<16xi1>, vector<16xi32>
      %swap3A_1489 = arith.constant 0 : index
      %swap3A_1490 = tpu.vector_load %arg12[%swap3A_1489] {strides = array<i32>} : memref<64xi32, #tpu.memory_space<vmem>>, vector<16xi32>,
      %swap3A_1491 = vector.shape_cast %swap3A_1490 : vector<16xi32> to vector<16xi32>
      %swap3A_1492 = vector.shape_cast %select_n3A_1488 : vector<16xi32> to vector<16xi32>
      tpu.vector_store %arg12[%swap3A_1489], %swap3A_1492 {strides = array<i32>} : memref<64xi32, #tpu.memory_space<vmem>>, vector<16xi32>,
      %sub3A_1493 = vector.broadcast %mul3A_0 : i32 to vector<16xi32>
      %sub3A_1494 = arith.subi %get3A_1472, %sub3A_1493 : vector<16xi32>
      %jit3A_1495 = arith.constant 5000 : i32
      %broadcast_in_dim3A_1496 = vector.broadcast %jit3A_1495 : i32 to vector<16xi32>
      %select_n3A_1497 = arith.select %and3A_1485, %sub3A_1494, %broadcast_in_dim3A_1496 : vector<16xi1>, vector<16xi32>
      %swap3A_1498 = arith.constant 0 : index
      %swap3A_1499 = tpu.vector_load %arg18[%swap3A_1498] {strides = array<i32>} : memref<64xi32, #tpu.memory_space<vmem>>, vector<16xi32>,
      %swap3A_1500 = vector.shape_cast %swap3A_1499 : vector<16xi32> to vector<16xi32>
      %swap3A_1501 = vector.shape_cast %select_n3A_1497 : vector<16xi32> to vector<16xi32>
      tpu.vector_store %arg18[%swap3A_1498], %swap3A_1501 {strides = array<i32>} : memref<64xi32, #tpu.memory_space<vmem>>, vector<16xi32>,
      %add3A_1502 = arith.constant 16 : i32
      %add3A_1503 = arith.addi %add3A_1447, %add3A_1502 : i32
      %iota3A_1504 = tpu.iota {dimensions = array<i32: 0>} : vector<16xi32>
      %add3A_1505 = vector.broadcast %add3A_1503 : i32 to vector<16xi32>
      %add3A_1506 = arith.addi %add3A_1505, %iota3A_1504 : vector<16xi32>
      %get3A_1507 = arith.constant 80 : index
      %get3A_1508 = tpu.vector_load %arg9[%get3A_1507] {strides = array<i32>} : memref<192xi32, #tpu.memory_space<vmem>>, vector<16xi32>,
      %get3A_1509 = vector.shape_cast %get3A_1508 : vector<16xi32> to vector<16xi32>
      %get3A_1510 = arith.constant 80 : index
      %get3A_1511 = tpu.vector_load %arg10[%get3A_1510] {strides = array<i32>} : memref<192xi32, #tpu.memory_space<vmem>>, vector<16xi32>,
      %get3A_1512 = vector.shape_cast %get3A_1511 : vector<16xi32> to vector<16xi32>
      %ge3A_1513 = vector.broadcast %mul3A_0 : i32 to vector<16xi32>
      %ge3A_1514 = arith.cmpi sge, %get3A_1512, %ge3A_1513 : vector<16xi32>
      %add3A_1515 = arith.constant 5000 : i32
      %add3A_1516 = arith.addi %mul3A_0, %add3A_1515 : i32
      %lt3A_1517 = vector.broadcast %add3A_1516 : i32 to vector<16xi32>
      %lt3A_1518 = arith.cmpi slt, %get3A_1512, %lt3A_1517 : vector<16xi32>
      %and3A_1519 = arith.andi %ge3A_1514, %lt3A_1518 : vector<16xi1>
      %ge3A_1520 = vector.broadcast %min3A_1453 : i32 to vector<16xi32>
      %ge3A_1521 = arith.cmpi sge, %add3A_1506, %ge3A_1520 : vector<16xi32>
      %and3A_1522 = arith.andi %and3A_1519, %ge3A_1521 : vector<16xi1>
      %lt3A_1523 = vector.broadcast %min3A_1461 : i32 to vector<16xi32>
      %lt3A_1524 = arith.cmpi slt, %add3A_1506, %lt3A_1523 : vector<16xi32>
      %and3A_1525 = arith.andi %and3A_1522, %lt3A_1524 : vector<16xi1>
      %jit3A_1526 = arith.constant -1 : i32
      %broadcast_in_dim3A_1527 = vector.broadcast %jit3A_1526 : i32 to vector<16xi32>
      %select_n3A_1528 = arith.select %and3A_1525, %get3A_1509, %broadcast_in_dim3A_1527 : vector<16xi1>, vector<16xi32>
      %swap3A_1529 = arith.constant 16 : index
      %swap3A_1530 = tpu.vector_load %arg12[%swap3A_1529] {strides = array<i32>} : memref<64xi32, #tpu.memory_space<vmem>>, vector<16xi32>,
      %swap3A_1531 = vector.shape_cast %swap3A_1530 : vector<16xi32> to vector<16xi32>
      %swap3A_1532 = vector.shape_cast %select_n3A_1528 : vector<16xi32> to vector<16xi32>
      tpu.vector_store %arg12[%swap3A_1529], %swap3A_1532 {strides = array<i32>} : memref<64xi32, #tpu.memory_space<vmem>>, vector<16xi32>,
      %sub3A_1533 = vector.broadcast %mul3A_0 : i32 to vector<16xi32>
      %sub3A_1534 = arith.subi %get3A_1512, %sub3A_1533 : vector<16xi32>
      %jit3A_1535 = arith.constant 5000 : i32
      %broadcast_in_dim3A_1536 = vector.broadcast %jit3A_1535 : i32 to vector<16xi32>
      %select_n3A_1537 = arith.select %and3A_1525, %sub3A_1534, %broadcast_in_dim3A_1536 : vector<16xi1>, vector<16xi32>
      %swap3A_1538 = arith.constant 16 : index
      %swap3A_1539 = tpu.vector_load %arg18[%swap3A_1538] {strides = array<i32>} : memref<64xi32, #tpu.memory_space<vmem>>, vector<16xi32>,
      %swap3A_1540 = vector.shape_cast %swap3A_1539 : vector<16xi32> to vector<16xi32>
      %swap3A_1541 = vector.shape_cast %select_n3A_1537 : vector<16xi32> to vector<16xi32>
      tpu.vector_store %arg18[%swap3A_1538], %swap3A_1541 {strides = array<i32>} : memref<64xi32, #tpu.memory_space<vmem>>, vector<16xi32>,
      %add3A_1542 = arith.constant 32 : i32
      %add3A_1543 = arith.addi %add3A_1447, %add3A_1542 : i32
      %iota3A_1544 = tpu.iota {dimensions = array<i32: 0>} : vector<16xi32>
      %add3A_1545 = vector.broadcast %add3A_1543 : i32 to vector<16xi32>
      %add3A_1546 = arith.addi %add3A_1545, %iota3A_1544 : vector<16xi32>
      %get3A_1547 = arith.constant 96 : index
      %get3A_1548 = tpu.vector_load %arg9[%get3A_1547] {strides = array<i32>} : memref<192xi32, #tpu.memory_space<vmem>>, vector<16xi32>,
      %get3A_1549 = vector.shape_cast %get3A_1548 : vector<16xi32> to vector<16xi32>
      %get3A_1550 = arith.constant 96 : index
      %get3A_1551 = tpu.vector_load %arg10[%get3A_1550] {strides = array<i32>} : memref<192xi32, #tpu.memory_space<vmem>>, vector<16xi32>,
      %get3A_1552 = vector.shape_cast %get3A_1551 : vector<16xi32> to vector<16xi32>
      %ge3A_1553 = vector.broadcast %mul3A_0 : i32 to vector<16xi32>
      %ge3A_1554 = arith.cmpi sge, %get3A_1552, %ge3A_1553 : vector<16xi32>
      %add3A_1555 = arith.constant 5000 : i32
      %add3A_1556 = arith.addi %mul3A_0, %add3A_1555 : i32
      %lt3A_1557 = vector.broadcast %add3A_1556 : i32 to vector<16xi32>
      %lt3A_1558 = arith.cmpi slt, %get3A_1552, %lt3A_1557 : vector<16xi32>
      %and3A_1559 = arith.andi %ge3A_1554, %lt3A_1558 : vector<16xi1>
      %ge3A_1560 = vector.broadcast %min3A_1453 : i32 to vector<16xi32>
      %ge3A_1561 = arith.cmpi sge, %add3A_1546, %ge3A_1560 : vector<16xi32>
      %and3A_1562 = arith.andi %and3A_1559, %ge3A_1561 : vector<16xi1>
      %lt3A_1563 = vector.broadcast %min3A_1461 : i32 to vector<16xi32>
      %lt3A_1564 = arith.cmpi slt, %add3A_1546, %lt3A_1563 : vector<16xi32>
      %and3A_1565 = arith.andi %and3A_1562, %lt3A_1564 : vector<16xi1>
      %jit3A_1566 = arith.constant -1 : i32
      %broadcast_in_dim3A_1567 = vector.broadcast %jit3A_1566 : i32 to vector<16xi32>
      %select_n3A_1568 = arith.select %and3A_1565, %get3A_1549, %broadcast_in_dim3A_1567 : vector<16xi1>, vector<16xi32>
      %swap3A_1569 = arith.constant 32 : index
      %swap3A_1570 = tpu.vector_load %arg12[%swap3A_1569] {strides = array<i32>} : memref<64xi32, #tpu.memory_space<vmem>>, vector<16xi32>,
      %swap3A_1571 = vector.shape_cast %swap3A_1570 : vector<16xi32> to vector<16xi32>
      %swap3A_1572 = vector.shape_cast %select_n3A_1568 : vector<16xi32> to vector<16xi32>
      tpu.vector_store %arg12[%swap3A_1569], %swap3A_1572 {strides = array<i32>} : memref<64xi32, #tpu.memory_space<vmem>>, vector<16xi32>,
      %sub3A_1573 = vector.broadcast %mul3A_0 : i32 to vector<16xi32>
      %sub3A_1574 = arith.subi %get3A_1552, %sub3A_1573 : vector<16xi32>
      %jit3A_1575 = arith.constant 5000 : i32
      %broadcast_in_dim3A_1576 = vector.broadcast %jit3A_1575 : i32 to vector<16xi32>
      %select_n3A_1577 = arith.select %and3A_1565, %sub3A_1574, %broadcast_in_dim3A_1576 : vector<16xi1>, vector<16xi32>
      %swap3A_1578 = arith.constant 32 : index
      %swap3A_1579 = tpu.vector_load %arg18[%swap3A_1578] {strides = array<i32>} : memref<64xi32, #tpu.memory_space<vmem>>, vector<16xi32>,
      %swap3A_1580 = vector.shape_cast %swap3A_1579 : vector<16xi32> to vector<16xi32>
      %swap3A_1581 = vector.shape_cast %select_n3A_1577 : vector<16xi32> to vector<16xi32>
      tpu.vector_store %arg18[%swap3A_1578], %swap3A_1581 {strides = array<i32>} : memref<64xi32, #tpu.memory_space<vmem>>, vector<16xi32>,
      %add3A_1582 = arith.constant 48 : i32
      %add3A_1583 = arith.addi %add3A_1447, %add3A_1582 : i32
      %iota3A_1584 = tpu.iota {dimensions = array<i32: 0>} : vector<16xi32>
      %add3A_1585 = vector.broadcast %add3A_1583 : i32 to vector<16xi32>
      %add3A_1586 = arith.addi %add3A_1585, %iota3A_1584 : vector<16xi32>
      %get3A_1587 = arith.constant 112 : index
      %get3A_1588 = tpu.vector_load %arg9[%get3A_1587] {strides = array<i32>} : memref<192xi32, #tpu.memory_space<vmem>>, vector<16xi32>,
      %get3A_1589 = vector.shape_cast %get3A_1588 : vector<16xi32> to vector<16xi32>
      %get3A_1590 = arith.constant 112 : index
      %get3A_1591 = tpu.vector_load %arg10[%get3A_1590] {strides = array<i32>} : memref<192xi32, #tpu.memory_space<vmem>>, vector<16xi32>,
      %get3A_1592 = vector.shape_cast %get3A_1591 : vector<16xi32> to vector<16xi32>
      %ge3A_1593 = vector.broadcast %mul3A_0 : i32 to vector<16xi32>
      %ge3A_1594 = arith.cmpi sge, %get3A_1592, %ge3A_1593 : vector<16xi32>
      %add3A_1595 = arith.constant 5000 : i32
      %add3A_1596 = arith.addi %mul3A_0, %add3A_1595 : i32
      %lt3A_1597 = vector.broadcast %add3A_1596 : i32 to vector<16xi32>
      %lt3A_1598 = arith.cmpi slt, %get3A_1592, %lt3A_1597 : vector<16xi32>
      %and3A_1599 = arith.andi %ge3A_1594, %lt3A_1598 : vector<16xi1>
      %ge3A_1600 = vector.broadcast %min3A_1453 : i32 to vector<16xi32>
      %ge3A_1601 = arith.cmpi sge, %add3A_1586, %ge3A_1600 : vector<16xi32>
      %and3A_1602 = arith.andi %and3A_1599, %ge3A_1601 : vector<16xi1>
      %lt3A_1603 = vector.broadcast %min3A_1461 : i32 to vector<16xi32>
      %lt3A_1604 = arith.cmpi slt, %add3A_1586, %lt3A_1603 : vector<16xi32>
      %and3A_1605 = arith.andi %and3A_1602, %lt3A_1604 : vector<16xi1>
      %jit3A_1606 = arith.constant -1 : i32
      %broadcast_in_dim3A_1607 = vector.broadcast %jit3A_1606 : i32 to vector<16xi32>
      %select_n3A_1608 = arith.select %and3A_1605, %get3A_1589, %broadcast_in_dim3A_1607 : vector<16xi1>, vector<16xi32>
      %swap3A_1609 = arith.constant 48 : index
      %swap3A_1610 = tpu.vector_load %arg12[%swap3A_1609] {strides = array<i32>} : memref<64xi32, #tpu.memory_space<vmem>>, vector<16xi32>,
      %swap3A_1611 = vector.shape_cast %swap3A_1610 : vector<16xi32> to vector<16xi32>
      %swap3A_1612 = vector.shape_cast %select_n3A_1608 : vector<16xi32> to vector<16xi32>
      tpu.vector_store %arg12[%swap3A_1609], %swap3A_1612 {strides = array<i32>} : memref<64xi32, #tpu.memory_space<vmem>>, vector<16xi32>,
      %sub3A_1613 = vector.broadcast %mul3A_0 : i32 to vector<16xi32>
      %sub3A_1614 = arith.subi %get3A_1592, %sub3A_1613 : vector<16xi32>
      %jit3A_1615 = arith.constant 5000 : i32
      %broadcast_in_dim3A_1616 = vector.broadcast %jit3A_1615 : i32 to vector<16xi32>
      %select_n3A_1617 = arith.select %and3A_1605, %sub3A_1614, %broadcast_in_dim3A_1616 : vector<16xi1>, vector<16xi32>
      %swap3A_1618 = arith.constant 48 : index
      %swap3A_1619 = tpu.vector_load %arg18[%swap3A_1618] {strides = array<i32>} : memref<64xi32, #tpu.memory_space<vmem>>, vector<16xi32>,
      %swap3A_1620 = vector.shape_cast %swap3A_1619 : vector<16xi32> to vector<16xi32>
      %swap3A_1621 = vector.shape_cast %select_n3A_1617 : vector<16xi32> to vector<16xi32>
      tpu.vector_store %arg18[%swap3A_1618], %swap3A_1621 {strides = array<i32>} : memref<64xi32, #tpu.memory_space<vmem>>, vector<16xi32>,
      %dma_wait3A_1622 = arith.constant 0 : i32
      %dma_wait3A_1623 = arith.constant 0 : i32
      %dma_wait3A_1624 = tpu.memref_slice %arg5[%dma_wait3A_1622, %dma_wait3A_1623] : memref<10000x256xf32, #tpu.memory_space<hbm>> -> memref<10000x256xf32, #tpu.memory_space<hbm>>
      tpu.wait_indirect_dma semaphore(%arg28 : memref<!tpu.dma_semaphore, #tpu.memory_space<semaphore_mem>>) src(%dma_wait3A_1624 : memref<10000x256xf32, #tpu.memory_space<hbm>>) dst(%arg22 : memref<64x256xf32, #tpu.memory_space<vmem>>)
      %dma_start3A_1625 = arith.constant 0 : i32
      %dma_start3A_1626 = arith.constant 0 : i32
      %dma_start3A_1627 = tpu.memref_slice %arg23[%dma_start3A_1625, %dma_start3A_1626] : memref<5008x256xf32, #tpu.memory_space<vmem_shared>> -> memref<5008x256xf32, #tpu.memory_space<vmem_shared>>
      %dma_start3A_1628 = arith.constant 5000 : i32
      tpu.enqueue_indirect_dma source(%arg22 : memref<64x256xf32, #tpu.memory_space<vmem>>) target(%dma_start3A_1627 : memref<5008x256xf32, #tpu.memory_space<vmem_shared>>) offsets(%arg16 : memref<64xi32, #tpu.memory_space<vmem>>) offset_filter(%dma_start3A_1628) semaphore(%arg31 : memref<!tpu.dma_semaphore, #tpu.memory_space<semaphore_mem>>) {add = true}
      %mul3A_1629 = arith.constant 192 : i32
      %mul3A_1630 = arith.muli %min3A_1230, %mul3A_1629 : i32
      %add3A_1631 = arith.addi %mul3A_18, %mul3A_1630 : i32
      %min3A_1632 = arith.constant 159808 : i32
      %min3A_1633 = arith.minsi %add3A_1631, %min3A_1632 : i32
      %add3A_1634 = arith.constant 128 : i32
      %add3A_1635 = arith.addi %min3A_1633, %add3A_1634 : i32
      %mul3A_1636 = arith.constant 192 : i32
      %mul3A_1637 = arith.muli %min3A_1230, %mul3A_1636 : i32
      %add3A_1638 = arith.addi %mul3A_18, %mul3A_1637 : i32
      %add3A_1639 = arith.constant 10000 : i32
      %add3A_1640 = arith.addi %mul3A_18, %add3A_1639 : i32
      %min3A_1641 = arith.minsi %add3A_1638, %add3A_1640 : i32
      %add3A_1642 = arith.constant 1 : i32
      %add3A_1643 = arith.addi %min3A_1230, %add3A_1642 : i32
      %mul3A_1644 = arith.constant 192 : i32
      %mul3A_1645 = arith.muli %add3A_1643, %mul3A_1644 : i32
      %add3A_1646 = arith.addi %mul3A_18, %mul3A_1645 : i32
      %add3A_1647 = arith.constant 10000 : i32
      %add3A_1648 = arith.addi %mul3A_18, %add3A_1647 : i32
      %min3A_1649 = arith.minsi %add3A_1646, %add3A_1648 : i32
      %add3A_1650 = arith.constant 0 : i32
      %add3A_1651 = arith.addi %add3A_1635, %add3A_1650 : i32
      %iota3A_1652 = tpu.iota {dimensions = array<i32: 0>} : vector<16xi32>
      %add3A_1653 = vector.broadcast %add3A_1651 : i32 to vector<16xi32>
      %add3A_1654 = arith.addi %add3A_1653, %iota3A_1652 : vector<16xi32>
      %get3A_1655 = arith.constant 128 : index
      %get3A_1656 = tpu.vector_load %arg9[%get3A_1655] {strides = array<i32>} : memref<192xi32, #tpu.memory_space<vmem>>, vector<16xi32>,
      %get3A_1657 = vector.shape_cast %get3A_1656 : vector<16xi32> to vector<16xi32>
      %get3A_1658 = arith.constant 128 : index
      %get3A_1659 = tpu.vector_load %arg10[%get3A_1658] {strides = array<i32>} : memref<192xi32, #tpu.memory_space<vmem>>, vector<16xi32>,
      %get3A_1660 = vector.shape_cast %get3A_1659 : vector<16xi32> to vector<16xi32>
      %ge3A_1661 = vector.broadcast %mul3A_0 : i32 to vector<16xi32>
      %ge3A_1662 = arith.cmpi sge, %get3A_1660, %ge3A_1661 : vector<16xi32>
      %add3A_1663 = arith.constant 5000 : i32
      %add3A_1664 = arith.addi %mul3A_0, %add3A_1663 : i32
      %lt3A_1665 = vector.broadcast %add3A_1664 : i32 to vector<16xi32>
      %lt3A_1666 = arith.cmpi slt, %get3A_1660, %lt3A_1665 : vector<16xi32>
      %and3A_1667 = arith.andi %ge3A_1662, %lt3A_1666 : vector<16xi1>
      %ge3A_1668 = vector.broadcast %min3A_1641 : i32 to vector<16xi32>
      %ge3A_1669 = arith.cmpi sge, %add3A_1654, %ge3A_1668 : vector<16xi32>
      %and3A_1670 = arith.andi %and3A_1667, %ge3A_1669 : vector<16xi1>
      %lt3A_1671 = vector.broadcast %min3A_1649 : i32 to vector<16xi32>
      %lt3A_1672 = arith.cmpi slt, %add3A_1654, %lt3A_1671 : vector<16xi32>
      %and3A_1673 = arith.andi %and3A_1670, %lt3A_1672 : vector<16xi1>
      %jit3A_1674 = arith.constant -1 : i32
      %broadcast_in_dim3A_1675 = vector.broadcast %jit3A_1674 : i32 to vector<16xi32>
      %select_n3A_1676 = arith.select %and3A_1673, %get3A_1657, %broadcast_in_dim3A_1675 : vector<16xi1>, vector<16xi32>
      %swap3A_1677 = arith.constant 0 : index
      %swap3A_1678 = tpu.vector_load %arg13[%swap3A_1677] {strides = array<i32>} : memref<64xi32, #tpu.memory_space<vmem>>, vector<16xi32>,
      %swap3A_1679 = vector.shape_cast %swap3A_1678 : vector<16xi32> to vector<16xi32>
      %swap3A_1680 = vector.shape_cast %select_n3A_1676 : vector<16xi32> to vector<16xi32>
      tpu.vector_store %arg13[%swap3A_1677], %swap3A_1680 {strides = array<i32>} : memref<64xi32, #tpu.memory_space<vmem>>, vector<16xi32>,
      %sub3A_1681 = vector.broadcast %mul3A_0 : i32 to vector<16xi32>
      %sub3A_1682 = arith.subi %get3A_1660, %sub3A_1681 : vector<16xi32>
      %jit3A_1683 = arith.constant 5000 : i32
      %broadcast_in_dim3A_1684 = vector.broadcast %jit3A_1683 : i32 to vector<16xi32>
      %select_n3A_1685 = arith.select %and3A_1673, %sub3A_1682, %broadcast_in_dim3A_1684 : vector<16xi1>, vector<16xi32>
      %swap3A_1686 = arith.constant 0 : index
      %swap3A_1687 = tpu.vector_load %arg19[%swap3A_1686] {strides = array<i32>} : memref<64xi32, #tpu.memory_space<vmem>>, vector<16xi32>,
      %swap3A_1688 = vector.shape_cast %swap3A_1687 : vector<16xi32> to vector<16xi32>
      %swap3A_1689 = vector.shape_cast %select_n3A_1685 : vector<16xi32> to vector<16xi32>
      tpu.vector_store %arg19[%swap3A_1686], %swap3A_1689 {strides = array<i32>} : memref<64xi32, #tpu.memory_space<vmem>>, vector<16xi32>,
      %add3A_1690 = arith.constant 16 : i32
      %add3A_1691 = arith.addi %add3A_1635, %add3A_1690 : i32
      %iota3A_1692 = tpu.iota {dimensions = array<i32: 0>} : vector<16xi32>
      %add3A_1693 = vector.broadcast %add3A_1691 : i32 to vector<16xi32>
      %add3A_1694 = arith.addi %add3A_1693, %iota3A_1692 : vector<16xi32>
      %get3A_1695 = arith.constant 144 : index
      %get3A_1696 = tpu.vector_load %arg9[%get3A_1695] {strides = array<i32>} : memref<192xi32, #tpu.memory_space<vmem>>, vector<16xi32>,
      %get3A_1697 = vector.shape_cast %get3A_1696 : vector<16xi32> to vector<16xi32>
      %get3A_1698 = arith.constant 144 : index
      %get3A_1699 = tpu.vector_load %arg10[%get3A_1698] {strides = array<i32>} : memref<192xi32, #tpu.memory_space<vmem>>, vector<16xi32>,
      %get3A_1700 = vector.shape_cast %get3A_1699 : vector<16xi32> to vector<16xi32>
      %ge3A_1701 = vector.broadcast %mul3A_0 : i32 to vector<16xi32>
      %ge3A_1702 = arith.cmpi sge, %get3A_1700, %ge3A_1701 : vector<16xi32>
      %add3A_1703 = arith.constant 5000 : i32
      %add3A_1704 = arith.addi %mul3A_0, %add3A_1703 : i32
      %lt3A_1705 = vector.broadcast %add3A_1704 : i32 to vector<16xi32>
      %lt3A_1706 = arith.cmpi slt, %get3A_1700, %lt3A_1705 : vector<16xi32>
      %and3A_1707 = arith.andi %ge3A_1702, %lt3A_1706 : vector<16xi1>
      %ge3A_1708 = vector.broadcast %min3A_1641 : i32 to vector<16xi32>
      %ge3A_1709 = arith.cmpi sge, %add3A_1694, %ge3A_1708 : vector<16xi32>
      %and3A_1710 = arith.andi %and3A_1707, %ge3A_1709 : vector<16xi1>
      %lt3A_1711 = vector.broadcast %min3A_1649 : i32 to vector<16xi32>
      %lt3A_1712 = arith.cmpi slt, %add3A_1694, %lt3A_1711 : vector<16xi32>
      %and3A_1713 = arith.andi %and3A_1710, %lt3A_1712 : vector<16xi1>
      %jit3A_1714 = arith.constant -1 : i32
      %broadcast_in_dim3A_1715 = vector.broadcast %jit3A_1714 : i32 to vector<16xi32>
      %select_n3A_1716 = arith.select %and3A_1713, %get3A_1697, %broadcast_in_dim3A_1715 : vector<16xi1>, vector<16xi32>
      %swap3A_1717 = arith.constant 16 : index
      %swap3A_1718 = tpu.vector_load %arg13[%swap3A_1717] {strides = array<i32>} : memref<64xi32, #tpu.memory_space<vmem>>, vector<16xi32>,
      %swap3A_1719 = vector.shape_cast %swap3A_1718 : vector<16xi32> to vector<16xi32>
      %swap3A_1720 = vector.shape_cast %select_n3A_1716 : vector<16xi32> to vector<16xi32>
      tpu.vector_store %arg13[%swap3A_1717], %swap3A_1720 {strides = array<i32>} : memref<64xi32, #tpu.memory_space<vmem>>, vector<16xi32>,
      %sub3A_1721 = vector.broadcast %mul3A_0 : i32 to vector<16xi32>
      %sub3A_1722 = arith.subi %get3A_1700, %sub3A_1721 : vector<16xi32>
      %jit3A_1723 = arith.constant 5000 : i32
      %broadcast_in_dim3A_1724 = vector.broadcast %jit3A_1723 : i32 to vector<16xi32>
      %select_n3A_1725 = arith.select %and3A_1713, %sub3A_1722, %broadcast_in_dim3A_1724 : vector<16xi1>, vector<16xi32>
      %swap3A_1726 = arith.constant 16 : index
      %swap3A_1727 = tpu.vector_load %arg19[%swap3A_1726] {strides = array<i32>} : memref<64xi32, #tpu.memory_space<vmem>>, vector<16xi32>,
      %swap3A_1728 = vector.shape_cast %swap3A_1727 : vector<16xi32> to vector<16xi32>
      %swap3A_1729 = vector.shape_cast %select_n3A_1725 : vector<16xi32> to vector<16xi32>
      tpu.vector_store %arg19[%swap3A_1726], %swap3A_1729 {strides = array<i32>} : memref<64xi32, #tpu.memory_space<vmem>>, vector<16xi32>,
      %add3A_1730 = arith.constant 32 : i32
      %add3A_1731 = arith.addi %add3A_1635, %add3A_1730 : i32
      %iota3A_1732 = tpu.iota {dimensions = array<i32: 0>} : vector<16xi32>
      %add3A_1733 = vector.broadcast %add3A_1731 : i32 to vector<16xi32>
      %add3A_1734 = arith.addi %add3A_1733, %iota3A_1732 : vector<16xi32>
      %get3A_1735 = arith.constant 160 : index
      %get3A_1736 = tpu.vector_load %arg9[%get3A_1735] {strides = array<i32>} : memref<192xi32, #tpu.memory_space<vmem>>, vector<16xi32>,
      %get3A_1737 = vector.shape_cast %get3A_1736 : vector<16xi32> to vector<16xi32>
      %get3A_1738 = arith.constant 160 : index
      %get3A_1739 = tpu.vector_load %arg10[%get3A_1738] {strides = array<i32>} : memref<192xi32, #tpu.memory_space<vmem>>, vector<16xi32>,
      %get3A_1740 = vector.shape_cast %get3A_1739 : vector<16xi32> to vector<16xi32>
      %ge3A_1741 = vector.broadcast %mul3A_0 : i32 to vector<16xi32>
      %ge3A_1742 = arith.cmpi sge, %get3A_1740, %ge3A_1741 : vector<16xi32>
      %add3A_1743 = arith.constant 5000 : i32
      %add3A_1744 = arith.addi %mul3A_0, %add3A_1743 : i32
      %lt3A_1745 = vector.broadcast %add3A_1744 : i32 to vector<16xi32>
      %lt3A_1746 = arith.cmpi slt, %get3A_1740, %lt3A_1745 : vector<16xi32>
      %and3A_1747 = arith.andi %ge3A_1742, %lt3A_1746 : vector<16xi1>
      %ge3A_1748 = vector.broadcast %min3A_1641 : i32 to vector<16xi32>
      %ge3A_1749 = arith.cmpi sge, %add3A_1734, %ge3A_1748 : vector<16xi32>
      %and3A_1750 = arith.andi %and3A_1747, %ge3A_1749 : vector<16xi1>
      %lt3A_1751 = vector.broadcast %min3A_1649 : i32 to vector<16xi32>
      %lt3A_1752 = arith.cmpi slt, %add3A_1734, %lt3A_1751 : vector<16xi32>
      %and3A_1753 = arith.andi %and3A_1750, %lt3A_1752 : vector<16xi1>
      %jit3A_1754 = arith.constant -1 : i32
      %broadcast_in_dim3A_1755 = vector.broadcast %jit3A_1754 : i32 to vector<16xi32>
      %select_n3A_1756 = arith.select %and3A_1753, %get3A_1737, %broadcast_in_dim3A_1755 : vector<16xi1>, vector<16xi32>
      %swap3A_1757 = arith.constant 32 : index
      %swap3A_1758 = tpu.vector_load %arg13[%swap3A_1757] {strides = array<i32>} : memref<64xi32, #tpu.memory_space<vmem>>, vector<16xi32>,
      %swap3A_1759 = vector.shape_cast %swap3A_1758 : vector<16xi32> to vector<16xi32>
      %swap3A_1760 = vector.shape_cast %select_n3A_1756 : vector<16xi32> to vector<16xi32>
      tpu.vector_store %arg13[%swap3A_1757], %swap3A_1760 {strides = array<i32>} : memref<64xi32, #tpu.memory_space<vmem>>, vector<16xi32>,
      %sub3A_1761 = vector.broadcast %mul3A_0 : i32 to vector<16xi32>
      %sub3A_1762 = arith.subi %get3A_1740, %sub3A_1761 : vector<16xi32>
      %jit3A_1763 = arith.constant 5000 : i32
      %broadcast_in_dim3A_1764 = vector.broadcast %jit3A_1763 : i32 to vector<16xi32>
      %select_n3A_1765 = arith.select %and3A_1753, %sub3A_1762, %broadcast_in_dim3A_1764 : vector<16xi1>, vector<16xi32>
      %swap3A_1766 = arith.constant 32 : index
      %swap3A_1767 = tpu.vector_load %arg19[%swap3A_1766] {strides = array<i32>} : memref<64xi32, #tpu.memory_space<vmem>>, vector<16xi32>,
      %swap3A_1768 = vector.shape_cast %swap3A_1767 : vector<16xi32> to vector<16xi32>
      %swap3A_1769 = vector.shape_cast %select_n3A_1765 : vector<16xi32> to vector<16xi32>
      tpu.vector_store %arg19[%swap3A_1766], %swap3A_1769 {strides = array<i32>} : memref<64xi32, #tpu.memory_space<vmem>>, vector<16xi32>,
      %add3A_1770 = arith.constant 48 : i32
      %add3A_1771 = arith.addi %add3A_1635, %add3A_1770 : i32
      %iota3A_1772 = tpu.iota {dimensions = array<i32: 0>} : vector<16xi32>
      %add3A_1773 = vector.broadcast %add3A_1771 : i32 to vector<16xi32>
      %add3A_1774 = arith.addi %add3A_1773, %iota3A_1772 : vector<16xi32>
      %get3A_1775 = arith.constant 176 : index
      %get3A_1776 = tpu.vector_load %arg9[%get3A_1775] {strides = array<i32>} : memref<192xi32, #tpu.memory_space<vmem>>, vector<16xi32>,
      %get3A_1777 = vector.shape_cast %get3A_1776 : vector<16xi32> to vector<16xi32>
      %get3A_1778 = arith.constant 176 : index
      %get3A_1779 = tpu.vector_load %arg10[%get3A_1778] {strides = array<i32>} : memref<192xi32, #tpu.memory_space<vmem>>, vector<16xi32>,
      %get3A_1780 = vector.shape_cast %get3A_1779 : vector<16xi32> to vector<16xi32>
      %ge3A_1781 = vector.broadcast %mul3A_0 : i32 to vector<16xi32>
      %ge3A_1782 = arith.cmpi sge, %get3A_1780, %ge3A_1781 : vector<16xi32>
      %add3A_1783 = arith.constant 5000 : i32
      %add3A_1784 = arith.addi %mul3A_0, %add3A_1783 : i32
      %lt3A_1785 = vector.broadcast %add3A_1784 : i32 to vector<16xi32>
      %lt3A_1786 = arith.cmpi slt, %get3A_1780, %lt3A_1785 : vector<16xi32>
      %and3A_1787 = arith.andi %ge3A_1782, %lt3A_1786 : vector<16xi1>
      %ge3A_1788 = vector.broadcast %min3A_1641 : i32 to vector<16xi32>
      %ge3A_1789 = arith.cmpi sge, %add3A_1774, %ge3A_1788 : vector<16xi32>
      %and3A_1790 = arith.andi %and3A_1787, %ge3A_1789 : vector<16xi1>
      %lt3A_1791 = vector.broadcast %min3A_1649 : i32 to vector<16xi32>
      %lt3A_1792 = arith.cmpi slt, %add3A_1774, %lt3A_1791 : vector<16xi32>
      %and3A_1793 = arith.andi %and3A_1790, %lt3A_1792 : vector<16xi1>
      %jit3A_1794 = arith.constant -1 : i32
      %broadcast_in_dim3A_1795 = vector.broadcast %jit3A_1794 : i32 to vector<16xi32>
      %select_n3A_1796 = arith.select %and3A_1793, %get3A_1777, %broadcast_in_dim3A_1795 : vector<16xi1>, vector<16xi32>
      %swap3A_1797 = arith.constant 48 : index
      %swap3A_1798 = tpu.vector_load %arg13[%swap3A_1797] {strides = array<i32>} : memref<64xi32, #tpu.memory_space<vmem>>, vector<16xi32>,
      %swap3A_1799 = vector.shape_cast %swap3A_1798 : vector<16xi32> to vector<16xi32>
      %swap3A_1800 = vector.shape_cast %select_n3A_1796 : vector<16xi32> to vector<16xi32>
      tpu.vector_store %arg13[%swap3A_1797], %swap3A_1800 {strides = array<i32>} : memref<64xi32, #tpu.memory_space<vmem>>, vector<16xi32>,
      %sub3A_1801 = vector.broadcast %mul3A_0 : i32 to vector<16xi32>
      %sub3A_1802 = arith.subi %get3A_1780, %sub3A_1801 : vector<16xi32>
      %jit3A_1803 = arith.constant 5000 : i32
      %broadcast_in_dim3A_1804 = vector.broadcast %jit3A_1803 : i32 to vector<16xi32>
      %select_n3A_1805 = arith.select %and3A_1793, %sub3A_1802, %broadcast_in_dim3A_1804 : vector<16xi1>, vector<16xi32>
      %swap3A_1806 = arith.constant 48 : index
      %swap3A_1807 = tpu.vector_load %arg19[%swap3A_1806] {strides = array<i32>} : memref<64xi32, #tpu.memory_space<vmem>>, vector<16xi32>,
      %swap3A_1808 = vector.shape_cast %swap3A_1807 : vector<16xi32> to vector<16xi32>
      %swap3A_1809 = vector.shape_cast %select_n3A_1805 : vector<16xi32> to vector<16xi32>
      tpu.vector_store %arg19[%swap3A_1806], %swap3A_1809 {strides = array<i32>} : memref<64xi32, #tpu.memory_space<vmem>>, vector<16xi32>,
      %mul3A_1810 = arith.constant 192 : i32
      %mul3A_1811 = arith.muli %min3A_1234, %mul3A_1810 : i32
      %add3A_1812 = arith.addi %mul3A_18, %mul3A_1811 : i32
      %min3A_1813 = arith.constant 159808 : i32
      %min3A_1814 = arith.minsi %add3A_1812, %min3A_1813 : i32
      %dma_start3A_1815 = tpu.memref_slice %arg3[%min3A_1814] : memref<320000xi32, #tpu.memory_space<hbm>> -> memref<192xi32, #tpu.memory_space<hbm>>
      %dma_start3A_1816 = tpu.memref_slice %arg3[%min3A_1814] : memref<320000xi32, #tpu.memory_space<hbm>> -> memref<192xi32, #tpu.memory_space<hbm>>
      tpu.enqueue_dma source(%dma_start3A_1816 : memref<192xi32, #tpu.memory_space<hbm>>) target(%arg7 : memref<192xi32, #tpu.memory_space<vmem>>) target_semaphore(%arg24 : memref<!tpu.dma_semaphore, #tpu.memory_space<semaphore_mem>>)
      %add3A_1817 = arith.constant 160000 : i32
      %add3A_1818 = arith.addi %add3A_1817, %min3A_1814 : i32
      %dma_start3A_1819 = tpu.memref_slice %arg3[%add3A_1818] : memref<320000xi32, #tpu.memory_space<hbm>> -> memref<192xi32, #tpu.memory_space<hbm>>
      %dma_start3A_1820 = tpu.memref_slice %arg3[%add3A_1818] : memref<320000xi32, #tpu.memory_space<hbm>> -> memref<192xi32, #tpu.memory_space<hbm>>
      tpu.enqueue_dma source(%dma_start3A_1820 : memref<192xi32, #tpu.memory_space<hbm>>) target(%arg8 : memref<192xi32, #tpu.memory_space<vmem>>) target_semaphore(%arg24 : memref<!tpu.dma_semaphore, #tpu.memory_space<semaphore_mem>>)
      %dma_wait3A_1821 = arith.constant 0 : i32
      %dma_wait3A_1822 = arith.constant 0 : i32
      %dma_wait3A_1823 = tpu.memref_slice %arg23[%dma_wait3A_1821, %dma_wait3A_1822] : memref<5008x256xf32, #tpu.memory_space<vmem_shared>> -> memref<5008x256xf32, #tpu.memory_space<vmem_shared>>
      tpu.wait_indirect_dma semaphore(%arg29 : memref<!tpu.dma_semaphore, #tpu.memory_space<semaphore_mem>>) src(%arg20 : memref<64x256xf32, #tpu.memory_space<vmem>>) dst(%dma_wait3A_1823 : memref<5008x256xf32, #tpu.memory_space<vmem_shared>>)
      %dma_start3A_1824 = arith.constant 0 : i32
      %dma_start3A_1825 = arith.constant 0 : i32
      %dma_start3A_1826 = tpu.memref_slice %arg5[%dma_start3A_1824, %dma_start3A_1825] : memref<10000x256xf32, #tpu.memory_space<hbm>> -> memref<10000x256xf32, #tpu.memory_space<hbm>>
      %dma_start3A_1827 = arith.constant -1 : i32
      tpu.enqueue_indirect_dma source(%dma_start3A_1826 : memref<10000x256xf32, #tpu.memory_space<hbm>>) target(%arg20 : memref<64x256xf32, #tpu.memory_space<vmem>>) offsets(%arg11 : memref<64xi32, #tpu.memory_space<vmem>>) offset_filter(%dma_start3A_1827) semaphore(%arg26 : memref<!tpu.dma_semaphore, #tpu.memory_space<semaphore_mem>>)
      %dma_wait3A_1828 = arith.constant 0 : i32
      %dma_wait3A_1829 = arith.constant 0 : i32
      %dma_wait3A_1830 = tpu.memref_slice %arg23[%dma_wait3A_1828, %dma_wait3A_1829] : memref<5008x256xf32, #tpu.memory_space<vmem_shared>> -> memref<5008x256xf32, #tpu.memory_space<vmem_shared>>
      tpu.wait_indirect_dma semaphore(%arg30 : memref<!tpu.dma_semaphore, #tpu.memory_space<semaphore_mem>>) src(%arg21 : memref<64x256xf32, #tpu.memory_space<vmem>>) dst(%dma_wait3A_1830 : memref<5008x256xf32, #tpu.memory_space<vmem_shared>>)
      %dma_start3A_1831 = arith.constant 0 : i32
      %dma_start3A_1832 = arith.constant 0 : i32
      %dma_start3A_1833 = tpu.memref_slice %arg5[%dma_start3A_1831, %dma_start3A_1832] : memref<10000x256xf32, #tpu.memory_space<hbm>> -> memref<10000x256xf32, #tpu.memory_space<hbm>>
      %dma_start3A_1834 = arith.constant -1 : i32
      tpu.enqueue_indirect_dma source(%dma_start3A_1833 : memref<10000x256xf32, #tpu.memory_space<hbm>>) target(%arg21 : memref<64x256xf32, #tpu.memory_space<vmem>>) offsets(%arg12 : memref<64xi32, #tpu.memory_space<vmem>>) offset_filter(%dma_start3A_1834) semaphore(%arg27 : memref<!tpu.dma_semaphore, #tpu.memory_space<semaphore_mem>>)
      %dma_wait3A_1835 = arith.constant 0 : i32
      %dma_wait3A_1836 = arith.constant 0 : i32
      %dma_wait3A_1837 = tpu.memref_slice %arg23[%dma_wait3A_1835, %dma_wait3A_1836] : memref<5008x256xf32, #tpu.memory_space<vmem_shared>> -> memref<5008x256xf32, #tpu.memory_space<vmem_shared>>
      tpu.wait_indirect_dma semaphore(%arg31 : memref<!tpu.dma_semaphore, #tpu.memory_space<semaphore_mem>>) src(%arg22 : memref<64x256xf32, #tpu.memory_space<vmem>>) dst(%dma_wait3A_1837 : memref<5008x256xf32, #tpu.memory_space<vmem_shared>>)
      %dma_start3A_1838 = arith.constant 0 : i32
      %dma_start3A_1839 = arith.constant 0 : i32
      %dma_start3A_1840 = tpu.memref_slice %arg5[%dma_start3A_1838, %dma_start3A_1839] : memref<10000x256xf32, #tpu.memory_space<hbm>> -> memref<10000x256xf32, #tpu.memory_space<hbm>>
      %dma_start3A_1841 = arith.constant -1 : i32
      tpu.enqueue_indirect_dma source(%dma_start3A_1840 : memref<10000x256xf32, #tpu.memory_space<hbm>>) target(%arg22 : memref<64x256xf32, #tpu.memory_space<vmem>>) offsets(%arg13 : memref<64xi32, #tpu.memory_space<vmem>>) offset_filter(%dma_start3A_1841) semaphore(%arg28 : memref<!tpu.dma_semaphore, #tpu.memory_space<semaphore_mem>>)
      %mul3A_1842 = arith.constant 2 : i32
      %mul3A_1843 = arith.muli %mul3A_1842, %scan3A_1221 : i32
      %add3A_1844 = arith.constant 1 : i32
      %add3A_1845 = arith.addi %mul3A_1843, %add3A_1844 : i32
      %add3A_1846 = arith.constant 1 : i32
      %add3A_1847 = arith.addi %add3A_1845, %add3A_1846 : i32
      %min3A_1848 = arith.constant 53 : i32
      %min3A_1849 = arith.minsi %add3A_1847, %min3A_1848 : i32
      %add3A_1850 = arith.constant 2 : i32
      %add3A_1851 = arith.addi %add3A_1845, %add3A_1850 : i32
      %min3A_1852 = arith.constant 53 : i32
      %min3A_1853 = arith.minsi %add3A_1851, %min3A_1852 : i32
      %mul3A_1854 = arith.constant 192 : i32
      %mul3A_1855 = arith.muli %min3A_1849, %mul3A_1854 : i32
      %add3A_1856 = arith.addi %mul3A_18, %mul3A_1855 : i32
      %min3A_1857 = arith.constant 159808 : i32
      %min3A_1858 = arith.minsi %add3A_1856, %min3A_1857 : i32
      %dma_wait3A_1859 = tpu.memref_slice %arg3[%min3A_1858] : memref<320000xi32, #tpu.memory_space<hbm>> -> memref<192xi32, #tpu.memory_space<hbm>>
      %dma_wait3A_1860 = tpu.memref_slice %arg3[%min3A_1858] : memref<320000xi32, #tpu.memory_space<hbm>> -> memref<192xi32, #tpu.memory_space<hbm>>
      tpu.wait_dma2 semaphore(%arg24 : memref<!tpu.dma_semaphore, #tpu.memory_space<semaphore_mem>>) src(%dma_wait3A_1860 : memref<192xi32, #tpu.memory_space<hbm>>) dst(%arg7 : memref<192xi32, #tpu.memory_space<vmem>>)
      %add3A_1861 = arith.constant 160000 : i32
      %add3A_1862 = arith.addi %add3A_1861, %min3A_1858 : i32
      %dma_wait3A_1863 = tpu.memref_slice %arg3[%add3A_1862] : memref<320000xi32, #tpu.memory_space<hbm>> -> memref<192xi32, #tpu.memory_space<hbm>>
      %dma_wait3A_1864 = tpu.memref_slice %arg3[%add3A_1862] : memref<320000xi32, #tpu.memory_space<hbm>> -> memref<192xi32, #tpu.memory_space<hbm>>
      tpu.wait_dma2 semaphore(%arg24 : memref<!tpu.dma_semaphore, #tpu.memory_space<semaphore_mem>>) src(%dma_wait3A_1864 : memref<192xi32, #tpu.memory_space<hbm>>) dst(%arg8 : memref<192xi32, #tpu.memory_space<vmem>>)
      %dma_wait3A_1865 = arith.constant 0 : i32
      %dma_wait3A_1866 = arith.constant 0 : i32
      %dma_wait3A_1867 = tpu.memref_slice %arg5[%dma_wait3A_1865, %dma_wait3A_1866] : memref<10000x256xf32, #tpu.memory_space<hbm>> -> memref<10000x256xf32, #tpu.memory_space<hbm>>
      tpu.wait_indirect_dma semaphore(%arg26 : memref<!tpu.dma_semaphore, #tpu.memory_space<semaphore_mem>>) src(%dma_wait3A_1867 : memref<10000x256xf32, #tpu.memory_space<hbm>>) dst(%arg20 : memref<64x256xf32, #tpu.memory_space<vmem>>)
      %dma_start3A_1868 = arith.constant 0 : i32
      %dma_start3A_1869 = arith.constant 0 : i32
      %dma_start3A_1870 = tpu.memref_slice %arg23[%dma_start3A_1868, %dma_start3A_1869] : memref<5008x256xf32, #tpu.memory_space<vmem_shared>> -> memref<5008x256xf32, #tpu.memory_space<vmem_shared>>
      %dma_start3A_1871 = arith.constant 5000 : i32
      tpu.enqueue_indirect_dma source(%arg20 : memref<64x256xf32, #tpu.memory_space<vmem>>) target(%dma_start3A_1870 : memref<5008x256xf32, #tpu.memory_space<vmem_shared>>) offsets(%arg17 : memref<64xi32, #tpu.memory_space<vmem>>) offset_filter(%dma_start3A_1871) semaphore(%arg29 : memref<!tpu.dma_semaphore, #tpu.memory_space<semaphore_mem>>) {add = true}
      %mul3A_1872 = arith.constant 192 : i32
      %mul3A_1873 = arith.muli %min3A_1849, %mul3A_1872 : i32
      %add3A_1874 = arith.addi %mul3A_18, %mul3A_1873 : i32
      %min3A_1875 = arith.constant 159808 : i32
      %min3A_1876 = arith.minsi %add3A_1874, %min3A_1875 : i32
      %add3A_1877 = arith.constant 0 : i32
      %add3A_1878 = arith.addi %min3A_1876, %add3A_1877 : i32
      %mul3A_1879 = arith.constant 192 : i32
      %mul3A_1880 = arith.muli %min3A_1849, %mul3A_1879 : i32
      %add3A_1881 = arith.addi %mul3A_18, %mul3A_1880 : i32
      %add3A_1882 = arith.constant 10000 : i32
      %add3A_1883 = arith.addi %mul3A_18, %add3A_1882 : i32
      %min3A_1884 = arith.minsi %add3A_1881, %add3A_1883 : i32
      %add3A_1885 = arith.constant 1 : i32
      %add3A_1886 = arith.addi %min3A_1849, %add3A_1885 : i32
      %mul3A_1887 = arith.constant 192 : i32
      %mul3A_1888 = arith.muli %add3A_1886, %mul3A_1887 : i32
      %add3A_1889 = arith.addi %mul3A_18, %mul3A_1888 : i32
      %add3A_1890 = arith.constant 10000 : i32
      %add3A_1891 = arith.addi %mul3A_18, %add3A_1890 : i32
      %min3A_1892 = arith.minsi %add3A_1889, %add3A_1891 : i32
      %add3A_1893 = arith.constant 0 : i32
      %add3A_1894 = arith.addi %add3A_1878, %add3A_1893 : i32
      %iota3A_1895 = tpu.iota {dimensions = array<i32: 0>} : vector<16xi32>
      %add3A_1896 = vector.broadcast %add3A_1894 : i32 to vector<16xi32>
      %add3A_1897 = arith.addi %add3A_1896, %iota3A_1895 : vector<16xi32>
      %get3A_1898 = arith.constant 0 : index
      %get3A_1899 = tpu.vector_load %arg7[%get3A_1898] {strides = array<i32>} : memref<192xi32, #tpu.memory_space<vmem>>, vector<16xi32>,
      %get3A_1900 = vector.shape_cast %get3A_1899 : vector<16xi32> to vector<16xi32>
      %get3A_1901 = arith.constant 0 : index
      %get3A_1902 = tpu.vector_load %arg8[%get3A_1901] {strides = array<i32>} : memref<192xi32, #tpu.memory_space<vmem>>, vector<16xi32>,
      %get3A_1903 = vector.shape_cast %get3A_1902 : vector<16xi32> to vector<16xi32>
      %ge3A_1904 = vector.broadcast %mul3A_0 : i32 to vector<16xi32>
      %ge3A_1905 = arith.cmpi sge, %get3A_1903, %ge3A_1904 : vector<16xi32>
      %add3A_1906 = arith.constant 5000 : i32
      %add3A_1907 = arith.addi %mul3A_0, %add3A_1906 : i32
      %lt3A_1908 = vector.broadcast %add3A_1907 : i32 to vector<16xi32>
      %lt3A_1909 = arith.cmpi slt, %get3A_1903, %lt3A_1908 : vector<16xi32>
      %and3A_1910 = arith.andi %ge3A_1905, %lt3A_1909 : vector<16xi1>
      %ge3A_1911 = vector.broadcast %min3A_1884 : i32 to vector<16xi32>
      %ge3A_1912 = arith.cmpi sge, %add3A_1897, %ge3A_1911 : vector<16xi32>
      %and3A_1913 = arith.andi %and3A_1910, %ge3A_1912 : vector<16xi1>
      %lt3A_1914 = vector.broadcast %min3A_1892 : i32 to vector<16xi32>
      %lt3A_1915 = arith.cmpi slt, %add3A_1897, %lt3A_1914 : vector<16xi32>
      %and3A_1916 = arith.andi %and3A_1913, %lt3A_1915 : vector<16xi1>
      %jit3A_1917 = arith.constant -1 : i32
      %broadcast_in_dim3A_1918 = vector.broadcast %jit3A_1917 : i32 to vector<16xi32>
      %select_n3A_1919 = arith.select %and3A_1916, %get3A_1900, %broadcast_in_dim3A_1918 : vector<16xi1>, vector<16xi32>
      %swap3A_1920 = arith.constant 0 : index
      %swap3A_1921 = tpu.vector_load %arg11[%swap3A_1920] {strides = array<i32>} : memref<64xi32, #tpu.memory_space<vmem>>, vector<16xi32>,
      %swap3A_1922 = vector.shape_cast %swap3A_1921 : vector<16xi32> to vector<16xi32>
      %swap3A_1923 = vector.shape_cast %select_n3A_1919 : vector<16xi32> to vector<16xi32>
      tpu.vector_store %arg11[%swap3A_1920], %swap3A_1923 {strides = array<i32>} : memref<64xi32, #tpu.memory_space<vmem>>, vector<16xi32>,
      %sub3A_1924 = vector.broadcast %mul3A_0 : i32 to vector<16xi32>
      %sub3A_1925 = arith.subi %get3A_1903, %sub3A_1924 : vector<16xi32>
      %jit3A_1926 = arith.constant 5000 : i32
      %broadcast_in_dim3A_1927 = vector.broadcast %jit3A_1926 : i32 to vector<16xi32>
      %select_n3A_1928 = arith.select %and3A_1916, %sub3A_1925, %broadcast_in_dim3A_1927 : vector<16xi1>, vector<16xi32>
      %swap3A_1929 = arith.constant 0 : index
      %swap3A_1930 = tpu.vector_load %arg14[%swap3A_1929] {strides = array<i32>} : memref<64xi32, #tpu.memory_space<vmem>>, vector<16xi32>,
      %swap3A_1931 = vector.shape_cast %swap3A_1930 : vector<16xi32> to vector<16xi32>
      %swap3A_1932 = vector.shape_cast %select_n3A_1928 : vector<16xi32> to vector<16xi32>
      tpu.vector_store %arg14[%swap3A_1929], %swap3A_1932 {strides = array<i32>} : memref<64xi32, #tpu.memory_space<vmem>>, vector<16xi32>,
      %add3A_1933 = arith.constant 16 : i32
      %add3A_1934 = arith.addi %add3A_1878, %add3A_1933 : i32
      %iota3A_1935 = tpu.iota {dimensions = array<i32: 0>} : vector<16xi32>
      %add3A_1936 = vector.broadcast %add3A_1934 : i32 to vector<16xi32>
      %add3A_1937 = arith.addi %add3A_1936, %iota3A_1935 : vector<16xi32>
      %get3A_1938 = arith.constant 16 : index
      %get3A_1939 = tpu.vector_load %arg7[%get3A_1938] {strides = array<i32>} : memref<192xi32, #tpu.memory_space<vmem>>, vector<16xi32>,
      %get3A_1940 = vector.shape_cast %get3A_1939 : vector<16xi32> to vector<16xi32>
      %get3A_1941 = arith.constant 16 : index
      %get3A_1942 = tpu.vector_load %arg8[%get3A_1941] {strides = array<i32>} : memref<192xi32, #tpu.memory_space<vmem>>, vector<16xi32>,
      %get3A_1943 = vector.shape_cast %get3A_1942 : vector<16xi32> to vector<16xi32>
      %ge3A_1944 = vector.broadcast %mul3A_0 : i32 to vector<16xi32>
      %ge3A_1945 = arith.cmpi sge, %get3A_1943, %ge3A_1944 : vector<16xi32>
      %add3A_1946 = arith.constant 5000 : i32
      %add3A_1947 = arith.addi %mul3A_0, %add3A_1946 : i32
      %lt3A_1948 = vector.broadcast %add3A_1947 : i32 to vector<16xi32>
      %lt3A_1949 = arith.cmpi slt, %get3A_1943, %lt3A_1948 : vector<16xi32>
      %and3A_1950 = arith.andi %ge3A_1945, %lt3A_1949 : vector<16xi1>
      %ge3A_1951 = vector.broadcast %min3A_1884 : i32 to vector<16xi32>
      %ge3A_1952 = arith.cmpi sge, %add3A_1937, %ge3A_1951 : vector<16xi32>
      %and3A_1953 = arith.andi %and3A_1950, %ge3A_1952 : vector<16xi1>
      %lt3A_1954 = vector.broadcast %min3A_1892 : i32 to vector<16xi32>
      %lt3A_1955 = arith.cmpi slt, %add3A_1937, %lt3A_1954 : vector<16xi32>
      %and3A_1956 = arith.andi %and3A_1953, %lt3A_1955 : vector<16xi1>
      %jit3A_1957 = arith.constant -1 : i32
      %broadcast_in_dim3A_1958 = vector.broadcast %jit3A_1957 : i32 to vector<16xi32>
      %select_n3A_1959 = arith.select %and3A_1956, %get3A_1940, %broadcast_in_dim3A_1958 : vector<16xi1>, vector<16xi32>
      %swap3A_1960 = arith.constant 16 : index
      %swap3A_1961 = tpu.vector_load %arg11[%swap3A_1960] {strides = array<i32>} : memref<64xi32, #tpu.memory_space<vmem>>, vector<16xi32>,
      %swap3A_1962 = vector.shape_cast %swap3A_1961 : vector<16xi32> to vector<16xi32>
      %swap3A_1963 = vector.shape_cast %select_n3A_1959 : vector<16xi32> to vector<16xi32>
      tpu.vector_store %arg11[%swap3A_1960], %swap3A_1963 {strides = array<i32>} : memref<64xi32, #tpu.memory_space<vmem>>, vector<16xi32>,
      %sub3A_1964 = vector.broadcast %mul3A_0 : i32 to vector<16xi32>
      %sub3A_1965 = arith.subi %get3A_1943, %sub3A_1964 : vector<16xi32>
      %jit3A_1966 = arith.constant 5000 : i32
      %broadcast_in_dim3A_1967 = vector.broadcast %jit3A_1966 : i32 to vector<16xi32>
      %select_n3A_1968 = arith.select %and3A_1956, %sub3A_1965, %broadcast_in_dim3A_1967 : vector<16xi1>, vector<16xi32>
      %swap3A_1969 = arith.constant 16 : index
      %swap3A_1970 = tpu.vector_load %arg14[%swap3A_1969] {strides = array<i32>} : memref<64xi32, #tpu.memory_space<vmem>>, vector<16xi32>,
      %swap3A_1971 = vector.shape_cast %swap3A_1970 : vector<16xi32> to vector<16xi32>
      %swap3A_1972 = vector.shape_cast %select_n3A_1968 : vector<16xi32> to vector<16xi32>
      tpu.vector_store %arg14[%swap3A_1969], %swap3A_1972 {strides = array<i32>} : memref<64xi32, #tpu.memory_space<vmem>>, vector<16xi32>,
      %add3A_1973 = arith.constant 32 : i32
      %add3A_1974 = arith.addi %add3A_1878, %add3A_1973 : i32
      %iota3A_1975 = tpu.iota {dimensions = array<i32: 0>} : vector<16xi32>
      %add3A_1976 = vector.broadcast %add3A_1974 : i32 to vector<16xi32>
      %add3A_1977 = arith.addi %add3A_1976, %iota3A_1975 : vector<16xi32>
      %get3A_1978 = arith.constant 32 : index
      %get3A_1979 = tpu.vector_load %arg7[%get3A_1978] {strides = array<i32>} : memref<192xi32, #tpu.memory_space<vmem>>, vector<16xi32>,
      %get3A_1980 = vector.shape_cast %get3A_1979 : vector<16xi32> to vector<16xi32>
      %get3A_1981 = arith.constant 32 : index
      %get3A_1982 = tpu.vector_load %arg8[%get3A_1981] {strides = array<i32>} : memref<192xi32, #tpu.memory_space<vmem>>, vector<16xi32>,
      %get3A_1983 = vector.shape_cast %get3A_1982 : vector<16xi32> to vector<16xi32>
      %ge3A_1984 = vector.broadcast %mul3A_0 : i32 to vector<16xi32>
      %ge3A_1985 = arith.cmpi sge, %get3A_1983, %ge3A_1984 : vector<16xi32>
      %add3A_1986 = arith.constant 5000 : i32
      %add3A_1987 = arith.addi %mul3A_0, %add3A_1986 : i32
      %lt3A_1988 = vector.broadcast %add3A_1987 : i32 to vector<16xi32>
      %lt3A_1989 = arith.cmpi slt, %get3A_1983, %lt3A_1988 : vector<16xi32>
      %and3A_1990 = arith.andi %ge3A_1985, %lt3A_1989 : vector<16xi1>
      %ge3A_1991 = vector.broadcast %min3A_1884 : i32 to vector<16xi32>
      %ge3A_1992 = arith.cmpi sge, %add3A_1977, %ge3A_1991 : vector<16xi32>
      %and3A_1993 = arith.andi %and3A_1990, %ge3A_1992 : vector<16xi1>
      %lt3A_1994 = vector.broadcast %min3A_1892 : i32 to vector<16xi32>
      %lt3A_1995 = arith.cmpi slt, %add3A_1977, %lt3A_1994 : vector<16xi32>
      %and3A_1996 = arith.andi %and3A_1993, %lt3A_1995 : vector<16xi1>
      %jit3A_1997 = arith.constant -1 : i32
      %broadcast_in_dim3A_1998 = vector.broadcast %jit3A_1997 : i32 to vector<16xi32>
      %select_n3A_1999 = arith.select %and3A_1996, %get3A_1980, %broadcast_in_dim3A_1998 : vector<16xi1>, vector<16xi32>
      %swap3A_2000 = arith.constant 32 : index
      %swap3A_2001 = tpu.vector_load %arg11[%swap3A_2000] {strides = array<i32>} : memref<64xi32, #tpu.memory_space<vmem>>, vector<16xi32>,
      %swap3A_2002 = vector.shape_cast %swap3A_2001 : vector<16xi32> to vector<16xi32>
      %swap3A_2003 = vector.shape_cast %select_n3A_1999 : vector<16xi32> to vector<16xi32>
      tpu.vector_store %arg11[%swap3A_2000], %swap3A_2003 {strides = array<i32>} : memref<64xi32, #tpu.memory_space<vmem>>, vector<16xi32>,
      %sub3A_2004 = vector.broadcast %mul3A_0 : i32 to vector<16xi32>
      %sub3A_2005 = arith.subi %get3A_1983, %sub3A_2004 : vector<16xi32>
      %jit3A_2006 = arith.constant 5000 : i32
      %broadcast_in_dim3A_2007 = vector.broadcast %jit3A_2006 : i32 to vector<16xi32>
      %select_n3A_2008 = arith.select %and3A_1996, %sub3A_2005, %broadcast_in_dim3A_2007 : vector<16xi1>, vector<16xi32>
      %swap3A_2009 = arith.constant 32 : index
      %swap3A_2010 = tpu.vector_load %arg14[%swap3A_2009] {strides = array<i32>} : memref<64xi32, #tpu.memory_space<vmem>>, vector<16xi32>,
      %swap3A_2011 = vector.shape_cast %swap3A_2010 : vector<16xi32> to vector<16xi32>
      %swap3A_2012 = vector.shape_cast %select_n3A_2008 : vector<16xi32> to vector<16xi32>
      tpu.vector_store %arg14[%swap3A_2009], %swap3A_2012 {strides = array<i32>} : memref<64xi32, #tpu.memory_space<vmem>>, vector<16xi32>,
      %add3A_2013 = arith.constant 48 : i32
      %add3A_2014 = arith.addi %add3A_1878, %add3A_2013 : i32
      %iota3A_2015 = tpu.iota {dimensions = array<i32: 0>} : vector<16xi32>
      %add3A_2016 = vector.broadcast %add3A_2014 : i32 to vector<16xi32>
      %add3A_2017 = arith.addi %add3A_2016, %iota3A_2015 : vector<16xi32>
      %get3A_2018 = arith.constant 48 : index
      %get3A_2019 = tpu.vector_load %arg7[%get3A_2018] {strides = array<i32>} : memref<192xi32, #tpu.memory_space<vmem>>, vector<16xi32>,
      %get3A_2020 = vector.shape_cast %get3A_2019 : vector<16xi32> to vector<16xi32>
      %get3A_2021 = arith.constant 48 : index
      %get3A_2022 = tpu.vector_load %arg8[%get3A_2021] {strides = array<i32>} : memref<192xi32, #tpu.memory_space<vmem>>, vector<16xi32>,
      %get3A_2023 = vector.shape_cast %get3A_2022 : vector<16xi32> to vector<16xi32>
      %ge3A_2024 = vector.broadcast %mul3A_0 : i32 to vector<16xi32>
      %ge3A_2025 = arith.cmpi sge, %get3A_2023, %ge3A_2024 : vector<16xi32>
      %add3A_2026 = arith.constant 5000 : i32
      %add3A_2027 = arith.addi %mul3A_0, %add3A_2026 : i32
      %lt3A_2028 = vector.broadcast %add3A_2027 : i32 to vector<16xi32>
      %lt3A_2029 = arith.cmpi slt, %get3A_2023, %lt3A_2028 : vector<16xi32>
      %and3A_2030 = arith.andi %ge3A_2025, %lt3A_2029 : vector<16xi1>
      %ge3A_2031 = vector.broadcast %min3A_1884 : i32 to vector<16xi32>
      %ge3A_2032 = arith.cmpi sge, %add3A_2017, %ge3A_2031 : vector<16xi32>
      %and3A_2033 = arith.andi %and3A_2030, %ge3A_2032 : vector<16xi1>
      %lt3A_2034 = vector.broadcast %min3A_1892 : i32 to vector<16xi32>
      %lt3A_2035 = arith.cmpi slt, %add3A_2017, %lt3A_2034 : vector<16xi32>
      %and3A_2036 = arith.andi %and3A_2033, %lt3A_2035 : vector<16xi1>
      %jit3A_2037 = arith.constant -1 : i32
      %broadcast_in_dim3A_2038 = vector.broadcast %jit3A_2037 : i32 to vector<16xi32>
      %select_n3A_2039 = arith.select %and3A_2036, %get3A_2020, %broadcast_in_dim3A_2038 : vector<16xi1>, vector<16xi32>
      %swap3A_2040 = arith.constant 48 : index
      %swap3A_2041 = tpu.vector_load %arg11[%swap3A_2040] {strides = array<i32>} : memref<64xi32, #tpu.memory_space<vmem>>, vector<16xi32>,
      %swap3A_2042 = vector.shape_cast %swap3A_2041 : vector<16xi32> to vector<16xi32>
      %swap3A_2043 = vector.shape_cast %select_n3A_2039 : vector<16xi32> to vector<16xi32>
      tpu.vector_store %arg11[%swap3A_2040], %swap3A_2043 {strides = array<i32>} : memref<64xi32, #tpu.memory_space<vmem>>, vector<16xi32>,
      %sub3A_2044 = vector.broadcast %mul3A_0 : i32 to vector<16xi32>
      %sub3A_2045 = arith.subi %get3A_2023, %sub3A_2044 : vector<16xi32>
      %jit3A_2046 = arith.constant 5000 : i32
      %broadcast_in_dim3A_2047 = vector.broadcast %jit3A_2046 : i32 to vector<16xi32>
      %select_n3A_2048 = arith.select %and3A_2036, %sub3A_2045, %broadcast_in_dim3A_2047 : vector<16xi1>, vector<16xi32>
      %swap3A_2049 = arith.constant 48 : index
      %swap3A_2050 = tpu.vector_load %arg14[%swap3A_2049] {strides = array<i32>} : memref<64xi32, #tpu.memory_space<vmem>>, vector<16xi32>,
      %swap3A_2051 = vector.shape_cast %swap3A_2050 : vector<16xi32> to vector<16xi32>
      %swap3A_2052 = vector.shape_cast %select_n3A_2048 : vector<16xi32> to vector<16xi32>
      tpu.vector_store %arg14[%swap3A_2049], %swap3A_2052 {strides = array<i32>} : memref<64xi32, #tpu.memory_space<vmem>>, vector<16xi32>,
      %dma_wait3A_2053 = arith.constant 0 : i32
      %dma_wait3A_2054 = arith.constant 0 : i32
      %dma_wait3A_2055 = tpu.memref_slice %arg5[%dma_wait3A_2053, %dma_wait3A_2054] : memref<10000x256xf32, #tpu.memory_space<hbm>> -> memref<10000x256xf32, #tpu.memory_space<hbm>>
      tpu.wait_indirect_dma semaphore(%arg27 : memref<!tpu.dma_semaphore, #tpu.memory_space<semaphore_mem>>) src(%dma_wait3A_2055 : memref<10000x256xf32, #tpu.memory_space<hbm>>) dst(%arg21 : memref<64x256xf32, #tpu.memory_space<vmem>>)
      %dma_start3A_2056 = arith.constant 0 : i32
      %dma_start3A_2057 = arith.constant 0 : i32
      %dma_start3A_2058 = tpu.memref_slice %arg23[%dma_start3A_2056, %dma_start3A_2057] : memref<5008x256xf32, #tpu.memory_space<vmem_shared>> -> memref<5008x256xf32, #tpu.memory_space<vmem_shared>>
      %dma_start3A_2059 = arith.constant 5000 : i32
      tpu.enqueue_indirect_dma source(%arg21 : memref<64x256xf32, #tpu.memory_space<vmem>>) target(%dma_start3A_2058 : memref<5008x256xf32, #tpu.memory_space<vmem_shared>>) offsets(%arg18 : memref<64xi32, #tpu.memory_space<vmem>>) offset_filter(%dma_start3A_2059) semaphore(%arg30 : memref<!tpu.dma_semaphore, #tpu.memory_space<semaphore_mem>>) {add = true}
      %mul3A_2060 = arith.constant 192 : i32
      %mul3A_2061 = arith.muli %min3A_1849, %mul3A_2060 : i32
      %add3A_2062 = arith.addi %mul3A_18, %mul3A_2061 : i32
      %min3A_2063 = arith.constant 159808 : i32
      %min3A_2064 = arith.minsi %add3A_2062, %min3A_2063 : i32
      %add3A_2065 = arith.constant 64 : i32
      %add3A_2066 = arith.addi %min3A_2064, %add3A_2065 : i32
      %mul3A_2067 = arith.constant 192 : i32
      %mul3A_2068 = arith.muli %min3A_1849, %mul3A_2067 : i32
      %add3A_2069 = arith.addi %mul3A_18, %mul3A_2068 : i32
      %add3A_2070 = arith.constant 10000 : i32
      %add3A_2071 = arith.addi %mul3A_18, %add3A_2070 : i32
      %min3A_2072 = arith.minsi %add3A_2069, %add3A_2071 : i32
      %add3A_2073 = arith.constant 1 : i32
      %add3A_2074 = arith.addi %min3A_1849, %add3A_2073 : i32
      %mul3A_2075 = arith.constant 192 : i32
      %mul3A_2076 = arith.muli %add3A_2074, %mul3A_2075 : i32
      %add3A_2077 = arith.addi %mul3A_18, %mul3A_2076 : i32
      %add3A_2078 = arith.constant 10000 : i32
      %add3A_2079 = arith.addi %mul3A_18, %add3A_2078 : i32
      %min3A_2080 = arith.minsi %add3A_2077, %add3A_2079 : i32
      %add3A_2081 = arith.constant 0 : i32
      %add3A_2082 = arith.addi %add3A_2066, %add3A_2081 : i32
      %iota3A_2083 = tpu.iota {dimensions = array<i32: 0>} : vector<16xi32>
      %add3A_2084 = vector.broadcast %add3A_2082 : i32 to vector<16xi32>
      %add3A_2085 = arith.addi %add3A_2084, %iota3A_2083 : vector<16xi32>
      %get3A_2086 = arith.constant 64 : index
      %get3A_2087 = tpu.vector_load %arg7[%get3A_2086] {strides = array<i32>} : memref<192xi32, #tpu.memory_space<vmem>>, vector<16xi32>,
      %get3A_2088 = vector.shape_cast %get3A_2087 : vector<16xi32> to vector<16xi32>
      %get3A_2089 = arith.constant 64 : index
      %get3A_2090 = tpu.vector_load %arg8[%get3A_2089] {strides = array<i32>} : memref<192xi32, #tpu.memory_space<vmem>>, vector<16xi32>,
      %get3A_2091 = vector.shape_cast %get3A_2090 : vector<16xi32> to vector<16xi32>
      %ge3A_2092 = vector.broadcast %mul3A_0 : i32 to vector<16xi32>
      %ge3A_2093 = arith.cmpi sge, %get3A_2091, %ge3A_2092 : vector<16xi32>
      %add3A_2094 = arith.constant 5000 : i32
      %add3A_2095 = arith.addi %mul3A_0, %add3A_2094 : i32
      %lt3A_2096 = vector.broadcast %add3A_2095 : i32 to vector<16xi32>
      %lt3A_2097 = arith.cmpi slt, %get3A_2091, %lt3A_2096 : vector<16xi32>
      %and3A_2098 = arith.andi %ge3A_2093, %lt3A_2097 : vector<16xi1>
      %ge3A_2099 = vector.broadcast %min3A_2072 : i32 to vector<16xi32>
      %ge3A_2100 = arith.cmpi sge, %add3A_2085, %ge3A_2099 : vector<16xi32>
      %and3A_2101 = arith.andi %and3A_2098, %ge3A_2100 : vector<16xi1>
      %lt3A_2102 = vector.broadcast %min3A_2080 : i32 to vector<16xi32>
      %lt3A_2103 = arith.cmpi slt, %add3A_2085, %lt3A_2102 : vector<16xi32>
      %and3A_2104 = arith.andi %and3A_2101, %lt3A_2103 : vector<16xi1>
      %jit3A_2105 = arith.constant -1 : i32
      %broadcast_in_dim3A_2106 = vector.broadcast %jit3A_2105 : i32 to vector<16xi32>
      %select_n3A_2107 = arith.select %and3A_2104, %get3A_2088, %broadcast_in_dim3A_2106 : vector<16xi1>, vector<16xi32>
      %swap3A_2108 = arith.constant 0 : index
      %swap3A_2109 = tpu.vector_load %arg12[%swap3A_2108] {strides = array<i32>} : memref<64xi32, #tpu.memory_space<vmem>>, vector<16xi32>,
      %swap3A_2110 = vector.shape_cast %swap3A_2109 : vector<16xi32> to vector<16xi32>
      %swap3A_2111 = vector.shape_cast %select_n3A_2107 : vector<16xi32> to vector<16xi32>
      tpu.vector_store %arg12[%swap3A_2108], %swap3A_2111 {strides = array<i32>} : memref<64xi32, #tpu.memory_space<vmem>>, vector<16xi32>,
      %sub3A_2112 = vector.broadcast %mul3A_0 : i32 to vector<16xi32>
      %sub3A_2113 = arith.subi %get3A_2091, %sub3A_2112 : vector<16xi32>
      %jit3A_2114 = arith.constant 5000 : i32
      %broadcast_in_dim3A_2115 = vector.broadcast %jit3A_2114 : i32 to vector<16xi32>
      %select_n3A_2116 = arith.select %and3A_2104, %sub3A_2113, %broadcast_in_dim3A_2115 : vector<16xi1>, vector<16xi32>
      %swap3A_2117 = arith.constant 0 : index
      %swap3A_2118 = tpu.vector_load %arg15[%swap3A_2117] {strides = array<i32>} : memref<64xi32, #tpu.memory_space<vmem>>, vector<16xi32>,
      %swap3A_2119 = vector.shape_cast %swap3A_2118 : vector<16xi32> to vector<16xi32>
      %swap3A_2120 = vector.shape_cast %select_n3A_2116 : vector<16xi32> to vector<16xi32>
      tpu.vector_store %arg15[%swap3A_2117], %swap3A_2120 {strides = array<i32>} : memref<64xi32, #tpu.memory_space<vmem>>, vector<16xi32>,
      %add3A_2121 = arith.constant 16 : i32
      %add3A_2122 = arith.addi %add3A_2066, %add3A_2121 : i32
      %iota3A_2123 = tpu.iota {dimensions = array<i32: 0>} : vector<16xi32>
      %add3A_2124 = vector.broadcast %add3A_2122 : i32 to vector<16xi32>
      %add3A_2125 = arith.addi %add3A_2124, %iota3A_2123 : vector<16xi32>
      %get3A_2126 = arith.constant 80 : index
      %get3A_2127 = tpu.vector_load %arg7[%get3A_2126] {strides = array<i32>} : memref<192xi32, #tpu.memory_space<vmem>>, vector<16xi32>,
      %get3A_2128 = vector.shape_cast %get3A_2127 : vector<16xi32> to vector<16xi32>
      %get3A_2129 = arith.constant 80 : index
      %get3A_2130 = tpu.vector_load %arg8[%get3A_2129] {strides = array<i32>} : memref<192xi32, #tpu.memory_space<vmem>>, vector<16xi32>,
      %get3A_2131 = vector.shape_cast %get3A_2130 : vector<16xi32> to vector<16xi32>
      %ge3A_2132 = vector.broadcast %mul3A_0 : i32 to vector<16xi32>
      %ge3A_2133 = arith.cmpi sge, %get3A_2131, %ge3A_2132 : vector<16xi32>
      %add3A_2134 = arith.constant 5000 : i32
      %add3A_2135 = arith.addi %mul3A_0, %add3A_2134 : i32
      %lt3A_2136 = vector.broadcast %add3A_2135 : i32 to vector<16xi32>
      %lt3A_2137 = arith.cmpi slt, %get3A_2131, %lt3A_2136 : vector<16xi32>
      %and3A_2138 = arith.andi %ge3A_2133, %lt3A_2137 : vector<16xi1>
      %ge3A_2139 = vector.broadcast %min3A_2072 : i32 to vector<16xi32>
      %ge3A_2140 = arith.cmpi sge, %add3A_2125, %ge3A_2139 : vector<16xi32>
      %and3A_2141 = arith.andi %and3A_2138, %ge3A_2140 : vector<16xi1>
      %lt3A_2142 = vector.broadcast %min3A_2080 : i32 to vector<16xi32>
      %lt3A_2143 = arith.cmpi slt, %add3A_2125, %lt3A_2142 : vector<16xi32>
      %and3A_2144 = arith.andi %and3A_2141, %lt3A_2143 : vector<16xi1>
      %jit3A_2145 = arith.constant -1 : i32
      %broadcast_in_dim3A_2146 = vector.broadcast %jit3A_2145 : i32 to vector<16xi32>
      %select_n3A_2147 = arith.select %and3A_2144, %get3A_2128, %broadcast_in_dim3A_2146 : vector<16xi1>, vector<16xi32>
      %swap3A_2148 = arith.constant 16 : index
      %swap3A_2149 = tpu.vector_load %arg12[%swap3A_2148] {strides = array<i32>} : memref<64xi32, #tpu.memory_space<vmem>>, vector<16xi32>,
      %swap3A_2150 = vector.shape_cast %swap3A_2149 : vector<16xi32> to vector<16xi32>
      %swap3A_2151 = vector.shape_cast %select_n3A_2147 : vector<16xi32> to vector<16xi32>
      tpu.vector_store %arg12[%swap3A_2148], %swap3A_2151 {strides = array<i32>} : memref<64xi32, #tpu.memory_space<vmem>>, vector<16xi32>,
      %sub3A_2152 = vector.broadcast %mul3A_0 : i32 to vector<16xi32>
      %sub3A_2153 = arith.subi %get3A_2131, %sub3A_2152 : vector<16xi32>
      %jit3A_2154 = arith.constant 5000 : i32
      %broadcast_in_dim3A_2155 = vector.broadcast %jit3A_2154 : i32 to vector<16xi32>
      %select_n3A_2156 = arith.select %and3A_2144, %sub3A_2153, %broadcast_in_dim3A_2155 : vector<16xi1>, vector<16xi32>
      %swap3A_2157 = arith.constant 16 : index
      %swap3A_2158 = tpu.vector_load %arg15[%swap3A_2157] {strides = array<i32>} : memref<64xi32, #tpu.memory_space<vmem>>, vector<16xi32>,
      %swap3A_2159 = vector.shape_cast %swap3A_2158 : vector<16xi32> to vector<16xi32>
      %swap3A_2160 = vector.shape_cast %select_n3A_2156 : vector<16xi32> to vector<16xi32>
      tpu.vector_store %arg15[%swap3A_2157], %swap3A_2160 {strides = array<i32>} : memref<64xi32, #tpu.memory_space<vmem>>, vector<16xi32>,
      %add3A_2161 = arith.constant 32 : i32
      %add3A_2162 = arith.addi %add3A_2066, %add3A_2161 : i32
      %iota3A_2163 = tpu.iota {dimensions = array<i32: 0>} : vector<16xi32>
      %add3A_2164 = vector.broadcast %add3A_2162 : i32 to vector<16xi32>
      %add3A_2165 = arith.addi %add3A_2164, %iota3A_2163 : vector<16xi32>
      %get3A_2166 = arith.constant 96 : index
      %get3A_2167 = tpu.vector_load %arg7[%get3A_2166] {strides = array<i32>} : memref<192xi32, #tpu.memory_space<vmem>>, vector<16xi32>,
      %get3A_2168 = vector.shape_cast %get3A_2167 : vector<16xi32> to vector<16xi32>
      %get3A_2169 = arith.constant 96 : index
      %get3A_2170 = tpu.vector_load %arg8[%get3A_2169] {strides = array<i32>} : memref<192xi32, #tpu.memory_space<vmem>>, vector<16xi32>,
      %get3A_2171 = vector.shape_cast %get3A_2170 : vector<16xi32> to vector<16xi32>
      %ge3A_2172 = vector.broadcast %mul3A_0 : i32 to vector<16xi32>
      %ge3A_2173 = arith.cmpi sge, %get3A_2171, %ge3A_2172 : vector<16xi32>
      %add3A_2174 = arith.constant 5000 : i32
      %add3A_2175 = arith.addi %mul3A_0, %add3A_2174 : i32
      %lt3A_2176 = vector.broadcast %add3A_2175 : i32 to vector<16xi32>
      %lt3A_2177 = arith.cmpi slt, %get3A_2171, %lt3A_2176 : vector<16xi32>
      %and3A_2178 = arith.andi %ge3A_2173, %lt3A_2177 : vector<16xi1>
      %ge3A_2179 = vector.broadcast %min3A_2072 : i32 to vector<16xi32>
      %ge3A_2180 = arith.cmpi sge, %add3A_2165, %ge3A_2179 : vector<16xi32>
      %and3A_2181 = arith.andi %and3A_2178, %ge3A_2180 : vector<16xi1>
      %lt3A_2182 = vector.broadcast %min3A_2080 : i32 to vector<16xi32>
      %lt3A_2183 = arith.cmpi slt, %add3A_2165, %lt3A_2182 : vector<16xi32>
      %and3A_2184 = arith.andi %and3A_2181, %lt3A_2183 : vector<16xi1>
      %jit3A_2185 = arith.constant -1 : i32
      %broadcast_in_dim3A_2186 = vector.broadcast %jit3A_2185 : i32 to vector<16xi32>
      %select_n3A_2187 = arith.select %and3A_2184, %get3A_2168, %broadcast_in_dim3A_2186 : vector<16xi1>, vector<16xi32>
      %swap3A_2188 = arith.constant 32 : index
      %swap3A_2189 = tpu.vector_load %arg12[%swap3A_2188] {strides = array<i32>} : memref<64xi32, #tpu.memory_space<vmem>>, vector<16xi32>,
      %swap3A_2190 = vector.shape_cast %swap3A_2189 : vector<16xi32> to vector<16xi32>
      %swap3A_2191 = vector.shape_cast %select_n3A_2187 : vector<16xi32> to vector<16xi32>
      tpu.vector_store %arg12[%swap3A_2188], %swap3A_2191 {strides = array<i32>} : memref<64xi32, #tpu.memory_space<vmem>>, vector<16xi32>,
      %sub3A_2192 = vector.broadcast %mul3A_0 : i32 to vector<16xi32>
      %sub3A_2193 = arith.subi %get3A_2171, %sub3A_2192 : vector<16xi32>
      %jit3A_2194 = arith.constant 5000 : i32
      %broadcast_in_dim3A_2195 = vector.broadcast %jit3A_2194 : i32 to vector<16xi32>
      %select_n3A_2196 = arith.select %and3A_2184, %sub3A_2193, %broadcast_in_dim3A_2195 : vector<16xi1>, vector<16xi32>
      %swap3A_2197 = arith.constant 32 : index
      %swap3A_2198 = tpu.vector_load %arg15[%swap3A_2197] {strides = array<i32>} : memref<64xi32, #tpu.memory_space<vmem>>, vector<16xi32>,
      %swap3A_2199 = vector.shape_cast %swap3A_2198 : vector<16xi32> to vector<16xi32>
      %swap3A_2200 = vector.shape_cast %select_n3A_2196 : vector<16xi32> to vector<16xi32>
      tpu.vector_store %arg15[%swap3A_2197], %swap3A_2200 {strides = array<i32>} : memref<64xi32, #tpu.memory_space<vmem>>, vector<16xi32>,
      %add3A_2201 = arith.constant 48 : i32
      %add3A_2202 = arith.addi %add3A_2066, %add3A_2201 : i32
      %iota3A_2203 = tpu.iota {dimensions = array<i32: 0>} : vector<16xi32>
      %add3A_2204 = vector.broadcast %add3A_2202 : i32 to vector<16xi32>
      %add3A_2205 = arith.addi %add3A_2204, %iota3A_2203 : vector<16xi32>
      %get3A_2206 = arith.constant 112 : index
      %get3A_2207 = tpu.vector_load %arg7[%get3A_2206] {strides = array<i32>} : memref<192xi32, #tpu.memory_space<vmem>>, vector<16xi32>,
      %get3A_2208 = vector.shape_cast %get3A_2207 : vector<16xi32> to vector<16xi32>
      %get3A_2209 = arith.constant 112 : index
      %get3A_2210 = tpu.vector_load %arg8[%get3A_2209] {strides = array<i32>} : memref<192xi32, #tpu.memory_space<vmem>>, vector<16xi32>,
      %get3A_2211 = vector.shape_cast %get3A_2210 : vector<16xi32> to vector<16xi32>
      %ge3A_2212 = vector.broadcast %mul3A_0 : i32 to vector<16xi32>
      %ge3A_2213 = arith.cmpi sge, %get3A_2211, %ge3A_2212 : vector<16xi32>
      %add3A_2214 = arith.constant 5000 : i32
      %add3A_2215 = arith.addi %mul3A_0, %add3A_2214 : i32
      %lt3A_2216 = vector.broadcast %add3A_2215 : i32 to vector<16xi32>
      %lt3A_2217 = arith.cmpi slt, %get3A_2211, %lt3A_2216 : vector<16xi32>
      %and3A_2218 = arith.andi %ge3A_2213, %lt3A_2217 : vector<16xi1>
      %ge3A_2219 = vector.broadcast %min3A_2072 : i32 to vector<16xi32>
      %ge3A_2220 = arith.cmpi sge, %add3A_2205, %ge3A_2219 : vector<16xi32>
      %and3A_2221 = arith.andi %and3A_2218, %ge3A_2220 : vector<16xi1>
      %lt3A_2222 = vector.broadcast %min3A_2080 : i32 to vector<16xi32>
      %lt3A_2223 = arith.cmpi slt, %add3A_2205, %lt3A_2222 : vector<16xi32>
      %and3A_2224 = arith.andi %and3A_2221, %lt3A_2223 : vector<16xi1>
      %jit3A_2225 = arith.constant -1 : i32
      %broadcast_in_dim3A_2226 = vector.broadcast %jit3A_2225 : i32 to vector<16xi32>
      %select_n3A_2227 = arith.select %and3A_2224, %get3A_2208, %broadcast_in_dim3A_2226 : vector<16xi1>, vector<16xi32>
      %swap3A_2228 = arith.constant 48 : index
      %swap3A_2229 = tpu.vector_load %arg12[%swap3A_2228] {strides = array<i32>} : memref<64xi32, #tpu.memory_space<vmem>>, vector<16xi32>,
      %swap3A_2230 = vector.shape_cast %swap3A_2229 : vector<16xi32> to vector<16xi32>
      %swap3A_2231 = vector.shape_cast %select_n3A_2227 : vector<16xi32> to vector<16xi32>
      tpu.vector_store %arg12[%swap3A_2228], %swap3A_2231 {strides = array<i32>} : memref<64xi32, #tpu.memory_space<vmem>>, vector<16xi32>,
      %sub3A_2232 = vector.broadcast %mul3A_0 : i32 to vector<16xi32>
      %sub3A_2233 = arith.subi %get3A_2211, %sub3A_2232 : vector<16xi32>
      %jit3A_2234 = arith.constant 5000 : i32
      %broadcast_in_dim3A_2235 = vector.broadcast %jit3A_2234 : i32 to vector<16xi32>
      %select_n3A_2236 = arith.select %and3A_2224, %sub3A_2233, %broadcast_in_dim3A_2235 : vector<16xi1>, vector<16xi32>
      %swap3A_2237 = arith.constant 48 : index
      %swap3A_2238 = tpu.vector_load %arg15[%swap3A_2237] {strides = array<i32>} : memref<64xi32, #tpu.memory_space<vmem>>, vector<16xi32>,
      %swap3A_2239 = vector.shape_cast %swap3A_2238 : vector<16xi32> to vector<16xi32>
      %swap3A_2240 = vector.shape_cast %select_n3A_2236 : vector<16xi32> to vector<16xi32>
      tpu.vector_store %arg15[%swap3A_2237], %swap3A_2240 {strides = array<i32>} : memref<64xi32, #tpu.memory_space<vmem>>, vector<16xi32>,
      %dma_wait3A_2241 = arith.constant 0 : i32
      %dma_wait3A_2242 = arith.constant 0 : i32
      %dma_wait3A_2243 = tpu.memref_slice %arg5[%dma_wait3A_2241, %dma_wait3A_2242] : memref<10000x256xf32, #tpu.memory_space<hbm>> -> memref<10000x256xf32, #tpu.memory_space<hbm>>
      tpu.wait_indirect_dma semaphore(%arg28 : memref<!tpu.dma_semaphore, #tpu.memory_space<semaphore_mem>>) src(%dma_wait3A_2243 : memref<10000x256xf32, #tpu.memory_space<hbm>>) dst(%arg22 : memref<64x256xf32, #tpu.memory_space<vmem>>)
      %dma_start3A_2244 = arith.constant 0 : i32
      %dma_start3A_2245 = arith.constant 0 : i32
      %dma_start3A_2246 = tpu.memref_slice %arg23[%dma_start3A_2244, %dma_start3A_2245] : memref<5008x256xf32, #tpu.memory_space<vmem_shared>> -> memref<5008x256xf32, #tpu.memory_space<vmem_shared>>
      %dma_start3A_2247 = arith.constant 5000 : i32
      tpu.enqueue_indirect_dma source(%arg22 : memref<64x256xf32, #tpu.memory_space<vmem>>) target(%dma_start3A_2246 : memref<5008x256xf32, #tpu.memory_space<vmem_shared>>) offsets(%arg19 : memref<64xi32, #tpu.memory_space<vmem>>) offset_filter(%dma_start3A_2247) semaphore(%arg31 : memref<!tpu.dma_semaphore, #tpu.memory_space<semaphore_mem>>) {add = true}
      %mul3A_2248 = arith.constant 192 : i32
      %mul3A_2249 = arith.muli %min3A_1849, %mul3A_2248 : i32
      %add3A_2250 = arith.addi %mul3A_18, %mul3A_2249 : i32
      %min3A_2251 = arith.constant 159808 : i32
      %min3A_2252 = arith.minsi %add3A_2250, %min3A_2251 : i32
      %add3A_2253 = arith.constant 128 : i32
      %add3A_2254 = arith.addi %min3A_2252, %add3A_2253 : i32
      %mul3A_2255 = arith.constant 192 : i32
      %mul3A_2256 = arith.muli %min3A_1849, %mul3A_2255 : i32
      %add3A_2257 = arith.addi %mul3A_18, %mul3A_2256 : i32
      %add3A_2258 = arith.constant 10000 : i32
      %add3A_2259 = arith.addi %mul3A_18, %add3A_2258 : i32
      %min3A_2260 = arith.minsi %add3A_2257, %add3A_2259 : i32
      %add3A_2261 = arith.constant 1 : i32
      %add3A_2262 = arith.addi %min3A_1849, %add3A_2261 : i32
      %mul3A_2263 = arith.constant 192 : i32
      %mul3A_2264 = arith.muli %add3A_2262, %mul3A_2263 : i32
      %add3A_2265 = arith.addi %mul3A_18, %mul3A_2264 : i32
      %add3A_2266 = arith.constant 10000 : i32
      %add3A_2267 = arith.addi %mul3A_18, %add3A_2266 : i32
      %min3A_2268 = arith.minsi %add3A_2265, %add3A_2267 : i32
      %add3A_2269 = arith.constant 0 : i32
      %add3A_2270 = arith.addi %add3A_2254, %add3A_2269 : i32
      %iota3A_2271 = tpu.iota {dimensions = array<i32: 0>} : vector<16xi32>
      %add3A_2272 = vector.broadcast %add3A_2270 : i32 to vector<16xi32>
      %add3A_2273 = arith.addi %add3A_2272, %iota3A_2271 : vector<16xi32>
      %get3A_2274 = arith.constant 128 : index
      %get3A_2275 = tpu.vector_load %arg7[%get3A_2274] {strides = array<i32>} : memref<192xi32, #tpu.memory_space<vmem>>, vector<16xi32>,
      %get3A_2276 = vector.shape_cast %get3A_2275 : vector<16xi32> to vector<16xi32>
      %get3A_2277 = arith.constant 128 : index
      %get3A_2278 = tpu.vector_load %arg8[%get3A_2277] {strides = array<i32>} : memref<192xi32, #tpu.memory_space<vmem>>, vector<16xi32>,
      %get3A_2279 = vector.shape_cast %get3A_2278 : vector<16xi32> to vector<16xi32>
      %ge3A_2280 = vector.broadcast %mul3A_0 : i32 to vector<16xi32>
      %ge3A_2281 = arith.cmpi sge, %get3A_2279, %ge3A_2280 : vector<16xi32>
      %add3A_2282 = arith.constant 5000 : i32
      %add3A_2283 = arith.addi %mul3A_0, %add3A_2282 : i32
      %lt3A_2284 = vector.broadcast %add3A_2283 : i32 to vector<16xi32>
      %lt3A_2285 = arith.cmpi slt, %get3A_2279, %lt3A_2284 : vector<16xi32>
      %and3A_2286 = arith.andi %ge3A_2281, %lt3A_2285 : vector<16xi1>
      %ge3A_2287 = vector.broadcast %min3A_2260 : i32 to vector<16xi32>
      %ge3A_2288 = arith.cmpi sge, %add3A_2273, %ge3A_2287 : vector<16xi32>
      %and3A_2289 = arith.andi %and3A_2286, %ge3A_2288 : vector<16xi1>
      %lt3A_2290 = vector.broadcast %min3A_2268 : i32 to vector<16xi32>
      %lt3A_2291 = arith.cmpi slt, %add3A_2273, %lt3A_2290 : vector<16xi32>
      %and3A_2292 = arith.andi %and3A_2289, %lt3A_2291 : vector<16xi1>
      %jit3A_2293 = arith.constant -1 : i32
      %broadcast_in_dim3A_2294 = vector.broadcast %jit3A_2293 : i32 to vector<16xi32>
      %select_n3A_2295 = arith.select %and3A_2292, %get3A_2276, %broadcast_in_dim3A_2294 : vector<16xi1>, vector<16xi32>
      %swap3A_2296 = arith.constant 0 : index
      %swap3A_2297 = tpu.vector_load %arg13[%swap3A_2296] {strides = array<i32>} : memref<64xi32, #tpu.memory_space<vmem>>, vector<16xi32>,
      %swap3A_2298 = vector.shape_cast %swap3A_2297 : vector<16xi32> to vector<16xi32>
      %swap3A_2299 = vector.shape_cast %select_n3A_2295 : vector<16xi32> to vector<16xi32>
      tpu.vector_store %arg13[%swap3A_2296], %swap3A_2299 {strides = array<i32>} : memref<64xi32, #tpu.memory_space<vmem>>, vector<16xi32>,
      %sub3A_2300 = vector.broadcast %mul3A_0 : i32 to vector<16xi32>
      %sub3A_2301 = arith.subi %get3A_2279, %sub3A_2300 : vector<16xi32>
      %jit3A_2302 = arith.constant 5000 : i32
      %broadcast_in_dim3A_2303 = vector.broadcast %jit3A_2302 : i32 to vector<16xi32>
      %select_n3A_2304 = arith.select %and3A_2292, %sub3A_2301, %broadcast_in_dim3A_2303 : vector<16xi1>, vector<16xi32>
      %swap3A_2305 = arith.constant 0 : index
      %swap3A_2306 = tpu.vector_load %arg16[%swap3A_2305] {strides = array<i32>} : memref<64xi32, #tpu.memory_space<vmem>>, vector<16xi32>,
      %swap3A_2307 = vector.shape_cast %swap3A_2306 : vector<16xi32> to vector<16xi32>
      %swap3A_2308 = vector.shape_cast %select_n3A_2304 : vector<16xi32> to vector<16xi32>
      tpu.vector_store %arg16[%swap3A_2305], %swap3A_2308 {strides = array<i32>} : memref<64xi32, #tpu.memory_space<vmem>>, vector<16xi32>,
      %add3A_2309 = arith.constant 16 : i32
      %add3A_2310 = arith.addi %add3A_2254, %add3A_2309 : i32
      %iota3A_2311 = tpu.iota {dimensions = array<i32: 0>} : vector<16xi32>
      %add3A_2312 = vector.broadcast %add3A_2310 : i32 to vector<16xi32>
      %add3A_2313 = arith.addi %add3A_2312, %iota3A_2311 : vector<16xi32>
      %get3A_2314 = arith.constant 144 : index
      %get3A_2315 = tpu.vector_load %arg7[%get3A_2314] {strides = array<i32>} : memref<192xi32, #tpu.memory_space<vmem>>, vector<16xi32>,
      %get3A_2316 = vector.shape_cast %get3A_2315 : vector<16xi32> to vector<16xi32>
      %get3A_2317 = arith.constant 144 : index
      %get3A_2318 = tpu.vector_load %arg8[%get3A_2317] {strides = array<i32>} : memref<192xi32, #tpu.memory_space<vmem>>, vector<16xi32>,
      %get3A_2319 = vector.shape_cast %get3A_2318 : vector<16xi32> to vector<16xi32>
      %ge3A_2320 = vector.broadcast %mul3A_0 : i32 to vector<16xi32>
      %ge3A_2321 = arith.cmpi sge, %get3A_2319, %ge3A_2320 : vector<16xi32>
      %add3A_2322 = arith.constant 5000 : i32
      %add3A_2323 = arith.addi %mul3A_0, %add3A_2322 : i32
      %lt3A_2324 = vector.broadcast %add3A_2323 : i32 to vector<16xi32>
      %lt3A_2325 = arith.cmpi slt, %get3A_2319, %lt3A_2324 : vector<16xi32>
      %and3A_2326 = arith.andi %ge3A_2321, %lt3A_2325 : vector<16xi1>
      %ge3A_2327 = vector.broadcast %min3A_2260 : i32 to vector<16xi32>
      %ge3A_2328 = arith.cmpi sge, %add3A_2313, %ge3A_2327 : vector<16xi32>
      %and3A_2329 = arith.andi %and3A_2326, %ge3A_2328 : vector<16xi1>
      %lt3A_2330 = vector.broadcast %min3A_2268 : i32 to vector<16xi32>
      %lt3A_2331 = arith.cmpi slt, %add3A_2313, %lt3A_2330 : vector<16xi32>
      %and3A_2332 = arith.andi %and3A_2329, %lt3A_2331 : vector<16xi1>
      %jit3A_2333 = arith.constant -1 : i32
      %broadcast_in_dim3A_2334 = vector.broadcast %jit3A_2333 : i32 to vector<16xi32>
      %select_n3A_2335 = arith.select %and3A_2332, %get3A_2316, %broadcast_in_dim3A_2334 : vector<16xi1>, vector<16xi32>
      %swap3A_2336 = arith.constant 16 : index
      %swap3A_2337 = tpu.vector_load %arg13[%swap3A_2336] {strides = array<i32>} : memref<64xi32, #tpu.memory_space<vmem>>, vector<16xi32>,
      %swap3A_2338 = vector.shape_cast %swap3A_2337 : vector<16xi32> to vector<16xi32>
      %swap3A_2339 = vector.shape_cast %select_n3A_2335 : vector<16xi32> to vector<16xi32>
      tpu.vector_store %arg13[%swap3A_2336], %swap3A_2339 {strides = array<i32>} : memref<64xi32, #tpu.memory_space<vmem>>, vector<16xi32>,
      %sub3A_2340 = vector.broadcast %mul3A_0 : i32 to vector<16xi32>
      %sub3A_2341 = arith.subi %get3A_2319, %sub3A_2340 : vector<16xi32>
      %jit3A_2342 = arith.constant 5000 : i32
      %broadcast_in_dim3A_2343 = vector.broadcast %jit3A_2342 : i32 to vector<16xi32>
      %select_n3A_2344 = arith.select %and3A_2332, %sub3A_2341, %broadcast_in_dim3A_2343 : vector<16xi1>, vector<16xi32>
      %swap3A_2345 = arith.constant 16 : index
      %swap3A_2346 = tpu.vector_load %arg16[%swap3A_2345] {strides = array<i32>} : memref<64xi32, #tpu.memory_space<vmem>>, vector<16xi32>,
      %swap3A_2347 = vector.shape_cast %swap3A_2346 : vector<16xi32> to vector<16xi32>
      %swap3A_2348 = vector.shape_cast %select_n3A_2344 : vector<16xi32> to vector<16xi32>
      tpu.vector_store %arg16[%swap3A_2345], %swap3A_2348 {strides = array<i32>} : memref<64xi32, #tpu.memory_space<vmem>>, vector<16xi32>,
      %add3A_2349 = arith.constant 32 : i32
      %add3A_2350 = arith.addi %add3A_2254, %add3A_2349 : i32
      %iota3A_2351 = tpu.iota {dimensions = array<i32: 0>} : vector<16xi32>
      %add3A_2352 = vector.broadcast %add3A_2350 : i32 to vector<16xi32>
      %add3A_2353 = arith.addi %add3A_2352, %iota3A_2351 : vector<16xi32>
      %get3A_2354 = arith.constant 160 : index
      %get3A_2355 = tpu.vector_load %arg7[%get3A_2354] {strides = array<i32>} : memref<192xi32, #tpu.memory_space<vmem>>, vector<16xi32>,
      %get3A_2356 = vector.shape_cast %get3A_2355 : vector<16xi32> to vector<16xi32>
      %get3A_2357 = arith.constant 160 : index
      %get3A_2358 = tpu.vector_load %arg8[%get3A_2357] {strides = array<i32>} : memref<192xi32, #tpu.memory_space<vmem>>, vector<16xi32>,
      %get3A_2359 = vector.shape_cast %get3A_2358 : vector<16xi32> to vector<16xi32>
      %ge3A_2360 = vector.broadcast %mul3A_0 : i32 to vector<16xi32>
      %ge3A_2361 = arith.cmpi sge, %get3A_2359, %ge3A_2360 : vector<16xi32>
      %add3A_2362 = arith.constant 5000 : i32
      %add3A_2363 = arith.addi %mul3A_0, %add3A_2362 : i32
      %lt3A_2364 = vector.broadcast %add3A_2363 : i32 to vector<16xi32>
      %lt3A_2365 = arith.cmpi slt, %get3A_2359, %lt3A_2364 : vector<16xi32>
      %and3A_2366 = arith.andi %ge3A_2361, %lt3A_2365 : vector<16xi1>
      %ge3A_2367 = vector.broadcast %min3A_2260 : i32 to vector<16xi32>
      %ge3A_2368 = arith.cmpi sge, %add3A_2353, %ge3A_2367 : vector<16xi32>
      %and3A_2369 = arith.andi %and3A_2366, %ge3A_2368 : vector<16xi1>
      %lt3A_2370 = vector.broadcast %min3A_2268 : i32 to vector<16xi32>
      %lt3A_2371 = arith.cmpi slt, %add3A_2353, %lt3A_2370 : vector<16xi32>
      %and3A_2372 = arith.andi %and3A_2369, %lt3A_2371 : vector<16xi1>
      %jit3A_2373 = arith.constant -1 : i32
      %broadcast_in_dim3A_2374 = vector.broadcast %jit3A_2373 : i32 to vector<16xi32>
      %select_n3A_2375 = arith.select %and3A_2372, %get3A_2356, %broadcast_in_dim3A_2374 : vector<16xi1>, vector<16xi32>
      %swap3A_2376 = arith.constant 32 : index
      %swap3A_2377 = tpu.vector_load %arg13[%swap3A_2376] {strides = array<i32>} : memref<64xi32, #tpu.memory_space<vmem>>, vector<16xi32>,
      %swap3A_2378 = vector.shape_cast %swap3A_2377 : vector<16xi32> to vector<16xi32>
      %swap3A_2379 = vector.shape_cast %select_n3A_2375 : vector<16xi32> to vector<16xi32>
      tpu.vector_store %arg13[%swap3A_2376], %swap3A_2379 {strides = array<i32>} : memref<64xi32, #tpu.memory_space<vmem>>, vector<16xi32>,
      %sub3A_2380 = vector.broadcast %mul3A_0 : i32 to vector<16xi32>
      %sub3A_2381 = arith.subi %get3A_2359, %sub3A_2380 : vector<16xi32>
      %jit3A_2382 = arith.constant 5000 : i32
      %broadcast_in_dim3A_2383 = vector.broadcast %jit3A_2382 : i32 to vector<16xi32>
      %select_n3A_2384 = arith.select %and3A_2372, %sub3A_2381, %broadcast_in_dim3A_2383 : vector<16xi1>, vector<16xi32>
      %swap3A_2385 = arith.constant 32 : index
      %swap3A_2386 = tpu.vector_load %arg16[%swap3A_2385] {strides = array<i32>} : memref<64xi32, #tpu.memory_space<vmem>>, vector<16xi32>,
      %swap3A_2387 = vector.shape_cast %swap3A_2386 : vector<16xi32> to vector<16xi32>
      %swap3A_2388 = vector.shape_cast %select_n3A_2384 : vector<16xi32> to vector<16xi32>
      tpu.vector_store %arg16[%swap3A_2385], %swap3A_2388 {strides = array<i32>} : memref<64xi32, #tpu.memory_space<vmem>>, vector<16xi32>,
      %add3A_2389 = arith.constant 48 : i32
      %add3A_2390 = arith.addi %add3A_2254, %add3A_2389 : i32
      %iota3A_2391 = tpu.iota {dimensions = array<i32: 0>} : vector<16xi32>
      %add3A_2392 = vector.broadcast %add3A_2390 : i32 to vector<16xi32>
      %add3A_2393 = arith.addi %add3A_2392, %iota3A_2391 : vector<16xi32>
      %get3A_2394 = arith.constant 176 : index
      %get3A_2395 = tpu.vector_load %arg7[%get3A_2394] {strides = array<i32>} : memref<192xi32, #tpu.memory_space<vmem>>, vector<16xi32>,
      %get3A_2396 = vector.shape_cast %get3A_2395 : vector<16xi32> to vector<16xi32>
      %get3A_2397 = arith.constant 176 : index
      %get3A_2398 = tpu.vector_load %arg8[%get3A_2397] {strides = array<i32>} : memref<192xi32, #tpu.memory_space<vmem>>, vector<16xi32>,
      %get3A_2399 = vector.shape_cast %get3A_2398 : vector<16xi32> to vector<16xi32>
      %ge3A_2400 = vector.broadcast %mul3A_0 : i32 to vector<16xi32>
      %ge3A_2401 = arith.cmpi sge, %get3A_2399, %ge3A_2400 : vector<16xi32>
      %add3A_2402 = arith.constant 5000 : i32
      %add3A_2403 = arith.addi %mul3A_0, %add3A_2402 : i32
      %lt3A_2404 = vector.broadcast %add3A_2403 : i32 to vector<16xi32>
      %lt3A_2405 = arith.cmpi slt, %get3A_2399, %lt3A_2404 : vector<16xi32>
      %and3A_2406 = arith.andi %ge3A_2401, %lt3A_2405 : vector<16xi1>
      %ge3A_2407 = vector.broadcast %min3A_2260 : i32 to vector<16xi32>
      %ge3A_2408 = arith.cmpi sge, %add3A_2393, %ge3A_2407 : vector<16xi32>
      %and3A_2409 = arith.andi %and3A_2406, %ge3A_2408 : vector<16xi1>
      %lt3A_2410 = vector.broadcast %min3A_2268 : i32 to vector<16xi32>
      %lt3A_2411 = arith.cmpi slt, %add3A_2393, %lt3A_2410 : vector<16xi32>
      %and3A_2412 = arith.andi %and3A_2409, %lt3A_2411 : vector<16xi1>
      %jit3A_2413 = arith.constant -1 : i32
      %broadcast_in_dim3A_2414 = vector.broadcast %jit3A_2413 : i32 to vector<16xi32>
      %select_n3A_2415 = arith.select %and3A_2412, %get3A_2396, %broadcast_in_dim3A_2414 : vector<16xi1>, vector<16xi32>
      %swap3A_2416 = arith.constant 48 : index
      %swap3A_2417 = tpu.vector_load %arg13[%swap3A_2416] {strides = array<i32>} : memref<64xi32, #tpu.memory_space<vmem>>, vector<16xi32>,
      %swap3A_2418 = vector.shape_cast %swap3A_2417 : vector<16xi32> to vector<16xi32>
      %swap3A_2419 = vector.shape_cast %select_n3A_2415 : vector<16xi32> to vector<16xi32>
      tpu.vector_store %arg13[%swap3A_2416], %swap3A_2419 {strides = array<i32>} : memref<64xi32, #tpu.memory_space<vmem>>, vector<16xi32>,
      %sub3A_2420 = vector.broadcast %mul3A_0 : i32 to vector<16xi32>
      %sub3A_2421 = arith.subi %get3A_2399, %sub3A_2420 : vector<16xi32>
      %jit3A_2422 = arith.constant 5000 : i32
      %broadcast_in_dim3A_2423 = vector.broadcast %jit3A_2422 : i32 to vector<16xi32>
      %select_n3A_2424 = arith.select %and3A_2412, %sub3A_2421, %broadcast_in_dim3A_2423 : vector<16xi1>, vector<16xi32>
      %swap3A_2425 = arith.constant 48 : index
      %swap3A_2426 = tpu.vector_load %arg16[%swap3A_2425] {strides = array<i32>} : memref<64xi32, #tpu.memory_space<vmem>>, vector<16xi32>,
      %swap3A_2427 = vector.shape_cast %swap3A_2426 : vector<16xi32> to vector<16xi32>
      %swap3A_2428 = vector.shape_cast %select_n3A_2424 : vector<16xi32> to vector<16xi32>
      tpu.vector_store %arg16[%swap3A_2425], %swap3A_2428 {strides = array<i32>} : memref<64xi32, #tpu.memory_space<vmem>>, vector<16xi32>,
      %mul3A_2429 = arith.constant 192 : i32
      %mul3A_2430 = arith.muli %min3A_1853, %mul3A_2429 : i32
      %add3A_2431 = arith.addi %mul3A_18, %mul3A_2430 : i32
      %min3A_2432 = arith.constant 159808 : i32
      %min3A_2433 = arith.minsi %add3A_2431, %min3A_2432 : i32
      %dma_start3A_2434 = tpu.memref_slice %arg3[%min3A_2433] : memref<320000xi32, #tpu.memory_space<hbm>> -> memref<192xi32, #tpu.memory_space<hbm>>
      %dma_start3A_2435 = tpu.memref_slice %arg3[%min3A_2433] : memref<320000xi32, #tpu.memory_space<hbm>> -> memref<192xi32, #tpu.memory_space<hbm>>
      tpu.enqueue_dma source(%dma_start3A_2435 : memref<192xi32, #tpu.memory_space<hbm>>) target(%arg9 : memref<192xi32, #tpu.memory_space<vmem>>) target_semaphore(%arg25 : memref<!tpu.dma_semaphore, #tpu.memory_space<semaphore_mem>>)
      %add3A_2436 = arith.constant 160000 : i32
      %add3A_2437 = arith.addi %add3A_2436, %min3A_2433 : i32
      %dma_start3A_2438 = tpu.memref_slice %arg3[%add3A_2437] : memref<320000xi32, #tpu.memory_space<hbm>> -> memref<192xi32, #tpu.memory_space<hbm>>
      %dma_start3A_2439 = tpu.memref_slice %arg3[%add3A_2437] : memref<320000xi32, #tpu.memory_space<hbm>> -> memref<192xi32, #tpu.memory_space<hbm>>
      tpu.enqueue_dma source(%dma_start3A_2439 : memref<192xi32, #tpu.memory_space<hbm>>) target(%arg10 : memref<192xi32, #tpu.memory_space<vmem>>) target_semaphore(%arg25 : memref<!tpu.dma_semaphore, #tpu.memory_space<semaphore_mem>>)
      %dma_wait3A_2440 = arith.constant 0 : i32
      %dma_wait3A_2441 = arith.constant 0 : i32
      %dma_wait3A_2442 = tpu.memref_slice %arg23[%dma_wait3A_2440, %dma_wait3A_2441] : memref<5008x256xf32, #tpu.memory_space<vmem_shared>> -> memref<5008x256xf32, #tpu.memory_space<vmem_shared>>
      tpu.wait_indirect_dma semaphore(%arg29 : memref<!tpu.dma_semaphore, #tpu.memory_space<semaphore_mem>>) src(%arg20 : memref<64x256xf32, #tpu.memory_space<vmem>>) dst(%dma_wait3A_2442 : memref<5008x256xf32, #tpu.memory_space<vmem_shared>>)
      %dma_start3A_2443 = arith.constant 0 : i32
      %dma_start3A_2444 = arith.constant 0 : i32
      %dma_start3A_2445 = tpu.memref_slice %arg5[%dma_start3A_2443, %dma_start3A_2444] : memref<10000x256xf32, #tpu.memory_space<hbm>> -> memref<10000x256xf32, #tpu.memory_space<hbm>>
      %dma_start3A_2446 = arith.constant -1 : i32
      tpu.enqueue_indirect_dma source(%dma_start3A_2445 : memref<10000x256xf32, #tpu.memory_space<hbm>>) target(%arg20 : memref<64x256xf32, #tpu.memory_space<vmem>>) offsets(%arg11 : memref<64xi32, #tpu.memory_space<vmem>>) offset_filter(%dma_start3A_2446) semaphore(%arg26 : memref<!tpu.dma_semaphore, #tpu.memory_space<semaphore_mem>>)
      %dma_wait3A_2447 = arith.constant 0 : i32
      %dma_wait3A_2448 = arith.constant 0 : i32
      %dma_wait3A_2449 = tpu.memref_slice %arg23[%dma_wait3A_2447, %dma_wait3A_2448] : memref<5008x256xf32, #tpu.memory_space<vmem_shared>> -> memref<5008x256xf32, #tpu.memory_space<vmem_shared>>
      tpu.wait_indirect_dma semaphore(%arg30 : memref<!tpu.dma_semaphore, #tpu.memory_space<semaphore_mem>>) src(%arg21 : memref<64x256xf32, #tpu.memory_space<vmem>>) dst(%dma_wait3A_2449 : memref<5008x256xf32, #tpu.memory_space<vmem_shared>>)
      %dma_start3A_2450 = arith.constant 0 : i32
      %dma_start3A_2451 = arith.constant 0 : i32
      %dma_start3A_2452 = tpu.memref_slice %arg5[%dma_start3A_2450, %dma_start3A_2451] : memref<10000x256xf32, #tpu.memory_space<hbm>> -> memref<10000x256xf32, #tpu.memory_space<hbm>>
      %dma_start3A_2453 = arith.constant -1 : i32
      tpu.enqueue_indirect_dma source(%dma_start3A_2452 : memref<10000x256xf32, #tpu.memory_space<hbm>>) target(%arg21 : memref<64x256xf32, #tpu.memory_space<vmem>>) offsets(%arg12 : memref<64xi32, #tpu.memory_space<vmem>>) offset_filter(%dma_start3A_2453) semaphore(%arg27 : memref<!tpu.dma_semaphore, #tpu.memory_space<semaphore_mem>>)
      %dma_wait3A_2454 = arith.constant 0 : i32
      %dma_wait3A_2455 = arith.constant 0 : i32
      %dma_wait3A_2456 = tpu.memref_slice %arg23[%dma_wait3A_2454, %dma_wait3A_2455] : memref<5008x256xf32, #tpu.memory_space<vmem_shared>> -> memref<5008x256xf32, #tpu.memory_space<vmem_shared>>
      tpu.wait_indirect_dma semaphore(%arg31 : memref<!tpu.dma_semaphore, #tpu.memory_space<semaphore_mem>>) src(%arg22 : memref<64x256xf32, #tpu.memory_space<vmem>>) dst(%dma_wait3A_2456 : memref<5008x256xf32, #tpu.memory_space<vmem_shared>>)
      %dma_start3A_2457 = arith.constant 0 : i32
      %dma_start3A_2458 = arith.constant 0 : i32
      %dma_start3A_2459 = tpu.memref_slice %arg5[%dma_start3A_2457, %dma_start3A_2458] : memref<10000x256xf32, #tpu.memory_space<hbm>> -> memref<10000x256xf32, #tpu.memory_space<hbm>>
      %dma_start3A_2460 = arith.constant -1 : i32
      tpu.enqueue_indirect_dma source(%dma_start3A_2459 : memref<10000x256xf32, #tpu.memory_space<hbm>>) target(%arg22 : memref<64x256xf32, #tpu.memory_space<vmem>>) offsets(%arg13 : memref<64xi32, #tpu.memory_space<vmem>>) offset_filter(%dma_start3A_2460) semaphore(%arg28 : memref<!tpu.dma_semaphore, #tpu.memory_space<semaphore_mem>>)
      %scan3A_2461 = arith.constant 0 : i32
      scf.yield %scan3A_2461 : i32
    }
    %scan3A_1178 = arith.constant 27 : i32
    %dma_wait3A_1179 = arith.constant 0 : i32
    %dma_wait3A_1180 = arith.constant 0 : i32
    %dma_wait3A_1181 = tpu.memref_slice %arg5[%dma_wait3A_1179, %dma_wait3A_1180] : memref<10000x256xf32, #tpu.memory_space<hbm>> -> memref<10000x256xf32, #tpu.memory_space<hbm>>
    tpu.wait_indirect_dma semaphore(%arg26 : memref<!tpu.dma_semaphore, #tpu.memory_space<semaphore_mem>>) src(%dma_wait3A_1181 : memref<10000x256xf32, #tpu.memory_space<hbm>>) dst(%arg20 : memref<64x256xf32, #tpu.memory_space<vmem>>)
    %dma_wait3A_1182 = arith.constant 0 : i32
    %dma_wait3A_1183 = arith.constant 0 : i32
    %dma_wait3A_1184 = tpu.memref_slice %arg5[%dma_wait3A_1182, %dma_wait3A_1183] : memref<10000x256xf32, #tpu.memory_space<hbm>> -> memref<10000x256xf32, #tpu.memory_space<hbm>>
    tpu.wait_indirect_dma semaphore(%arg27 : memref<!tpu.dma_semaphore, #tpu.memory_space<semaphore_mem>>) src(%dma_wait3A_1184 : memref<10000x256xf32, #tpu.memory_space<hbm>>) dst(%arg21 : memref<64x256xf32, #tpu.memory_space<vmem>>)
    %dma_wait3A_1185 = arith.constant 0 : i32
    %dma_wait3A_1186 = arith.constant 0 : i32
    %dma_wait3A_1187 = tpu.memref_slice %arg5[%dma_wait3A_1185, %dma_wait3A_1186] : memref<10000x256xf32, #tpu.memory_space<hbm>> -> memref<10000x256xf32, #tpu.memory_space<hbm>>
    tpu.wait_indirect_dma semaphore(%arg28 : memref<!tpu.dma_semaphore, #tpu.memory_space<semaphore_mem>>) src(%dma_wait3A_1187 : memref<10000x256xf32, #tpu.memory_space<hbm>>) dst(%arg22 : memref<64x256xf32, #tpu.memory_space<vmem>>)
    %add3A_1188 = arith.constant 10176 : i32
    %add3A_1189 = arith.addi %mul3A_18, %add3A_1188 : i32
    %min3A_1190 = arith.constant 159808 : i32
    %min3A_1191 = arith.minsi %add3A_1189, %min3A_1190 : i32
    %dma_wait3A_1192 = tpu.memref_slice %arg3[%min3A_1191] : memref<320000xi32, #tpu.memory_space<hbm>> -> memref<192xi32, #tpu.memory_space<hbm>>
    %dma_wait3A_1193 = tpu.memref_slice %arg3[%min3A_1191] : memref<320000xi32, #tpu.memory_space<hbm>> -> memref<192xi32, #tpu.memory_space<hbm>>
    tpu.wait_dma2 semaphore(%arg25 : memref<!tpu.dma_semaphore, #tpu.memory_space<semaphore_mem>>) src(%dma_wait3A_1193 : memref<192xi32, #tpu.memory_space<hbm>>) dst(%arg9 : memref<192xi32, #tpu.memory_space<vmem>>)
    %add3A_1194 = arith.constant 160000 : i32
    %add3A_1195 = arith.addi %add3A_1194, %min3A_1191 : i32
    %dma_wait3A_1196 = tpu.memref_slice %arg3[%add3A_1195] : memref<320000xi32, #tpu.memory_space<hbm>> -> memref<192xi32, #tpu.memory_space<hbm>>
    %dma_wait3A_1197 = tpu.memref_slice %arg3[%add3A_1195] : memref<320000xi32, #tpu.memory_space<hbm>> -> memref<192xi32, #tpu.memory_space<hbm>>
    tpu.wait_dma2 semaphore(%arg25 : memref<!tpu.dma_semaphore, #tpu.memory_space<semaphore_mem>>) src(%dma_wait3A_1197 : memref<192xi32, #tpu.memory_space<hbm>>) dst(%arg10 : memref<192xi32, #tpu.memory_space<vmem>>)
    %barrier3A_1198 = arith.constant 0 : index
    tpu.barrier barrier_id(%barrier3A_1198)
    %mul3A_1199 = arith.constant 312 : i32
    %mul3A_1200 = arith.muli %arg1, %mul3A_1199 : i32
    %add3A_1201 = arith.constant 0 : i32
    %add3A_1202 = arith.addi %mul3A_1200, %add3A_1201 : i32
    "tpu.region"() ({
      %run_scoped3A = tpu.sem_alloc : memref<!tpu.dma_semaphore, #tpu.memory_space<semaphore_mem>>
      %dma_start3A_1221 = arith.constant 0 : i32
      %dma_start3A_1222 = arith.constant 0 : i32
      %dma_start3A_1223 = tpu.memref_slice %arg20[%dma_start3A_1221, %dma_start3A_1222] : memref<64x256xf32, #tpu.memory_space<vmem>> -> memref<52x256xf32, #tpu.memory_space<vmem>>
      %dma_start3A_1224 = arith.constant 0 : i32
      %dma_start3A_1225 = tpu.memref_slice %arg23[%add3A_1202, %dma_start3A_1224] : memref<5008x256xf32, #tpu.memory_space<vmem_shared>> -> memref<52x256xf32, #tpu.memory_space<vmem_shared>>
      %dma_start3A_1226 = arith.constant 0 : i32
      %dma_start3A_1227 = arith.constant 0 : i32
      %dma_start3A_1228 = tpu.memref_slice %arg20[%dma_start3A_1226, %dma_start3A_1227] : memref<64x256xf32, #tpu.memory_space<vmem>> -> memref<52x256xf32, #tpu.memory_space<vmem>>
      %dma_start3A_1229 = arith.constant 0 : i32
      %dma_start3A_1230 = tpu.memref_slice %arg23[%add3A_1202, %dma_start3A_1229] : memref<5008x256xf32, #tpu.memory_space<vmem_shared>> -> memref<52x256xf32, #tpu.memory_space<vmem_shared>>
      tpu.enqueue_dma source(%dma_start3A_1230 : memref<52x256xf32, #tpu.memory_space<vmem_shared>>) target(%dma_start3A_1228 : memref<52x256xf32, #tpu.memory_space<vmem>>) target_semaphore(%run_scoped3A : memref<!tpu.dma_semaphore, #tpu.memory_space<semaphore_mem>>)
      %dma_wait3A_1231 = arith.constant 0 : i32
      %dma_wait3A_1232 = arith.constant 0 : i32
      %dma_wait3A_1233 = tpu.memref_slice %arg20[%dma_wait3A_1231, %dma_wait3A_1232] : memref<64x256xf32, #tpu.memory_space<vmem>> -> memref<52x256xf32, #tpu.memory_space<vmem>>
      %dma_wait3A_1234 = arith.constant 0 : i32
      %dma_wait3A_1235 = tpu.memref_slice %arg23[%add3A_1202, %dma_wait3A_1234] : memref<5008x256xf32, #tpu.memory_space<vmem_shared>> -> memref<52x256xf32, #tpu.memory_space<vmem_shared>>
      %dma_wait3A_1236 = arith.constant 0 : i32
      %dma_wait3A_1237 = arith.constant 0 : i32
      %dma_wait3A_1238 = tpu.memref_slice %arg20[%dma_wait3A_1236, %dma_wait3A_1237] : memref<64x256xf32, #tpu.memory_space<vmem>> -> memref<52x256xf32, #tpu.memory_space<vmem>>
      %dma_wait3A_1239 = arith.constant 0 : i32
      %dma_wait3A_1240 = tpu.memref_slice %arg23[%add3A_1202, %dma_wait3A_1239] : memref<5008x256xf32, #tpu.memory_space<vmem_shared>> -> memref<52x256xf32, #tpu.memory_space<vmem_shared>>
      tpu.wait_dma2 semaphore(%run_scoped3A : memref<!tpu.dma_semaphore, #tpu.memory_space<semaphore_mem>>) src(%dma_wait3A_1240 : memref<52x256xf32, #tpu.memory_space<vmem_shared>>) dst(%dma_wait3A_1238 : memref<52x256xf32, #tpu.memory_space<vmem>>)
      tpu.yield
    }) : () -> ()
    %add3A_1203 = arith.addi %mul3A_0, %add3A_1202 : i32
    "tpu.region"() ({
      %run_scoped3A = tpu.sem_alloc : memref<!tpu.dma_semaphore, #tpu.memory_space<semaphore_mem>>
      %dma_start3A_1221 = arith.constant 0 : i32
      %dma_start3A_1222 = arith.constant 0 : i32
      %dma_start3A_1223 = tpu.memref_slice %arg20[%dma_start3A_1221, %dma_start3A_1222] : memref<64x256xf32, #tpu.memory_space<vmem>> -> memref<52x256xf32, #tpu.memory_space<vmem>>
      %dma_start3A_1224 = arith.constant 0 : i32
      %dma_start3A_1225 = tpu.memref_slice %arg6[%add3A_1203, %dma_start3A_1224] : memref<10000x256xf32, #tpu.memory_space<hbm>> -> memref<52x256xf32, #tpu.memory_space<hbm>>
      %dma_start3A_1226 = arith.constant 0 : i32
      %dma_start3A_1227 = tpu.memref_slice %arg6[%add3A_1203, %dma_start3A_1226] : memref<10000x256xf32, #tpu.memory_space<hbm>> -> memref<52x256xf32, #tpu.memory_space<hbm>>
      %dma_start3A_1228 = arith.constant 0 : i32
      %dma_start3A_1229 = arith.constant 0 : i32
      %dma_start3A_1230 = tpu.memref_slice %arg20[%dma_start3A_1228, %dma_start3A_1229] : memref<64x256xf32, #tpu.memory_space<vmem>> -> memref<52x256xf32, #tpu.memory_space<vmem>>
      tpu.enqueue_dma source(%dma_start3A_1230 : memref<52x256xf32, #tpu.memory_space<vmem>>) target(%dma_start3A_1227 : memref<52x256xf32, #tpu.memory_space<hbm>>) target_semaphore(%run_scoped3A : memref<!tpu.dma_semaphore, #tpu.memory_space<semaphore_mem>>)
      %dma_wait3A_1231 = arith.constant 0 : i32
      %dma_wait3A_1232 = arith.constant 0 : i32
      %dma_wait3A_1233 = tpu.memref_slice %arg20[%dma_wait3A_1231, %dma_wait3A_1232] : memref<64x256xf32, #tpu.memory_space<vmem>> -> memref<52x256xf32, #tpu.memory_space<vmem>>
      %dma_wait3A_1234 = arith.constant 0 : i32
      %dma_wait3A_1235 = tpu.memref_slice %arg6[%add3A_1203, %dma_wait3A_1234] : memref<10000x256xf32, #tpu.memory_space<hbm>> -> memref<52x256xf32, #tpu.memory_space<hbm>>
      %dma_wait3A_1236 = arith.constant 0 : i32
      %dma_wait3A_1237 = tpu.memref_slice %arg6[%add3A_1203, %dma_wait3A_1236] : memref<10000x256xf32, #tpu.memory_space<hbm>> -> memref<52x256xf32, #tpu.memory_space<hbm>>
      %dma_wait3A_1238 = arith.constant 0 : i32
      %dma_wait3A_1239 = arith.constant 0 : i32
      %dma_wait3A_1240 = tpu.memref_slice %arg20[%dma_wait3A_1238, %dma_wait3A_1239] : memref<64x256xf32, #tpu.memory_space<vmem>> -> memref<52x256xf32, #tpu.memory_space<vmem>>
      tpu.wait_dma2 semaphore(%run_scoped3A : memref<!tpu.dma_semaphore, #tpu.memory_space<semaphore_mem>>) src(%dma_wait3A_1240 : memref<52x256xf32, #tpu.memory_space<vmem>>) dst(%dma_wait3A_1237 : memref<52x256xf32, #tpu.memory_space<hbm>>)
      tpu.yield
    }) : () -> ()
    %add3A_1204 = arith.constant 52 : i32
    %add3A_1205 = arith.addi %mul3A_1200, %add3A_1204 : i32
    "tpu.region"() ({
      %run_scoped3A = tpu.sem_alloc : memref<!tpu.dma_semaphore, #tpu.memory_space<semaphore_mem>>
      %dma_start3A_1221 = arith.constant 0 : i32
      %dma_start3A_1222 = arith.constant 0 : i32
      %dma_start3A_1223 = tpu.memref_slice %arg20[%dma_start3A_1221, %dma_start3A_1222] : memref<64x256xf32, #tpu.memory_space<vmem>> -> memref<52x256xf32, #tpu.memory_space<vmem>>
      %dma_start3A_1224 = arith.constant 0 : i32
      %dma_start3A_1225 = tpu.memref_slice %arg23[%add3A_1205, %dma_start3A_1224] : memref<5008x256xf32, #tpu.memory_space<vmem_shared>> -> memref<52x256xf32, #tpu.memory_space<vmem_shared>>
      %dma_start3A_1226 = arith.constant 0 : i32
      %dma_start3A_1227 = arith.constant 0 : i32
      %dma_start3A_1228 = tpu.memref_slice %arg20[%dma_start3A_1226, %dma_start3A_1227] : memref<64x256xf32, #tpu.memory_space<vmem>> -> memref<52x256xf32, #tpu.memory_space<vmem>>
      %dma_start3A_1229 = arith.constant 0 : i32
      %dma_start3A_1230 = tpu.memref_slice %arg23[%add3A_1205, %dma_start3A_1229] : memref<5008x256xf32, #tpu.memory_space<vmem_shared>> -> memref<52x256xf32, #tpu.memory_space<vmem_shared>>
      tpu.enqueue_dma source(%dma_start3A_1230 : memref<52x256xf32, #tpu.memory_space<vmem_shared>>) target(%dma_start3A_1228 : memref<52x256xf32, #tpu.memory_space<vmem>>) target_semaphore(%run_scoped3A : memref<!tpu.dma_semaphore, #tpu.memory_space<semaphore_mem>>)
      %dma_wait3A_1231 = arith.constant 0 : i32
      %dma_wait3A_1232 = arith.constant 0 : i32
      %dma_wait3A_1233 = tpu.memref_slice %arg20[%dma_wait3A_1231, %dma_wait3A_1232] : memref<64x256xf32, #tpu.memory_space<vmem>> -> memref<52x256xf32, #tpu.memory_space<vmem>>
      %dma_wait3A_1234 = arith.constant 0 : i32
      %dma_wait3A_1235 = tpu.memref_slice %arg23[%add3A_1205, %dma_wait3A_1234] : memref<5008x256xf32, #tpu.memory_space<vmem_shared>> -> memref<52x256xf32, #tpu.memory_space<vmem_shared>>
      %dma_wait3A_1236 = arith.constant 0 : i32
      %dma_wait3A_1237 = arith.constant 0 : i32
      %dma_wait3A_1238 = tpu.memref_slice %arg20[%dma_wait3A_1236, %dma_wait3A_1237] : memref<64x256xf32, #tpu.memory_space<vmem>> -> memref<52x256xf32, #tpu.memory_space<vmem>>
      %dma_wait3A_1239 = arith.constant 0 : i32
      %dma_wait3A_1240 = tpu.memref_slice %arg23[%add3A_1205, %dma_wait3A_1239] : memref<5008x256xf32, #tpu.memory_space<vmem_shared>> -> memref<52x256xf32, #tpu.memory_space<vmem_shared>>
      tpu.wait_dma2 semaphore(%run_scoped3A : memref<!tpu.dma_semaphore, #tpu.memory_space<semaphore_mem>>) src(%dma_wait3A_1240 : memref<52x256xf32, #tpu.memory_space<vmem_shared>>) dst(%dma_wait3A_1238 : memref<52x256xf32, #tpu.memory_space<vmem>>)
      tpu.yield
    }) : () -> ()
    %add3A_1206 = arith.addi %mul3A_0, %add3A_1205 : i32
    "tpu.region"() ({
      %run_scoped3A = tpu.sem_alloc : memref<!tpu.dma_semaphore, #tpu.memory_space<semaphore_mem>>
      %dma_start3A_1221 = arith.constant 0 : i32
      %dma_start3A_1222 = arith.constant 0 : i32
      %dma_start3A_1223 = tpu.memref_slice %arg20[%dma_start3A_1221, %dma_start3A_1222] : memref<64x256xf32, #tpu.memory_space<vmem>> -> memref<52x256xf32, #tpu.memory_space<vmem>>
      %dma_start3A_1224 = arith.constant 0 : i32
      %dma_start3A_1225 = tpu.memref_slice %arg6[%add3A_1206, %dma_start3A_1224] : memref<10000x256xf32, #tpu.memory_space<hbm>> -> memref<52x256xf32, #tpu.memory_space<hbm>>
      %dma_start3A_1226 = arith.constant 0 : i32
      %dma_start3A_1227 = tpu.memref_slice %arg6[%add3A_1206, %dma_start3A_1226] : memref<10000x256xf32, #tpu.memory_space<hbm>> -> memref<52x256xf32, #tpu.memory_space<hbm>>
      %dma_start3A_1228 = arith.constant 0 : i32
      %dma_start3A_1229 = arith.constant 0 : i32
      %dma_start3A_1230 = tpu.memref_slice %arg20[%dma_start3A_1228, %dma_start3A_1229] : memref<64x256xf32, #tpu.memory_space<vmem>> -> memref<52x256xf32, #tpu.memory_space<vmem>>
      tpu.enqueue_dma source(%dma_start3A_1230 : memref<52x256xf32, #tpu.memory_space<vmem>>) target(%dma_start3A_1227 : memref<52x256xf32, #tpu.memory_space<hbm>>) target_semaphore(%run_scoped3A : memref<!tpu.dma_semaphore, #tpu.memory_space<semaphore_mem>>)
      %dma_wait3A_1231 = arith.constant 0 : i32
      %dma_wait3A_1232 = arith.constant 0 : i32
      %dma_wait3A_1233 = tpu.memref_slice %arg20[%dma_wait3A_1231, %dma_wait3A_1232] : memref<64x256xf32, #tpu.memory_space<vmem>> -> memref<52x256xf32, #tpu.memory_space<vmem>>
      %dma_wait3A_1234 = arith.constant 0 : i32
      %dma_wait3A_1235 = tpu.memref_slice %arg6[%add3A_1206, %dma_wait3A_1234] : memref<10000x256xf32, #tpu.memory_space<hbm>> -> memref<52x256xf32, #tpu.memory_space<hbm>>
      %dma_wait3A_1236 = arith.constant 0 : i32
      %dma_wait3A_1237 = tpu.memref_slice %arg6[%add3A_1206, %dma_wait3A_1236] : memref<10000x256xf32, #tpu.memory_space<hbm>> -> memref<52x256xf32, #tpu.memory_space<hbm>>
      %dma_wait3A_1238 = arith.constant 0 : i32
      %dma_wait3A_1239 = arith.constant 0 : i32
      %dma_wait3A_1240 = tpu.memref_slice %arg20[%dma_wait3A_1238, %dma_wait3A_1239] : memref<64x256xf32, #tpu.memory_space<vmem>> -> memref<52x256xf32, #tpu.memory_space<vmem>>
      tpu.wait_dma2 semaphore(%run_scoped3A : memref<!tpu.dma_semaphore, #tpu.memory_space<semaphore_mem>>) src(%dma_wait3A_1240 : memref<52x256xf32, #tpu.memory_space<vmem>>) dst(%dma_wait3A_1237 : memref<52x256xf32, #tpu.memory_space<hbm>>)
      tpu.yield
    }) : () -> ()
    %add3A_1207 = arith.constant 104 : i32
    %add3A_1208 = arith.addi %mul3A_1200, %add3A_1207 : i32
    "tpu.region"() ({
      %run_scoped3A = tpu.sem_alloc : memref<!tpu.dma_semaphore, #tpu.memory_space<semaphore_mem>>
      %dma_start3A_1221 = arith.constant 0 : i32
      %dma_start3A_1222 = arith.constant 0 : i32
      %dma_start3A_1223 = tpu.memref_slice %arg20[%dma_start3A_1221, %dma_start3A_1222] : memref<64x256xf32, #tpu.memory_space<vmem>> -> memref<52x256xf32, #tpu.memory_space<vmem>>
      %dma_start3A_1224 = arith.constant 0 : i32
      %dma_start3A_1225 = tpu.memref_slice %arg23[%add3A_1208, %dma_start3A_1224] : memref<5008x256xf32, #tpu.memory_space<vmem_shared>> -> memref<52x256xf32, #tpu.memory_space<vmem_shared>>
      %dma_start3A_1226 = arith.constant 0 : i32
      %dma_start3A_1227 = arith.constant 0 : i32
      %dma_start3A_1228 = tpu.memref_slice %arg20[%dma_start3A_1226, %dma_start3A_1227] : memref<64x256xf32, #tpu.memory_space<vmem>> -> memref<52x256xf32, #tpu.memory_space<vmem>>
      %dma_start3A_1229 = arith.constant 0 : i32
      %dma_start3A_1230 = tpu.memref_slice %arg23[%add3A_1208, %dma_start3A_1229] : memref<5008x256xf32, #tpu.memory_space<vmem_shared>> -> memref<52x256xf32, #tpu.memory_space<vmem_shared>>
      tpu.enqueue_dma source(%dma_start3A_1230 : memref<52x256xf32, #tpu.memory_space<vmem_shared>>) target(%dma_start3A_1228 : memref<52x256xf32, #tpu.memory_space<vmem>>) target_semaphore(%run_scoped3A : memref<!tpu.dma_semaphore, #tpu.memory_space<semaphore_mem>>)
      %dma_wait3A_1231 = arith.constant 0 : i32
      %dma_wait3A_1232 = arith.constant 0 : i32
      %dma_wait3A_1233 = tpu.memref_slice %arg20[%dma_wait3A_1231, %dma_wait3A_1232] : memref<64x256xf32, #tpu.memory_space<vmem>> -> memref<52x256xf32, #tpu.memory_space<vmem>>
      %dma_wait3A_1234 = arith.constant 0 : i32
      %dma_wait3A_1235 = tpu.memref_slice %arg23[%add3A_1208, %dma_wait3A_1234] : memref<5008x256xf32, #tpu.memory_space<vmem_shared>> -> memref<52x256xf32, #tpu.memory_space<vmem_shared>>
      %dma_wait3A_1236 = arith.constant 0 : i32
      %dma_wait3A_1237 = arith.constant 0 : i32
      %dma_wait3A_1238 = tpu.memref_slice %arg20[%dma_wait3A_1236, %dma_wait3A_1237] : memref<64x256xf32, #tpu.memory_space<vmem>> -> memref<52x256xf32, #tpu.memory_space<vmem>>
      %dma_wait3A_1239 = arith.constant 0 : i32
      %dma_wait3A_1240 = tpu.memref_slice %arg23[%add3A_1208, %dma_wait3A_1239] : memref<5008x256xf32, #tpu.memory_space<vmem_shared>> -> memref<52x256xf32, #tpu.memory_space<vmem_shared>>
      tpu.wait_dma2 semaphore(%run_scoped3A : memref<!tpu.dma_semaphore, #tpu.memory_space<semaphore_mem>>) src(%dma_wait3A_1240 : memref<52x256xf32, #tpu.memory_space<vmem_shared>>) dst(%dma_wait3A_1238 : memref<52x256xf32, #tpu.memory_space<vmem>>)
      tpu.yield
    }) : () -> ()
    %add3A_1209 = arith.addi %mul3A_0, %add3A_1208 : i32
    "tpu.region"() ({
      %run_scoped3A = tpu.sem_alloc : memref<!tpu.dma_semaphore, #tpu.memory_space<semaphore_mem>>
      %dma_start3A_1221 = arith.constant 0 : i32
      %dma_start3A_1222 = arith.constant 0 : i32
      %dma_start3A_1223 = tpu.memref_slice %arg20[%dma_start3A_1221, %dma_start3A_1222] : memref<64x256xf32, #tpu.memory_space<vmem>> -> memref<52x256xf32, #tpu.memory_space<vmem>>
      %dma_start3A_1224 = arith.constant 0 : i32
      %dma_start3A_1225 = tpu.memref_slice %arg6[%add3A_1209, %dma_start3A_1224] : memref<10000x256xf32, #tpu.memory_space<hbm>> -> memref<52x256xf32, #tpu.memory_space<hbm>>
      %dma_start3A_1226 = arith.constant 0 : i32
      %dma_start3A_1227 = tpu.memref_slice %arg6[%add3A_1209, %dma_start3A_1226] : memref<10000x256xf32, #tpu.memory_space<hbm>> -> memref<52x256xf32, #tpu.memory_space<hbm>>
      %dma_start3A_1228 = arith.constant 0 : i32
      %dma_start3A_1229 = arith.constant 0 : i32
      %dma_start3A_1230 = tpu.memref_slice %arg20[%dma_start3A_1228, %dma_start3A_1229] : memref<64x256xf32, #tpu.memory_space<vmem>> -> memref<52x256xf32, #tpu.memory_space<vmem>>
      tpu.enqueue_dma source(%dma_start3A_1230 : memref<52x256xf32, #tpu.memory_space<vmem>>) target(%dma_start3A_1227 : memref<52x256xf32, #tpu.memory_space<hbm>>) target_semaphore(%run_scoped3A : memref<!tpu.dma_semaphore, #tpu.memory_space<semaphore_mem>>)
      %dma_wait3A_1231 = arith.constant 0 : i32
      %dma_wait3A_1232 = arith.constant 0 : i32
      %dma_wait3A_1233 = tpu.memref_slice %arg20[%dma_wait3A_1231, %dma_wait3A_1232] : memref<64x256xf32, #tpu.memory_space<vmem>> -> memref<52x256xf32, #tpu.memory_space<vmem>>
      %dma_wait3A_1234 = arith.constant 0 : i32
      %dma_wait3A_1235 = tpu.memref_slice %arg6[%add3A_1209, %dma_wait3A_1234] : memref<10000x256xf32, #tpu.memory_space<hbm>> -> memref<52x256xf32, #tpu.memory_space<hbm>>
      %dma_wait3A_1236 = arith.constant 0 : i32
      %dma_wait3A_1237 = tpu.memref_slice %arg6[%add3A_1209, %dma_wait3A_1236] : memref<10000x256xf32, #tpu.memory_space<hbm>> -> memref<52x256xf32, #tpu.memory_space<hbm>>
      %dma_wait3A_1238 = arith.constant 0 : i32
      %dma_wait3A_1239 = arith.constant 0 : i32
      %dma_wait3A_1240 = tpu.memref_slice %arg20[%dma_wait3A_1238, %dma_wait3A_1239] : memref<64x256xf32, #tpu.memory_space<vmem>> -> memref<52x256xf32, #tpu.memory_space<vmem>>
      tpu.wait_dma2 semaphore(%run_scoped3A : memref<!tpu.dma_semaphore, #tpu.memory_space<semaphore_mem>>) src(%dma_wait3A_1240 : memref<52x256xf32, #tpu.memory_space<vmem>>) dst(%dma_wait3A_1237 : memref<52x256xf32, #tpu.memory_space<hbm>>)
      tpu.yield
    }) : () -> ()
    %add3A_1210 = arith.constant 156 : i32
    %add3A_1211 = arith.addi %mul3A_1200, %add3A_1210 : i32
    "tpu.region"() ({
      %run_scoped3A = tpu.sem_alloc : memref<!tpu.dma_semaphore, #tpu.memory_space<semaphore_mem>>
      %dma_start3A_1221 = arith.constant 0 : i32
      %dma_start3A_1222 = arith.constant 0 : i32
      %dma_start3A_1223 = tpu.memref_slice %arg20[%dma_start3A_1221, %dma_start3A_1222] : memref<64x256xf32, #tpu.memory_space<vmem>> -> memref<52x256xf32, #tpu.memory_space<vmem>>
      %dma_start3A_1224 = arith.constant 0 : i32
      %dma_start3A_1225 = tpu.memref_slice %arg23[%add3A_1211, %dma_start3A_1224] : memref<5008x256xf32, #tpu.memory_space<vmem_shared>> -> memref<52x256xf32, #tpu.memory_space<vmem_shared>>
      %dma_start3A_1226 = arith.constant 0 : i32
      %dma_start3A_1227 = arith.constant 0 : i32
      %dma_start3A_1228 = tpu.memref_slice %arg20[%dma_start3A_1226, %dma_start3A_1227] : memref<64x256xf32, #tpu.memory_space<vmem>> -> memref<52x256xf32, #tpu.memory_space<vmem>>
      %dma_start3A_1229 = arith.constant 0 : i32
      %dma_start3A_1230 = tpu.memref_slice %arg23[%add3A_1211, %dma_start3A_1229] : memref<5008x256xf32, #tpu.memory_space<vmem_shared>> -> memref<52x256xf32, #tpu.memory_space<vmem_shared>>
      tpu.enqueue_dma source(%dma_start3A_1230 : memref<52x256xf32, #tpu.memory_space<vmem_shared>>) target(%dma_start3A_1228 : memref<52x256xf32, #tpu.memory_space<vmem>>) target_semaphore(%run_scoped3A : memref<!tpu.dma_semaphore, #tpu.memory_space<semaphore_mem>>)
      %dma_wait3A_1231 = arith.constant 0 : i32
      %dma_wait3A_1232 = arith.constant 0 : i32
      %dma_wait3A_1233 = tpu.memref_slice %arg20[%dma_wait3A_1231, %dma_wait3A_1232] : memref<64x256xf32, #tpu.memory_space<vmem>> -> memref<52x256xf32, #tpu.memory_space<vmem>>
      %dma_wait3A_1234 = arith.constant 0 : i32
      %dma_wait3A_1235 = tpu.memref_slice %arg23[%add3A_1211, %dma_wait3A_1234] : memref<5008x256xf32, #tpu.memory_space<vmem_shared>> -> memref<52x256xf32, #tpu.memory_space<vmem_shared>>
      %dma_wait3A_1236 = arith.constant 0 : i32
      %dma_wait3A_1237 = arith.constant 0 : i32
      %dma_wait3A_1238 = tpu.memref_slice %arg20[%dma_wait3A_1236, %dma_wait3A_1237] : memref<64x256xf32, #tpu.memory_space<vmem>> -> memref<52x256xf32, #tpu.memory_space<vmem>>
      %dma_wait3A_1239 = arith.constant 0 : i32
      %dma_wait3A_1240 = tpu.memref_slice %arg23[%add3A_1211, %dma_wait3A_1239] : memref<5008x256xf32, #tpu.memory_space<vmem_shared>> -> memref<52x256xf32, #tpu.memory_space<vmem_shared>>
      tpu.wait_dma2 semaphore(%run_scoped3A : memref<!tpu.dma_semaphore, #tpu.memory_space<semaphore_mem>>) src(%dma_wait3A_1240 : memref<52x256xf32, #tpu.memory_space<vmem_shared>>) dst(%dma_wait3A_1238 : memref<52x256xf32, #tpu.memory_space<vmem>>)
      tpu.yield
    }) : () -> ()
    %add3A_1212 = arith.addi %mul3A_0, %add3A_1211 : i32
    "tpu.region"() ({
      %run_scoped3A = tpu.sem_alloc : memref<!tpu.dma_semaphore, #tpu.memory_space<semaphore_mem>>
      %dma_start3A_1221 = arith.constant 0 : i32
      %dma_start3A_1222 = arith.constant 0 : i32
      %dma_start3A_1223 = tpu.memref_slice %arg20[%dma_start3A_1221, %dma_start3A_1222] : memref<64x256xf32, #tpu.memory_space<vmem>> -> memref<52x256xf32, #tpu.memory_space<vmem>>
      %dma_start3A_1224 = arith.constant 0 : i32
      %dma_start3A_1225 = tpu.memref_slice %arg6[%add3A_1212, %dma_start3A_1224] : memref<10000x256xf32, #tpu.memory_space<hbm>> -> memref<52x256xf32, #tpu.memory_space<hbm>>
      %dma_start3A_1226 = arith.constant 0 : i32
      %dma_start3A_1227 = tpu.memref_slice %arg6[%add3A_1212, %dma_start3A_1226] : memref<10000x256xf32, #tpu.memory_space<hbm>> -> memref<52x256xf32, #tpu.memory_space<hbm>>
      %dma_start3A_1228 = arith.constant 0 : i32
      %dma_start3A_1229 = arith.constant 0 : i32
      %dma_start3A_1230 = tpu.memref_slice %arg20[%dma_start3A_1228, %dma_start3A_1229] : memref<64x256xf32, #tpu.memory_space<vmem>> -> memref<52x256xf32, #tpu.memory_space<vmem>>
      tpu.enqueue_dma source(%dma_start3A_1230 : memref<52x256xf32, #tpu.memory_space<vmem>>) target(%dma_start3A_1227 : memref<52x256xf32, #tpu.memory_space<hbm>>) target_semaphore(%run_scoped3A : memref<!tpu.dma_semaphore, #tpu.memory_space<semaphore_mem>>)
      %dma_wait3A_1231 = arith.constant 0 : i32
      %dma_wait3A_1232 = arith.constant 0 : i32
      %dma_wait3A_1233 = tpu.memref_slice %arg20[%dma_wait3A_1231, %dma_wait3A_1232] : memref<64x256xf32, #tpu.memory_space<vmem>> -> memref<52x256xf32, #tpu.memory_space<vmem>>
      %dma_wait3A_1234 = arith.constant 0 : i32
      %dma_wait3A_1235 = tpu.memref_slice %arg6[%add3A_1212, %dma_wait3A_1234] : memref<10000x256xf32, #tpu.memory_space<hbm>> -> memref<52x256xf32, #tpu.memory_space<hbm>>
      %dma_wait3A_1236 = arith.constant 0 : i32
      %dma_wait3A_1237 = tpu.memref_slice %arg6[%add3A_1212, %dma_wait3A_1236] : memref<10000x256xf32, #tpu.memory_space<hbm>> -> memref<52x256xf32, #tpu.memory_space<hbm>>
      %dma_wait3A_1238 = arith.constant 0 : i32
      %dma_wait3A_1239 = arith.constant 0 : i32
      %dma_wait3A_1240 = tpu.memref_slice %arg20[%dma_wait3A_1238, %dma_wait3A_1239] : memref<64x256xf32, #tpu.memory_space<vmem>> -> memref<52x256xf32, #tpu.memory_space<vmem>>
      tpu.wait_dma2 semaphore(%run_scoped3A : memref<!tpu.dma_semaphore, #tpu.memory_space<semaphore_mem>>) src(%dma_wait3A_1240 : memref<52x256xf32, #tpu.memory_space<vmem>>) dst(%dma_wait3A_1237 : memref<52x256xf32, #tpu.memory_space<hbm>>)
      tpu.yield
    }) : () -> ()
    %add3A_1213 = arith.constant 208 : i32
    %add3A_1214 = arith.addi %mul3A_1200, %add3A_1213 : i32
    "tpu.region"() ({
      %run_scoped3A = tpu.sem_alloc : memref<!tpu.dma_semaphore, #tpu.memory_space<semaphore_mem>>
      %dma_start3A_1221 = arith.constant 0 : i32
      %dma_start3A_1222 = arith.constant 0 : i32
      %dma_start3A_1223 = tpu.memref_slice %arg20[%dma_start3A_1221, %dma_start3A_1222] : memref<64x256xf32, #tpu.memory_space<vmem>> -> memref<52x256xf32, #tpu.memory_space<vmem>>
      %dma_start3A_1224 = arith.constant 0 : i32
      %dma_start3A_1225 = tpu.memref_slice %arg23[%add3A_1214, %dma_start3A_1224] : memref<5008x256xf32, #tpu.memory_space<vmem_shared>> -> memref<52x256xf32, #tpu.memory_space<vmem_shared>>
      %dma_start3A_1226 = arith.constant 0 : i32
      %dma_start3A_1227 = arith.constant 0 : i32
      %dma_start3A_1228 = tpu.memref_slice %arg20[%dma_start3A_1226, %dma_start3A_1227] : memref<64x256xf32, #tpu.memory_space<vmem>> -> memref<52x256xf32, #tpu.memory_space<vmem>>
      %dma_start3A_1229 = arith.constant 0 : i32
      %dma_start3A_1230 = tpu.memref_slice %arg23[%add3A_1214, %dma_start3A_1229] : memref<5008x256xf32, #tpu.memory_space<vmem_shared>> -> memref<52x256xf32, #tpu.memory_space<vmem_shared>>
      tpu.enqueue_dma source(%dma_start3A_1230 : memref<52x256xf32, #tpu.memory_space<vmem_shared>>) target(%dma_start3A_1228 : memref<52x256xf32, #tpu.memory_space<vmem>>) target_semaphore(%run_scoped3A : memref<!tpu.dma_semaphore, #tpu.memory_space<semaphore_mem>>)
      %dma_wait3A_1231 = arith.constant 0 : i32
      %dma_wait3A_1232 = arith.constant 0 : i32
      %dma_wait3A_1233 = tpu.memref_slice %arg20[%dma_wait3A_1231, %dma_wait3A_1232] : memref<64x256xf32, #tpu.memory_space<vmem>> -> memref<52x256xf32, #tpu.memory_space<vmem>>
      %dma_wait3A_1234 = arith.constant 0 : i32
      %dma_wait3A_1235 = tpu.memref_slice %arg23[%add3A_1214, %dma_wait3A_1234] : memref<5008x256xf32, #tpu.memory_space<vmem_shared>> -> memref<52x256xf32, #tpu.memory_space<vmem_shared>>
      %dma_wait3A_1236 = arith.constant 0 : i32
      %dma_wait3A_1237 = arith.constant 0 : i32
      %dma_wait3A_1238 = tpu.memref_slice %arg20[%dma_wait3A_1236, %dma_wait3A_1237] : memref<64x256xf32, #tpu.memory_space<vmem>> -> memref<52x256xf32, #tpu.memory_space<vmem>>
      %dma_wait3A_1239 = arith.constant 0 : i32
      %dma_wait3A_1240 = tpu.memref_slice %arg23[%add3A_1214, %dma_wait3A_1239] : memref<5008x256xf32, #tpu.memory_space<vmem_shared>> -> memref<52x256xf32, #tpu.memory_space<vmem_shared>>
      tpu.wait_dma2 semaphore(%run_scoped3A : memref<!tpu.dma_semaphore, #tpu.memory_space<semaphore_mem>>) src(%dma_wait3A_1240 : memref<52x256xf32, #tpu.memory_space<vmem_shared>>) dst(%dma_wait3A_1238 : memref<52x256xf32, #tpu.memory_space<vmem>>)
      tpu.yield
    }) : () -> ()
    %add3A_1215 = arith.addi %mul3A_0, %add3A_1214 : i32
    "tpu.region"() ({
      %run_scoped3A = tpu.sem_alloc : memref<!tpu.dma_semaphore, #tpu.memory_space<semaphore_mem>>
      %dma_start3A_1221 = arith.constant 0 : i32
      %dma_start3A_1222 = arith.constant 0 : i32
      %dma_start3A_1223 = tpu.memref_slice %arg20[%dma_start3A_1221, %dma_start3A_1222] : memref<64x256xf32, #tpu.memory_space<vmem>> -> memref<52x256xf32, #tpu.memory_space<vmem>>
      %dma_start3A_1224 = arith.constant 0 : i32
      %dma_start3A_1225 = tpu.memref_slice %arg6[%add3A_1215, %dma_start3A_1224] : memref<10000x256xf32, #tpu.memory_space<hbm>> -> memref<52x256xf32, #tpu.memory_space<hbm>>
      %dma_start3A_1226 = arith.constant 0 : i32
      %dma_start3A_1227 = tpu.memref_slice %arg6[%add3A_1215, %dma_start3A_1226] : memref<10000x256xf32, #tpu.memory_space<hbm>> -> memref<52x256xf32, #tpu.memory_space<hbm>>
      %dma_start3A_1228 = arith.constant 0 : i32
      %dma_start3A_1229 = arith.constant 0 : i32
      %dma_start3A_1230 = tpu.memref_slice %arg20[%dma_start3A_1228, %dma_start3A_1229] : memref<64x256xf32, #tpu.memory_space<vmem>> -> memref<52x256xf32, #tpu.memory_space<vmem>>
      tpu.enqueue_dma source(%dma_start3A_1230 : memref<52x256xf32, #tpu.memory_space<vmem>>) target(%dma_start3A_1227 : memref<52x256xf32, #tpu.memory_space<hbm>>) target_semaphore(%run_scoped3A : memref<!tpu.dma_semaphore, #tpu.memory_space<semaphore_mem>>)
      %dma_wait3A_1231 = arith.constant 0 : i32
      %dma_wait3A_1232 = arith.constant 0 : i32
      %dma_wait3A_1233 = tpu.memref_slice %arg20[%dma_wait3A_1231, %dma_wait3A_1232] : memref<64x256xf32, #tpu.memory_space<vmem>> -> memref<52x256xf32, #tpu.memory_space<vmem>>
      %dma_wait3A_1234 = arith.constant 0 : i32
      %dma_wait3A_1235 = tpu.memref_slice %arg6[%add3A_1215, %dma_wait3A_1234] : memref<10000x256xf32, #tpu.memory_space<hbm>> -> memref<52x256xf32, #tpu.memory_space<hbm>>
      %dma_wait3A_1236 = arith.constant 0 : i32
      %dma_wait3A_1237 = tpu.memref_slice %arg6[%add3A_1215, %dma_wait3A_1236] : memref<10000x256xf32, #tpu.memory_space<hbm>> -> memref<52x256xf32, #tpu.memory_space<hbm>>
      %dma_wait3A_1238 = arith.constant 0 : i32
      %dma_wait3A_1239 = arith.constant 0 : i32
      %dma_wait3A_1240 = tpu.memref_slice %arg20[%dma_wait3A_1238, %dma_wait3A_1239] : memref<64x256xf32, #tpu.memory_space<vmem>> -> memref<52x256xf32, #tpu.memory_space<vmem>>
      tpu.wait_dma2 semaphore(%run_scoped3A : memref<!tpu.dma_semaphore, #tpu.memory_space<semaphore_mem>>) src(%dma_wait3A_1240 : memref<52x256xf32, #tpu.memory_space<vmem>>) dst(%dma_wait3A_1237 : memref<52x256xf32, #tpu.memory_space<hbm>>)
      tpu.yield
    }) : () -> ()
    %add3A_1216 = arith.constant 260 : i32
    %add3A_1217 = arith.addi %mul3A_1200, %add3A_1216 : i32
    "tpu.region"() ({
      %run_scoped3A = tpu.sem_alloc : memref<!tpu.dma_semaphore, #tpu.memory_space<semaphore_mem>>
      %dma_start3A_1221 = arith.constant 0 : i32
      %dma_start3A_1222 = arith.constant 0 : i32
      %dma_start3A_1223 = tpu.memref_slice %arg20[%dma_start3A_1221, %dma_start3A_1222] : memref<64x256xf32, #tpu.memory_space<vmem>> -> memref<52x256xf32, #tpu.memory_space<vmem>>
      %dma_start3A_1224 = arith.constant 0 : i32
      %dma_start3A_1225 = tpu.memref_slice %arg23[%add3A_1217, %dma_start3A_1224] : memref<5008x256xf32, #tpu.memory_space<vmem_shared>> -> memref<52x256xf32, #tpu.memory_space<vmem_shared>>
      %dma_start3A_1226 = arith.constant 0 : i32
      %dma_start3A_1227 = arith.constant 0 : i32
      %dma_start3A_1228 = tpu.memref_slice %arg20[%dma_start3A_1226, %dma_start3A_1227] : memref<64x256xf32, #tpu.memory_space<vmem>> -> memref<52x256xf32, #tpu.memory_space<vmem>>
      %dma_start3A_1229 = arith.constant 0 : i32
      %dma_start3A_1230 = tpu.memref_slice %arg23[%add3A_1217, %dma_start3A_1229] : memref<5008x256xf32, #tpu.memory_space<vmem_shared>> -> memref<52x256xf32, #tpu.memory_space<vmem_shared>>
      tpu.enqueue_dma source(%dma_start3A_1230 : memref<52x256xf32, #tpu.memory_space<vmem_shared>>) target(%dma_start3A_1228 : memref<52x256xf32, #tpu.memory_space<vmem>>) target_semaphore(%run_scoped3A : memref<!tpu.dma_semaphore, #tpu.memory_space<semaphore_mem>>)
      %dma_wait3A_1231 = arith.constant 0 : i32
      %dma_wait3A_1232 = arith.constant 0 : i32
      %dma_wait3A_1233 = tpu.memref_slice %arg20[%dma_wait3A_1231, %dma_wait3A_1232] : memref<64x256xf32, #tpu.memory_space<vmem>> -> memref<52x256xf32, #tpu.memory_space<vmem>>
      %dma_wait3A_1234 = arith.constant 0 : i32
      %dma_wait3A_1235 = tpu.memref_slice %arg23[%add3A_1217, %dma_wait3A_1234] : memref<5008x256xf32, #tpu.memory_space<vmem_shared>> -> memref<52x256xf32, #tpu.memory_space<vmem_shared>>
      %dma_wait3A_1236 = arith.constant 0 : i32
      %dma_wait3A_1237 = arith.constant 0 : i32
      %dma_wait3A_1238 = tpu.memref_slice %arg20[%dma_wait3A_1236, %dma_wait3A_1237] : memref<64x256xf32, #tpu.memory_space<vmem>> -> memref<52x256xf32, #tpu.memory_space<vmem>>
      %dma_wait3A_1239 = arith.constant 0 : i32
      %dma_wait3A_1240 = tpu.memref_slice %arg23[%add3A_1217, %dma_wait3A_1239] : memref<5008x256xf32, #tpu.memory_space<vmem_shared>> -> memref<52x256xf32, #tpu.memory_space<vmem_shared>>
      tpu.wait_dma2 semaphore(%run_scoped3A : memref<!tpu.dma_semaphore, #tpu.memory_space<semaphore_mem>>) src(%dma_wait3A_1240 : memref<52x256xf32, #tpu.memory_space<vmem_shared>>) dst(%dma_wait3A_1238 : memref<52x256xf32, #tpu.memory_space<vmem>>)
      tpu.yield
    }) : () -> ()
    %add3A_1218 = arith.addi %mul3A_0, %add3A_1217 : i32
    "tpu.region"() ({
      %run_scoped3A = tpu.sem_alloc : memref<!tpu.dma_semaphore, #tpu.memory_space<semaphore_mem>>
      %dma_start3A_1221 = arith.constant 0 : i32
      %dma_start3A_1222 = arith.constant 0 : i32
      %dma_start3A_1223 = tpu.memref_slice %arg20[%dma_start3A_1221, %dma_start3A_1222] : memref<64x256xf32, #tpu.memory_space<vmem>> -> memref<52x256xf32, #tpu.memory_space<vmem>>
      %dma_start3A_1224 = arith.constant 0 : i32
      %dma_start3A_1225 = tpu.memref_slice %arg6[%add3A_1218, %dma_start3A_1224] : memref<10000x256xf32, #tpu.memory_space<hbm>> -> memref<52x256xf32, #tpu.memory_space<hbm>>
      %dma_start3A_1226 = arith.constant 0 : i32
      %dma_start3A_1227 = tpu.memref_slice %arg6[%add3A_1218, %dma_start3A_1226] : memref<10000x256xf32, #tpu.memory_space<hbm>> -> memref<52x256xf32, #tpu.memory_space<hbm>>
      %dma_start3A_1228 = arith.constant 0 : i32
      %dma_start3A_1229 = arith.constant 0 : i32
      %dma_start3A_1230 = tpu.memref_slice %arg20[%dma_start3A_1228, %dma_start3A_1229] : memref<64x256xf32, #tpu.memory_space<vmem>> -> memref<52x256xf32, #tpu.memory_space<vmem>>
      tpu.enqueue_dma source(%dma_start3A_1230 : memref<52x256xf32, #tpu.memory_space<vmem>>) target(%dma_start3A_1227 : memref<52x256xf32, #tpu.memory_space<hbm>>) target_semaphore(%run_scoped3A : memref<!tpu.dma_semaphore, #tpu.memory_space<semaphore_mem>>)
      %dma_wait3A_1231 = arith.constant 0 : i32
      %dma_wait3A_1232 = arith.constant 0 : i32
      %dma_wait3A_1233 = tpu.memref_slice %arg20[%dma_wait3A_1231, %dma_wait3A_1232] : memref<64x256xf32, #tpu.memory_space<vmem>> -> memref<52x256xf32, #tpu.memory_space<vmem>>
      %dma_wait3A_1234 = arith.constant 0 : i32
      %dma_wait3A_1235 = tpu.memref_slice %arg6[%add3A_1218, %dma_wait3A_1234] : memref<10000x256xf32, #tpu.memory_space<hbm>> -> memref<52x256xf32, #tpu.memory_space<hbm>>
      %dma_wait3A_1236 = arith.constant 0 : i32
      %dma_wait3A_1237 = tpu.memref_slice %arg6[%add3A_1218, %dma_wait3A_1236] : memref<10000x256xf32, #tpu.memory_space<hbm>> -> memref<52x256xf32, #tpu.memory_space<hbm>>
      %dma_wait3A_1238 = arith.constant 0 : i32
      %dma_wait3A_1239 = arith.constant 0 : i32
      %dma_wait3A_1240 = tpu.memref_slice %arg20[%dma_wait3A_1238, %dma_wait3A_1239] : memref<64x256xf32, #tpu.memory_space<vmem>> -> memref<52x256xf32, #tpu.memory_space<vmem>>
      tpu.wait_dma2 semaphore(%run_scoped3A : memref<!tpu.dma_semaphore, #tpu.memory_space<semaphore_mem>>) src(%dma_wait3A_1240 : memref<52x256xf32, #tpu.memory_space<vmem>>) dst(%dma_wait3A_1237 : memref<52x256xf32, #tpu.memory_space<hbm>>)
      tpu.yield
    }) : () -> ()
    %eq3A = arith.constant 0 : i32
    %eq3A_1219 = arith.cmpi eq, %arg1, %eq3A : i32
    %convert_element_type3A = arith.extui %eq3A_1219 : i1 to i32
    %cond3A = arith.constant 0 : i32
    %cond3A_1220 = arith.cmpi ne, %convert_element_type3A, %cond3A : i32
    scf.if %cond3A_1220 {
      "tpu.region"() ({
        %run_scoped3A = tpu.sem_alloc : memref<!tpu.dma_semaphore, #tpu.memory_space<semaphore_mem>>
        %dma_start3A_1223 = arith.constant 0 : i32
        %dma_start3A_1224 = arith.constant 0 : i32
        %dma_start3A_1225 = tpu.memref_slice %arg20[%dma_start3A_1223, %dma_start3A_1224] : memref<64x256xf32, #tpu.memory_space<vmem>> -> memref<8x256xf32, #tpu.memory_space<vmem>>
        %dma_start3A_1226 = arith.constant 4992 : i32
        %dma_start3A_1227 = arith.constant 0 : i32
        %dma_start3A_1228 = tpu.memref_slice %arg23[%dma_start3A_1226, %dma_start3A_1227] : memref<5008x256xf32, #tpu.memory_space<vmem_shared>> -> memref<8x256xf32, #tpu.memory_space<vmem_shared>>
        %dma_start3A_1229 = arith.constant 0 : i32
        %dma_start3A_1230 = arith.constant 0 : i32
        %dma_start3A_1231 = tpu.memref_slice %arg20[%dma_start3A_1229, %dma_start3A_1230] : memref<64x256xf32, #tpu.memory_space<vmem>> -> memref<8x256xf32, #tpu.memory_space<vmem>>
        %dma_start3A_1232 = arith.constant 4992 : i32
        %dma_start3A_1233 = arith.constant 0 : i32
        %dma_start3A_1234 = tpu.memref_slice %arg23[%dma_start3A_1232, %dma_start3A_1233] : memref<5008x256xf32, #tpu.memory_space<vmem_shared>> -> memref<8x256xf32, #tpu.memory_space<vmem_shared>>
        tpu.enqueue_dma source(%dma_start3A_1234 : memref<8x256xf32, #tpu.memory_space<vmem_shared>>) target(%dma_start3A_1231 : memref<8x256xf32, #tpu.memory_space<vmem>>) target_semaphore(%run_scoped3A : memref<!tpu.dma_semaphore, #tpu.memory_space<semaphore_mem>>)
        %dma_wait3A_1235 = arith.constant 0 : i32
        %dma_wait3A_1236 = arith.constant 0 : i32
        %dma_wait3A_1237 = tpu.memref_slice %arg20[%dma_wait3A_1235, %dma_wait3A_1236] : memref<64x256xf32, #tpu.memory_space<vmem>> -> memref<8x256xf32, #tpu.memory_space<vmem>>
        %dma_wait3A_1238 = arith.constant 4992 : i32
        %dma_wait3A_1239 = arith.constant 0 : i32
        %dma_wait3A_1240 = tpu.memref_slice %arg23[%dma_wait3A_1238, %dma_wait3A_1239] : memref<5008x256xf32, #tpu.memory_space<vmem_shared>> -> memref<8x256xf32, #tpu.memory_space<vmem_shared>>
        %dma_wait3A_1241 = arith.constant 0 : i32
        %dma_wait3A_1242 = arith.constant 0 : i32
        %dma_wait3A_1243 = tpu.memref_slice %arg20[%dma_wait3A_1241, %dma_wait3A_1242] : memref<64x256xf32, #tpu.memory_space<vmem>> -> memref<8x256xf32, #tpu.memory_space<vmem>>
        %dma_wait3A_1244 = arith.constant 4992 : i32
        %dma_wait3A_1245 = arith.constant 0 : i32
        %dma_wait3A_1246 = tpu.memref_slice %arg23[%dma_wait3A_1244, %dma_wait3A_1245] : memref<5008x256xf32, #tpu.memory_space<vmem_shared>> -> memref<8x256xf32, #tpu.memory_space<vmem_shared>>
        tpu.wait_dma2 semaphore(%run_scoped3A : memref<!tpu.dma_semaphore, #tpu.memory_space<semaphore_mem>>) src(%dma_wait3A_1246 : memref<8x256xf32, #tpu.memory_space<vmem_shared>>) dst(%dma_wait3A_1243 : memref<8x256xf32, #tpu.memory_space<vmem>>)
        tpu.yield
      }) : () -> ()
      %add3A_1221 = arith.constant 4992 : i32
      %add3A_1222 = arith.addi %mul3A_0, %add3A_1221 : i32
      "tpu.region"() ({
        %run_scoped3A = tpu.sem_alloc : memref<!tpu.dma_semaphore, #tpu.memory_space<semaphore_mem>>
        %dma_start3A_1223 = arith.constant 0 : i32
        %dma_start3A_1224 = arith.constant 0 : i32
        %dma_start3A_1225 = tpu.memref_slice %arg20[%dma_start3A_1223, %dma_start3A_1224] : memref<64x256xf32, #tpu.memory_space<vmem>> -> memref<8x256xf32, #tpu.memory_space<vmem>>
        %dma_start3A_1226 = arith.constant 0 : i32
        %dma_start3A_1227 = tpu.memref_slice %arg6[%add3A_1222, %dma_start3A_1226] : memref<10000x256xf32, #tpu.memory_space<hbm>> -> memref<8x256xf32, #tpu.memory_space<hbm>>
        %dma_start3A_1228 = arith.constant 0 : i32
        %dma_start3A_1229 = tpu.memref_slice %arg6[%add3A_1222, %dma_start3A_1228] : memref<10000x256xf32, #tpu.memory_space<hbm>> -> memref<8x256xf32, #tpu.memory_space<hbm>>
        %dma_start3A_1230 = arith.constant 0 : i32
        %dma_start3A_1231 = arith.constant 0 : i32
        %dma_start3A_1232 = tpu.memref_slice %arg20[%dma_start3A_1230, %dma_start3A_1231] : memref<64x256xf32, #tpu.memory_space<vmem>> -> memref<8x256xf32, #tpu.memory_space<vmem>>
        tpu.enqueue_dma source(%dma_start3A_1232 : memref<8x256xf32, #tpu.memory_space<vmem>>) target(%dma_start3A_1229 : memref<8x256xf32, #tpu.memory_space<hbm>>) target_semaphore(%run_scoped3A : memref<!tpu.dma_semaphore, #tpu.memory_space<semaphore_mem>>)
        %dma_wait3A_1233 = arith.constant 0 : i32
        %dma_wait3A_1234 = arith.constant 0 : i32
        %dma_wait3A_1235 = tpu.memref_slice %arg20[%dma_wait3A_1233, %dma_wait3A_1234] : memref<64x256xf32, #tpu.memory_space<vmem>> -> memref<8x256xf32, #tpu.memory_space<vmem>>
        %dma_wait3A_1236 = arith.constant 0 : i32
        %dma_wait3A_1237 = tpu.memref_slice %arg6[%add3A_1222, %dma_wait3A_1236] : memref<10000x256xf32, #tpu.memory_space<hbm>> -> memref<8x256xf32, #tpu.memory_space<hbm>>
        %dma_wait3A_1238 = arith.constant 0 : i32
        %dma_wait3A_1239 = tpu.memref_slice %arg6[%add3A_1222, %dma_wait3A_1238] : memref<10000x256xf32, #tpu.memory_space<hbm>> -> memref<8x256xf32, #tpu.memory_space<hbm>>
        %dma_wait3A_1240 = arith.constant 0 : i32
        %dma_wait3A_1241 = arith.constant 0 : i32
        %dma_wait3A_1242 = tpu.memref_slice %arg20[%dma_wait3A_1240, %dma_wait3A_1241] : memref<64x256xf32, #tpu.memory_space<vmem>> -> memref<8x256xf32, #tpu.memory_space<vmem>>
        tpu.wait_dma2 semaphore(%run_scoped3A : memref<!tpu.dma_semaphore, #tpu.memory_space<semaphore_mem>>) src(%dma_wait3A_1242 : memref<8x256xf32, #tpu.memory_space<vmem>>) dst(%dma_wait3A_1239 : memref<8x256xf32, #tpu.memory_space<hbm>>)
        tpu.yield
      }) : () -> ()
    } else {
    }
    return
  }
}

module attributes {stable_mosaic.version = 14 : i64} {
  func.func @_proj_body(%arg0: i32, %arg1: memref<1000x256xf32, #tpu.memory_space<vmem>>, %arg2: memref<256x256xf32, #tpu.memory_space<vmem>>, %arg3: memref<1x256xf32, #tpu.memory_space<vmem>>, %arg4: memref<1000x256xf32, #tpu.memory_space<vmem>>) attributes {dimension_semantics = [#tpu.dimension_semantics<arbitrary>], iteration_bounds = array<i64: 10>, scalar_prefetch = 0 : i64, scratch_operands = 0 : i64, tpu.core_type = #tpu.core_type<tc>, window_params = [{transform_indices = @transform_0, window_bounds = array<i64: 1000, 256>}, {pipeline_mode = #tpu.pipeline_mode<synchronous>, transform_indices = @transform_1, window_bounds = array<i64: 256, 256>}, {pipeline_mode = #tpu.pipeline_mode<synchronous>, transform_indices = @transform_2, window_bounds = array<i64: 1, 256>}, {transform_indices = @transform_3, window_bounds = array<i64: 1000, 256>}]} {
    %get3A = arith.constant 0 : index
    %get3A_0 = arith.constant 0 : index
    %get3A_1 = vector.load %arg1[%get3A, %get3A_0] : memref<1000x256xf32, #tpu.memory_space<vmem>>, vector<1000x256xf32>
    %get3A_2 = arith.constant 0 : index
    %get3A_3 = arith.constant 0 : index
    %get3A_4 = vector.load %arg2[%get3A_2, %get3A_3] : memref<256x256xf32, #tpu.memory_space<vmem>>, vector<256x256xf32>
    %dot_general3A = arith.constant dense<0.000000e+00> : vector<1000x256xf32>
    %dot_general3A_5 = tpu.matmul %get3A_1, %get3A_4, %dot_general3A {dimension_numbers = #tpu.dot_dimension_numbers<[1], [1], [0], [0], [0, 0, 1, 0], [], []>, precision = #tpu.contract_precision<fp32>, transpose_lhs_hint = false} : vector<1000x256xf32>, vector<256x256xf32>, vector<1000x256xf32> -> vector<1000x256xf32>
    %get3A_6 = arith.constant 0 : index
    %get3A_7 = arith.constant 0 : index
    %get3A_8 = vector.load %arg3[%get3A_6, %get3A_7] : memref<1x256xf32, #tpu.memory_space<vmem>>, vector<1x256xf32>
    %add3A = vector.broadcast %get3A_8 : vector<1x256xf32> to vector<1000x256xf32>
    %add3A_9 = arith.addf %dot_general3A_5, %add3A : vector<1000x256xf32>
    %swap3A = arith.constant 0 : index
    %swap3A_10 = arith.constant 0 : index
    %swap3A_11 = vector.load %arg4[%swap3A, %swap3A_10] : memref<1000x256xf32, #tpu.memory_space<vmem>>, vector<1000x256xf32>
    tpu.vector_store %arg4[%swap3A, %swap3A_10], %add3A_9 {strides = array<i32>} : memref<1000x256xf32, #tpu.memory_space<vmem>>, vector<1000x256xf32>,
    return
  }
  func.func @transform_0(%arg0: i32) -> (i32, i32) {
    %c0_i32 = arith.constant 0 : i32
    %c0_i32_0 = arith.constant 0 : i32
    return %arg0, %c0_i32 : i32, i32
  }
  func.func @transform_1(%arg0: i32) -> (i32, i32) {
    %c0_i32 = arith.constant 0 : i32
    %c0_i32_0 = arith.constant 0 : i32
    %c0_i32_1 = arith.constant 0 : i32
    return %c0_i32, %c0_i32_0 : i32, i32
  }
  func.func @transform_2(%arg0: i32) -> (i32, i32) {
    %c0_i32 = arith.constant 0 : i32
    %c0_i32_0 = arith.constant 0 : i32
    %c0_i32_1 = arith.constant 0 : i32
    return %c0_i32, %c0_i32_0 : i32, i32
  }
  func.func @transform_3(%arg0: i32) -> (i32, i32) {
    %c0_i32 = arith.constant 0 : i32
    %c0_i32_0 = arith.constant 0 : i32
    return %arg0, %c0_i32 : i32, i32
  }
}

</mosaic_0001>

<sc_bundles>
// kernel: kernel.5.cloned.1.call-start
scs
__scs_entry_jumppad:
0x0: {  	(pc) =	sbr.rel $0x88, $3  }
0x1: {  	(tag) =	ssettag $0x0;
	lr =	simm.s32 $0x1  }
0x2: {  	[smem:$0x3F99] =	sst lr;
	_ =	strace $0xD0000000  }
0x3: {  	_ = 	snop  }
0x4: {  	_ = 	snop  }
0x5: {  	_ = 	snop  }
0x6: {  	_ = 	snop  }
0x7: {  	_ = 	snop  }
__scs_overlays_trampoline_lowered:
0x8: {  	[smem:$0x3FA8] =	sst s0  }
0x9: {  	[smem:$0x3FA9] =	sst s1  }
0xa: {  	[smem:$0x3FAA] =	sst s2  }
0xb: {  	[smem:$0x3FAB] =	sst s3  }
0xc: {  	[smem:$0x3FAC] =	sst s4  }
0xd: {  	[smem:$0x3FAD] =	sst s5  }
0xe: {  	[smem:$0x3FAE] =	sst s6  }
0xf: {  	[smem:$0x3FAF] =	sst s7  }
0x10: {  	[smem:$0x3FB0] =	sst s8  }
0x11: {  	[smem:$0x3FB1] =	sst s9;
	s0 =	simm.s32 @!p0 $0x0  }
0x12: {  	s1 =	sld [smem:$0x3F97];
	s0 =	simm.s32 @p0 $0x1  }
0x13: {  	[smem:$0x3FB2] =	sst s0;
	s0 =	simm.s32 @!p1 $0x0  }
0x14: {  	s2 =	sld [smem:$0x3F96];
	s0 =	simm.s32 @p1 $0x1  }
0x15: {  	[smem:$0x3FB3] =	sst s0;
	s0 =	simm.s32 @!p2 $0x0  }
0x16: {  	s3 =	sld [smem:$0x3FDB];
	s0 =	simm.s32 @p2 $0x1  }
0x17: {  	s4 =	simm.s32 $0x1BF5;
	[smem:$0x3FB5] =	sst s0  }
0x18: {  	s0 =	sld [smem:$0x3F98];
	_ =	swait.ge [sflag:s4], $0x0  }
0x19: {  	s7 =	sld [smem:$0x3F99]  }
0x1a: {  	s8 =	sadd.s32 $0xFFFFE003, lr  }
0x1b: {  	s9 =	sadd.s32 $0xFFFFFEF7, lr;
	s5 =	simm.s32 $0xFFFFFFFF;
	p2 =	slt.u32 s8, $0xFFFFF086  }
0x1c: {  	p1 =	slt.u32 s9, $0xF7A;
	s5 =	simm.s32 @!p2 $0x0  }
0x1d: {  	s5 =	simm.s32 @p1 $0x1;
	p0 =	seq.s32 s7, s2  }
0x1e: {  	s7 =	smul.u32 @!p0 $0xF7A, s2;
	p2 =	seq.s32 @!p0 s5, $0x0  }
0x1f: {  	s9 =	smul.u32 $0xF7A, s1;
	s8 =	simm.s32 @!p0 $0x1BF5;
	p2 =	por !p2, p0  }
0x20: {  	[sflag:s8] =	ssyncset.s32 @!p0 $0xFFFFF086;
	s6 =	sadd.s32 @!p0 s3, s7;
	s7 =	simm.s32 @!p0 $0x108  }
0x21: {  	s3 =	sadd.s32 s3, s9;
	s6 =	sadd.s32 @!p0 $0x88, s6;
	s7 =	simm.s32 @p2 $0x1082  }
0x22: {  	[simem:s7], [sflag:s8] =	dma.local @!p0 [hbm:s6], $0xF7A  }
0x23: {  	s9 =	sor.u32 $0xD0000000, s2;
	s6 =	simm.s32 $0x108;
	_ =	swait.ge @!p0 [sflag:s8], $0x0  }
0x24: {  	s3 =	sadd.s32 $0x88, s3;
	s6 =	simm.s32 @!p1 $0x1082;
	[sflag:s4] =	ssyncset.s32 $0xFFFFF086  }
0x25: {  	[simem:s6], [sflag:s4] =	dma.local [hbm:s3], $0xF7A  }
0x26: {  	[smem:$0x3F99] =	sst s1;
	(tag) =	ssettag s2;
	_ =	strace s9  }
0x27: {  	s1 =	sld [smem:$0x3FA9]  }
0x28: {  	s2 =	sld [smem:$0x3FAA]  }
0x29: {  	s4 =	sld [smem:$0x3FAC]  }
0x2a: {  	p0 =	seq.s32 s5, $0x0;
	s5 =	sld [smem:$0x3FAD]  }
0x2b: {  	s6 =	sld [smem:$0x3FAE]  }
0x2c: {  	s7 =	sld [smem:$0x3FAF]  }
0x2d: {  	s3 =	simm.s32 $0x108;
	s8 =	sld [smem:$0x3FB0]  }
0x2e: {  	s3 =	simm.s32 @!p0 $0x1082;
	s9 =	sld [smem:$0x3FB1]  }
0x2f: {  	lr =	sadd.s32 s0, s3;
	s0 =	sld [smem:$0x3FA8]  }
0x30: {  	s3 =	sld [smem:$0x3FAB]  }
0x31: {  	[smem:$0x3FB4] =	sst s10  }
0x32: {  	s10 =	sld [smem:$0x3FB2];
	_ =	sdelay $0x3  }
0x33: {  	p0 =	seq.s32 s10, $0x1;
	s10 =	sld [smem:$0x3FB4];
	_ =	sdelay $0x3  }
0x34: {  	[smem:$0x3FB4] =	sst s10  }
0x35: {  	s10 =	sld [smem:$0x3FB3];
	_ =	sdelay $0x3  }
0x36: {  	p1 =	seq.s32 s10, $0x1;
	s10 =	sld [smem:$0x3FB4];
	_ =	sdelay $0x3  }
0x37: {  	[smem:$0x3FB4] =	sst s10  }
0x38: {  	s10 =	sld [smem:$0x3FB5]  }
0x39: {  	_ = 	snop;
	(pc) =	sbr.ind lr, $3  }
0x3a: {  	_ = 	snop  }
0x3b: {  	_ = 	snop  }
0x3c: {  	p2 =	seq.s32 s10, $0x1;
	s10 =	sld [smem:$0x3FB4]  }
0x3d: {  	_ =	shalt  }
0x3e: {  	_ =	shalt  }
0x3f: {  	_ =	shalt  }
0x40: {  	_ =	shalt  }
0x41: {  	_ =	shalt  }
0x42: {  	_ =	shalt  }
0x43: {  	_ =	shalt  }
0x44: {  	_ =	shalt  }
0x45: {  	_ =	shalt  }
0x46: {  	_ =	shalt  }
0x47: {  	_ =	shalt  }
0x48: {  	_ =	shalt  }
0x49: {  	_ =	shalt  }
0x4a: {  	_ =	shalt  }
0x4b: {  	_ =	shalt  }
0x4c: {  	_ =	shalt  }
0x4d: {  	_ =	shalt  }
0x4e: {  	_ =	shalt  }
0x4f: {  	_ =	shalt  }
0x50: {  	_ =	shalt  }
0x51: {  	_ =	shalt  }
0x52: {  	_ =	shalt  }
0x53: {  	_ =	shalt  }
0x54: {  	_ =	shalt  }
0x55: {  	_ =	shalt  }
0x56: {  	_ =	shalt  }
0x57: {  	_ =	shalt  }
0x58: {  	_ =	shalt  }
0x59: {  	_ =	shalt  }
0x5a: {  	_ =	shalt  }
0x5b: {  	_ =	shalt  }
0x5c: {  	_ =	shalt  }
0x5d: {  	_ =	shalt  }
0x5e: {  	_ =	shalt  }
0x5f: {  	_ =	shalt  }
0x60: {  	_ =	shalt  }
0x61: {  	_ =	shalt  }
0x62: {  	_ =	shalt  }
0x63: {  	_ =	shalt  }
0x64: {  	_ =	shalt  }
0x65: {  	_ =	shalt  }
0x66: {  	_ =	shalt  }
0x67: {  	_ =	shalt  }
0x68: {  	_ =	shalt  }
0x69: {  	_ =	shalt  }
0x6a: {  	_ =	shalt  }
0x6b: {  	_ =	shalt  }
0x6c: {  	_ =	shalt  }
0x6d: {  	_ =	shalt  }
0x6e: {  	_ =	shalt  }
0x6f: {  	_ =	shalt  }
0x70: {  	_ =	shalt  }
0x71: {  	_ =	shalt  }
0x72: {  	_ =	shalt  }
0x73: {  	_ =	shalt  }
0x74: {  	_ =	shalt  }
0x75: {  	_ =	shalt  }
0x76: {  	_ =	shalt  }
0x77: {  	_ =	shalt  }
0x78: {  	_ =	shalt  }
0x79: {  	_ =	shalt  }
0x7a: {  	_ =	shalt  }
0x7b: {  	_ =	shalt  }
0x7c: {  	_ =	shalt  }
0x7d: {  	_ =	shalt  }
0x7e: {  	_ =	shalt  }
0x7f: {  	_ =	shalt  }
0x80: {  	_ =	shalt  }
0x81: {  	_ =	shalt  }
0x82: {  	_ =	shalt  }
0x83: {  	_ =	shalt  }
0x84: {  	_ =	shalt  }
0x85: {  	_ =	shalt  }
0x86: {  	_ =	shalt  }
0x87: {  	_ =	shalt  }
.Lfunc_end0:
.L_simem_size_0:
called_computation_lowered:
.L_overlay_start_0:
0x88: {  	s2 =	sld [smem:$0x3FD9]  }
0x89: {  	s3 =	sld [smem:$0x3FFE];
	_ =	sdelay $0x1  }
0x8a: {  	s1 =	srdreg.scid  }
0x8b: {  	s0 =	sand.u32 $0x1, s1  }
0x8c: {  	s17 =	sshll.u32 s0, $0xA;
	s2 =	sadd.s32 s3, s2  }
0x8d: {  	s2 =	sadd.s32 s2, s17  }
0x8e: {  	[smem:$0x3FC0] =	sst s2  }
0x8f: {  	_ = 	snop  }
0x90: {  	s2 =	sld [smem:$0x3FD0];
	(tm) =	ssettm $0x1  }
0x91: {  	s18 =	sld [smem:$0x3FFB];
	_ =	sdelay $0x3  }
0x92: {  	_ =	strace s18  }
0x93: {  	s3 =	sld [smem:$0x3FFC];
	_ =	sdelay $0x3  }
0x94: {  	_ =	strace s3  }
0x95: {  	s3 =	sld [smem:$0x3FFD];
	_ =	sdelay $0x3  }
0x96: {  	_ =	strace s3  }
0x97: {  	_ =	strace $0x8FFFFFFF  }
0x98: {  	s19 =	sld [smem:$0x3FDB];
	_ =	sdelay $0x1  }
0x99: {  	s4 =	simm.s32 $_scs_section_size  }
0x9a: {  	s5 =	simm.s32 $_size__tile_overlayer_lowered;
	s6 =	simm.s32 $_tile_overlayer_lowered  }
0x9b: {  	s22 =	simm.s32 $0x1BFF;
	s21 =	sshll.u32 s6, $0x1;
	s3 =	sadd.s32 s4, s19  }
0x9c: {  	s7 =	simm.s32 $0x0;
	s20 =	sshll.u32 s5, $0x1;
	s5 =	sadd.s32 s21, s3  }
0x9d: {  	[timem:s7], [sflag:s22] =	dma.local [hbm:s5], s20  }
0x9e: {  	_ =	swait.ge [sflag:s22], s20  }
0x9f: {  	s4 =	ssub.s32 $0x0, s20;
	[sflag:s22] =	ssyncset.done $0x0  }
0xa0: {  	[sflag:s22] =	ssyncadd.s32 s4;
	_ =	sdelay $0x1  }
0xa1: {  	s23 =	simm.s32 $0x1B8B  }
0xa2: {  	_ =	swait.ge [sflag:s23], $0x1  }
0xa3: {  	[sflag:s23] =	ssyncset.done $0x0  }
0xa4: {  	s25 =	simm.s32 $0x1B8E;
	s24 =	sld [smem:$0x3FFE];
	[sflag:s23] =	ssyncadd.s32 $0xFFFFFFFF  }
0xa5: {  	s26 =	simm.s32 $execute0_lowered;
	[smem:$0x3FD2] =	sst s25  }
0xa6: {  	s5 =	sshll.u32 s26, $0x1;
	_ =	strace $0x80000046;
	[dreg:$0x1] =	wrdreg $0xFFFFFFFF  }
0xa7: {  	s28 =	simm.s32 $_size_execute0_lowered;
	s3 =	sadd.s32 s3, s5;
	[dreg:$0x0] =	wrdreg $0x0  }
0xa8: {  	s5 =	sshll.u32 s28, $0x1;
	[dreg:$0x2] =	wrdreg s3  }
0xa9: {  	[dreg:$0x3] =	wrdreg s5  }
0xaa: {  	[dreg:$0x4] =	wrdreg $0xC0  }
0xab: {  	_ =	task [dreg:s7], $0x5FFFF  }
0xac: {  	[dreg:$0x1] =	wrdreg $0xFFFFFFFF  }
0xad: {  	[dreg:$0x0] =	wrdreg $0x60  }
0xae: {  	[dreg:$0x2] =	wrdreg s24  }
0xaf: {  	[dreg:$0x3] =	wrdreg s2  }
0xb0: {  	[dreg:$0x4] =	wrdreg $0xC5400  }
0xb1: {  	[dreg:$0x5] =	wrdreg $0x9  }
0xb2: {  	_ =	task.clear_ibuf [dreg:s7], $0x6FFFF;
	_ =	strace $0x90000046  }
0xb3: {  	s29 =	simm.s32 $0x9;
	_ =	strace $0x80000048  }
0xb4: {  	_ =	swait.ge [sflag:s29], $0x1  }
0xb5: {  	[sflag:s29] =	ssyncadd.s32 $0xFFFFFFFF  }
0xb6: {  	_ =	strace $0x90000048  }
0xb7: {  	_ =	sfence  }
0xb8: {  	s30 =	sld [smem:$0x0];
	_ =	sdelay $0x2  }
0xb9: {  	s31 =	sshll.u32 s1, $0xD;
	s1 =	sshrl.u32 s1, $0x2  }
0xba: {  	s3 =	sand.u32 $0x4000, s31;
	s1 =	sadd.s32 s1, s30  }
0xbb: {  	s0 =	sor.u32 s3, s0;
	s1 =	sshll.u32 s1, $0x11  }
0xbc: {  	s0 =	sor.u32 s1, s0  }
0xbd: {  	s0 =	sadd.s32 $0x8F2B, s0  }
0xbe: {  	[sflag:s0] =	ssyncadd.remote.s32 $0x1  }
0xbf: {  	_ =	sfence.sel $0xFFFF  }
0xc0: {  	[dreg:$0x0] =	wrdreg $0xFFFFFFFF;
	(pc) =	sbr.abs _section_cstart, $3  }
0xc1: {  	[dreg:$0x1] =	wrdreg $0xFFFFFFFF  }
0xc2: {  	_ =	task.clear_ibuf [dreg:s7], $0x2FFFF;
	_ =	strace $0x9FFFFFFF  }
0xc3: {  	(tm) =	ssettm $0x7FFFFFFF  }
tec
execute0_lowered:
.L_overlay_start_1:
0x0: {  	(tag) =	ssettag $0x1  }
0x1: {  	s7 =	rddreg [dreg:$0x0]  }
0x2: {  	s1 =	rddreg [dreg:$0x1]  }
0x3: {  	s2 =	rddreg [dreg:$0x2]  }
0x4: {  	s3 =	simm.s32 $0x0;
	s0 =	srdreg.scid;
	s10 =	stileid.u32  }
0x5: {  	[smem:$0x7FF] =	sst s3;
	s11 =	smul.u32 $0x4E400, s10  }
0x6: {  	s9 =	sand.u32 $0x1, s0;
	s4 =	sadd.s32 $0x1A00, s7;
	s0 =	smul.u32 $0x2710, s10  }
0x7: {  	s31 =	sadd.s32 $0xB800, s7;
	s6 =	sadd.s32 $0x15600, s7;
	s14 =	smul.u32 $0x138, s10  }
0x8: {  	s7 =	sadd.s32 $0x63800, s7;
	s8 =	smul.u32 $0x1388, s9;
	s12 =	ssub.s32 $0x2, s9  }
0x9: {  	_ =	strace $0x80000047;
	s9 =	smul.u32 $0x138800, s9;
	s13 =	sshrl.u32 s12, $0x1  }
0xa: {  	s11 =	sshrl.u32 s11, $0x2;
	s15 =	sadd.s32 $0x34, s14;
	s16 =	sadd.s32 $0x68, s14  }
0xb: {  	s18 =	sadd.s32 $0x9C, s14;
	s12 =	ssub.s32 s12, s13;
	s5 =	sadd.s32 s11, s2  }
0xc: {  	s11 =	sshrl.u32 s0, $0x3;
	s20 =	sadd.s32 s14, s8;
	s21 =	sadd.s32 s8, s15  }
0xd: {  	s17 =	sadd.s32 s8, s16;
	s23 =	sadd.s32 s8, s18;
	s9 =	sshrl.u32 s9, $0x3  }
0xe: {  	s13 =	sshll.u32 s20, $0x5;
	s17 =	sshll.u32 s17, $0x5;
	s9 =	sadd.s32 s7, s9  }
0xf: {  	s13 =	sadd.s32 s7, s13;
	s22 =	sadd.s32 s7, s17;
	s17 =	sadd.s32 $0xD0, s14  }
0x10: {  	s14 =	sadd.s32 $0x104, s14;
	[dreg:$0x6] =	wrdreg s13;
	s13 =	sshll.u32 s21, $0x5  }
0x11: {  	s19 =	sadd.s32 s8, s17;
	s20 =	sadd.s32 s8, s14;
	s13 =	sadd.s32 s7, s13  }
0x12: {  	s24 =	sshll.u32 s19, $0x5;
	s25 =	sshll.u32 s20, $0x5;
	s19 =	sadd.s32 $0x4E20, s11  }
0x13: {  	s20 =	sadd.s32 $0x4E38, s11;
	[dreg:$0x7] =	wrdreg s13;
	s26 =	sadd.s32 s7, s25  }
0x14: {  	s13 =	sshll.u32 s23, $0x5;
	s23 =	sadd.s32 s31, s19;
	[dreg:$0xb] =	wrdreg s26  }
0x15: {  	s13 =	sadd.s32 s7, s13;
	[dreg:$0xf] =	wrdreg s23;
	s26 =	sadd.s32 s4, s20  }
0x16: {  	s23 =	sshll.u32 s14, $0x8;
	s14 =	sadd.s32 $0x30, s0;
	[dreg:$0x9] =	wrdreg s13  }
0x17: {  	s13 =	sadd.s32 s7, s24;
	[dreg:$0x12] =	wrdreg s26;
	s26 =	smax.u32 s12, $0x1  }
0x18: {  	v2 =	vlaneseq.u32;
	s12 =	sadd.s32 $0x10, s0;
	[dreg:$0xa] =	wrdreg s13;
	s13 =	sadd.s32 s4, s11  }
0x19: {  	v15 =	vimm.s32 $0x0;
	s7 =	sadd.s32 $0xC0, s0;
	v5 =	vor.u32 s14, v2;
	v3 =	vor.u32 s12, v2;
	[dreg:$0xc] =	wrdreg s13;
	s13 =	sadd.s32 s31, s20  }
0x1a: {  	vm0 =	vge.u32 v5, s0;
	vm13 =	vge.u32 v3, s0;
	vm11 =	vlt.u32 v3, s7;
	[dreg:$0x13] =	wrdreg s13;
	s13 =	sadd.s32 $0x20, s0  }
0x1b: {  	v3 =	vimm.s32 $0x0;
	vm11 =	vmand vm13, vm11;
	v4 =	vor.u32 s13, v2  }
0x1c: {  	p0 =	sne.s32 s10, $0x0;
	s10 =	smul.u32 $0x4E000, s10;
	v3 =	vsel vm11, $0xFFFFFFFF, v3;
	vm14 =	vge.u32 v4, s0;
	vm12 =	vlt.u32 v4, s7  }
0x1d: {  	v15 =	vsel vm0, $0xFFFFFFFF, v15;
	[tilespmem:$0x1FF70] =	vst v3;
	v3 =	vimm.s32 $0x0;
	vm11 =	vmand vm14, vm12  }
0x1e: {  	s10 =	sshrl.u32 s10, $0x2;
	[tilespmem:$0x1FF90] =	vst v15;
	v3 =	vsel vm11, $0xFFFFFFFF, v3  }
0x1f: {  	[dreg:$0x4] =	wrdreg s31;
	s10 =	sadd.s32 s10, s2;
	[tilespmem:$0x1FF80] =	vst v3;
	v3 =	vld [tilespmem:$0x1FF90]  }
0x20: {  	[dreg:$0x14] =	wrdreg s10  }
0x21: {  	s16 =	sshll.u32 s16, $0x8;
	[dreg:$0x5] =	wrdreg s5;
	s9 =	sadd.s32 $0x27000, s9  }
0x22: {  	[dreg:$0x8] =	wrdreg s22;
	s20 =	sadd.s32 s16, s2;
	s16 =	sadd.s32 $0x50, s0  }
0x23: {  	v59 =	vimm.s32 $0x0;
	s15 =	sshll.u32 s15, $0x8;
	s21 =	sadd.s32 s31, s11;
	[dreg:$0x1a] =	wrdreg s9;
	v7 =	vor.u32 s16, v2  }
0x24: {  	[dreg:$0xd] =	wrdreg s21;
	s21 =	sshll.u32 s18, $0x8;
	s22 =	sadd.s32 s4, s19;
	vm2 =	vlt.u32 v5, s7;
	vm0 =	vge.u32 v7, s0;
	vm11 =	vnez.u8 v3  }
0x25: {  	s18 =	sadd.s32 $0x70, s0;
	s19 =	sadd.s32 s15, s2;
	[dreg:$0xe] =	wrdreg s22;
	v15 =	vsel vm0, $0xFFFFFFFF, v59;
	v3 =	vimm.s32 $0x0;
	vm2 =	vmand vm11, vm2  }
0x26: {  	s10 =	sadd.s32 s21, s2;
	s21 =	sadd.s32 $0x138000, s2;
	[dreg:$0x15] =	wrdreg s19;
	[tilespmem:$0x1FFB0] =	vst v15;
	v3 =	vsel vm2, $0xFFFFFFFF, v3  }
0x27: {  	s22 =	sshll.u32 s17, $0x8;
	[dreg:$0x17] =	wrdreg s10;
	s17 =	sadd.s32 $0x60, s0;
	[tilespmem:$0x1FFA0] =	vst v3;
	v3 =	vld [tilespmem:$0x1FFB0]  }
0x28: {  	v9 =	vor.u32 s18, v2;
	s18 =	sadd.s32 $0xB000, s5;
	[dreg:$0x1d] =	wrdreg s21;
	v8 =	vor.u32 s17, v2  }
0x29: {  	v60 =	vimm.s32 $0x0;
	s10 =	sadd.s32 $0x13000, s5;
	[smem:$0x7F6] =	sst s18;
	s24 =	sshrl.u32 s7, $0x3;
	vm0 =	vge.u32 v8, s0  }
0x2a: {  	s30 =	simm.s32 $0x540;
	[dreg:$0x1c] =	wrdreg s10;
	s25 =	sadd.s32 s4, s24;
	v15 =	vsel vm0, $0xFFFFFFFF, v60  }
0x2b: {  	s15 =	sadd.s32 $0x40, s0;
	[dreg:$0x10] =	wrdreg s25;
	s25 =	sadd.s32 s23, s2;
	[tilespmem:$0x1FFC0] =	vst v15  }
0x2c: {  	v6 =	vor.u32 s15, v2;
	s15 =	sadd.s32 $0x8000, s5;
	[dreg:$0x19] =	wrdreg s25;
	s25 =	sadd.s32 $0x80, s0;
	vm2 =	vnez.u8 v3;
	v3 =	vld [tilespmem:$0x1FFC0]  }
0x2d: {  	s28 =	simm.s32 $0x6;
	s21 =	sadd.s32 $0xE000, s5;
	[smem:$0x7F3] =	sst s15;
	v10 =	vor.u32 s25, v2  }
0x2e: {  	v61 =	vimm.s32 $0x0;
	s29 =	simm.s32 $0x7;
	s9 =	sadd.s32 $0x240, s0;
	[smem:$0x7F9] =	sst s21;
	vm0 =	vge.u32 v10, s0  }
0x2f: {  	s19 =	sadd.s32 $0xA0, s0;
	s14 =	sadd.s32 $0x7000, s5;
	[dreg:$0x1b] =	wrdreg s26;
	v15 =	vsel vm0, $0xFFFFFFFF, v61  }
0x30: {  	s18 =	simm.s32 $0x380;
	s17 =	sadd.s32 $0xA000, s5;
	vm4 =	vge.u32 v6, s0;
	[smem:$0x7F2] =	sst s14;
	vm3 =	vlt.u32 v6, s7;
	vm15 =	vlt.u32 v7, s7;
	[tilespmem:$0x1FFD0] =	vst v15  }
0x31: {  	s10 =	sadd.s32 $0x2710, s0;
	s26 =	sadd.s32 $0x90, s0;
	[smem:$0x7F5] =	sst s17;
	vm3 =	vmand vm4, vm3;
	vm4 =	vmand vm2, vm15;
	vm2 =	vnez.u8 v3;
	v3 =	vld [tilespmem:$0x1FFD0]  }
0x32: {  	v12 =	vor.u32 s19, v2;
	s19 =	sadd.s32 $0xC000, s5;
	v11 =	vor.u32 s26, v2;
	[dreg:$0x16] =	wrdreg s20;
	s20 =	sadd.s32 $0xB0, s0  }
0x33: {  	v62 =	vimm.s32 $0x0;
	s15 =	simm.s32 $0x300;
	s12 =	sadd.s32 $0x5000, s5;
	[smem:$0x7F7] =	sst s19;
	v13 =	vor.u32 s20, v2;
	vm0 =	vge.u32 v11, s0  }
0x34: {  	v63 =	vimm.s32 $0x0;
	s21 =	simm.s32 $0x3;
	s11 =	sadd.s32 s31, s24;
	[smem:$0x7F0] =	sst s12;
	v15 =	vsel vm0, $0xFFFFFFFF, v62;
	vm0 =	vge.u32 v13, s0  }
0x35: {  	vm6 =	vge.u32 v9, s0;
	s14 =	simm.s32 $0x40;
	s24 =	sadd.s32 s22, s2;
	[dreg:$0x11] =	wrdreg s11;
	[tilespmem:$0x1FFE0] =	vst v15;
	v15 =	vsel vm0, $0xFFFFFFFF, v63;
	vm0 =	vlt.u32 v9, s7  }
0x36: {  	s17 =	simm.s32 $0x4540;
	s22 =	sadd.s32 $0x1000, s5;
	[dreg:$0x18] =	wrdreg s24;
	vm6 =	vmand vm6, vm0;
	vm0 =	vnez.u8 v3;
	v3 =	vld [tilespmem:$0x1FFE0]  }
0x37: {  	s19 =	simm.s32 $0x8540;
	s26 =	sadd.s32 $0x4000, s5;
	[dreg:$0x1e] =	wrdreg s22  }
0x38: {  	s12 =	simm.s32 $0x9;
	s23 =	sadd.s32 $0x2000, s5;
	[smem:$0x7EF] =	sst s26  }
0x39: {  	s11 =	sadd.s32 $0x1388, s8;
	s16 =	sadd.s32 $0x9000, s5;
	[dreg:$0x1f] =	wrdreg s23  }
0x3a: {  	s24 =	sadd.s32 $0x180, s0;
	s22 =	sadd.s32 $0xF000, s5;
	[smem:$0x7F4] =	sst s16;
	vm7 =	vlt.u32 v10, s7;
	[tilespmem:$0x1FFF0] =	vst v15  }
0x3b: {  	v0 =	vmov s8;
	s26 =	sadd.s32 $0x12000, s5;
	s8 =	simm.s32 $0x0;
	[smem:$0x7FA] =	sst s22;
	vm7 =	vmand vm0, vm7;
	vm0 =	vnez.u8 v3;
	v3 =	vld [tilespmem:$0x1FFF0]  }
0x3c: {  	s13 =	sadd.s32 $0x6000, s5;
	s20 =	sadd.s32 $0xD000, s5;
	[smem:$0x7FD] =	sst s26  }
0x3d: {  	v14 =	vor.u32 s0, v2;
	vm9 =	vge.u32 v12, s0;
	vm1 =	vlt.u32 v12, s7;
	s23 =	sadd.s32 $0x10000, s5;
	s26 =	simm.s32 $0x180;
	[smem:$0x7F1] =	sst s13  }
0x3e: {  	vm5 =	vlt.u32 v8, s7;
	vm9 =	vmand vm9, vm1;
	vm8 =	vlt.u32 v11, s7;
	s16 =	simm.s32 $0x340;
	s25 =	sadd.s32 $0x3000, s5;
	[smem:$0x7F8] =	sst s20  }
0x3f: {  	v1 =	vmov s11;
	[smem:$0x7FB] =	sst s23;
	v4 =	vmov s7;
	s13 =	simm.s32 $0x1;
	vm10 =	vlt.u32 v13, s7;
	s20 =	simm.s32 $0x2  }
0x40: {  	s23 =	simm.s32 $0x4;
	[smem:$0x7EE] =	sst s25;
	s25 =	sadd.s32 $0x11000, s5;
	vm11 =	vlt.u32 v14, v4;
	vm8 =	vmand vm0, vm8;
	vm0 =	vnez.u8 v3  }
0x41: {  	[smem:$0x7FC] =	sst s25;
	s25 =	simm.s32 $0x5;
	s7 =	simm.s32 $0x8;
	vm5 =	vmand vm2, vm5;
	v3 =	vimm.f32 $0.0e+00;
	vm10 =	vmand vm0, vm10  }
.LBB2_1:
0x42: {  	s0 =	sand.u32 $0x3C00, s3  }
0x43: {  	[smem:$0x7ED] =	sst s8;
	s31 =	sand.u32 $0xF0, s3;
	s11 =	sshrl.u32 s0, $0x2  }
0x44: {  	s8 =	simm.s32 $0x0;
	s0 =	simm.s32 $0x40;
	s11 =	sor.u32 s31, s11  }
.LBB2_2:
0x45: {  	p1 =	sne.s32 s0, $0x3FC0  }
0x46: {  	[tilespmem:s11+$0x540] =	vst v3;
	s8 =	sadd.s32 $0x10, s8;
	s11 =	smov.u32 s0;
	s0 =	sadd.s32 $0x40, s0  }
.Ltmp0:
0x47: {  	(pc) =	sbr.rel @p1 .LBB2_2-.Ltmp0, $4  }
0x48: {  	_ = 	snop  }
0x49: {  	s11 =	sand.u32 $0x3C00, s11  }
0x4a: {  	s22 =	sand.u32 $0xF0, s8;
	s11 =	sshrl.u32 s11, $0x2  }
0x4b: {  	s11 =	sor.u32 s22, s11  }
0x4c: {  	[tilespmem:s11+$0x540] =	vst v3;
	s0 =	rddreg [dreg:$0x5]  }
0x4d: {  	[spmem:s0] =	stream.linear.scatter [tilespmem:s30], [sflag:$0x9], $0x1000, $0x38;
	[tilespmem:$0x1FE40] =	vst v63  }
0x4e: {  	_ =	swait.ge [sflag:s12], $0x1000  }
0x4f: {  	[sflag:s12] =	ssyncset.done $0x0  }
0x50: {  	s11 =	rddreg [dreg:$0x1e];
	[sflag:s12] =	ssyncadd.s32 $0xFFFFF000  }
0x51: {  	[spmem:s11] =	stream.linear.scatter [tilespmem:s30], [sflag:$0x9], $0x1000, $0x38;
	[tilespmem:$0x1FE40] =	vst v63  }
0x52: {  	_ =	swait.ge [sflag:s12], $0x1000  }
0x53: {  	[sflag:s12] =	ssyncset.done $0x0  }
0x54: {  	s22 =	rddreg [dreg:$0x1f];
	[sflag:s12] =	ssyncadd.s32 $0xFFFFF000  }
0x55: {  	[spmem:s22] =	stream.linear.scatter [tilespmem:s30], [sflag:$0x9], $0x1000, $0x38;
	[tilespmem:$0x1FE40] =	vst v63  }
0x56: {  	_ =	swait.ge [sflag:s12], $0x1000  }
0x57: {  	s5 =	sld [smem:$0x7EE]  }
0x58: {  	[sflag:s12] =	ssyncset.done $0x0  }
0x59: {  	[sflag:s12] =	ssyncadd.s32 $0xFFFFF000  }
0x5a: {  	[spmem:s5] =	stream.linear.scatter [tilespmem:s30], [sflag:$0x9], $0x1000, $0x38;
	[tilespmem:$0x1FE40] =	vst v63  }
0x5b: {  	_ =	swait.ge [sflag:s12], $0x1000  }
0x5c: {  	s8 =	sld [smem:$0x7EF]  }
0x5d: {  	[sflag:s12] =	ssyncset.done $0x0  }
0x5e: {  	[sflag:s12] =	ssyncadd.s32 $0xFFFFF000  }
0x5f: {  	[spmem:s8] =	stream.linear.scatter [tilespmem:s30], [sflag:$0x9], $0x1000, $0x38;
	[tilespmem:$0x1FE40] =	vst v63  }
0x60: {  	_ =	swait.ge [sflag:s12], $0x1000  }
0x61: {  	s11 =	sld [smem:$0x7F0]  }
0x62: {  	[sflag:s12] =	ssyncset.done $0x0  }
0x63: {  	[sflag:s12] =	ssyncadd.s32 $0xFFFFF000  }
0x64: {  	[spmem:s11] =	stream.linear.scatter [tilespmem:s30], [sflag:$0x9], $0x1000, $0x38;
	[tilespmem:$0x1FE40] =	vst v63  }
0x65: {  	_ =	swait.ge [sflag:s12], $0x1000  }
0x66: {  	s22 =	sld [smem:$0x7F1]  }
0x67: {  	[sflag:s12] =	ssyncset.done $0x0  }
0x68: {  	[sflag:s12] =	ssyncadd.s32 $0xFFFFF000  }
0x69: {  	[spmem:s22] =	stream.linear.scatter [tilespmem:s30], [sflag:$0x9], $0x1000, $0x38;
	[tilespmem:$0x1FE40] =	vst v63  }
0x6a: {  	_ =	swait.ge [sflag:s12], $0x1000  }
0x6b: {  	s5 =	sld [smem:$0x7F2]  }
0x6c: {  	[sflag:s12] =	ssyncset.done $0x0  }
0x6d: {  	[sflag:s12] =	ssyncadd.s32 $0xFFFFF000  }
0x6e: {  	[spmem:s5] =	stream.linear.scatter [tilespmem:s30], [sflag:$0x9], $0x1000, $0x38;
	[tilespmem:$0x1FE40] =	vst v63  }
0x6f: {  	_ =	swait.ge [sflag:s12], $0x1000  }
0x70: {  	s8 =	sld [smem:$0x7F3]  }
0x71: {  	[sflag:s12] =	ssyncset.done $0x0  }
0x72: {  	[sflag:s12] =	ssyncadd.s32 $0xFFFFF000  }
0x73: {  	[spmem:s8] =	stream.linear.scatter [tilespmem:s30], [sflag:$0x9], $0x1000, $0x38;
	[tilespmem:$0x1FE40] =	vst v63  }
0x74: {  	_ =	swait.ge [sflag:s12], $0x1000  }
0x75: {  	s11 =	sld [smem:$0x7F4]  }
0x76: {  	[sflag:s12] =	ssyncset.done $0x0  }
0x77: {  	[sflag:s12] =	ssyncadd.s32 $0xFFFFF000  }
0x78: {  	[spmem:s11] =	stream.linear.scatter [tilespmem:s30], [sflag:$0x9], $0x1000, $0x38;
	[tilespmem:$0x1FE40] =	vst v63  }
0x79: {  	_ =	swait.ge [sflag:s12], $0x1000  }
0x7a: {  	s22 =	sld [smem:$0x7F5]  }
0x7b: {  	[sflag:s12] =	ssyncset.done $0x0  }
0x7c: {  	[sflag:s12] =	ssyncadd.s32 $0xFFFFF000  }
0x7d: {  	[spmem:s22] =	stream.linear.scatter [tilespmem:s30], [sflag:$0x9], $0x1000, $0x38;
	[tilespmem:$0x1FE40] =	vst v63  }
0x7e: {  	_ =	swait.ge [sflag:s12], $0x1000  }
0x7f: {  	s5 =	sld [smem:$0x7F6]  }
0x80: {  	[sflag:s12] =	ssyncset.done $0x0  }
0x81: {  	[sflag:s12] =	ssyncadd.s32 $0xFFFFF000  }
0x82: {  	[spmem:s5] =	stream.linear.scatter [tilespmem:s30], [sflag:$0x9], $0x1000, $0x38;
	[tilespmem:$0x1FE40] =	vst v63  }
0x83: {  	_ =	swait.ge [sflag:s12], $0x1000  }
0x84: {  	s8 =	sld [smem:$0x7F7]  }
0x85: {  	[sflag:s12] =	ssyncset.done $0x0  }
0x86: {  	[sflag:s12] =	ssyncadd.s32 $0xFFFFF000  }
0x87: {  	[spmem:s8] =	stream.linear.scatter [tilespmem:s30], [sflag:$0x9], $0x1000, $0x38;
	[tilespmem:$0x1FE40] =	vst v63  }
0x88: {  	_ =	swait.ge [sflag:s12], $0x1000  }
0x89: {  	s11 =	sld [smem:$0x7F8]  }
0x8a: {  	[sflag:s12] =	ssyncset.done $0x0  }
0x8b: {  	[sflag:s12] =	ssyncadd.s32 $0xFFFFF000  }
0x8c: {  	[spmem:s11] =	stream.linear.scatter [tilespmem:s30], [sflag:$0x9], $0x1000, $0x38;
	[tilespmem:$0x1FE40] =	vst v63  }
0x8d: {  	_ =	swait.ge [sflag:s12], $0x1000  }
0x8e: {  	s22 =	sld [smem:$0x7F9]  }
0x8f: {  	[sflag:s12] =	ssyncset.done $0x0  }
0x90: {  	[sflag:s12] =	ssyncadd.s32 $0xFFFFF000  }
0x91: {  	[spmem:s22] =	stream.linear.scatter [tilespmem:s30], [sflag:$0x9], $0x1000, $0x38;
	[tilespmem:$0x1FE40] =	vst v63  }
0x92: {  	_ =	swait.ge [sflag:s12], $0x1000  }
0x93: {  	s5 =	sld [smem:$0x7FA]  }
0x94: {  	[sflag:s12] =	ssyncset.done $0x0  }
0x95: {  	[sflag:s12] =	ssyncadd.s32 $0xFFFFF000  }
0x96: {  	[spmem:s5] =	stream.linear.scatter [tilespmem:s30], [sflag:$0x9], $0x1000, $0x38;
	[tilespmem:$0x1FE40] =	vst v63  }
0x97: {  	_ =	swait.ge [sflag:s12], $0x1000  }
0x98: {  	s8 =	sld [smem:$0x7FB]  }
0x99: {  	[sflag:s12] =	ssyncset.done $0x0  }
0x9a: {  	[sflag:s12] =	ssyncadd.s32 $0xFFFFF000  }
0x9b: {  	[spmem:s8] =	stream.linear.scatter [tilespmem:s30], [sflag:$0x9], $0x1000, $0x38;
	[tilespmem:$0x1FE40] =	vst v63  }
0x9c: {  	_ =	swait.ge [sflag:s12], $0x1000  }
0x9d: {  	s11 =	sld [smem:$0x7FC]  }
0x9e: {  	[sflag:s12] =	ssyncset.done $0x0  }
0x9f: {  	[sflag:s12] =	ssyncadd.s32 $0xFFFFF000  }
0xa0: {  	[spmem:s11] =	stream.linear.scatter [tilespmem:s30], [sflag:$0x9], $0x1000, $0x38;
	[tilespmem:$0x1FE40] =	vst v63  }
0xa1: {  	_ =	swait.ge [sflag:s12], $0x1000  }
0xa2: {  	s22 =	sld [smem:$0x7FD]  }
0xa3: {  	[sflag:s12] =	ssyncset.done $0x0  }
0xa4: {  	[sflag:s12] =	ssyncadd.s32 $0xFFFFF000  }
0xa5: {  	[spmem:s22] =	stream.linear.scatter [tilespmem:s30], [sflag:$0x9], $0x1000, $0x38;
	[tilespmem:$0x1FE40] =	vst v63  }
0xa6: {  	_ =	swait.ge [sflag:s12], $0x1000  }
0xa7: {  	[sflag:s12] =	ssyncset.done $0x0  }
0xa8: {  	s5 =	rddreg [dreg:$0x1c];
	[sflag:s12] =	ssyncadd.s32 $0xFFFFF000  }
0xa9: {  	[spmem:s5] =	stream.linear.scatter [tilespmem:s30], [sflag:$0x9], $0x900, $0x38;
	[tilespmem:$0x1FE40] =	vst v63  }
0xaa: {  	_ =	swait.ge [sflag:s12], $0x900  }
0xab: {  	[sflag:s12] =	ssyncset.done $0x0  }
0xac: {  	[sflag:s12] =	ssyncadd.s32 $0xFFFFF700  }
0xad: {  	[bflag:$0x0] =	sbarrier.arrive $0xFFFF  }
0xae: {  	s22 =	simm.s32 $0x0;
	s8 =	rddreg [dreg:$0xc]  }
0xaf: {  	[tilespmem:s22], [sflag:$0x1] =	stream.linear.gather [hbm4b:s8+s22], $0xC0, $0x38;
	[tilespmem:$0x1FE40] =	vst v63  }
0xb0: {  	s31 =	simm.s32 $0xC0;
	s11 =	rddreg [dreg:$0xe]  }
0xb1: {  	[tilespmem:s31], [sflag:$0x1] =	stream.linear.gather [hbm4b:s11+s22], $0xC0, $0x38;
	[tilespmem:$0x1FE40] =	vst v63  }
0xb2: {  	s12 =	rddreg [dreg:$0x10]  }
0xb3: {  	[tilespmem:s26], [sflag:$0x2] =	stream.linear.gather [hbm4b:s12+s22], $0xC0, $0x38;
	[tilespmem:$0x1FE40] =	vst v63  }
0xb4: {  	s5 =	simm.s32 $0x240;
	s26 =	rddreg [dreg:$0x12]  }
0xb5: {  	[tilespmem:s5], [sflag:$0x2] =	stream.linear.gather [hbm4b:s26+s22], $0xC0, $0x38;
	[tilespmem:$0x1FE40] =	vst v63  }
0xb6: {  	_ =	swait.ge [sflag:s13], $0xC0  }
0xb7: {  	[sflag:s13] =	ssyncset.done $0x0  }
0xb8: {  	[sflag:s13] =	ssyncadd.s32 $0xFFFFFF40  }
0xb9: {  	_ =	swait.ge [sflag:s13], $0xC0  }
0xba: {  	[sflag:s13] =	ssyncset.done $0x0  }
0xbb: {  	[sflag:s13] =	ssyncadd.s32 $0xFFFFFF40  }
0xbc: {  	v4 =	vld [tilespmem:$0xC0]  }
0xbd: {  	v5 =	vld [tilespmem:$0xD0]  }
0xbe: {  	v11 =	vld [tilespmem:$0x1FF70]  }
0xbf: {  	v6 =	vld [tilespmem:$0x0];
	_ =	sdelay $0x1  }
0xc0: {  	v8 =	vld [tilespmem:$0x10];
	vm0 =	vge.s32 v4, v0;
	vm1 =	vlt.s32 v4, v1  }
0xc1: {  	vm12 =	vlt.s32 v5, v1;
	vm0 =	vmand vm0, vm1;
	vm1 =	vge.s32 v5, v0  }
0xc2: {  	v4 =	vsub.s32 v4, v0;
	vm0 =	vmand vm0, vm11;
	vm1 =	vmand vm1, vm12  }
0xc3: {  	v6 =	vnsel vm0, $0xFFFFFFFF, v6;
	v4 =	vnsel vm0, $0x1388, v4;
	vm0 =	vnez.u8 v11  }
0xc4: {  	vm0 =	vmand vm1, vm0  }
0xc5: {  	v7 =	vld [tilespmem:$0xE0];
	[tilespmem:$0x3C0] =	vst v4;
	v4 =	vnsel vm0, $0xFFFFFFFF, v8  }
0xc6: {  	[tilespmem:$0x310] =	vst v4;
	v4 =	vld [tilespmem:$0x1FF80];
	_ =	sdelay $0x1  }
0xc7: {  	v10 =	vld [tilespmem:$0x20];
	_ =	sdelay $0x1  }
0xc8: {  	v5 =	vsub.s32 v5, v0;
	vm12 =	vlt.s32 v7, v1;
	vm1 =	vge.s32 v7, v0  }
0xc9: {  	v5 =	vnsel vm0, $0x1388, v5;
	vm0 =	vmand vm1, vm12;
	vm1 =	vnez.u8 v4  }
0xca: {  	vm0 =	vmand vm0, vm1  }
0xcb: {  	v9 =	vld [tilespmem:$0xF0];
	[tilespmem:$0x3D0] =	vst v5;
	v5 =	vsub.s32 v7, v0;
	v4 =	vnsel vm0, $0xFFFFFFFF, v10  }
0xcc: {  	[tilespmem:$0x320] =	vst v4;
	v4 =	vnsel vm0, $0x1388, v5;
	v5 =	vld [tilespmem:$0x1FFA0];
	_ =	sdelay $0x1  }
0xcd: {  	v51 =	vld [tilespmem:$0x30];
	_ =	sdelay $0x1  }
0xce: {  	vm12 =	vlt.s32 v9, v1;
	vm1 =	vge.s32 v9, v0  }
0xcf: {  	vm1 =	vmand vm1, vm12;
	vm0 =	vnez.u8 v5  }
0xd0: {  	[tilespmem:$0x300] =	vst v6;
	vm0 =	vmand vm1, vm0  }
0xd1: {  	[tilespmem:$0x3E0] =	vst v4;
	v5 =	vsub.s32 v9, v0;
	v4 =	vnsel vm0, $0xFFFFFFFF, v51  }
0xd2: {  	[tilespmem:$0x330] =	vst v4;
	v4 =	vnsel vm0, $0x1388, v5  }
0xd3: {  	[tilespmem:$0x3F0] =	vst v4;
	(ifvalue) =	ssetifvalue $0xFFFFFFFF  }
0xd4: {  	(ifvalue) =	ssetifvalue $0xFFFFFFFF  }
0xd5: {  	[tilespmem:s30], [sflag:$0x3] =	stream.indirect.gather [hbm4b:s1+s14], $0x100, s15, s14, $0x40b8;
	[tilespmem:$0x1FE40] =	vst v63  }
0xd6: {  	v4 =	vld [tilespmem:$0x100]  }
0xd7: {  	v5 =	vld [tilespmem:$0x110]  }
0xd8: {  	v52 =	vld [tilespmem:$0x40]  }
0xd9: {  	v53 =	vld [tilespmem:$0x120];
	_ =	sdelay $0x1  }
0xda: {  	v54 =	vld [tilespmem:$0x50];
	vm0 =	vge.s32 v4, v0;
	vm1 =	vlt.s32 v4, v1  }
0xdb: {  	v55 =	vld [tilespmem:$0x130];
	vm12 =	vlt.s32 v5, v1;
	v4 =	vsub.s32 v4, v0;
	vm0 =	vmand vm0, vm1  }
0xdc: {  	v56 =	vld [tilespmem:$0x60];
	vm1 =	vge.s32 v5, v0;
	v5 =	vsub.s32 v5, v0;
	vm0 =	vmand vm0, vm3  }
0xdd: {  	vm1 =	vmand vm1, vm12;
	vm12 =	vlt.s32 v53, v1;
	v6 =	vnsel vm0, $0xFFFFFFFF, v52  }
0xde: {  	v57 =	vld [tilespmem:$0x70];
	v4 =	vnsel vm0, $0x1388, v4;
	vm0 =	vmand vm1, vm4;
	vm1 =	vge.s32 v53, v0;
	[tilespmem:$0x340] =	vst v6  }
0xdf: {  	[tilespmem:$0x400] =	vst v4;
	v4 =	vnsel vm0, $0xFFFFFFFF, v54;
	v5 =	vnsel vm0, $0x1388, v5;
	vm0 =	vmand vm1, vm12  }
0xe0: {  	vm1 =	vge.s32 v55, v0;
	vm12 =	vlt.s32 v55, v1;
	[tilespmem:$0x350] =	vst v4;
	vm0 =	vmand vm0, vm5  }
0xe1: {  	[tilespmem:$0x410] =	vst v5;
	v5 =	vsub.s32 v53, v0;
	vm1 =	vmand vm1, vm12;
	v4 =	vnsel vm0, $0xFFFFFFFF, v56  }
0xe2: {  	[tilespmem:$0x360] =	vst v4;
	v4 =	vnsel vm0, $0x1388, v5;
	vm0 =	vmand vm1, vm6  }
0xe3: {  	v5 =	vsub.s32 v55, v0;
	[tilespmem:$0x420] =	vst v4;
	v4 =	vnsel vm0, $0xFFFFFFFF, v57  }
0xe4: {  	[tilespmem:$0x370] =	vst v4;
	v4 =	vnsel vm0, $0x1388, v5  }
0xe5: {  	[tilespmem:$0x430] =	vst v4;
	(ifvalue) =	ssetifvalue $0xFFFFFFFF  }
0xe6: {  	(ifvalue) =	ssetifvalue $0xFFFFFFFF  }
0xe7: {  	[tilespmem:s17], [sflag:$0x4] =	stream.indirect.gather [hbm4b:s1+s14], $0x100, s16, s14, $0x40b8;
	[tilespmem:$0x1FE40] =	vst v63  }
0xe8: {  	v4 =	vld [tilespmem:$0x140]  }
0xe9: {  	v5 =	vld [tilespmem:$0x150]  }
0xea: {  	v58 =	vld [tilespmem:$0x80]  }
0xeb: {  	v59 =	vld [tilespmem:$0x160];
	_ =	sdelay $0x1  }
0xec: {  	v60 =	vld [tilespmem:$0x90];
	vm0 =	vge.s32 v4, v0;
	vm1 =	vlt.s32 v4, v1  }
0xed: {  	v61 =	vld [tilespmem:$0x170];
	vm12 =	vlt.s32 v5, v1;
	v4 =	vsub.s32 v4, v0;
	vm0 =	vmand vm0, vm1  }
0xee: {  	v62 =	vld [tilespmem:$0xA0];
	vm1 =	vge.s32 v5, v0;
	v5 =	vsub.s32 v5, v0;
	vm0 =	vmand vm0, vm7  }
0xef: {  	vm1 =	vmand vm1, vm12;
	vm12 =	vlt.s32 v59, v1;
	v6 =	vnsel vm0, $0xFFFFFFFF, v58  }
0xf0: {  	v63 =	vld [tilespmem:$0xB0];
	v4 =	vnsel vm0, $0x1388, v4;
	vm0 =	vmand vm1, vm8;
	vm1 =	vge.s32 v59, v0;
	[tilespmem:$0x380] =	vst v6  }
0xf1: {  	[tilespmem:$0x440] =	vst v4;
	v4 =	vnsel vm0, $0xFFFFFFFF, v60;
	v5 =	vnsel vm0, $0x1388, v5;
	vm0 =	vmand vm1, vm12  }
0xf2: {  	vm1 =	vge.s32 v61, v0;
	vm12 =	vlt.s32 v61, v1;
	[tilespmem:$0x390] =	vst v4;
	vm0 =	vmand vm0, vm9  }
0xf3: {  	vm1 =	vmand vm1, vm12;
	[tilespmem:$0x450] =	vst v5;
	v5 =	vsub.s32 v59, v0;
	v4 =	vnsel vm0, $0xFFFFFFFF, v62  }
0xf4: {  	[tilespmem:$0x3A0] =	vst v4;
	v4 =	vnsel vm0, $0x1388, v5;
	vm0 =	vmand vm1, vm10  }
0xf5: {  	v5 =	vsub.s32 v61, v0;
	[tilespmem:$0x460] =	vst v4;
	v4 =	vnsel vm0, $0xFFFFFFFF, v63  }
0xf6: {  	[tilespmem:$0x3B0] =	vst v4;
	v4 =	vnsel vm0, $0x1388, v5  }
0xf7: {  	[tilespmem:$0x470] =	vst v4;
	(ifvalue) =	ssetifvalue $0xFFFFFFFF  }
0xf8: {  	s8 =	smov.u32 s24;
	(ifvalue) =	ssetifvalue $0xFFFFFFFF  }
0xf9: {  	[tilespmem:s19], [sflag:$0x5] =	stream.indirect.gather [hbm4b:s1+s14], $0x100, s18, s14, $0x40b8;
	[tilespmem:$0x1FE40] =	vst v63  }
.LBB2_4:
0xfa: {  	_ =	swait.ge [sflag:s20], $0xC0  }
0xfb: {  	[sflag:s20] =	ssyncset.done $0x0  }
0xfc: {  	[sflag:s20] =	ssyncadd.s32 $0xFFFFFF40  }
0xfd: {  	_ =	swait.ge [sflag:s20], $0xC0  }
0xfe: {  	[sflag:s20] =	ssyncset.done $0x0  }
0xff: {  	[sflag:s20] =	ssyncadd.s32 $0xFFFFFF40  }
0x100: {  	_ =	swait.ge [sflag:s21], $0x4000  }
0x101: {  	[sflag:s21] =	ssyncset.done $0x0  }
0x102: {  	s0 =	simm.s32 $0x3C0;
	[sflag:s21] =	ssyncadd.s32 $0xFFFFC000;
	(ifvalue) =	ssetifvalue $0x1388  }
0x103: {  	[spmem:s2] =	stream.indirect.scatter.add.f32 [tilespmem:s30], [sflag:$0x6], $0x100, s0, s14, $0x40b8;
	[tilespmem:$0x1FE40] =	vst v63  }
0x104: {  	v4 =	vld [tilespmem:$0x240]  }
0x105: {  	s0 =	sadd.s32 $0xFFFFFF40, s8  }
0x106: {  	p1 =	slt.s32 s0, $0x27040;
	s11 =	smov.u32 s0;
	v5 =	vld [tilespmem:$0x180]  }
0x107: {  	s26 =	smov.u32 s10;
	v7 =	vld [tilespmem:$0x250];
	s11 =	simm.s32 @!p1 $0x27040;
	p1 =	slt.s32 s0, s10  }
0x108: {  	v15 =	vld [tilespmem:$0x260];
	s26 =	smov.u32 @p1 s0  }
0x109: {  	p1 =	slt.s32 s8, s10;
	s0 =	smov.u32 s10;
	v6 =	vor.u32 s11, v2;
	s12 =	sadd.s32 $0x10, s11;
	vm0 =	vge.s32 v4, v0;
	vm1 =	vlt.s32 v4, v1  }
0x10a: {  	s5 =	sadd.s32 $0x20, s11;
	s0 =	smov.u32 @p1 s8;
	v8 =	vor.u32 s12, v2;
	vm0 =	vmand vm0, vm1;
	vm1 =	vge.u32 v6, s26  }
0x10b: {  	v10 =	vor.u32 s5, v2;
	vm0 =	vmand vm1, vm0;
	vm1 =	vlt.u32 v6, s0  }
0x10c: {  	vm12 =	vlt.s32 v7, v1;
	v4 =	vsub.s32 v4, v0;
	vm0 =	vmand vm1, vm0  }
0x10d: {  	v9 =	vld [tilespmem:$0x190];
	vm15 =	vlt.s32 v15, v1;
	vm1 =	vge.s32 v7, v0;
	v5 =	vnsel vm0, $0xFFFFFFFF, v5  }
0x10e: {  	v16 =	vld [tilespmem:$0x270];
	vm1 =	vmand vm1, vm12;
	vm12 =	vge.u32 v8, s26;
	v4 =	vnsel vm0, $0x1388, v4  }
0x10f: {  	vm0 =	vmand vm12, vm1;
	vm1 =	vlt.u32 v8, s0;
	vm12 =	vge.s32 v15, v0  }
0x110: {  	v11 =	vld [tilespmem:$0x1A0];
	s5 =	sadd.s32 $0x30, s11;
	vm0 =	vmand vm1, vm0;
	vm1 =	vmand vm12, vm15;
	vm12 =	vge.u32 v10, s26  }
0x111: {  	v7 =	vsub.s32 v7, v0;
	[tilespmem:$0x480] =	vst v4;
	v4 =	vor.u32 s5, v2;
	vm1 =	vmand vm12, vm1  }
0x112: {  	v17 =	vld [tilespmem:$0x1B0];
	[tilespmem:$0x300] =	vst v5;
	vm12 =	vlt.u32 v10, s0;
	v5 =	vnsel vm0, $0xFFFFFFFF, v9;
	v7 =	vnsel vm0, $0x1388, v7  }
0x113: {  	vm0 =	vmand vm12, vm1;
	vm1 =	vge.s32 v16, v0;
	vm12 =	vlt.s32 v16, v1  }
0x114: {  	v6 =	vsub.s32 v15, v0;
	[tilespmem:$0x310] =	vst v5;
	vm1 =	vmand vm1, vm12;
	vm12 =	vge.u32 v4, s26  }
0x115: {  	[tilespmem:$0x490] =	vst v7;
	v5 =	vnsel vm0, $0xFFFFFFFF, v11;
	vm1 =	vmand vm12, vm1;
	vm12 =	vlt.u32 v4, s0  }
0x116: {  	[tilespmem:$0x320] =	vst v5;
	v4 =	vnsel vm0, $0x1388, v6;
	vm0 =	vmand vm12, vm1  }
0x117: {  	v5 =	vsub.s32 v16, v0;
	[tilespmem:$0x4A0] =	vst v4;
	v4 =	vnsel vm0, $0xFFFFFFFF, v17  }
0x118: {  	[tilespmem:$0x330] =	vst v4;
	v4 =	vnsel vm0, $0x1388, v5  }
0x119: {  	[tilespmem:$0x4B0] =	vst v4  }
0x11a: {  	_ =	swait.ge [sflag:s23], $0x4000  }
0x11b: {  	[sflag:s23] =	ssyncset.done $0x0  }
0x11c: {  	s5 =	simm.s32 $0x400;
	[sflag:s23] =	ssyncadd.s32 $0xFFFFC000;
	(ifvalue) =	ssetifvalue $0x1388  }
0x11d: {  	[spmem:s2] =	stream.indirect.scatter.add.f32 [tilespmem:s17], [sflag:$0x7], $0x100, s5, s14, $0x40b8;
	[tilespmem:$0x1FE40] =	vst v63  }
0x11e: {  	v4 =	vld [tilespmem:$0x280];
	_ =	sdelay $0x1  }
0x11f: {  	v5 =	vld [tilespmem:$0x1C0]  }
0x120: {  	v19 =	vld [tilespmem:$0x290]  }
0x121: {  	s5 =	sadd.s32 $0x40, s11;
	v20 =	vld [tilespmem:$0x2A0]  }
0x122: {  	v18 =	vor.u32 s5, v2;
	s5 =	sadd.s32 $0x50, s11;
	vm0 =	vge.s32 v4, v0;
	vm1 =	vlt.s32 v4, v1  }
0x123: {  	v21 =	vor.u32 s5, v2;
	s5 =	sadd.s32 $0x60, s11;
	vm0 =	vmand vm0, vm1;
	vm1 =	vge.u32 v18, s26  }
0x124: {  	v24 =	vor.u32 s5, v2;
	vm0 =	vmand vm1, vm0;
	vm1 =	vlt.u32 v18, s0  }
0x125: {  	vm12 =	vlt.s32 v19, v1;
	v4 =	vsub.s32 v4, v0;
	vm0 =	vmand vm1, vm0  }
0x126: {  	v22 =	vld [tilespmem:$0x1D0];
	vm15 =	vlt.s32 v20, v1;
	vm1 =	vge.s32 v19, v0;
	v5 =	vnsel vm0, $0xFFFFFFFF, v5  }
0x127: {  	v23 =	vld [tilespmem:$0x2B0];
	vm1 =	vmand vm1, vm12;
	vm12 =	vge.u32 v21, s26;
	v4 =	vnsel vm0, $0x1388, v4  }
0x128: {  	vm0 =	vmand vm12, vm1;
	vm1 =	vlt.u32 v21, s0;
	vm12 =	vge.s32 v20, v0  }
0x129: {  	v25 =	vld [tilespmem:$0x1E0];
	s5 =	sadd.s32 $0x70, s11;
	vm0 =	vmand vm1, vm0;
	vm1 =	vmand vm12, vm15;
	vm12 =	vge.u32 v24, s26  }
0x12a: {  	v7 =	vsub.s32 v19, v0;
	[tilespmem:$0x4C0] =	vst v4;
	v4 =	vor.u32 s5, v2;
	vm1 =	vmand vm12, vm1  }
0x12b: {  	v26 =	vld [tilespmem:$0x1F0];
	[tilespmem:$0x340] =	vst v5;
	vm12 =	vlt.u32 v24, s0;
	v5 =	vnsel vm0, $0xFFFFFFFF, v22;
	v7 =	vnsel vm0, $0x1388, v7  }
0x12c: {  	vm0 =	vmand vm12, vm1;
	vm1 =	vge.s32 v23, v0;
	vm12 =	vlt.s32 v23, v1  }
0x12d: {  	v6 =	vsub.s32 v20, v0;
	[tilespmem:$0x350] =	vst v5;
	vm1 =	vmand vm1, vm12;
	vm12 =	vge.u32 v4, s26  }
0x12e: {  	[tilespmem:$0x4D0] =	vst v7;
	v5 =	vnsel vm0, $0xFFFFFFFF, v25;
	vm1 =	vmand vm12, vm1;
	vm12 =	vlt.u32 v4, s0  }
0x12f: {  	[tilespmem:$0x360] =	vst v5;
	v4 =	vnsel vm0, $0x1388, v6;
	vm0 =	vmand vm12, vm1  }
0x130: {  	v5 =	vsub.s32 v23, v0;
	[tilespmem:$0x4E0] =	vst v4;
	v4 =	vnsel vm0, $0xFFFFFFFF, v26  }
0x131: {  	[tilespmem:$0x370] =	vst v4;
	v4 =	vnsel vm0, $0x1388, v5  }
0x132: {  	[tilespmem:$0x4F0] =	vst v4  }
0x133: {  	_ =	swait.ge [sflag:s25], $0x4000  }
0x134: {  	[sflag:s25] =	ssyncset.done $0x0  }
0x135: {  	s12 =	simm.s32 $0x440;
	[sflag:s25] =	ssyncadd.s32 $0xFFFFC000;
	(ifvalue) =	ssetifvalue $0x1388  }
0x136: {  	[spmem:s2] =	stream.indirect.scatter.add.f32 [tilespmem:s19], [sflag:$0x8], $0x100, s12, s14, $0x40b8;
	[tilespmem:$0x1FE40] =	vst v63  }
0x137: {  	v4 =	vld [tilespmem:$0x2C0];
	_ =	sdelay $0x1  }
0x138: {  	v5 =	vld [tilespmem:$0x200]  }
0x139: {  	v28 =	vld [tilespmem:$0x2D0]  }
0x13a: {  	s5 =	sadd.s32 $0x80, s11;
	v29 =	vld [tilespmem:$0x2E0]  }
0x13b: {  	v27 =	vor.u32 s5, v2;
	s5 =	sadd.s32 $0x90, s11;
	vm0 =	vge.s32 v4, v0;
	vm1 =	vlt.s32 v4, v1  }
0x13c: {  	v30 =	vor.u32 s5, v2;
	s5 =	sadd.s32 $0xA0, s11;
	vm0 =	vmand vm0, vm1;
	vm1 =	vge.u32 v27, s26  }
0x13d: {  	v33 =	vor.u32 s5, v2;
	vm0 =	vmand vm1, vm0;
	vm1 =	vlt.u32 v27, s0  }
0x13e: {  	vm12 =	vlt.s32 v28, v1;
	v4 =	vsub.s32 v4, v0;
	vm0 =	vmand vm1, vm0  }
0x13f: {  	v31 =	vld [tilespmem:$0x210];
	vm15 =	vlt.s32 v29, v1;
	vm1 =	vge.s32 v28, v0;
	v5 =	vnsel vm0, $0xFFFFFFFF, v5  }
0x140: {  	v32 =	vld [tilespmem:$0x2F0];
	vm1 =	vmand vm1, vm12;
	vm12 =	vge.u32 v30, s26;
	v4 =	vnsel vm0, $0x1388, v4  }
0x141: {  	vm0 =	vmand vm12, vm1;
	vm1 =	vlt.u32 v30, s0;
	vm12 =	vge.s32 v29, v0  }
0x142: {  	s11 =	sadd.s32 $0xB0, s11;
	v34 =	vld [tilespmem:$0x220];
	vm0 =	vmand vm1, vm0;
	vm1 =	vmand vm12, vm15;
	vm12 =	vge.u32 v33, s26  }
0x143: {  	v7 =	vsub.s32 v28, v0;
	[tilespmem:$0x500] =	vst v4;
	v4 =	vor.u32 s11, v2;
	vm1 =	vmand vm12, vm1  }
0x144: {  	v35 =	vld [tilespmem:$0x230];
	[tilespmem:$0x380] =	vst v5;
	vm12 =	vlt.u32 v33, s0;
	v5 =	vnsel vm0, $0xFFFFFFFF, v31;
	v7 =	vnsel vm0, $0x1388, v7  }
0x145: {  	s5 =	smin.u32 s22, $0x33;
	vm0 =	vmand vm12, vm1;
	vm1 =	vge.s32 v32, v0;
	vm12 =	vlt.s32 v32, v1  }
0x146: {  	v6 =	vsub.s32 v29, v0;
	s11 =	smul.u32 $0xC0, s5;
	[tilespmem:$0x390] =	vst v5;
	vm1 =	vmand vm1, vm12;
	vm12 =	vge.u32 v4, s26  }
0x147: {  	[tilespmem:$0x510] =	vst v7;
	v5 =	vnsel vm0, $0xFFFFFFFF, v34;
	vm1 =	vmand vm12, vm1;
	vm12 =	vlt.u32 v4, s0  }
0x148: {  	s12 =	sadd.s32 s11, s24;
	[tilespmem:$0x3A0] =	vst v5;
	v4 =	vnsel vm0, $0x1388, v6;
	vm0 =	vmand vm12, vm1  }
0x149: {  	v5 =	vsub.s32 v32, v0;
	s0 =	smin.u32 s12, $0x27040;
	[tilespmem:$0x520] =	vst v4;
	v4 =	vnsel vm0, $0xFFFFFFFF, v35  }
0x14a: {  	s5 =	sshrl.u32 s0, $0x3;
	[tilespmem:$0x3B0] =	vst v4;
	v4 =	vnsel vm0, $0x1388, v5  }
0x14b: {  	s26 =	sadd.s32 s4, s5;
	[tilespmem:$0x530] =	vst v4  }
0x14c: {  	[tilespmem:s3], [sflag:$0x1] =	stream.linear.gather [hbm4b:s26+s3], $0xC0, $0x38;
	[tilespmem:$0x1FE40] =	vst v63  }
0x14d: {  	s26 =	sadd.s32 $0x4E20, s26  }
0x14e: {  	[tilespmem:s31], [sflag:$0x1] =	stream.linear.gather [hbm4b:s26+s3], $0xC0, $0x38;
	[tilespmem:$0x1FE40] =	vst v63  }
0x14f: {  	_ =	swait.ge [sflag:s28], $0x4000  }
0x150: {  	[sflag:s28] =	ssyncset.done $0x0  }
0x151: {  	[sflag:s28] =	ssyncadd.s32 $0xFFFFC000;
	(ifvalue) =	ssetifvalue $0xFFFFFFFF  }
0x152: {  	(ifvalue) =	ssetifvalue $0xFFFFFFFF  }
0x153: {  	[tilespmem:s30], [sflag:$0x3] =	stream.indirect.gather [hbm4b:s1+s14], $0x100, s15, s14, $0x40b8;
	[tilespmem:$0x1FE40] =	vst v63  }
0x154: {  	_ =	swait.ge [sflag:s29], $0x4000  }
0x155: {  	[sflag:s29] =	ssyncset.done $0x0  }
0x156: {  	[sflag:s29] =	ssyncadd.s32 $0xFFFFC000;
	(ifvalue) =	ssetifvalue $0xFFFFFFFF  }
0x157: {  	(ifvalue) =	ssetifvalue $0xFFFFFFFF  }
0x158: {  	[tilespmem:s17], [sflag:$0x4] =	stream.indirect.gather [hbm4b:s1+s14], $0x100, s16, s14, $0x40b8;
	[tilespmem:$0x1FE40] =	vst v63  }
0x159: {  	_ =	swait.ge [sflag:s7], $0x4000  }
0x15a: {  	[sflag:s7] =	ssyncset.done $0x0  }
0x15b: {  	[sflag:s7] =	ssyncadd.s32 $0xFFFFC000;
	(ifvalue) =	ssetifvalue $0xFFFFFFFF  }
0x15c: {  	(ifvalue) =	ssetifvalue $0xFFFFFFFF  }
0x15d: {  	[tilespmem:s19], [sflag:$0x5] =	stream.indirect.gather [hbm4b:s1+s14], $0x100, s18, s14, $0x40b8;
	[tilespmem:$0x1FE40] =	vst v63  }
0x15e: {  	_ =	swait.ge [sflag:s13], $0xC0  }
0x15f: {  	[sflag:s13] =	ssyncset.done $0x0  }
0x160: {  	[sflag:s13] =	ssyncadd.s32 $0xFFFFFF40  }
0x161: {  	_ =	swait.ge [sflag:s13], $0xC0  }
0x162: {  	[sflag:s13] =	ssyncset.done $0x0  }
0x163: {  	[sflag:s13] =	ssyncadd.s32 $0xFFFFFF40  }
0x164: {  	_ =	swait.ge [sflag:s21], $0x4000  }
0x165: {  	[sflag:s21] =	ssyncset.done $0x0  }
0x166: {  	s26 =	simm.s32 $0x480;
	[sflag:s21] =	ssyncadd.s32 $0xFFFFC000;
	(ifvalue) =	ssetifvalue $0x1388  }
0x167: {  	[spmem:s2] =	stream.indirect.scatter.add.f32 [tilespmem:s30], [sflag:$0x6], $0x100, s26, s14, $0x40b8;
	[tilespmem:$0x1FE40] =	vst v63  }
0x168: {  	v4 =	vld [tilespmem:$0xC0];
	_ =	sdelay $0x1  }
0x169: {  	v5 =	vld [tilespmem:$0x0]  }
0x16a: {  	v37 =	vld [tilespmem:$0xD0]  }
0x16b: {  	v38 =	vld [tilespmem:$0xE0]  }
0x16c: {  	s11 =	sadd.s32 s11, s9;
	v36 =	vor.u32 s0, v2;
	s5 =	sadd.s32 $0x10, s0;
	s26 =	smin.u32 s12, s10;
	vm0 =	vge.s32 v4, v0;
	vm1 =	vlt.s32 v4, v1  }
0x16d: {  	s11 =	smin.u32 s11, s10;
	v39 =	vor.u32 s5, v2;
	s5 =	sadd.s32 $0x20, s0;
	vm0 =	vmand vm0, vm1;
	vm1 =	vge.u32 v36, s26  }
0x16e: {  	v42 =	vor.u32 s5, v2;
	vm0 =	vmand vm1, vm0;
	vm1 =	vlt.u32 v36, s11  }
0x16f: {  	vm12 =	vlt.s32 v37, v1;
	v4 =	vsub.s32 v4, v0;
	vm0 =	vmand vm1, vm0  }
0x170: {  	v40 =	vld [tilespmem:$0x10];
	vm15 =	vlt.s32 v38, v1;
	vm1 =	vge.s32 v37, v0;
	v5 =	vnsel vm0, $0xFFFFFFFF, v5  }
0x171: {  	v41 =	vld [tilespmem:$0xF0];
	vm1 =	vmand vm1, vm12;
	vm12 =	vge.u32 v39, s26;
	v4 =	vnsel vm0, $0x1388, v4  }
0x172: {  	vm0 =	vmand vm12, vm1;
	vm1 =	vlt.u32 v39, s11;
	vm12 =	vge.s32 v38, v0  }
0x173: {  	s5 =	sadd.s32 $0x30, s0;
	v43 =	vld [tilespmem:$0x20];
	vm0 =	vmand vm1, vm0;
	vm1 =	vmand vm12, vm15;
	vm12 =	vge.u32 v42, s26  }
0x174: {  	v7 =	vsub.s32 v37, v0;
	[tilespmem:$0x3C0] =	vst v4;
	v4 =	vor.u32 s5, v2;
	vm1 =	vmand vm12, vm1  }
0x175: {  	v44 =	vld [tilespmem:$0x30];
	[tilespmem:$0x300] =	vst v5;
	vm12 =	vlt.u32 v42, s11;
	v5 =	vnsel vm0, $0xFFFFFFFF, v40;
	v7 =	vnsel vm0, $0x1388, v7  }
0x176: {  	vm0 =	vmand vm12, vm1;
	vm1 =	vge.s32 v41, v0;
	vm12 =	vlt.s32 v41, v1  }
0x177: {  	v6 =	vsub.s32 v38, v0;
	[tilespmem:$0x310] =	vst v5;
	vm1 =	vmand vm1, vm12;
	vm12 =	vge.u32 v4, s26  }
0x178: {  	[tilespmem:$0x3D0] =	vst v7;
	v5 =	vnsel vm0, $0xFFFFFFFF, v43;
	vm1 =	vmand vm12, vm1;
	vm12 =	vlt.u32 v4, s11  }
0x179: {  	[tilespmem:$0x320] =	vst v5;
	v4 =	vnsel vm0, $0x1388, v6;
	vm0 =	vmand vm12, vm1  }
0x17a: {  	v5 =	vsub.s32 v41, v0;
	[tilespmem:$0x3E0] =	vst v4;
	v4 =	vnsel vm0, $0xFFFFFFFF, v44  }
0x17b: {  	[tilespmem:$0x330] =	vst v4;
	v4 =	vnsel vm0, $0x1388, v5  }
0x17c: {  	[tilespmem:$0x3F0] =	vst v4  }
0x17d: {  	_ =	swait.ge [sflag:s23], $0x4000  }
0x17e: {  	[sflag:s23] =	ssyncset.done $0x0  }
0x17f: {  	s12 =	simm.s32 $0x4C0;
	[sflag:s23] =	ssyncadd.s32 $0xFFFFC000;
	(ifvalue) =	ssetifvalue $0x1388  }
0x180: {  	[spmem:s2] =	stream.indirect.scatter.add.f32 [tilespmem:s17], [sflag:$0x7], $0x100, s12, s14, $0x40b8;
	[tilespmem:$0x1FE40] =	vst v63  }
0x181: {  	v4 =	vld [tilespmem:$0x100];
	_ =	sdelay $0x1  }
0x182: {  	v5 =	vld [tilespmem:$0x40]  }
0x183: {  	v46 =	vld [tilespmem:$0x110]  }
0x184: {  	s5 =	sadd.s32 $0x40, s0;
	v47 =	vld [tilespmem:$0x120]  }
0x185: {  	v45 =	vor.u32 s5, v2;
	s5 =	sadd.s32 $0x50, s0;
	vm0 =	vge.s32 v4, v0;
	vm1 =	vlt.s32 v4, v1  }
0x186: {  	v48 =	vor.u32 s5, v2;
	s5 =	sadd.s32 $0x60, s0;
	vm0 =	vmand vm0, vm1;
	vm1 =	vge.u32 v45, s26  }
0x187: {  	v51 =	vor.u32 s5, v2;
	vm0 =	vmand vm1, vm0;
	vm1 =	vlt.u32 v45, s11  }
0x188: {  	vm12 =	vlt.s32 v46, v1;
	v4 =	vsub.s32 v4, v0;
	vm0 =	vmand vm1, vm0  }
0x189: {  	v49 =	vld [tilespmem:$0x50];
	vm15 =	vlt.s32 v47, v1;
	vm1 =	vge.s32 v46, v0;
	v5 =	vnsel vm0, $0xFFFFFFFF, v5  }
0x18a: {  	v50 =	vld [tilespmem:$0x130];
	vm1 =	vmand vm1, vm12;
	vm12 =	vge.u32 v48, s26;
	v4 =	vnsel vm0, $0x1388, v4  }
0x18b: {  	vm0 =	vmand vm12, vm1;
	vm1 =	vlt.u32 v48, s11;
	vm12 =	vge.s32 v47, v0  }
0x18c: {  	s5 =	sadd.s32 $0x70, s0;
	v52 =	vld [tilespmem:$0x60];
	vm0 =	vmand vm1, vm0;
	vm1 =	vmand vm12, vm15;
	vm12 =	vge.u32 v51, s26  }
0x18d: {  	v7 =	vsub.s32 v46, v0;
	[tilespmem:$0x400] =	vst v4;
	v4 =	vor.u32 s5, v2;
	vm1 =	vmand vm12, vm1  }
0x18e: {  	v53 =	vld [tilespmem:$0x70];
	[tilespmem:$0x340] =	vst v5;
	vm12 =	vlt.u32 v51, s11;
	v5 =	vnsel vm0, $0xFFFFFFFF, v49;
	v7 =	vnsel vm0, $0x1388, v7  }
0x18f: {  	vm0 =	vmand vm12, vm1;
	vm1 =	vge.s32 v50, v0;
	vm12 =	vlt.s32 v50, v1  }
0x190: {  	v6 =	vsub.s32 v47, v0;
	[tilespmem:$0x350] =	vst v5;
	vm1 =	vmand vm1, vm12;
	vm12 =	vge.u32 v4, s26  }
0x191: {  	[tilespmem:$0x410] =	vst v7;
	v5 =	vnsel vm0, $0xFFFFFFFF, v52;
	vm1 =	vmand vm12, vm1;
	vm12 =	vlt.u32 v4, s11  }
0x192: {  	[tilespmem:$0x360] =	vst v5;
	v4 =	vnsel vm0, $0x1388, v6;
	vm0 =	vmand vm12, vm1  }
0x193: {  	v5 =	vsub.s32 v50, v0;
	[tilespmem:$0x420] =	vst v4;
	v4 =	vnsel vm0, $0xFFFFFFFF, v53  }
0x194: {  	[tilespmem:$0x370] =	vst v4;
	v4 =	vnsel vm0, $0x1388, v5  }
0x195: {  	[tilespmem:$0x430] =	vst v4  }
0x196: {  	_ =	swait.ge [sflag:s25], $0x4000  }
0x197: {  	[sflag:s25] =	ssyncset.done $0x0  }
0x198: {  	s12 =	simm.s32 $0x500;
	[sflag:s25] =	ssyncadd.s32 $0xFFFFC000;
	(ifvalue) =	ssetifvalue $0x1388  }
0x199: {  	[spmem:s2] =	stream.indirect.scatter.add.f32 [tilespmem:s19], [sflag:$0x8], $0x100, s12, s14, $0x40b8;
	[tilespmem:$0x1FE40] =	vst v63  }
0x19a: {  	v4 =	vld [tilespmem:$0x140]  }
0x19b: {  	s31 =	sadd.s32 $0x90, s0;
	v5 =	vld [tilespmem:$0x150]  }
0x19c: {  	v55 =	vor.u32 s31, v2;
	s5 =	smov.u32 s4;
	s4 =	sadd.s32 $0xA0, s0  }
0x19d: {  	vm13 =	vge.u32 v55, s26;
	v56 =	vor.u32 s4, v2;
	s12 =	sadd.s32 $0x80, s0;
	s0 =	sadd.s32 $0xB0, s0  }
0x19e: {  	vm14 =	vge.u32 v56, s26;
	v54 =	vor.u32 s12, v2;
	v57 =	vor.u32 s0, v2;
	v61 =	vld [tilespmem:$0x170]  }
0x19f: {  	v58 =	vld [tilespmem:$0x80];
	vm15 =	vge.u32 v54, s26;
	vm0 =	vge.s32 v4, v0;
	vm1 =	vlt.s32 v4, v1  }
0x1a0: {  	v60 =	vld [tilespmem:$0x160];
	vm12 =	vge.u32 v57, s26;
	vm2 =	vlt.s32 v5, v1;
	vm0 =	vmand vm0, vm1  }
0x1a1: {  	v59 =	vld [tilespmem:$0x90];
	v4 =	vsub.s32 v4, v0;
	vm1 =	vlt.u32 v54, s11;
	vm0 =	vmand vm15, vm0  }
0x1a2: {  	vm15 =	vge.s32 v5, v0;
	v5 =	vsub.s32 v5, v0;
	vm0 =	vmand vm1, vm0  }
0x1a3: {  	vm1 =	vmand vm15, vm2;
	vm2 =	vlt.u32 v55, s11;
	vm15 =	vlt.s32 v61, v1  }
0x1a4: {  	v62 =	vld [tilespmem:$0xA0];
	v10 =	vnsel vm0, $0xFFFFFFFF, v58;
	vm1 =	vmand vm13, vm1;
	v4 =	vnsel vm0, $0x1388, v4  }
0x1a5: {  	vm13 =	vlt.s32 v60, v1;
	vm0 =	vmand vm2, vm1;
	vm2 =	vge.s32 v60, v0  }
0x1a6: {  	v63 =	vld [tilespmem:$0xB0];
	vm1 =	vlt.u32 v56, s11;
	[tilespmem:$0x380] =	vst v10;
	v11 =	vnsel vm0, $0xFFFFFFFF, v59;
	vm2 =	vmand vm2, vm13  }
0x1a7: {  	s26 =	smin.u32 s22, $0x32;
	[tilespmem:$0x440] =	vst v4;
	vm13 =	vlt.u32 v57, s11;
	vm2 =	vmand vm14, vm2;
	vm14 =	vge.s32 v61, v0  }
0x1a8: {  	s0 =	smul.u32 $0xC0, s26;
	v4 =	vnsel vm0, $0x1388, v5;
	[tilespmem:$0x390] =	vst v11;
	vm0 =	vmand vm1, vm2;
	vm1 =	vmand vm14, vm15  }
0x1a9: {  	v5 =	vsub.s32 v60, v0;
	[tilespmem:$0x450] =	vst v4;
	vm1 =	vmand vm12, vm1;
	v4 =	vnsel vm0, $0xFFFFFFFF, v62  }
0x1aa: {  	s0 =	sadd.s32 s0, s9;
	v5 =	vnsel vm0, $0x1388, v5;
	[tilespmem:$0x3A0] =	vst v4;
	vm0 =	vmand vm13, vm1  }
0x1ab: {  	s0 =	smin.u32 s0, $0x27040;
	[tilespmem:$0x460] =	vst v5;
	v5 =	vsub.s32 v61, v0;
	v4 =	vnsel vm0, $0xFFFFFFFF, v63  }
0x1ac: {  	s0 =	sshrl.u32 s0, $0x3;
	[tilespmem:$0x3B0] =	vst v4;
	v4 =	vnsel vm0, $0x1388, v5  }
0x1ad: {  	s12 =	simm.s32 $0x180;
	s0 =	sadd.s32 s5, s0;
	[tilespmem:$0x470] =	vst v4  }
0x1ae: {  	[tilespmem:s12], [sflag:$0x2] =	stream.linear.gather [hbm4b:s0+s3], $0xC0, $0x38;
	[tilespmem:$0x1FE40] =	vst v63  }
0x1af: {  	s11 =	simm.s32 $0x240;
	s0 =	sadd.s32 $0x4E20, s0  }
0x1b0: {  	[tilespmem:s11], [sflag:$0x2] =	stream.linear.gather [hbm4b:s0+s3], $0xC0, $0x38;
	[tilespmem:$0x1FE40] =	vst v63  }
0x1b1: {  	_ =	swait.ge [sflag:s28], $0x4000  }
0x1b2: {  	[sflag:s28] =	ssyncset.done $0x0  }
0x1b3: {  	[sflag:s28] =	ssyncadd.s32 $0xFFFFC000;
	(ifvalue) =	ssetifvalue $0xFFFFFFFF  }
0x1b4: {  	(ifvalue) =	ssetifvalue $0xFFFFFFFF  }
0x1b5: {  	[tilespmem:s30], [sflag:$0x3] =	stream.indirect.gather [hbm4b:s1+s14], $0x100, s15, s14, $0x40b8;
	[tilespmem:$0x1FE40] =	vst v63  }
0x1b6: {  	_ =	swait.ge [sflag:s29], $0x4000  }
0x1b7: {  	[sflag:s29] =	ssyncset.done $0x0  }
0x1b8: {  	[sflag:s29] =	ssyncadd.s32 $0xFFFFC000;
	(ifvalue) =	ssetifvalue $0xFFFFFFFF  }
0x1b9: {  	p1 =	sne.s32 s22, $0x34;
	(ifvalue) =	ssetifvalue $0xFFFFFFFF  }
0x1ba: {  	[tilespmem:s17], [sflag:$0x4] =	stream.indirect.gather [hbm4b:s1+s14], $0x100, s16, s14, $0x40b8;
	[tilespmem:$0x1FE40] =	vst v63  }
.Ltmp1:
0x1bb: {  	_ =	swait.ge [sflag:s7], $0x4000;
	(pc) =	sbr.rel @p1 .LBB2_4-.Ltmp1, $4  }
0x1bc: {  	s8 =	sadd.s32 $0x180, s8;
	[sflag:s7] =	ssyncset.done $0x0  }
0x1bd: {  	s31 =	simm.s32 $0xC0;
	[sflag:s7] =	ssyncadd.s32 $0xFFFFC000;
	(ifvalue) =	ssetifvalue $0xFFFFFFFF  }
0x1be: {  	s4 =	smov.u32 s5;
	s22 =	sadd.s32 $0x2, s22;
	(ifvalue) =	ssetifvalue $0xFFFFFFFF  }
0x1bf: {  	[tilespmem:s19], [sflag:$0x5] =	stream.indirect.gather [hbm4b:s1+s14], $0x100, s18, s14, $0x40b8;
	[tilespmem:$0x1FE40] =	vst v63  }
0x1c0: {  	_ =	swait.ge [sflag:s21], $0x4000  }
0x1c1: {  	[sflag:s21] =	ssyncset.done $0x0  }
0x1c2: {  	[sflag:s21] =	ssyncadd.s32 $0xFFFFC000  }
0x1c3: {  	_ =	swait.ge [sflag:s23], $0x4000  }
0x1c4: {  	[sflag:s23] =	ssyncset.done $0x0  }
0x1c5: {  	[sflag:s23] =	ssyncadd.s32 $0xFFFFC000  }
0x1c6: {  	_ =	swait.ge [sflag:s25], $0x4000  }
0x1c7: {  	[sflag:s25] =	ssyncset.done $0x0  }
0x1c8: {  	[sflag:s25] =	ssyncadd.s32 $0xFFFFC000  }
0x1c9: {  	_ =	swait.ge [sflag:s20], $0xC0  }
0x1ca: {  	[sflag:s20] =	ssyncset.done $0x0  }
0x1cb: {  	[sflag:s20] =	ssyncadd.s32 $0xFFFFFF40  }
0x1cc: {  	_ =	swait.ge [sflag:s20], $0xC0  }
0x1cd: {  	[sflag:s20] =	ssyncset.done $0x0  }
0x1ce: {  	s22 =	simm.s32 $0x0;
	s0 =	rddreg [dreg:$0xd];
	[sflag:s20] =	ssyncadd.s32 $0xFFFFFF40  }
0x1cf: {  	[tilespmem:s22], [sflag:$0x1] =	stream.linear.gather [hbm4b:s0+s22], $0xC0, $0x38;
	[tilespmem:$0x1FE40] =	vst v63  }
0x1d0: {  	s4 =	rddreg [dreg:$0xf]  }
0x1d1: {  	[tilespmem:s31], [sflag:$0x1] =	stream.linear.gather [hbm4b:s4+s22], $0xC0, $0x38;
	[tilespmem:$0x1FE40] =	vst v63  }
0x1d2: {  	s8 =	rddreg [dreg:$0x11]  }
0x1d3: {  	[tilespmem:s12], [sflag:$0x2] =	stream.linear.gather [hbm4b:s8+s22], $0xC0, $0x38;
	[tilespmem:$0x1FE40] =	vst v63  }
0x1d4: {  	s26 =	rddreg [dreg:$0x13]  }
0x1d5: {  	[tilespmem:s11], [sflag:$0x2] =	stream.linear.gather [hbm4b:s26+s22], $0xC0, $0x38;
	[tilespmem:$0x1FE40] =	vst v63  }
0x1d6: {  	_ =	swait.ge [sflag:s13], $0xC0  }
0x1d7: {  	[sflag:s13] =	ssyncset.done $0x0  }
0x1d8: {  	[sflag:s13] =	ssyncadd.s32 $0xFFFFFF40  }
0x1d9: {  	_ =	swait.ge [sflag:s13], $0xC0  }
0x1da: {  	[sflag:s13] =	ssyncset.done $0x0  }
0x1db: {  	[sflag:s13] =	ssyncadd.s32 $0xFFFFFF40  }
0x1dc: {  	v4 =	vld [tilespmem:$0xC0]  }
0x1dd: {  	v5 =	vld [tilespmem:$0xD0]  }
0x1de: {  	v11 =	vld [tilespmem:$0x1FF70]  }
0x1df: {  	v6 =	vld [tilespmem:$0x0];
	_ =	sdelay $0x1  }
0x1e0: {  	v8 =	vld [tilespmem:$0x10];
	vm0 =	vge.s32 v4, v0;
	vm1 =	vlt.s32 v4, v1  }
0x1e1: {  	vm2 =	vlt.s32 v5, v1;
	vm0 =	vmand vm0, vm1;
	vm1 =	vge.s32 v5, v0  }
0x1e2: {  	v4 =	vsub.s32 v4, v0;
	vm0 =	vmand vm0, vm11;
	vm1 =	vmand vm1, vm2  }
0x1e3: {  	v6 =	vnsel vm0, $0xFFFFFFFF, v6;
	v4 =	vnsel vm0, $0x1388, v4;
	vm0 =	vnez.u8 v11  }
0x1e4: {  	vm0 =	vmand vm1, vm0  }
0x1e5: {  	v7 =	vld [tilespmem:$0xE0];
	[tilespmem:$0x3C0] =	vst v4;
	v4 =	vnsel vm0, $0xFFFFFFFF, v8  }
0x1e6: {  	[tilespmem:$0x310] =	vst v4;
	v4 =	vld [tilespmem:$0x1FF80];
	_ =	sdelay $0x1  }
0x1e7: {  	v10 =	vld [tilespmem:$0x20];
	_ =	sdelay $0x1  }
0x1e8: {  	v5 =	vsub.s32 v5, v0;
	vm2 =	vlt.s32 v7, v1;
	vm1 =	vge.s32 v7, v0  }
0x1e9: {  	v5 =	vnsel vm0, $0x1388, v5;
	vm0 =	vmand vm1, vm2;
	vm1 =	vnez.u8 v4  }
0x1ea: {  	vm0 =	vmand vm0, vm1  }
0x1eb: {  	v9 =	vld [tilespmem:$0xF0];
	[tilespmem:$0x3D0] =	vst v5;
	v5 =	vsub.s32 v7, v0;
	v4 =	vnsel vm0, $0xFFFFFFFF, v10  }
0x1ec: {  	[tilespmem:$0x320] =	vst v4;
	v4 =	vnsel vm0, $0x1388, v5;
	v5 =	vld [tilespmem:$0x1FFA0];
	_ =	sdelay $0x1  }
0x1ed: {  	v51 =	vld [tilespmem:$0x30];
	_ =	sdelay $0x1  }
0x1ee: {  	vm2 =	vlt.s32 v9, v1;
	vm1 =	vge.s32 v9, v0  }
0x1ef: {  	vm1 =	vmand vm1, vm2;
	vm0 =	vnez.u8 v5  }
0x1f0: {  	[tilespmem:$0x300] =	vst v6;
	vm0 =	vmand vm1, vm0  }
0x1f1: {  	[tilespmem:$0x3E0] =	vst v4;
	v5 =	vsub.s32 v9, v0;
	v4 =	vnsel vm0, $0xFFFFFFFF, v51  }
0x1f2: {  	[tilespmem:$0x330] =	vst v4;
	v4 =	vnsel vm0, $0x1388, v5  }
0x1f3: {  	[tilespmem:$0x3F0] =	vst v4;
	(ifvalue) =	ssetifvalue $0xFFFFFFFF  }
0x1f4: {  	(ifvalue) =	ssetifvalue $0xFFFFFFFF  }
0x1f5: {  	[tilespmem:s30], [sflag:$0x3] =	stream.indirect.gather [hbm4b:s6+s14], $0x100, s15, s14, $0x40b8;
	[tilespmem:$0x1FE40] =	vst v63  }
0x1f6: {  	v4 =	vld [tilespmem:$0x100]  }
0x1f7: {  	v5 =	vld [tilespmem:$0x110]  }
0x1f8: {  	v52 =	vld [tilespmem:$0x40]  }
0x1f9: {  	v53 =	vld [tilespmem:$0x120];
	_ =	sdelay $0x1  }
0x1fa: {  	v54 =	vld [tilespmem:$0x50];
	vm0 =	vge.s32 v4, v0;
	vm1 =	vlt.s32 v4, v1  }
0x1fb: {  	v55 =	vld [tilespmem:$0x130];
	vm2 =	vlt.s32 v5, v1;
	v4 =	vsub.s32 v4, v0;
	vm0 =	vmand vm0, vm1  }
0x1fc: {  	v56 =	vld [tilespmem:$0x60];
	vm1 =	vge.s32 v5, v0;
	v5 =	vsub.s32 v5, v0;
	vm0 =	vmand vm0, vm3  }
0x1fd: {  	vm1 =	vmand vm1, vm2;
	vm2 =	vlt.s32 v53, v1;
	v6 =	vnsel vm0, $0xFFFFFFFF, v52  }
0x1fe: {  	v57 =	vld [tilespmem:$0x70];
	v4 =	vnsel vm0, $0x1388, v4;
	vm0 =	vmand vm1, vm4;
	vm1 =	vge.s32 v53, v0;
	[tilespmem:$0x340] =	vst v6  }
0x1ff: {  	[tilespmem:$0x400] =	vst v4;
	v4 =	vnsel vm0, $0xFFFFFFFF, v54;
	v5 =	vnsel vm0, $0x1388, v5;
	vm0 =	vmand vm1, vm2  }
0x200: {  	vm1 =	vge.s32 v55, v0;
	vm2 =	vlt.s32 v55, v1;
	[tilespmem:$0x350] =	vst v4;
	vm0 =	vmand vm0, vm5  }
0x201: {  	[tilespmem:$0x410] =	vst v5;
	v5 =	vsub.s32 v53, v0;
	vm1 =	vmand vm1, vm2;
	v4 =	vnsel vm0, $0xFFFFFFFF, v56  }
0x202: {  	[tilespmem:$0x360] =	vst v4;
	v4 =	vnsel vm0, $0x1388, v5;
	vm0 =	vmand vm1, vm6  }
0x203: {  	v5 =	vsub.s32 v55, v0;
	[tilespmem:$0x420] =	vst v4;
	v4 =	vnsel vm0, $0xFFFFFFFF, v57  }
0x204: {  	[tilespmem:$0x370] =	vst v4;
	v4 =	vnsel vm0, $0x1388, v5  }
0x205: {  	[tilespmem:$0x430] =	vst v4;
	(ifvalue) =	ssetifvalue $0xFFFFFFFF  }
0x206: {  	(ifvalue) =	ssetifvalue $0xFFFFFFFF  }
0x207: {  	[tilespmem:s17], [sflag:$0x4] =	stream.indirect.gather [hbm4b:s6+s14], $0x100, s16, s14, $0x40b8;
	[tilespmem:$0x1FE40] =	vst v63  }
0x208: {  	v4 =	vld [tilespmem:$0x140]  }
0x209: {  	v5 =	vld [tilespmem:$0x150]  }
0x20a: {  	v58 =	vld [tilespmem:$0x80]  }
0x20b: {  	v59 =	vld [tilespmem:$0x160];
	_ =	sdelay $0x1  }
0x20c: {  	v60 =	vld [tilespmem:$0x90];
	vm0 =	vge.s32 v4, v0;
	vm1 =	vlt.s32 v4, v1  }
0x20d: {  	v61 =	vld [tilespmem:$0x170];
	vm2 =	vlt.s32 v5, v1;
	v4 =	vsub.s32 v4, v0;
	vm0 =	vmand vm0, vm1  }
0x20e: {  	v62 =	vld [tilespmem:$0xA0];
	vm1 =	vge.s32 v5, v0;
	v5 =	vsub.s32 v5, v0;
	vm0 =	vmand vm0, vm7  }
0x20f: {  	vm1 =	vmand vm1, vm2;
	vm2 =	vlt.s32 v59, v1;
	v6 =	vnsel vm0, $0xFFFFFFFF, v58  }
0x210: {  	v63 =	vld [tilespmem:$0xB0];
	v4 =	vnsel vm0, $0x1388, v4;
	vm0 =	vmand vm1, vm8;
	vm1 =	vge.s32 v59, v0;
	[tilespmem:$0x380] =	vst v6  }
0x211: {  	[tilespmem:$0x440] =	vst v4;
	v4 =	vnsel vm0, $0xFFFFFFFF, v60;
	v5 =	vnsel vm0, $0x1388, v5;
	vm0 =	vmand vm1, vm2  }
0x212: {  	vm1 =	vge.s32 v61, v0;
	vm2 =	vlt.s32 v61, v1;
	[tilespmem:$0x390] =	vst v4;
	vm0 =	vmand vm0, vm9  }
0x213: {  	vm1 =	vmand vm1, vm2;
	[tilespmem:$0x450] =	vst v5;
	v5 =	vsub.s32 v59, v0;
	v4 =	vnsel vm0, $0xFFFFFFFF, v62  }
0x214: {  	[tilespmem:$0x3A0] =	vst v4;
	v4 =	vnsel vm0, $0x1388, v5;
	vm0 =	vmand vm1, vm10  }
0x215: {  	v5 =	vsub.s32 v61, v0;
	[tilespmem:$0x460] =	vst v4;
	v4 =	vnsel vm0, $0xFFFFFFFF, v63  }
0x216: {  	[tilespmem:$0x3B0] =	vst v4;
	v4 =	vnsel vm0, $0x1388, v5  }
0x217: {  	[tilespmem:$0x470] =	vst v4;
	(ifvalue) =	ssetifvalue $0xFFFFFFFF  }
0x218: {  	(ifvalue) =	ssetifvalue $0xFFFFFFFF  }
0x219: {  	[tilespmem:s19], [sflag:$0x5] =	stream.indirect.gather [hbm4b:s6+s14], $0x100, s18, s14, $0x40b8;
	[tilespmem:$0x1FE40] =	vst v63  }
0x21a: {  	s8 =	smov.u32 s24;
	s31 =	rddreg [dreg:$0x4]  }
.LBB2_6:
0x21b: {  	_ =	swait.ge [sflag:s20], $0xC0  }
0x21c: {  	[sflag:s20] =	ssyncset.done $0x0  }
0x21d: {  	[sflag:s20] =	ssyncadd.s32 $0xFFFFFF40  }
0x21e: {  	_ =	swait.ge [sflag:s20], $0xC0  }
0x21f: {  	[sflag:s20] =	ssyncset.done $0x0  }
0x220: {  	[sflag:s20] =	ssyncadd.s32 $0xFFFFFF40  }
0x221: {  	_ =	swait.ge [sflag:s21], $0x4000  }
0x222: {  	[sflag:s21] =	ssyncset.done $0x0  }
0x223: {  	s0 =	simm.s32 $0x3C0;
	[sflag:s21] =	ssyncadd.s32 $0xFFFFC000;
	(ifvalue) =	ssetifvalue $0x1388  }
0x224: {  	[spmem:s2] =	stream.indirect.scatter.add.f32 [tilespmem:s30], [sflag:$0x6], $0x100, s0, s14, $0x40b8;
	[tilespmem:$0x1FE40] =	vst v63  }
0x225: {  	v4 =	vld [tilespmem:$0x240]  }
0x226: {  	s0 =	sadd.s32 $0xFFFFFF40, s8  }
0x227: {  	p1 =	slt.s32 s0, $0x27040;
	s11 =	smov.u32 s0;
	v5 =	vld [tilespmem:$0x180]  }
0x228: {  	s26 =	smov.u32 s10;
	v7 =	vld [tilespmem:$0x250];
	s11 =	simm.s32 @!p1 $0x27040;
	p1 =	slt.s32 s0, s10  }
0x229: {  	v15 =	vld [tilespmem:$0x260];
	s26 =	smov.u32 @p1 s0  }
0x22a: {  	p1 =	slt.s32 s8, s10;
	s0 =	smov.u32 s10;
	v6 =	vor.u32 s11, v2;
	s4 =	sadd.s32 $0x10, s11;
	vm0 =	vge.s32 v4, v0;
	vm1 =	vlt.s32 v4, v1  }
0x22b: {  	s12 =	sadd.s32 $0x20, s11;
	s0 =	smov.u32 @p1 s8;
	v8 =	vor.u32 s4, v2;
	vm0 =	vmand vm0, vm1;
	vm1 =	vge.u32 v6, s26  }
0x22c: {  	v10 =	vor.u32 s12, v2;
	vm0 =	vmand vm1, vm0;
	vm1 =	vlt.u32 v6, s0  }
0x22d: {  	vm2 =	vlt.s32 v7, v1;
	v4 =	vsub.s32 v4, v0;
	vm0 =	vmand vm1, vm0  }
0x22e: {  	v9 =	vld [tilespmem:$0x190];
	vm12 =	vlt.s32 v15, v1;
	vm1 =	vge.s32 v7, v0;
	v5 =	vnsel vm0, $0xFFFFFFFF, v5  }
0x22f: {  	v16 =	vld [tilespmem:$0x270];
	vm1 =	vmand vm1, vm2;
	vm2 =	vge.u32 v8, s26;
	v4 =	vnsel vm0, $0x1388, v4  }
0x230: {  	vm0 =	vmand vm2, vm1;
	vm1 =	vlt.u32 v8, s0;
	vm2 =	vge.s32 v15, v0  }
0x231: {  	v11 =	vld [tilespmem:$0x1A0];
	s12 =	sadd.s32 $0x30, s11;
	vm0 =	vmand vm1, vm0;
	vm1 =	vmand vm2, vm12;
	vm2 =	vge.u32 v10, s26  }
0x232: {  	v7 =	vsub.s32 v7, v0;
	[tilespmem:$0x480] =	vst v4;
	v4 =	vor.u32 s12, v2;
	vm1 =	vmand vm2, vm1  }
0x233: {  	v17 =	vld [tilespmem:$0x1B0];
	[tilespmem:$0x300] =	vst v5;
	vm2 =	vlt.u32 v10, s0;
	v5 =	vnsel vm0, $0xFFFFFFFF, v9;
	v7 =	vnsel vm0, $0x1388, v7  }
0x234: {  	vm0 =	vmand vm2, vm1;
	vm1 =	vge.s32 v16, v0;
	vm2 =	vlt.s32 v16, v1  }
0x235: {  	v6 =	vsub.s32 v15, v0;
	[tilespmem:$0x310] =	vst v5;
	vm1 =	vmand vm1, vm2;
	vm2 =	vge.u32 v4, s26  }
0x236: {  	[tilespmem:$0x490] =	vst v7;
	v5 =	vnsel vm0, $0xFFFFFFFF, v11;
	vm1 =	vmand vm2, vm1;
	vm2 =	vlt.u32 v4, s0  }
0x237: {  	[tilespmem:$0x320] =	vst v5;
	v4 =	vnsel vm0, $0x1388, v6;
	vm0 =	vmand vm2, vm1  }
0x238: {  	v5 =	vsub.s32 v16, v0;
	[tilespmem:$0x4A0] =	vst v4;
	v4 =	vnsel vm0, $0xFFFFFFFF, v17  }
0x239: {  	[tilespmem:$0x330] =	vst v4;
	v4 =	vnsel vm0, $0x1388, v5  }
0x23a: {  	[tilespmem:$0x4B0] =	vst v4  }
0x23b: {  	_ =	swait.ge [sflag:s23], $0x4000  }
0x23c: {  	[sflag:s23] =	ssyncset.done $0x0  }
0x23d: {  	s12 =	simm.s32 $0x400;
	[sflag:s23] =	ssyncadd.s32 $0xFFFFC000;
	(ifvalue) =	ssetifvalue $0x1388  }
0x23e: {  	[spmem:s2] =	stream.indirect.scatter.add.f32 [tilespmem:s17], [sflag:$0x7], $0x100, s12, s14, $0x40b8;
	[tilespmem:$0x1FE40] =	vst v63  }
0x23f: {  	v4 =	vld [tilespmem:$0x280];
	_ =	sdelay $0x1  }
0x240: {  	v5 =	vld [tilespmem:$0x1C0]  }
0x241: {  	v19 =	vld [tilespmem:$0x290]  }
0x242: {  	s12 =	sadd.s32 $0x40, s11;
	v20 =	vld [tilespmem:$0x2A0]  }
0x243: {  	v18 =	vor.u32 s12, v2;
	s12 =	sadd.s32 $0x50, s11;
	vm0 =	vge.s32 v4, v0;
	vm1 =	vlt.s32 v4, v1  }
0x244: {  	v21 =	vor.u32 s12, v2;
	s12 =	sadd.s32 $0x60, s11;
	vm0 =	vmand vm0, vm1;
	vm1 =	vge.u32 v18, s26  }
0x245: {  	v24 =	vor.u32 s12, v2;
	vm0 =	vmand vm1, vm0;
	vm1 =	vlt.u32 v18, s0  }
0x246: {  	vm2 =	vlt.s32 v19, v1;
	v4 =	vsub.s32 v4, v0;
	vm0 =	vmand vm1, vm0  }
0x247: {  	v22 =	vld [tilespmem:$0x1D0];
	vm12 =	vlt.s32 v20, v1;
	vm1 =	vge.s32 v19, v0;
	v5 =	vnsel vm0, $0xFFFFFFFF, v5  }
0x248: {  	v23 =	vld [tilespmem:$0x2B0];
	vm1 =	vmand vm1, vm2;
	vm2 =	vge.u32 v21, s26;
	v4 =	vnsel vm0, $0x1388, v4  }
0x249: {  	vm0 =	vmand vm2, vm1;
	vm1 =	vlt.u32 v21, s0;
	vm2 =	vge.s32 v20, v0  }
0x24a: {  	v25 =	vld [tilespmem:$0x1E0];
	s12 =	sadd.s32 $0x70, s11;
	vm0 =	vmand vm1, vm0;
	vm1 =	vmand vm2, vm12;
	vm2 =	vge.u32 v24, s26  }
0x24b: {  	v7 =	vsub.s32 v19, v0;
	[tilespmem:$0x4C0] =	vst v4;
	v4 =	vor.u32 s12, v2;
	vm1 =	vmand vm2, vm1  }
0x24c: {  	v26 =	vld [tilespmem:$0x1F0];
	[tilespmem:$0x340] =	vst v5;
	vm2 =	vlt.u32 v24, s0;
	v5 =	vnsel vm0, $0xFFFFFFFF, v22;
	v7 =	vnsel vm0, $0x1388, v7  }
0x24d: {  	vm0 =	vmand vm2, vm1;
	vm1 =	vge.s32 v23, v0;
	vm2 =	vlt.s32 v23, v1  }
0x24e: {  	v6 =	vsub.s32 v20, v0;
	[tilespmem:$0x350] =	vst v5;
	vm1 =	vmand vm1, vm2;
	vm2 =	vge.u32 v4, s26  }
0x24f: {  	[tilespmem:$0x4D0] =	vst v7;
	v5 =	vnsel vm0, $0xFFFFFFFF, v25;
	vm1 =	vmand vm2, vm1;
	vm2 =	vlt.u32 v4, s0  }
0x250: {  	[tilespmem:$0x360] =	vst v5;
	v4 =	vnsel vm0, $0x1388, v6;
	vm0 =	vmand vm2, vm1  }
0x251: {  	v5 =	vsub.s32 v23, v0;
	[tilespmem:$0x4E0] =	vst v4;
	v4 =	vnsel vm0, $0xFFFFFFFF, v26  }
0x252: {  	[tilespmem:$0x370] =	vst v4;
	v4 =	vnsel vm0, $0x1388, v5  }
0x253: {  	[tilespmem:$0x4F0] =	vst v4  }
0x254: {  	_ =	swait.ge [sflag:s25], $0x4000  }
0x255: {  	[sflag:s25] =	ssyncset.done $0x0  }
0x256: {  	s12 =	simm.s32 $0x440;
	[sflag:s25] =	ssyncadd.s32 $0xFFFFC000;
	(ifvalue) =	ssetifvalue $0x1388  }
0x257: {  	[spmem:s2] =	stream.indirect.scatter.add.f32 [tilespmem:s19], [sflag:$0x8], $0x100, s12, s14, $0x40b8;
	[tilespmem:$0x1FE40] =	vst v63  }
0x258: {  	v4 =	vld [tilespmem:$0x2C0];
	_ =	sdelay $0x1  }
0x259: {  	v5 =	vld [tilespmem:$0x200]  }
0x25a: {  	v28 =	vld [tilespmem:$0x2D0]  }
0x25b: {  	s12 =	sadd.s32 $0x80, s11;
	v29 =	vld [tilespmem:$0x2E0]  }
0x25c: {  	v27 =	vor.u32 s12, v2;
	s12 =	sadd.s32 $0x90, s11;
	vm0 =	vge.s32 v4, v0;
	vm1 =	vlt.s32 v4, v1  }
0x25d: {  	v30 =	vor.u32 s12, v2;
	s12 =	sadd.s32 $0xA0, s11;
	vm0 =	vmand vm0, vm1;
	vm1 =	vge.u32 v27, s26  }
0x25e: {  	v33 =	vor.u32 s12, v2;
	vm0 =	vmand vm1, vm0;
	vm1 =	vlt.u32 v27, s0  }
0x25f: {  	vm2 =	vlt.s32 v28, v1;
	v4 =	vsub.s32 v4, v0;
	vm0 =	vmand vm1, vm0  }
0x260: {  	v31 =	vld [tilespmem:$0x210];
	vm12 =	vlt.s32 v29, v1;
	vm1 =	vge.s32 v28, v0;
	v5 =	vnsel vm0, $0xFFFFFFFF, v5  }
0x261: {  	v32 =	vld [tilespmem:$0x2F0];
	vm1 =	vmand vm1, vm2;
	vm2 =	vge.u32 v30, s26;
	v4 =	vnsel vm0, $0x1388, v4  }
0x262: {  	vm0 =	vmand vm2, vm1;
	vm1 =	vlt.u32 v30, s0;
	vm2 =	vge.s32 v29, v0  }
0x263: {  	v34 =	vld [tilespmem:$0x220];
	s11 =	sadd.s32 $0xB0, s11;
	vm0 =	vmand vm1, vm0;
	vm1 =	vmand vm2, vm12;
	vm2 =	vge.u32 v33, s26  }
0x264: {  	v7 =	vsub.s32 v28, v0;
	[tilespmem:$0x500] =	vst v4;
	v4 =	vor.u32 s11, v2;
	vm1 =	vmand vm2, vm1  }
0x265: {  	v35 =	vld [tilespmem:$0x230];
	[tilespmem:$0x380] =	vst v5;
	vm2 =	vlt.u32 v33, s0;
	v5 =	vnsel vm0, $0xFFFFFFFF, v31;
	v7 =	vnsel vm0, $0x1388, v7  }
0x266: {  	s12 =	smin.u32 s22, $0x33;
	vm0 =	vmand vm2, vm1;
	vm1 =	vge.s32 v32, v0;
	vm2 =	vlt.s32 v32, v1  }
0x267: {  	s4 =	smul.u32 $0xC0, s12;
	v6 =	vsub.s32 v29, v0;
	[tilespmem:$0x390] =	vst v5;
	vm1 =	vmand vm1, vm2;
	vm2 =	vge.u32 v4, s26  }
0x268: {  	[tilespmem:$0x510] =	vst v7;
	v5 =	vnsel vm0, $0xFFFFFFFF, v34;
	vm1 =	vmand vm2, vm1;
	vm2 =	vlt.u32 v4, s0  }
0x269: {  	s11 =	sadd.s32 s4, s24;
	[tilespmem:$0x3A0] =	vst v5;
	v4 =	vnsel vm0, $0x1388, v6;
	vm0 =	vmand vm2, vm1  }
0x26a: {  	v5 =	vsub.s32 v32, v0;
	s0 =	smin.u32 s11, $0x27040;
	[tilespmem:$0x520] =	vst v4;
	v4 =	vnsel vm0, $0xFFFFFFFF, v35  }
0x26b: {  	s12 =	sshrl.u32 s0, $0x3;
	[tilespmem:$0x3B0] =	vst v4;
	v4 =	vnsel vm0, $0x1388, v5  }
0x26c: {  	s12 =	sadd.s32 s31, s12;
	[tilespmem:$0x530] =	vst v4  }
0x26d: {  	[tilespmem:s3], [sflag:$0x1] =	stream.linear.gather [hbm4b:s12+s3], $0xC0, $0x38;
	[tilespmem:$0x1FE40] =	vst v63  }
0x26e: {  	s26 =	simm.s32 $0xC0;
	s12 =	sadd.s32 $0x4E20, s12  }
0x26f: {  	[tilespmem:s26], [sflag:$0x1] =	stream.linear.gather [hbm4b:s12+s3], $0xC0, $0x38;
	[tilespmem:$0x1FE40] =	vst v63  }
0x270: {  	_ =	swait.ge [sflag:s28], $0x4000  }
0x271: {  	[sflag:s28] =	ssyncset.done $0x0  }
0x272: {  	[sflag:s28] =	ssyncadd.s32 $0xFFFFC000;
	(ifvalue) =	ssetifvalue $0xFFFFFFFF  }
0x273: {  	(ifvalue) =	ssetifvalue $0xFFFFFFFF  }
0x274: {  	[tilespmem:s30], [sflag:$0x3] =	stream.indirect.gather [hbm4b:s6+s14], $0x100, s15, s14, $0x40b8;
	[tilespmem:$0x1FE40] =	vst v63  }
0x275: {  	_ =	swait.ge [sflag:s29], $0x4000  }
0x276: {  	[sflag:s29] =	ssyncset.done $0x0  }
0x277: {  	[sflag:s29] =	ssyncadd.s32 $0xFFFFC000;
	(ifvalue) =	ssetifvalue $0xFFFFFFFF  }
0x278: {  	(ifvalue) =	ssetifvalue $0xFFFFFFFF  }
0x279: {  	[tilespmem:s17], [sflag:$0x4] =	stream.indirect.gather [hbm4b:s6+s14], $0x100, s16, s14, $0x40b8;
	[tilespmem:$0x1FE40] =	vst v63  }
0x27a: {  	_ =	swait.ge [sflag:s7], $0x4000  }
0x27b: {  	[sflag:s7] =	ssyncset.done $0x0  }
0x27c: {  	[sflag:s7] =	ssyncadd.s32 $0xFFFFC000;
	(ifvalue) =	ssetifvalue $0xFFFFFFFF  }
0x27d: {  	(ifvalue) =	ssetifvalue $0xFFFFFFFF  }
0x27e: {  	[tilespmem:s19], [sflag:$0x5] =	stream.indirect.gather [hbm4b:s6+s14], $0x100, s18, s14, $0x40b8;
	[tilespmem:$0x1FE40] =	vst v63  }
0x27f: {  	_ =	swait.ge [sflag:s13], $0xC0  }
0x280: {  	[sflag:s13] =	ssyncset.done $0x0  }
0x281: {  	[sflag:s13] =	ssyncadd.s32 $0xFFFFFF40  }
0x282: {  	_ =	swait.ge [sflag:s13], $0xC0  }
0x283: {  	[sflag:s13] =	ssyncset.done $0x0  }
0x284: {  	[sflag:s13] =	ssyncadd.s32 $0xFFFFFF40  }
0x285: {  	_ =	swait.ge [sflag:s21], $0x4000  }
0x286: {  	[sflag:s21] =	ssyncset.done $0x0  }
0x287: {  	s26 =	simm.s32 $0x480;
	[sflag:s21] =	ssyncadd.s32 $0xFFFFC000;
	(ifvalue) =	ssetifvalue $0x1388  }
0x288: {  	[spmem:s2] =	stream.indirect.scatter.add.f32 [tilespmem:s30], [sflag:$0x6], $0x100, s26, s14, $0x40b8;
	[tilespmem:$0x1FE40] =	vst v63  }
0x289: {  	v4 =	vld [tilespmem:$0xC0];
	_ =	sdelay $0x1  }
0x28a: {  	v5 =	vld [tilespmem:$0x0]  }
0x28b: {  	v37 =	vld [tilespmem:$0xD0]  }
0x28c: {  	v38 =	vld [tilespmem:$0xE0]  }
0x28d: {  	s4 =	sadd.s32 s4, s9;
	v36 =	vor.u32 s0, v2;
	s12 =	sadd.s32 $0x10, s0;
	s26 =	smin.u32 s11, s10;
	vm0 =	vge.s32 v4, v0;
	vm1 =	vlt.s32 v4, v1  }
0x28e: {  	v39 =	vor.u32 s12, v2;
	s12 =	sadd.s32 $0x20, s0;
	s11 =	smin.u32 s4, s10;
	vm0 =	vmand vm0, vm1;
	vm1 =	vge.u32 v36, s26  }
0x28f: {  	v42 =	vor.u32 s12, v2;
	vm0 =	vmand vm1, vm0;
	vm1 =	vlt.u32 v36, s11  }
0x290: {  	vm2 =	vlt.s32 v37, v1;
	v4 =	vsub.s32 v4, v0;
	vm0 =	vmand vm1, vm0  }
0x291: {  	v40 =	vld [tilespmem:$0x10];
	vm12 =	vlt.s32 v38, v1;
	vm1 =	vge.s32 v37, v0;
	v5 =	vnsel vm0, $0xFFFFFFFF, v5  }
0x292: {  	v41 =	vld [tilespmem:$0xF0];
	vm1 =	vmand vm1, vm2;
	vm2 =	vge.u32 v39, s26;
	v4 =	vnsel vm0, $0x1388, v4  }
0x293: {  	vm0 =	vmand vm2, vm1;
	vm1 =	vlt.u32 v39, s11;
	vm2 =	vge.s32 v38, v0  }
0x294: {  	s12 =	sadd.s32 $0x30, s0;
	v43 =	vld [tilespmem:$0x20];
	vm0 =	vmand vm1, vm0;
	vm1 =	vmand vm2, vm12;
	vm2 =	vge.u32 v42, s26  }
0x295: {  	v7 =	vsub.s32 v37, v0;
	[tilespmem:$0x3C0] =	vst v4;
	v4 =	vor.u32 s12, v2;
	vm1 =	vmand vm2, vm1  }
0x296: {  	v44 =	vld [tilespmem:$0x30];
	[tilespmem:$0x300] =	vst v5;
	vm2 =	vlt.u32 v42, s11;
	v5 =	vnsel vm0, $0xFFFFFFFF, v40;
	v7 =	vnsel vm0, $0x1388, v7  }
0x297: {  	vm0 =	vmand vm2, vm1;
	vm1 =	vge.s32 v41, v0;
	vm2 =	vlt.s32 v41, v1  }
0x298: {  	v6 =	vsub.s32 v38, v0;
	[tilespmem:$0x310] =	vst v5;
	vm1 =	vmand vm1, vm2;
	vm2 =	vge.u32 v4, s26  }
0x299: {  	[tilespmem:$0x3D0] =	vst v7;
	v5 =	vnsel vm0, $0xFFFFFFFF, v43;
	vm1 =	vmand vm2, vm1;
	vm2 =	vlt.u32 v4, s11  }
0x29a: {  	[tilespmem:$0x320] =	vst v5;
	v4 =	vnsel vm0, $0x1388, v6;
	vm0 =	vmand vm2, vm1  }
0x29b: {  	v5 =	vsub.s32 v41, v0;
	[tilespmem:$0x3E0] =	vst v4;
	v4 =	vnsel vm0, $0xFFFFFFFF, v44  }
0x29c: {  	[tilespmem:$0x330] =	vst v4;
	v4 =	vnsel vm0, $0x1388, v5  }
0x29d: {  	[tilespmem:$0x3F0] =	vst v4  }
0x29e: {  	_ =	swait.ge [sflag:s23], $0x4000  }
0x29f: {  	[sflag:s23] =	ssyncset.done $0x0  }
0x2a0: {  	s12 =	simm.s32 $0x4C0;
	[sflag:s23] =	ssyncadd.s32 $0xFFFFC000;
	(ifvalue) =	ssetifvalue $0x1388  }
0x2a1: {  	[spmem:s2] =	stream.indirect.scatter.add.f32 [tilespmem:s17], [sflag:$0x7], $0x100, s12, s14, $0x40b8;
	[tilespmem:$0x1FE40] =	vst v63  }
0x2a2: {  	v4 =	vld [tilespmem:$0x100];
	_ =	sdelay $0x1  }
0x2a3: {  	v5 =	vld [tilespmem:$0x40]  }
0x2a4: {  	v46 =	vld [tilespmem:$0x110]  }
0x2a5: {  	s12 =	sadd.s32 $0x40, s0;
	v47 =	vld [tilespmem:$0x120]  }
0x2a6: {  	v45 =	vor.u32 s12, v2;
	s12 =	sadd.s32 $0x50, s0;
	vm0 =	vge.s32 v4, v0;
	vm1 =	vlt.s32 v4, v1  }
0x2a7: {  	v48 =	vor.u32 s12, v2;
	s12 =	sadd.s32 $0x60, s0;
	vm0 =	vmand vm0, vm1;
	vm1 =	vge.u32 v45, s26  }
0x2a8: {  	v51 =	vor.u32 s12, v2;
	vm0 =	vmand vm1, vm0;
	vm1 =	vlt.u32 v45, s11  }
0x2a9: {  	vm2 =	vlt.s32 v46, v1;
	v4 =	vsub.s32 v4, v0;
	vm0 =	vmand vm1, vm0  }
0x2aa: {  	v49 =	vld [tilespmem:$0x50];
	vm12 =	vlt.s32 v47, v1;
	vm1 =	vge.s32 v46, v0;
	v5 =	vnsel vm0, $0xFFFFFFFF, v5  }
0x2ab: {  	v50 =	vld [tilespmem:$0x130];
	vm1 =	vmand vm1, vm2;
	vm2 =	vge.u32 v48, s26;
	v4 =	vnsel vm0, $0x1388, v4  }
0x2ac: {  	vm0 =	vmand vm2, vm1;
	vm1 =	vlt.u32 v48, s11;
	vm2 =	vge.s32 v47, v0  }
0x2ad: {  	v52 =	vld [tilespmem:$0x60];
	s12 =	sadd.s32 $0x70, s0;
	vm0 =	vmand vm1, vm0;
	vm1 =	vmand vm2, vm12;
	vm2 =	vge.u32 v51, s26  }
0x2ae: {  	v7 =	vsub.s32 v46, v0;
	[tilespmem:$0x400] =	vst v4;
	v4 =	vor.u32 s12, v2;
	vm1 =	vmand vm2, vm1  }
0x2af: {  	v53 =	vld [tilespmem:$0x70];
	[tilespmem:$0x340] =	vst v5;
	vm2 =	vlt.u32 v51, s11;
	v5 =	vnsel vm0, $0xFFFFFFFF, v49;
	v7 =	vnsel vm0, $0x1388, v7  }
0x2b0: {  	vm0 =	vmand vm2, vm1;
	vm1 =	vge.s32 v50, v0;
	vm2 =	vlt.s32 v50, v1  }
0x2b1: {  	v6 =	vsub.s32 v47, v0;
	[tilespmem:$0x350] =	vst v5;
	vm1 =	vmand vm1, vm2;
	vm2 =	vge.u32 v4, s26  }
0x2b2: {  	[tilespmem:$0x410] =	vst v7;
	v5 =	vnsel vm0, $0xFFFFFFFF, v52;
	vm1 =	vmand vm2, vm1;
	vm2 =	vlt.u32 v4, s11  }
0x2b3: {  	[tilespmem:$0x360] =	vst v5;
	v4 =	vnsel vm0, $0x1388, v6;
	vm0 =	vmand vm2, vm1  }
0x2b4: {  	v5 =	vsub.s32 v50, v0;
	[tilespmem:$0x420] =	vst v4;
	v4 =	vnsel vm0, $0xFFFFFFFF, v53  }
0x2b5: {  	[tilespmem:$0x370] =	vst v4;
	v4 =	vnsel vm0, $0x1388, v5  }
0x2b6: {  	[tilespmem:$0x430] =	vst v4  }
0x2b7: {  	_ =	swait.ge [sflag:s25], $0x4000  }
0x2b8: {  	[sflag:s25] =	ssyncset.done $0x0  }
0x2b9: {  	s12 =	simm.s32 $0x500;
	[sflag:s25] =	ssyncadd.s32 $0xFFFFC000;
	(ifvalue) =	ssetifvalue $0x1388  }
0x2ba: {  	[spmem:s2] =	stream.indirect.scatter.add.f32 [tilespmem:s19], [sflag:$0x8], $0x100, s12, s14, $0x40b8;
	[tilespmem:$0x1FE40] =	vst v63  }
0x2bb: {  	v4 =	vld [tilespmem:$0x140]  }
0x2bc: {  	s31 =	sadd.s32 $0xA0, s0;
	v5 =	vld [tilespmem:$0x150]  }
0x2bd: {  	v56 =	vor.u32 s31, v2;
	s4 =	sadd.s32 $0x80, s0  }
0x2be: {  	v54 =	vor.u32 s4, v2;
	vm14 =	vge.u32 v56, s26;
	s12 =	sadd.s32 $0x90, s0;
	s0 =	sadd.s32 $0xB0, s0  }
0x2bf: {  	vm2 =	vge.u32 v54, s26;
	v55 =	vor.u32 s12, v2;
	v57 =	vor.u32 s0, v2;
	v61 =	vld [tilespmem:$0x170]  }
0x2c0: {  	v58 =	vld [tilespmem:$0x80];
	vm13 =	vge.u32 v55, s26;
	vm0 =	vge.s32 v4, v0;
	vm1 =	vlt.s32 v4, v1  }
0x2c1: {  	v60 =	vld [tilespmem:$0x160];
	vm12 =	vge.u32 v57, s26;
	vm15 =	vlt.s32 v5, v1;
	vm0 =	vmand vm0, vm1  }
0x2c2: {  	v59 =	vld [tilespmem:$0x90];
	v4 =	vsub.s32 v4, v0;
	vm1 =	vlt.u32 v54, s11;
	vm0 =	vmand vm2, vm0  }
0x2c3: {  	vm2 =	vge.s32 v5, v0;
	v5 =	vsub.s32 v5, v0;
	vm0 =	vmand vm1, vm0  }
0x2c4: {  	vm1 =	vmand vm2, vm15;
	vm2 =	vlt.u32 v55, s11;
	vm15 =	vlt.s32 v61, v1  }
0x2c5: {  	v62 =	vld [tilespmem:$0xA0];
	v10 =	vnsel vm0, $0xFFFFFFFF, v58;
	vm1 =	vmand vm13, vm1;
	v4 =	vnsel vm0, $0x1388, v4  }
0x2c6: {  	vm13 =	vlt.s32 v60, v1;
	vm0 =	vmand vm2, vm1;
	vm2 =	vge.s32 v60, v0  }
0x2c7: {  	v63 =	vld [tilespmem:$0xB0];
	vm1 =	vlt.u32 v56, s11;
	[tilespmem:$0x380] =	vst v10;
	v11 =	vnsel vm0, $0xFFFFFFFF, v59;
	vm2 =	vmand vm2, vm13  }
0x2c8: {  	[tilespmem:$0x440] =	vst v4;
	vm13 =	vlt.u32 v57, s11;
	s11 =	smin.u32 s22, $0x32;
	vm2 =	vmand vm14, vm2;
	vm14 =	vge.s32 v61, v0  }
0x2c9: {  	v4 =	vnsel vm0, $0x1388, v5;
	[tilespmem:$0x390] =	vst v11;
	s0 =	smul.u32 $0xC0, s11;
	vm0 =	vmand vm1, vm2;
	vm1 =	vmand vm14, vm15  }
0x2ca: {  	v5 =	vsub.s32 v60, v0;
	[tilespmem:$0x450] =	vst v4;
	vm1 =	vmand vm12, vm1;
	v4 =	vnsel vm0, $0xFFFFFFFF, v62  }
0x2cb: {  	v5 =	vnsel vm0, $0x1388, v5;
	s0 =	sadd.s32 s0, s9;
	[tilespmem:$0x3A0] =	vst v4;
	vm0 =	vmand vm13, vm1  }
0x2cc: {  	[tilespmem:$0x460] =	vst v5;
	v5 =	vsub.s32 v61, v0;
	s0 =	smin.u32 s0, $0x27040;
	v4 =	vnsel vm0, $0xFFFFFFFF, v63  }
0x2cd: {  	s31 =	rddreg [dreg:$0x4];
	s0 =	sshrl.u32 s0, $0x3;
	[tilespmem:$0x3B0] =	vst v4;
	v4 =	vnsel vm0, $0x1388, v5  }
0x2ce: {  	s26 =	simm.s32 $0x180;
	s0 =	sadd.s32 s31, s0;
	[tilespmem:$0x470] =	vst v4  }
0x2cf: {  	[tilespmem:s26], [sflag:$0x2] =	stream.linear.gather [hbm4b:s0+s3], $0xC0, $0x38;
	[tilespmem:$0x1FE40] =	vst v63  }
0x2d0: {  	s12 =	simm.s32 $0x240;
	s0 =	sadd.s32 $0x4E20, s0  }
0x2d1: {  	[tilespmem:s12], [sflag:$0x2] =	stream.linear.gather [hbm4b:s0+s3], $0xC0, $0x38;
	[tilespmem:$0x1FE40] =	vst v63  }
0x2d2: {  	_ =	swait.ge [sflag:s28], $0x4000  }
0x2d3: {  	[sflag:s28] =	ssyncset.done $0x0  }
0x2d4: {  	[sflag:s28] =	ssyncadd.s32 $0xFFFFC000;
	(ifvalue) =	ssetifvalue $0xFFFFFFFF  }
0x2d5: {  	(ifvalue) =	ssetifvalue $0xFFFFFFFF  }
0x2d6: {  	[tilespmem:s30], [sflag:$0x3] =	stream.indirect.gather [hbm4b:s6+s14], $0x100, s15, s14, $0x40b8;
	[tilespmem:$0x1FE40] =	vst v63  }
0x2d7: {  	_ =	swait.ge [sflag:s29], $0x4000  }
0x2d8: {  	[sflag:s29] =	ssyncset.done $0x0  }
0x2d9: {  	[sflag:s29] =	ssyncadd.s32 $0xFFFFC000;
	(ifvalue) =	ssetifvalue $0xFFFFFFFF  }
0x2da: {  	p1 =	sne.s32 s22, $0x34;
	(ifvalue) =	ssetifvalue $0xFFFFFFFF  }
0x2db: {  	[tilespmem:s17], [sflag:$0x4] =	stream.indirect.gather [hbm4b:s6+s14], $0x100, s16, s14, $0x40b8;
	[tilespmem:$0x1FE40] =	vst v63  }
.Ltmp2:
0x2dc: {  	_ =	swait.ge [sflag:s7], $0x4000;
	(pc) =	sbr.rel @p1 .LBB2_6-.Ltmp2, $4  }
0x2dd: {  	[sflag:s7] =	ssyncset.done $0x0  }
0x2de: {  	[sflag:s7] =	ssyncadd.s32 $0xFFFFC000;
	(ifvalue) =	ssetifvalue $0xFFFFFFFF  }
0x2df: {  	s8 =	sadd.s32 $0x180, s8;
	s22 =	sadd.s32 $0x2, s22;
	(ifvalue) =	ssetifvalue $0xFFFFFFFF  }
0x2e0: {  	[tilespmem:s19], [sflag:$0x5] =	stream.indirect.gather [hbm4b:s6+s14], $0x100, s18, s14, $0x40b8;
	[tilespmem:$0x1FE40] =	vst v63  }
0x2e1: {  	_ =	swait.ge [sflag:s21], $0x4000  }
0x2e2: {  	[sflag:s21] =	ssyncset.done $0x0  }
0x2e3: {  	[sflag:s21] =	ssyncadd.s32 $0xFFFFC000  }
0x2e4: {  	_ =	swait.ge [sflag:s23], $0x4000  }
0x2e5: {  	[sflag:s23] =	ssyncset.done $0x0  }
0x2e6: {  	[sflag:s23] =	ssyncadd.s32 $0xFFFFC000  }
0x2e7: {  	_ =	swait.ge [sflag:s25], $0x4000  }
0x2e8: {  	[sflag:s25] =	ssyncset.done $0x0  }
0x2e9: {  	[sflag:s25] =	ssyncadd.s32 $0xFFFFC000  }
0x2ea: {  	_ =	swait.ge [sflag:s20], $0xC0  }
0x2eb: {  	[sflag:s20] =	ssyncset.done $0x0  }
0x2ec: {  	[sflag:s20] =	ssyncadd.s32 $0xFFFFFF40  }
0x2ed: {  	_ =	swait.ge [sflag:s20], $0xC0  }
0x2ee: {  	[sflag:s20] =	ssyncset.done $0x0  }
0x2ef: {  	[sflag:s20] =	ssyncadd.s32 $0xFFFFFF40  }
0x2f0: {  	[bflag:$0x0] =	sbarrier.arrive $0xFFFF  }
0x2f1: {  	s12 =	simm.s32 $0x9;
	s0 =	rddreg [dreg:$0x14]  }
0x2f2: {  	[tilespmem:s30], [sflag:$0x9] =	stream.linear.gather [spmem:s0], $0x3400, $0x38;
	[tilespmem:$0x1FE40] =	vst v63  }
0x2f3: {  	_ =	swait.ge [sflag:s12], $0x3400  }
0x2f4: {  	[sflag:s12] =	ssyncset.done $0x0  }
0x2f5: {  	s11 =	rddreg [dreg:$0x6];
	[sflag:s12] =	ssyncadd.s32 $0xFFFFCC00  }
0x2f6: {  	[hbm4b:s11+s3] =	stream.linear.scatter [tilespmem:s30], [sflag:$0x9], $0x3400, $0x38;
	[tilespmem:$0x1FE40] =	vst v63  }
0x2f7: {  	_ =	swait.ge [sflag:s12], $0x3400  }
0x2f8: {  	[sflag:s12] =	ssyncset.done $0x0  }
0x2f9: {  	s22 =	rddreg [dreg:$0x15];
	[sflag:s12] =	ssyncadd.s32 $0xFFFFCC00  }
0x2fa: {  	[tilespmem:s30], [sflag:$0x9] =	stream.linear.gather [spmem:s22], $0x3400, $0x38;
	[tilespmem:$0x1FE40] =	vst v63  }
0x2fb: {  	_ =	swait.ge [sflag:s12], $0x3400  }
0x2fc: {  	[sflag:s12] =	ssyncset.done $0x0  }
0x2fd: {  	s31 =	rddreg [dreg:$0x7];
	[sflag:s12] =	ssyncadd.s32 $0xFFFFCC00  }
0x2fe: {  	[hbm4b:s31+s3] =	stream.linear.scatter [tilespmem:s30], [sflag:$0x9], $0x3400, $0x38;
	[tilespmem:$0x1FE40] =	vst v63  }
0x2ff: {  	_ =	swait.ge [sflag:s12], $0x3400  }
0x300: {  	[sflag:s12] =	ssyncset.done $0x0  }
0x301: {  	s4 =	rddreg [dreg:$0x16];
	[sflag:s12] =	ssyncadd.s32 $0xFFFFCC00  }
0x302: {  	[tilespmem:s30], [sflag:$0x9] =	stream.linear.gather [spmem:s4], $0x3400, $0x38;
	[tilespmem:$0x1FE40] =	vst v63  }
0x303: {  	_ =	swait.ge [sflag:s12], $0x3400  }
0x304: {  	[sflag:s12] =	ssyncset.done $0x0  }
0x305: {  	s8 =	rddreg [dreg:$0x8];
	[sflag:s12] =	ssyncadd.s32 $0xFFFFCC00  }
0x306: {  	[hbm4b:s8+s3] =	stream.linear.scatter [tilespmem:s30], [sflag:$0x9], $0x3400, $0x38;
	[tilespmem:$0x1FE40] =	vst v63  }
0x307: {  	_ =	swait.ge [sflag:s12], $0x3400  }
0x308: {  	[sflag:s12] =	ssyncset.done $0x0  }
0x309: {  	s11 =	rddreg [dreg:$0x17];
	[sflag:s12] =	ssyncadd.s32 $0xFFFFCC00  }
0x30a: {  	[tilespmem:s30], [sflag:$0x9] =	stream.linear.gather [spmem:s11], $0x3400, $0x38;
	[tilespmem:$0x1FE40] =	vst v63  }
0x30b: {  	_ =	swait.ge [sflag:s12], $0x3400  }
0x30c: {  	[sflag:s12] =	ssyncset.done $0x0  }
0x30d: {  	s22 =	rddreg [dreg:$0x9];
	[sflag:s12] =	ssyncadd.s32 $0xFFFFCC00  }
0x30e: {  	[hbm4b:s22+s3] =	stream.linear.scatter [tilespmem:s30], [sflag:$0x9], $0x3400, $0x38;
	[tilespmem:$0x1FE40] =	vst v63  }
0x30f: {  	_ =	swait.ge [sflag:s12], $0x3400  }
0x310: {  	[sflag:s12] =	ssyncset.done $0x0  }
0x311: {  	s31 =	rddreg [dreg:$0x18];
	[sflag:s12] =	ssyncadd.s32 $0xFFFFCC00  }
0x312: {  	[tilespmem:s30], [sflag:$0x9] =	stream.linear.gather [spmem:s31], $0x3400, $0x38;
	[tilespmem:$0x1FE40] =	vst v63  }
0x313: {  	_ =	swait.ge [sflag:s12], $0x3400  }
0x314: {  	[sflag:s12] =	ssyncset.done $0x0  }
0x315: {  	s4 =	rddreg [dreg:$0xa];
	[sflag:s12] =	ssyncadd.s32 $0xFFFFCC00  }
0x316: {  	[hbm4b:s4+s3] =	stream.linear.scatter [tilespmem:s30], [sflag:$0x9], $0x3400, $0x38;
	[tilespmem:$0x1FE40] =	vst v63  }
0x317: {  	_ =	swait.ge [sflag:s12], $0x3400  }
0x318: {  	[sflag:s12] =	ssyncset.done $0x0  }
0x319: {  	s8 =	rddreg [dreg:$0x19];
	[sflag:s12] =	ssyncadd.s32 $0xFFFFCC00  }
0x31a: {  	[tilespmem:s30], [sflag:$0x9] =	stream.linear.gather [spmem:s8], $0x3400, $0x38;
	[tilespmem:$0x1FE40] =	vst v63  }
0x31b: {  	_ =	swait.ge [sflag:s12], $0x3400  }
0x31c: {  	[sflag:s12] =	ssyncset.done $0x0  }
0x31d: {  	s11 =	rddreg [dreg:$0xb];
	[sflag:s12] =	ssyncadd.s32 $0xFFFFCC00  }
0x31e: {  	[hbm4b:s11+s3] =	stream.linear.scatter [tilespmem:s30], [sflag:$0x9], $0x3400, $0x38;
	[tilespmem:$0x1FE40] =	vst v63  }
0x31f: {  	_ =	swait.ge [sflag:s12], $0x3400  }
0x320: {  	[sflag:s12] =	ssyncset.done $0x0  }
0x321: {  	s0 =	simm.s32 @!p0 $0x540;
	s4 =	rddreg [dreg:$0x1d];
	[sflag:s12] =	ssyncadd.s32 $0xFFFFCC00  }
0x322: {  	[tilespmem:s0], [sflag:$0x9] =	stream.linear.gather @!p0 [spmem:s4], $0x800, $0x38;
	[tilespmem:$0x1FE40] =	vst v63  }
0x323: {  	s4 =	simm.s32 @!p0 $0x9  }
0x324: {  	_ =	swait.ge @!p0 [sflag:s4], $0x800  }
0x325: {  	[sflag:s4] =	ssyncset.done @!p0 $0x0  }
0x326: {  	s8 =	simm.s32 @!p0 $0x0;
	s11 =	rddreg [dreg:$0x1a];
	[sflag:s4] =	ssyncadd.s32 @!p0 $0xFFFFF800  }
0x327: {  	[hbm4b:s11+s8] =	stream.linear.scatter @!p0 [tilespmem:s0], [sflag:$0x9], $0x800, $0x38;
	[tilespmem:$0x1FE40] =	vst v63  }
0x328: {  	_ =	swait.ge @!p0 [sflag:s4], $0x800  }
0x329: {  	s22 =	sld [smem:$0x7ED];
	_ =	sdelay $0x2  }
0x32a: {  	s31 =	rddreg [dreg:$0x1b];
	s8 =	sadd.s32 $0x1, s22  }
0x32b: {  	p1 =	sne.s32 s8, s31  }
.Ltmp3:
0x32c: {  	_ = 	snop;
	(pc) =	sbr.rel @p1 .LBB2_1-.Ltmp3, $3  }
0x32d: {  	_ =	sdelay $0x1  }
0x32e: {  	[sflag:s4] =	ssyncset.done @!p0 $0x0  }
0x32f: {  	[sflag:s4] =	ssyncadd.s32 @!p0 $0xFFFFF800;
	s4 =	smov.u32 s5  }
0x330: {  	_ =	sfence.sel $0x180000  }
0x331: {  	[bflag:$0x0] =	sbarrier.arrive $0xFFFF  }
0x332: {  	_ =	strace $0x90000047  }
0x333: {  	[bflag:$0x2] =	sbarrier.arrive $0xFFFF  }
0x334: {  	s0 =	rddreg [dreg:$0x3]  }
0x335: {  	s0 =	sadd.s32 @!p0 $0x100000, s0  }
0x336: {  	[sflag:s0] =	ssyncadd.tile.s32 @!p0 $0x1;
	_ =	shalt  }
.Lfunc_end2:
_tile_overlayer_lowered:
.L_overlay_start_2:
0x337: {  	(tag) =	ssettag $0x2  }
0x338: {  	s0 =	rddreg [dreg:$0x0];
	s2 =	stileid.u32  }
0x339: {  	s1 =	rddreg [dreg:$0x1];
	p0 =	sne.s32 s2, $0x0  }
0x33a: {  	s3 =	rddreg [dreg:$0x2];
	[bflag:$0x3] =	sbarrier.arrive $0xFFFF;
	s2 =	simm.s32 @!p0 $0x1C09  }
0x33b: {  	[timem:s3], [sflag:s2] =	dma.local @!p0 [hbm:s0], s1  }
0x33c: {  	s0 =	simm.s32 @!p0 $0x9  }
0x33d: {  	_ =	swait.ge @!p0 [sflag:s0], s1  }
0x33e: {  	s1 =	ssub.s32 @!p0 $0x0, s1;
	[sflag:s0] =	ssyncset.done @!p0 $0x0  }
0x33f: {  	[sflag:s0] =	ssyncadd.s32 @!p0 s1  }
0x340: {  	[bflag:$0x3] =	sbarrier.arrive $0xFFFF  }
0x341: {  	_ =	shalt  }

</sc_bundles>
